<compile_context>
chip_gen: v7x
topology: tpu7x:2x2x1
jax: 0.10.2.dev20260603
libtpu: 0.0.44.dev20260713+nightly
codegen_flags: <defaults>
</compile_context>

<pallas_src>
import jax
import jax.numpy as jnp
import numpy as np
from jax import lax
from jax.experimental import pallas as pl
from jax.experimental.pallas import tpu as pltpu
from jax.experimental.pallas import tpu_sc as plsc

N_NODES = 10000
N_INC = 320000
D = 128
K = 512
L = 2
CC = 0.25
BN_SCALE = float(1.0 / np.sqrt(1.0 + 1e-5))

R_A = 2000
R_B = 1000

NW = 32
PAD_TOT = 10240
SLAB = PAD_TOT // 16
PERW = N_INC // NW
NFULL = PERW // 128
TAIL = PERW - NFULL * 128

_MESH = dict(core_axis_name="c", subcore_axis_name="s", num_cores=2,
             num_subcores=16)



def _pass_body(table_h, g_h, d_h, out_h,
               acc, rows, gbf, db, semi, semg, sems):
    c = lax.axis_index("c")
    s = lax.axis_index("s")
    wid = s * 2 + c

    def zero_body(j, car):
        for cc in range(8):
            rows[j, pl.ds(cc * 16, 16)] = jnp.zeros((16,), jnp.float32)
        return car
    lax.fori_loop(0, 128, zero_body, 0)
    for j in range(SLAB // 128):
        pltpu.sync_copy(rows.at[pl.ds(0, 128)],
                        acc.at[pl.ds(s * SLAB + j * 128, 128)])
    plsc.subcore_barrier()

    i0 = wid * PERW

    def chunk(off, nb):
        gcp = pltpu.make_async_copy(g_h.at[pl.ds(off, nb * 128)],
                                    gbf.at[pl.ds(0, nb * 128)], semi)
        gcp.start()
        dcps = []
        for b in range(nb):
            cp = pltpu.make_async_copy(
                d_h.at[pl.ds(off + b * 128, 128)], db.at[b], semi)
            cp.start()
            dcps.append(cp)
        gcp.wait()
        for cp in dcps:
            cp.wait()
        gcps = []
        for b in range(nb):
            cp = pltpu.make_async_copy(
                table_h.at[gbf.at[pl.ds(b * 128, 128)]],
                rows.at[pl.ds(b * 128, 128)], semg)
            cp.start()
            gcps.append(cp)
        for cp in gcps:
            cp.wait()
        for b in range(nb):
            pltpu.async_copy(rows.at[pl.ds(b * 128, 128)],
                             acc.at[db.at[b]], sems, add=True).wait()

    def blk_body(k, car):
        chunk(pl.multiple_of(i0 + k * 256, 8), 2)
        return car
    lax.fori_loop(0, NFULL // 2, blk_body, 0)

    offt = pl.multiple_of(i0 + NFULL * 128, 8)
    pltpu.sync_copy(g_h.at[pl.ds(offt, TAIL)], gbf.at[pl.ds(0, TAIL)])
    pltpu.sync_copy(d_h.at[pl.ds(offt, TAIL)], db.at[0, pl.ds(0, TAIL)])
    pltpu.async_copy(table_h.at[gbf.at[pl.ds(0, TAIL)]],
                     rows.at[pl.ds(0, TAIL)], semg).wait()
    pltpu.async_copy(rows.at[pl.ds(0, TAIL)],
                     acc.at[db.at[0, pl.ds(0, TAIL)]], sems, add=True).wait()

    plsc.subcore_barrier()
    pltpu.sync_copy(acc.at[pl.ds(s * SLAB, SLAB)],
                    out_h.at[c, pl.ds(s * SLAB, SLAB)])


def _sc_pass(table, gidx, didx):
    f32 = jnp.float32
    f = pl.kernel(
        _pass_body,
        out_type=[
            jax.ShapeDtypeStruct((2, PAD_TOT, D), f32),
        ],
        mesh=plsc.VectorSubcoreMesh(**_MESH),
        scratch_types=[
            pltpu.VMEM_SHARED((PAD_TOT, D), f32),
            pltpu.VMEM((256, D), f32),
            pltpu.VMEM((256,), jnp.int32),
            pltpu.VMEM((2, 128), jnp.int32),
            pltpu.SemaphoreType.DMA,
            pltpu.SemaphoreType.DMA,
            pltpu.SemaphoreType.DMA,
        ],
    )
    return f(table, gidx, didx)[0]



def _conv_in_body(x_ref, g_ref, b_ref, w_ref, o_ref):
    h = g_ref[...] * (x_ref[...] * BN_SCALE) + b_ref[...]
    o_ref[...] = jnp.dot(h, w_ref[...])


def _conv_in(X, g, b, W):
    return pl.pallas_call(
        _conv_in_body,
        grid=(N_NODES // R_A,),
        in_specs=[
            pl.BlockSpec((R_A, D), lambda i: (i, 0)),
            pl.BlockSpec((1, D), lambda i: (0, 0)),
            pl.BlockSpec((1, D), lambda i: (0, 0)),
            pl.BlockSpec((D, D), lambda i: (0, 0)),
        ],
        out_specs=pl.BlockSpec((R_A, D), lambda i: (i, 0)),
        out_shape=jax.ShapeDtypeStruct((N_NODES, D), jnp.float32),
    )(X, g.reshape(1, D), b.reshape(1, D), W)



def _scale_body(m_ref, h_ref, o_ref):
    msum = m_ref[0] + m_ref[1]
    cnt = (h_ref[0] + h_ref[1])[:, 0:1]
    inv = jnp.where(cnt > 0, 1.0 / cnt, 0.0)
    o_ref[...] = msum * inv


def _scale(parts, hist):
    blk = 2048
    return pl.pallas_call(
        _scale_body,
        grid=(PAD_TOT // blk,),
        in_specs=[
            pl.BlockSpec((2, blk, D), lambda i: (0, i, 0)),
            pl.BlockSpec((2, blk, D), lambda i: (0, i, 0)),
        ],
        out_specs=pl.BlockSpec((blk, D), lambda i: (i, 0)),
        out_shape=jax.ShapeDtypeStruct((PAD_TOT, D), jnp.float32),
    )(parts, hist)



def _vq_body(conv_ref, hist_ref, x_ref, gum_ref, cb_ref, cbias_ref, gg_ref,
             gb_ref, gw_ref, gbias_ref, xo_ref, loss_ref, perp_ref,
             ll_acc, cnt_acc):
    i = pl.program_id(0)
    nblk = pl.num_programs(0)

    @pl.when(i == 0)
    def _init():
        ll_acc[0, 0] = jnp.float32(0.0)
        cnt_acc[...] = jnp.zeros_like(cnt_acc)

    dcol = (hist_ref[0] + hist_ref[1])[:, 0:1]
    dinv = jnp.where(dcol > 0, 1.0 / dcol, 0.0)
    conv = (conv_ref[0] + conv_ref[1]) * dinv
    h = jnp.maximum(conv + cbias_ref[...], 0.0)
    gx = gg_ref[...] * (x_ref[...] * BN_SCALE) + gb_ref[...]
    glogit = jnp.sum(gx * gw_ref[...], axis=1, keepdims=True) + gbias_ref[...]
    gate = jax.nn.sigmoid(glogit)
    msg = h * gate

    cb = cb_ref[...]
    m2 = jnp.sum(msg * msg, axis=1, keepdims=True)
    c2 = jnp.sum(cb * cb, axis=1)
    gmat = lax.dot_general(msg, cb, (((1,), (1,)), ((), ())))
    dist = m2 + c2[None, :] - 2.0 * gmat

    sneg = -dist
    smax = jnp.max(sneg, axis=1, keepdims=True)
    e = jnp.exp(sneg - smax)
    z = jnp.sum(e, axis=1, keepdims=True)
    soft = e / z
    ll_rows = jnp.sum(soft * jnp.log(jnp.maximum(soft, 1e-8)), axis=1)
    ll_acc[0, 0] += jnp.sum(ll_rows)

    score = sneg + gum_ref[...]
    mx = jnp.max(score, axis=1, keepdims=True)
    iota = lax.broadcasted_iota(jnp.int32, score.shape, 1)
    cand = jnp.where(score == mx, iota, K)
    idx = jnp.min(cand, axis=1, keepdims=True)
    enc = (iota == idx).astype(jnp.float32)

    quant = jnp.dot(enc, cb)
    cnt_acc[...] += jnp.sum(enc, axis=0, keepdims=True)
    xo_ref[...] = x_ref[...] + quant

    @pl.when(i == nblk - 1)
    def _fin():
        loss_ref[...] = jnp.full((1, 1), CC * (ll_acc[0, 0] / N_NODES),
                                 jnp.float32)
        avg = cnt_acc[...] / N_NODES
        perp_ref[...] = jnp.full(
            (1, 1), jnp.exp(-jnp.sum(avg * jnp.log(avg + 1e-10))), jnp.float32)


def _vq_stage(conv_parts, hist, X, gum, cb, conv_b, gg, gb, gw, gbias):
    xo, loss, perp = pl.pallas_call(
        _vq_body,
        grid=(N_NODES // R_B,),
        in_specs=[
            pl.BlockSpec((2, R_B, D), lambda i: (0, i, 0)),
            pl.BlockSpec((2, R_B, D), lambda i: (0, i, 0)),
            pl.BlockSpec((R_B, D), lambda i: (i, 0)),
            pl.BlockSpec((R_B, K), lambda i: (i, 0)),
            pl.BlockSpec((K, D), lambda i: (0, 0)),
            pl.BlockSpec((1, D), lambda i: (0, 0)),
            pl.BlockSpec((1, D), lambda i: (0, 0)),
            pl.BlockSpec((1, D), lambda i: (0, 0)),
            pl.BlockSpec((1, D), lambda i: (0, 0)),
            pl.BlockSpec((1, 1), lambda i: (0, 0)),
        ],
        out_specs=[
            pl.BlockSpec((R_B, D), lambda i: (i, 0)),
            pl.BlockSpec((1, 1), lambda i: (0, 0)),
            pl.BlockSpec((1, 1), lambda i: (0, 0)),
        ],
        out_shape=[
            jax.ShapeDtypeStruct((N_NODES, D), jnp.float32),
            jax.ShapeDtypeStruct((1, 1), jnp.float32),
            jax.ShapeDtypeStruct((1, 1), jnp.float32),
        ],
        scratch_shapes=[
            pltpu.SMEM((1, 1), jnp.float32),
            pltpu.VMEM((1, K), jnp.float32),
        ],
    )(conv_parts, hist, X, gum, cb, conv_b.reshape(1, D), gg.reshape(1, D),
      gb.reshape(1, D), gw.reshape(1, D), gbias.reshape(1, 1))
    return xo, loss[0, 0], perp[0, 0]



def kernel(X, H, params, codebooks):
    src, edge = H[0], H[1]
    ones_table = jnp.ones((N_NODES, D), jnp.float32)
    hsrc = _sc_pass(ones_table, src, src)
    hedge = _sc_pass(ones_table, edge, edge)
    base = jax.random.key(42)
    loss_latents = jnp.float32(0.0)
    perp = jnp.float32(0.0)
    for i in range(L):
        p = params[i]
        gum = jax.random.gumbel(jax.random.fold_in(base, i), (N_NODES, K),
                                dtype=jnp.float32)
        xW = _conv_in(X, p['bn_g'], p['bn_b'], p['conv_W'])
        m_parts = _sc_pass(xW, src, edge)
        m = _scale(m_parts, hedge)
        out_parts = _sc_pass(m, edge, src)
        X, loss, perp = _vq_stage(out_parts, hsrc, X, gum, codebooks[i],
                                  p['conv_b'], p['gbn_g'], p['gbn_b'],
                                  p['gate_W'][:, 0], p['gate_b'])
        loss_latents = loss_latents + loss
    return X, loss_latents, perp

# --- scband reference (transcript-rebuilt; emitter-appended) ---
"""Pipeline reference for scband-refiner-30176440222160 (READ-ONLY COPY).

The authoritative reference and input builder live on the scoring server;
editing this copy changes nothing except your own understanding.
"""

import jax, jax.numpy as jnp
import numpy as np

N_NODES = 10000
N_INC = 320000
D = 128
K = 512
L = 2
TAU = 1.0
NU = 1.0
CC = 0.25
BN_SCALE = 1.0 / np.sqrt(1.0 + 1e-5)


def bn_eval(x, g, b):
    # BatchNorm1d in eval mode with fresh running stats (mean=0, var=1)
    return g * (x * BN_SCALE) + b


def hypergraph_conv(x, src, edge, W, b):
    # PyG HypergraphConv (heads=1, no attention, unit hyperedge weights)
    x = x @ W
    ones = jnp.ones((N_INC,), dtype=x.dtype)
    Dd = jax.ops.segment_sum(ones, src, num_segments=N_NODES)
    Dinv = jnp.where(Dd > 0, 1.0 / Dd, 0.0)
    Bd = jax.ops.segment_sum(ones, edge, num_segments=N_NODES)
    Binv = jnp.where(Bd > 0, 1.0 / Bd, 0.0)
    m = jax.ops.segment_sum(x[src] * Binv[edge][:, None], edge, num_segments=N_NODES)
    out = jax.ops.segment_sum(m[edge] * Dinv[src][:, None], src, num_segments=N_NODES)
    return out + b


def vq_eval(flat, codebook, key):
    # VectorQuantizerEMA forward in eval mode (no EMA updates, no kmeans init)
    dist = jnp.sum(flat ** 2, axis=1, keepdims=True) + jnp.sum(codebook ** 2, axis=1) - 2.0 * (flat @ codebook.T)
    soft = jax.nn.softmax(-dist / TAU, axis=-1)
    gumb = jax.random.gumbel(key, dist.shape, dtype=flat.dtype)
    idx = jnp.argmax((jax.lax.stop_gradient(-dist) + gumb) / TAU, axis=-1)
    enc = jax.nn.one_hot(idx, K, dtype=flat.dtype)
    quant = enc @ codebook
    ll = jnp.mean(jnp.sum(soft * jnp.log(jnp.maximum(soft, 1e-8)), axis=-1))
    loss = CC * ll
    quant = quant + NU * (quant - jax.lax.stop_gradient(quant))
    avg = jnp.mean(enc, axis=0)
    perp = jnp.exp(-jnp.sum(avg * jnp.log(avg + 1e-10)))
    return loss, quant, perp, enc


def refiner_forward(X, src, edge, params, codebooks):
    # linear_up = Identity (input_dim == hidden_dim), conv_down = Identity (hidden == output)
    loss_latents = jnp.float32(0.0)
    perp = jnp.float32(0.0)
    base = jax.random.key(42)
    for i in range(L):
        p = params[i]
        h = bn_eval(X, p['bn_g'], p['bn_b'])
        h = hypergraph_conv(h, src, edge, p['conv_W'], p['conv_b'])
        h = jax.nn.relu(h)
        gx = bn_eval(X, p['gbn_g'], p['gbn_b'])
        gate = jax.nn.sigmoid(gx @ p['gate_W'] + p['gate_b'])
        message = h * gate
        loss, quant, perp, _ = vq_eval(message, codebooks[i], jax.random.fold_in(base, i))
        loss_latents = loss_latents + loss
        X = X + quant  # quantized=True -> message replaced by quantized message
    return X, loss_latents, perp


def setup_inputs(seed: int = 0):
    key = jax.random.key(seed)
    X = jax.random.normal(jax.random.fold_in(key, 0), (N_NODES, D), dtype=jnp.float32)
    H = jax.random.randint(jax.random.fold_in(key, 1), (2, N_INC), 0, N_NODES, dtype=jnp.int32)
    lim = 1.0 / np.sqrt(D)
    params = []
    codebooks = []
    for i in range(L):
        p = {
            'bn_g': jnp.ones((D,), jnp.float32),
            'bn_b': jnp.zeros((D,), jnp.float32),
            'conv_W': jax.random.uniform(jax.random.fold_in(key, 10 + i), (D, D), jnp.float32, -lim, lim),
            'conv_b': jnp.zeros((D,), jnp.float32),
            'gbn_g': jnp.ones((D,), jnp.float32),
            'gbn_b': jnp.zeros((D,), jnp.float32),
            'gate_W': jax.random.uniform(jax.random.fold_in(key, 20 + i), (D, 1), jnp.float32, -lim, lim),
            'gate_b': jnp.full((1,), 5.0, jnp.float32),
        }
        params.append(p)
        codebooks.append(jax.random.normal(jax.random.fold_in(key, 30 + i), (K, D), dtype=jnp.float32))
    return {'X': X, 'H': H, 'params': params, 'codebooks': codebooks}


def reference(X, H, params, codebooks):
    return refiner_forward(X, H[0], H[1], params, codebooks)

if __name__ == "__main__":
    import jax
    _d = setup_inputs()
    print(jax.jit(kernel)(*tuple(_d.values())))

</pallas_src>

<mosaic_0001>
#map = affine_map<(d0, d1) -> (0, 0)>
#map1 = affine_map<(d0, d1) -> (0)>
#map2 = affine_map<(d0, d1) -> (0, 0, 0)>
module attributes {stable_mosaic.version = 14 : i64} {
  func.func @_pass_body(%arg0: i32, %arg1: i32, %arg2: memref<10000x128xf32, #tpu.memory_space<hbm>>, %arg3: memref<320000xi32, #tpu.memory_space<hbm>>, %arg4: memref<320000xi32, #tpu.memory_space<hbm>>, %arg5: memref<2x10240x128xf32, #tpu.memory_space<hbm>>, %arg6: memref<10240x128xf32, #tpu.memory_space<vmem_shared>>, %arg7: memref<256x128xf32, #tpu.memory_space<vmem>>, %arg8: memref<256xi32, #tpu.memory_space<vmem>>, %arg9: memref<2x128xi32, #tpu.memory_space<vmem>>, %arg10: memref<!tpu.dma_semaphore, #tpu.memory_space<semaphore_mem>>, %arg11: memref<!tpu.dma_semaphore, #tpu.memory_space<semaphore_mem>>, %arg12: memref<!tpu.dma_semaphore, #tpu.memory_space<semaphore_mem>>) attributes {dimension_semantics = [#tpu.dimension_semantics<core_parallel>, #tpu.dimension_semantics<subcore_parallel>], iteration_bounds = array<i64: 2, 16>, scalar_prefetch = 0 : i64, scratch_operands = 7 : i64, tpu.core_type = #tpu.core_type<sc_vector_subcore>, window_params = [{transform_indices = #map}, {transform_indices = #map1}, {transform_indices = #map1}, {transform_indices = #map2}]} {
    %mul3A = arith.constant 2 : i32
    %mul3A_0 = arith.muli %arg1, %mul3A : i32
    %add3A = arith.addi %mul3A_0, %arg0 : i32
    %scan3A = arith.constant 0 : i32
    %scan3A_1 = arith.constant 0 : i32
    %scan3A_2 = arith.constant 128 : i32
    %scan3A_3 = arith.addi %scan3A_1, %scan3A_2 : i32
    %scan3A_4 = arith.constant 1 : i32
    scf.for %scan3A_75 = %scan3A_1 to %scan3A_3 step %scan3A_4  : i32 {
      %broadcast_in_dim3A = arith.constant 0.000000e+00 : f32
      %broadcast_in_dim3A_76 = vector.broadcast %broadcast_in_dim3A : f32 to vector<16xf32>
      %swap3A = arith.index_cast %scan3A_75 : i32 to index
      %swap3A_77 = arith.constant 0 : index
      %swap3A_78 = tpu.vector_load %arg7[%swap3A, %swap3A_77] {strides = array<i32>} : memref<256x128xf32, #tpu.memory_space<vmem>>, vector<1x16xf32>,
      %swap3A_79 = vector.shape_cast %swap3A_78 : vector<1x16xf32> to vector<16xf32>
      %swap3A_80 = vector.shape_cast %broadcast_in_dim3A_76 : vector<16xf32> to vector<1x16xf32>
      tpu.vector_store %arg7[%swap3A, %swap3A_77], %swap3A_80 {strides = array<i32>} : memref<256x128xf32, #tpu.memory_space<vmem>>, vector<1x16xf32>,
      %broadcast_in_dim3A_81 = arith.constant 0.000000e+00 : f32
      %broadcast_in_dim3A_82 = vector.broadcast %broadcast_in_dim3A_81 : f32 to vector<16xf32>
      %swap3A_83 = arith.index_cast %scan3A_75 : i32 to index
      %swap3A_84 = arith.constant 16 : index
      %swap3A_85 = tpu.vector_load %arg7[%swap3A_83, %swap3A_84] {strides = array<i32>} : memref<256x128xf32, #tpu.memory_space<vmem>>, vector<1x16xf32>,
      %swap3A_86 = vector.shape_cast %swap3A_85 : vector<1x16xf32> to vector<16xf32>
      %swap3A_87 = vector.shape_cast %broadcast_in_dim3A_82 : vector<16xf32> to vector<1x16xf32>
      tpu.vector_store %arg7[%swap3A_83, %swap3A_84], %swap3A_87 {strides = array<i32>} : memref<256x128xf32, #tpu.memory_space<vmem>>, vector<1x16xf32>,
      %broadcast_in_dim3A_88 = arith.constant 0.000000e+00 : f32
      %broadcast_in_dim3A_89 = vector.broadcast %broadcast_in_dim3A_88 : f32 to vector<16xf32>
      %swap3A_90 = arith.index_cast %scan3A_75 : i32 to index
      %swap3A_91 = arith.constant 32 : index
      %swap3A_92 = tpu.vector_load %arg7[%swap3A_90, %swap3A_91] {strides = array<i32>} : memref<256x128xf32, #tpu.memory_space<vmem>>, vector<1x16xf32>,
      %swap3A_93 = vector.shape_cast %swap3A_92 : vector<1x16xf32> to vector<16xf32>
      %swap3A_94 = vector.shape_cast %broadcast_in_dim3A_89 : vector<16xf32> to vector<1x16xf32>
      tpu.vector_store %arg7[%swap3A_90, %swap3A_91], %swap3A_94 {strides = array<i32>} : memref<256x128xf32, #tpu.memory_space<vmem>>, vector<1x16xf32>,
      %broadcast_in_dim3A_95 = arith.constant 0.000000e+00 : f32
      %broadcast_in_dim3A_96 = vector.broadcast %broadcast_in_dim3A_95 : f32 to vector<16xf32>
      %swap3A_97 = arith.index_cast %scan3A_75 : i32 to index
      %swap3A_98 = arith.constant 48 : index
      %swap3A_99 = tpu.vector_load %arg7[%swap3A_97, %swap3A_98] {strides = array<i32>} : memref<256x128xf32, #tpu.memory_space<vmem>>, vector<1x16xf32>,
      %swap3A_100 = vector.shape_cast %swap3A_99 : vector<1x16xf32> to vector<16xf32>
      %swap3A_101 = vector.shape_cast %broadcast_in_dim3A_96 : vector<16xf32> to vector<1x16xf32>
      tpu.vector_store %arg7[%swap3A_97, %swap3A_98], %swap3A_101 {strides = array<i32>} : memref<256x128xf32, #tpu.memory_space<vmem>>, vector<1x16xf32>,
      %broadcast_in_dim3A_102 = arith.constant 0.000000e+00 : f32
      %broadcast_in_dim3A_103 = vector.broadcast %broadcast_in_dim3A_102 : f32 to vector<16xf32>
      %swap3A_104 = arith.index_cast %scan3A_75 : i32 to index
      %swap3A_105 = arith.constant 64 : index
      %swap3A_106 = tpu.vector_load %arg7[%swap3A_104, %swap3A_105] {strides = array<i32>} : memref<256x128xf32, #tpu.memory_space<vmem>>, vector<1x16xf32>,
      %swap3A_107 = vector.shape_cast %swap3A_106 : vector<1x16xf32> to vector<16xf32>
      %swap3A_108 = vector.shape_cast %broadcast_in_dim3A_103 : vector<16xf32> to vector<1x16xf32>
      tpu.vector_store %arg7[%swap3A_104, %swap3A_105], %swap3A_108 {strides = array<i32>} : memref<256x128xf32, #tpu.memory_space<vmem>>, vector<1x16xf32>,
      %broadcast_in_dim3A_109 = arith.constant 0.000000e+00 : f32
      %broadcast_in_dim3A_110 = vector.broadcast %broadcast_in_dim3A_109 : f32 to vector<16xf32>
      %swap3A_111 = arith.index_cast %scan3A_75 : i32 to index
      %swap3A_112 = arith.constant 80 : index
      %swap3A_113 = tpu.vector_load %arg7[%swap3A_111, %swap3A_112] {strides = array<i32>} : memref<256x128xf32, #tpu.memory_space<vmem>>, vector<1x16xf32>,
      %swap3A_114 = vector.shape_cast %swap3A_113 : vector<1x16xf32> to vector<16xf32>
      %swap3A_115 = vector.shape_cast %broadcast_in_dim3A_110 : vector<16xf32> to vector<1x16xf32>
      tpu.vector_store %arg7[%swap3A_111, %swap3A_112], %swap3A_115 {strides = array<i32>} : memref<256x128xf32, #tpu.memory_space<vmem>>, vector<1x16xf32>,
      %broadcast_in_dim3A_116 = arith.constant 0.000000e+00 : f32
      %broadcast_in_dim3A_117 = vector.broadcast %broadcast_in_dim3A_116 : f32 to vector<16xf32>
      %swap3A_118 = arith.index_cast %scan3A_75 : i32 to index
      %swap3A_119 = arith.constant 96 : index
      %swap3A_120 = tpu.vector_load %arg7[%swap3A_118, %swap3A_119] {strides = array<i32>} : memref<256x128xf32, #tpu.memory_space<vmem>>, vector<1x16xf32>,
      %swap3A_121 = vector.shape_cast %swap3A_120 : vector<1x16xf32> to vector<16xf32>
      %swap3A_122 = vector.shape_cast %broadcast_in_dim3A_117 : vector<16xf32> to vector<1x16xf32>
      tpu.vector_store %arg7[%swap3A_118, %swap3A_119], %swap3A_122 {strides = array<i32>} : memref<256x128xf32, #tpu.memory_space<vmem>>, vector<1x16xf32>,
      %broadcast_in_dim3A_123 = arith.constant 0.000000e+00 : f32
      %broadcast_in_dim3A_124 = vector.broadcast %broadcast_in_dim3A_123 : f32 to vector<16xf32>
      %swap3A_125 = arith.index_cast %scan3A_75 : i32 to index
      %swap3A_126 = arith.constant 112 : index
      %swap3A_127 = tpu.vector_load %arg7[%swap3A_125, %swap3A_126] {strides = array<i32>} : memref<256x128xf32, #tpu.memory_space<vmem>>, vector<1x16xf32>,
      %swap3A_128 = vector.shape_cast %swap3A_127 : vector<1x16xf32> to vector<16xf32>
      %swap3A_129 = vector.shape_cast %broadcast_in_dim3A_124 : vector<16xf32> to vector<1x16xf32>
      tpu.vector_store %arg7[%swap3A_125, %swap3A_126], %swap3A_129 {strides = array<i32>} : memref<256x128xf32, #tpu.memory_space<vmem>>, vector<1x16xf32>,
    }
    %scan3A_5 = arith.constant 128 : i32
    %mul3A_6 = arith.constant 640 : i32
    %mul3A_7 = arith.muli %arg1, %mul3A_6 : i32
    %add3A_8 = arith.constant 0 : i32
    %add3A_9 = arith.addi %mul3A_7, %add3A_8 : i32
    "tpu.region"() ({
      %run_scoped3A_75 = tpu.sem_alloc : memref<!tpu.dma_semaphore, #tpu.memory_space<semaphore_mem>>
      %dma_start3A_76 = arith.constant 0 : i32
      %dma_start3A_77 = arith.constant 0 : i32
      %dma_start3A_78 = tpu.memref_slice %arg7[%dma_start3A_76, %dma_start3A_77] : memref<256x128xf32, #tpu.memory_space<vmem>> -> memref<128x128xf32, #tpu.memory_space<vmem>>
      %dma_start3A_79 = arith.constant 0 : i32
      %dma_start3A_80 = tpu.memref_slice %arg6[%add3A_9, %dma_start3A_79] : memref<10240x128xf32, #tpu.memory_space<vmem_shared>> -> memref<128x128xf32, #tpu.memory_space<vmem_shared>>
      %dma_start3A_81 = arith.constant 0 : i32
      %dma_start3A_82 = tpu.memref_slice %arg6[%add3A_9, %dma_start3A_81] : memref<10240x128xf32, #tpu.memory_space<vmem_shared>> -> memref<128x128xf32, #tpu.memory_space<vmem_shared>>
      %dma_start3A_83 = arith.constant 0 : i32
      %dma_start3A_84 = arith.constant 0 : i32
      %dma_start3A_85 = tpu.memref_slice %arg7[%dma_start3A_83, %dma_start3A_84] : memref<256x128xf32, #tpu.memory_space<vmem>> -> memref<128x128xf32, #tpu.memory_space<vmem>>
      tpu.enqueue_dma source(%dma_start3A_85 : memref<128x128xf32, #tpu.memory_space<vmem>>) target(%dma_start3A_82 : memref<128x128xf32, #tpu.memory_space<vmem_shared>>) target_semaphore(%run_scoped3A_75 : memref<!tpu.dma_semaphore, #tpu.memory_space<semaphore_mem>>)
      %dma_wait3A_86 = arith.constant 0 : i32
      %dma_wait3A_87 = arith.constant 0 : i32
      %dma_wait3A_88 = tpu.memref_slice %arg7[%dma_wait3A_86, %dma_wait3A_87] : memref<256x128xf32, #tpu.memory_space<vmem>> -> memref<128x128xf32, #tpu.memory_space<vmem>>
      %dma_wait3A_89 = arith.constant 0 : i32
      %dma_wait3A_90 = tpu.memref_slice %arg6[%add3A_9, %dma_wait3A_89] : memref<10240x128xf32, #tpu.memory_space<vmem_shared>> -> memref<128x128xf32, #tpu.memory_space<vmem_shared>>
      %dma_wait3A_91 = arith.constant 0 : i32
      %dma_wait3A_92 = tpu.memref_slice %arg6[%add3A_9, %dma_wait3A_91] : memref<10240x128xf32, #tpu.memory_space<vmem_shared>> -> memref<128x128xf32, #tpu.memory_space<vmem_shared>>
      %dma_wait3A_93 = arith.constant 0 : i32
      %dma_wait3A_94 = arith.constant 0 : i32
      %dma_wait3A_95 = tpu.memref_slice %arg7[%dma_wait3A_93, %dma_wait3A_94] : memref<256x128xf32, #tpu.memory_space<vmem>> -> memref<128x128xf32, #tpu.memory_space<vmem>>
      tpu.wait_dma2 semaphore(%run_scoped3A_75 : memref<!tpu.dma_semaphore, #tpu.memory_space<semaphore_mem>>) src(%dma_wait3A_95 : memref<128x128xf32, #tpu.memory_space<vmem>>) dst(%dma_wait3A_92 : memref<128x128xf32, #tpu.memory_space<vmem_shared>>)
      tpu.yield
    }) : () -> ()
    %mul3A_10 = arith.constant 640 : i32
    %mul3A_11 = arith.muli %arg1, %mul3A_10 : i32
    %add3A_12 = arith.constant 128 : i32
    %add3A_13 = arith.addi %mul3A_11, %add3A_12 : i32
    "tpu.region"() ({
      %run_scoped3A_75 = tpu.sem_alloc : memref<!tpu.dma_semaphore, #tpu.memory_space<semaphore_mem>>
      %dma_start3A_76 = arith.constant 0 : i32
      %dma_start3A_77 = arith.constant 0 : i32
      %dma_start3A_78 = tpu.memref_slice %arg7[%dma_start3A_76, %dma_start3A_77] : memref<256x128xf32, #tpu.memory_space<vmem>> -> memref<128x128xf32, #tpu.memory_space<vmem>>
      %dma_start3A_79 = arith.constant 0 : i32
      %dma_start3A_80 = tpu.memref_slice %arg6[%add3A_13, %dma_start3A_79] : memref<10240x128xf32, #tpu.memory_space<vmem_shared>> -> memref<128x128xf32, #tpu.memory_space<vmem_shared>>
      %dma_start3A_81 = arith.constant 0 : i32
      %dma_start3A_82 = tpu.memref_slice %arg6[%add3A_13, %dma_start3A_81] : memref<10240x128xf32, #tpu.memory_space<vmem_shared>> -> memref<128x128xf32, #tpu.memory_space<vmem_shared>>
      %dma_start3A_83 = arith.constant 0 : i32
      %dma_start3A_84 = arith.constant 0 : i32
      %dma_start3A_85 = tpu.memref_slice %arg7[%dma_start3A_83, %dma_start3A_84] : memref<256x128xf32, #tpu.memory_space<vmem>> -> memref<128x128xf32, #tpu.memory_space<vmem>>
      tpu.enqueue_dma source(%dma_start3A_85 : memref<128x128xf32, #tpu.memory_space<vmem>>) target(%dma_start3A_82 : memref<128x128xf32, #tpu.memory_space<vmem_shared>>) target_semaphore(%run_scoped3A_75 : memref<!tpu.dma_semaphore, #tpu.memory_space<semaphore_mem>>)
      %dma_wait3A_86 = arith.constant 0 : i32
      %dma_wait3A_87 = arith.constant 0 : i32
      %dma_wait3A_88 = tpu.memref_slice %arg7[%dma_wait3A_86, %dma_wait3A_87] : memref<256x128xf32, #tpu.memory_space<vmem>> -> memref<128x128xf32, #tpu.memory_space<vmem>>
      %dma_wait3A_89 = arith.constant 0 : i32
      %dma_wait3A_90 = tpu.memref_slice %arg6[%add3A_13, %dma_wait3A_89] : memref<10240x128xf32, #tpu.memory_space<vmem_shared>> -> memref<128x128xf32, #tpu.memory_space<vmem_shared>>
      %dma_wait3A_91 = arith.constant 0 : i32
      %dma_wait3A_92 = tpu.memref_slice %arg6[%add3A_13, %dma_wait3A_91] : memref<10240x128xf32, #tpu.memory_space<vmem_shared>> -> memref<128x128xf32, #tpu.memory_space<vmem_shared>>
      %dma_wait3A_93 = arith.constant 0 : i32
      %dma_wait3A_94 = arith.constant 0 : i32
      %dma_wait3A_95 = tpu.memref_slice %arg7[%dma_wait3A_93, %dma_wait3A_94] : memref<256x128xf32, #tpu.memory_space<vmem>> -> memref<128x128xf32, #tpu.memory_space<vmem>>
      tpu.wait_dma2 semaphore(%run_scoped3A_75 : memref<!tpu.dma_semaphore, #tpu.memory_space<semaphore_mem>>) src(%dma_wait3A_95 : memref<128x128xf32, #tpu.memory_space<vmem>>) dst(%dma_wait3A_92 : memref<128x128xf32, #tpu.memory_space<vmem_shared>>)
      tpu.yield
    }) : () -> ()
    %mul3A_14 = arith.constant 640 : i32
    %mul3A_15 = arith.muli %arg1, %mul3A_14 : i32
    %add3A_16 = arith.constant 256 : i32
    %add3A_17 = arith.addi %mul3A_15, %add3A_16 : i32
    "tpu.region"() ({
      %run_scoped3A_75 = tpu.sem_alloc : memref<!tpu.dma_semaphore, #tpu.memory_space<semaphore_mem>>
      %dma_start3A_76 = arith.constant 0 : i32
      %dma_start3A_77 = arith.constant 0 : i32
      %dma_start3A_78 = tpu.memref_slice %arg7[%dma_start3A_76, %dma_start3A_77] : memref<256x128xf32, #tpu.memory_space<vmem>> -> memref<128x128xf32, #tpu.memory_space<vmem>>
      %dma_start3A_79 = arith.constant 0 : i32
      %dma_start3A_80 = tpu.memref_slice %arg6[%add3A_17, %dma_start3A_79] : memref<10240x128xf32, #tpu.memory_space<vmem_shared>> -> memref<128x128xf32, #tpu.memory_space<vmem_shared>>
      %dma_start3A_81 = arith.constant 0 : i32
      %dma_start3A_82 = tpu.memref_slice %arg6[%add3A_17, %dma_start3A_81] : memref<10240x128xf32, #tpu.memory_space<vmem_shared>> -> memref<128x128xf32, #tpu.memory_space<vmem_shared>>
      %dma_start3A_83 = arith.constant 0 : i32
      %dma_start3A_84 = arith.constant 0 : i32
      %dma_start3A_85 = tpu.memref_slice %arg7[%dma_start3A_83, %dma_start3A_84] : memref<256x128xf32, #tpu.memory_space<vmem>> -> memref<128x128xf32, #tpu.memory_space<vmem>>
      tpu.enqueue_dma source(%dma_start3A_85 : memref<128x128xf32, #tpu.memory_space<vmem>>) target(%dma_start3A_82 : memref<128x128xf32, #tpu.memory_space<vmem_shared>>) target_semaphore(%run_scoped3A_75 : memref<!tpu.dma_semaphore, #tpu.memory_space<semaphore_mem>>)
      %dma_wait3A_86 = arith.constant 0 : i32
      %dma_wait3A_87 = arith.constant 0 : i32
      %dma_wait3A_88 = tpu.memref_slice %arg7[%dma_wait3A_86, %dma_wait3A_87] : memref<256x128xf32, #tpu.memory_space<vmem>> -> memref<128x128xf32, #tpu.memory_space<vmem>>
      %dma_wait3A_89 = arith.constant 0 : i32
      %dma_wait3A_90 = tpu.memref_slice %arg6[%add3A_17, %dma_wait3A_89] : memref<10240x128xf32, #tpu.memory_space<vmem_shared>> -> memref<128x128xf32, #tpu.memory_space<vmem_shared>>
      %dma_wait3A_91 = arith.constant 0 : i32
      %dma_wait3A_92 = tpu.memref_slice %arg6[%add3A_17, %dma_wait3A_91] : memref<10240x128xf32, #tpu.memory_space<vmem_shared>> -> memref<128x128xf32, #tpu.memory_space<vmem_shared>>
      %dma_wait3A_93 = arith.constant 0 : i32
      %dma_wait3A_94 = arith.constant 0 : i32
      %dma_wait3A_95 = tpu.memref_slice %arg7[%dma_wait3A_93, %dma_wait3A_94] : memref<256x128xf32, #tpu.memory_space<vmem>> -> memref<128x128xf32, #tpu.memory_space<vmem>>
      tpu.wait_dma2 semaphore(%run_scoped3A_75 : memref<!tpu.dma_semaphore, #tpu.memory_space<semaphore_mem>>) src(%dma_wait3A_95 : memref<128x128xf32, #tpu.memory_space<vmem>>) dst(%dma_wait3A_92 : memref<128x128xf32, #tpu.memory_space<vmem_shared>>)
      tpu.yield
    }) : () -> ()
    %mul3A_18 = arith.constant 640 : i32
    %mul3A_19 = arith.muli %arg1, %mul3A_18 : i32
    %add3A_20 = arith.constant 384 : i32
    %add3A_21 = arith.addi %mul3A_19, %add3A_20 : i32
    "tpu.region"() ({
      %run_scoped3A_75 = tpu.sem_alloc : memref<!tpu.dma_semaphore, #tpu.memory_space<semaphore_mem>>
      %dma_start3A_76 = arith.constant 0 : i32
      %dma_start3A_77 = arith.constant 0 : i32
      %dma_start3A_78 = tpu.memref_slice %arg7[%dma_start3A_76, %dma_start3A_77] : memref<256x128xf32, #tpu.memory_space<vmem>> -> memref<128x128xf32, #tpu.memory_space<vmem>>
      %dma_start3A_79 = arith.constant 0 : i32
      %dma_start3A_80 = tpu.memref_slice %arg6[%add3A_21, %dma_start3A_79] : memref<10240x128xf32, #tpu.memory_space<vmem_shared>> -> memref<128x128xf32, #tpu.memory_space<vmem_shared>>
      %dma_start3A_81 = arith.constant 0 : i32
      %dma_start3A_82 = tpu.memref_slice %arg6[%add3A_21, %dma_start3A_81] : memref<10240x128xf32, #tpu.memory_space<vmem_shared>> -> memref<128x128xf32, #tpu.memory_space<vmem_shared>>
      %dma_start3A_83 = arith.constant 0 : i32
      %dma_start3A_84 = arith.constant 0 : i32
      %dma_start3A_85 = tpu.memref_slice %arg7[%dma_start3A_83, %dma_start3A_84] : memref<256x128xf32, #tpu.memory_space<vmem>> -> memref<128x128xf32, #tpu.memory_space<vmem>>
      tpu.enqueue_dma source(%dma_start3A_85 : memref<128x128xf32, #tpu.memory_space<vmem>>) target(%dma_start3A_82 : memref<128x128xf32, #tpu.memory_space<vmem_shared>>) target_semaphore(%run_scoped3A_75 : memref<!tpu.dma_semaphore, #tpu.memory_space<semaphore_mem>>)
      %dma_wait3A_86 = arith.constant 0 : i32
      %dma_wait3A_87 = arith.constant 0 : i32
      %dma_wait3A_88 = tpu.memref_slice %arg7[%dma_wait3A_86, %dma_wait3A_87] : memref<256x128xf32, #tpu.memory_space<vmem>> -> memref<128x128xf32, #tpu.memory_space<vmem>>
      %dma_wait3A_89 = arith.constant 0 : i32
      %dma_wait3A_90 = tpu.memref_slice %arg6[%add3A_21, %dma_wait3A_89] : memref<10240x128xf32, #tpu.memory_space<vmem_shared>> -> memref<128x128xf32, #tpu.memory_space<vmem_shared>>
      %dma_wait3A_91 = arith.constant 0 : i32
      %dma_wait3A_92 = tpu.memref_slice %arg6[%add3A_21, %dma_wait3A_91] : memref<10240x128xf32, #tpu.memory_space<vmem_shared>> -> memref<128x128xf32, #tpu.memory_space<vmem_shared>>
      %dma_wait3A_93 = arith.constant 0 : i32
      %dma_wait3A_94 = arith.constant 0 : i32
      %dma_wait3A_95 = tpu.memref_slice %arg7[%dma_wait3A_93, %dma_wait3A_94] : memref<256x128xf32, #tpu.memory_space<vmem>> -> memref<128x128xf32, #tpu.memory_space<vmem>>
      tpu.wait_dma2 semaphore(%run_scoped3A_75 : memref<!tpu.dma_semaphore, #tpu.memory_space<semaphore_mem>>) src(%dma_wait3A_95 : memref<128x128xf32, #tpu.memory_space<vmem>>) dst(%dma_wait3A_92 : memref<128x128xf32, #tpu.memory_space<vmem_shared>>)
      tpu.yield
    }) : () -> ()
    %mul3A_22 = arith.constant 640 : i32
    %mul3A_23 = arith.muli %arg1, %mul3A_22 : i32
    %add3A_24 = arith.constant 512 : i32
    %add3A_25 = arith.addi %mul3A_23, %add3A_24 : i32
    "tpu.region"() ({
      %run_scoped3A_75 = tpu.sem_alloc : memref<!tpu.dma_semaphore, #tpu.memory_space<semaphore_mem>>
      %dma_start3A_76 = arith.constant 0 : i32
      %dma_start3A_77 = arith.constant 0 : i32
      %dma_start3A_78 = tpu.memref_slice %arg7[%dma_start3A_76, %dma_start3A_77] : memref<256x128xf32, #tpu.memory_space<vmem>> -> memref<128x128xf32, #tpu.memory_space<vmem>>
      %dma_start3A_79 = arith.constant 0 : i32
      %dma_start3A_80 = tpu.memref_slice %arg6[%add3A_25, %dma_start3A_79] : memref<10240x128xf32, #tpu.memory_space<vmem_shared>> -> memref<128x128xf32, #tpu.memory_space<vmem_shared>>
      %dma_start3A_81 = arith.constant 0 : i32
      %dma_start3A_82 = tpu.memref_slice %arg6[%add3A_25, %dma_start3A_81] : memref<10240x128xf32, #tpu.memory_space<vmem_shared>> -> memref<128x128xf32, #tpu.memory_space<vmem_shared>>
      %dma_start3A_83 = arith.constant 0 : i32
      %dma_start3A_84 = arith.constant 0 : i32
      %dma_start3A_85 = tpu.memref_slice %arg7[%dma_start3A_83, %dma_start3A_84] : memref<256x128xf32, #tpu.memory_space<vmem>> -> memref<128x128xf32, #tpu.memory_space<vmem>>
      tpu.enqueue_dma source(%dma_start3A_85 : memref<128x128xf32, #tpu.memory_space<vmem>>) target(%dma_start3A_82 : memref<128x128xf32, #tpu.memory_space<vmem_shared>>) target_semaphore(%run_scoped3A_75 : memref<!tpu.dma_semaphore, #tpu.memory_space<semaphore_mem>>)
      %dma_wait3A_86 = arith.constant 0 : i32
      %dma_wait3A_87 = arith.constant 0 : i32
      %dma_wait3A_88 = tpu.memref_slice %arg7[%dma_wait3A_86, %dma_wait3A_87] : memref<256x128xf32, #tpu.memory_space<vmem>> -> memref<128x128xf32, #tpu.memory_space<vmem>>
      %dma_wait3A_89 = arith.constant 0 : i32
      %dma_wait3A_90 = tpu.memref_slice %arg6[%add3A_25, %dma_wait3A_89] : memref<10240x128xf32, #tpu.memory_space<vmem_shared>> -> memref<128x128xf32, #tpu.memory_space<vmem_shared>>
      %dma_wait3A_91 = arith.constant 0 : i32
      %dma_wait3A_92 = tpu.memref_slice %arg6[%add3A_25, %dma_wait3A_91] : memref<10240x128xf32, #tpu.memory_space<vmem_shared>> -> memref<128x128xf32, #tpu.memory_space<vmem_shared>>
      %dma_wait3A_93 = arith.constant 0 : i32
      %dma_wait3A_94 = arith.constant 0 : i32
      %dma_wait3A_95 = tpu.memref_slice %arg7[%dma_wait3A_93, %dma_wait3A_94] : memref<256x128xf32, #tpu.memory_space<vmem>> -> memref<128x128xf32, #tpu.memory_space<vmem>>
      tpu.wait_dma2 semaphore(%run_scoped3A_75 : memref<!tpu.dma_semaphore, #tpu.memory_space<semaphore_mem>>) src(%dma_wait3A_95 : memref<128x128xf32, #tpu.memory_space<vmem>>) dst(%dma_wait3A_92 : memref<128x128xf32, #tpu.memory_space<vmem_shared>>)
      tpu.yield
    }) : () -> ()
    %barrier3A = arith.constant 0 : index
    tpu.barrier barrier_id(%barrier3A)
    %mul3A_26 = arith.constant 10000 : i32
    %mul3A_27 = arith.muli %add3A, %mul3A_26 : i32
    %scan3A_28 = arith.constant 0 : i32
    %scan3A_29 = arith.constant 0 : i32
    %scan3A_30 = arith.constant 39 : i32
    %scan3A_31 = arith.addi %scan3A_29, %scan3A_30 : i32
    %scan3A_32 = arith.constant 1 : i32
    scf.for %scan3A_75 = %scan3A_29 to %scan3A_31 step %scan3A_32  : i32 {
      %mul3A_76 = arith.constant 256 : i32
      %mul3A_77 = arith.muli %scan3A_75, %mul3A_76 : i32
      %add3A_78 = arith.addi %mul3A_27, %mul3A_77 : i32
      %multiple_of3A_79 = tpu.assume_multiple %add3A_78, 8 : i32
      %dma_start3A_80 = arith.constant 0 : i32
      %dma_start3A_81 = tpu.memref_slice %arg8[%dma_start3A_80] : memref<256xi32, #tpu.memory_space<vmem>> -> memref<256xi32, #tpu.memory_space<vmem>>
      %dma_start3A_82 = tpu.memref_slice %arg3[%multiple_of3A_79] : memref<320000xi32, #tpu.memory_space<hbm>> -> memref<256xi32, #tpu.memory_space<hbm>>
      %dma_start3A_83 = arith.constant 0 : i32
      %dma_start3A_84 = tpu.memref_slice %arg8[%dma_start3A_83] : memref<256xi32, #tpu.memory_space<vmem>> -> memref<256xi32, #tpu.memory_space<vmem>>
      %dma_start3A_85 = tpu.memref_slice %arg3[%multiple_of3A_79] : memref<320000xi32, #tpu.memory_space<hbm>> -> memref<256xi32, #tpu.memory_space<hbm>>
      tpu.enqueue_dma source(%dma_start3A_85 : memref<256xi32, #tpu.memory_space<hbm>>) target(%dma_start3A_84 : memref<256xi32, #tpu.memory_space<vmem>>) target_semaphore(%arg10 : memref<!tpu.dma_semaphore, #tpu.memory_space<semaphore_mem>>)
      %add3A_86 = arith.constant 0 : i32
      %add3A_87 = arith.addi %multiple_of3A_79, %add3A_86 : i32
      %dma_start3A_88 = arith.constant 0 : i32
      %dma_start3A_89 = arith.constant 0 : i32
      %dma_start3A_90 = tpu.memref_slice %arg9[%dma_start3A_88, %dma_start3A_89] : memref<2x128xi32, #tpu.memory_space<vmem>> -> memref<1x128xi32, #tpu.memory_space<vmem>>
      %dma_start3A_91 = tpu.memref_squeeze %dma_start3A_90 : memref<1x128xi32, #tpu.memory_space<vmem>> -> memref<128xi32, #tpu.memory_space<vmem>>
      %dma_start3A_92 = tpu.memref_slice %arg4[%add3A_87] : memref<320000xi32, #tpu.memory_space<hbm>> -> memref<128xi32, #tpu.memory_space<hbm>>
      %dma_start3A_93 = arith.constant 0 : i32
      %dma_start3A_94 = tpu.memref_slice %arg9[%dma_start3A_88, %dma_start3A_93] : memref<2x128xi32, #tpu.memory_space<vmem>> -> memref<1x128xi32, #tpu.memory_space<vmem>>
      %dma_start3A_95 = tpu.memref_squeeze %dma_start3A_94 : memref<1x128xi32, #tpu.memory_space<vmem>> -> memref<128xi32, #tpu.memory_space<vmem>>
      %dma_start3A_96 = tpu.memref_slice %arg4[%add3A_87] : memref<320000xi32, #tpu.memory_space<hbm>> -> memref<128xi32, #tpu.memory_space<hbm>>
      tpu.enqueue_dma source(%dma_start3A_96 : memref<128xi32, #tpu.memory_space<hbm>>) target(%dma_start3A_95 : memref<128xi32, #tpu.memory_space<vmem>>) target_semaphore(%arg10 : memref<!tpu.dma_semaphore, #tpu.memory_space<semaphore_mem>>)
      %add3A_97 = arith.constant 128 : i32
      %add3A_98 = arith.addi %multiple_of3A_79, %add3A_97 : i32
      %dma_start3A_99 = arith.constant 1 : i32
      %dma_start3A_100 = arith.constant 0 : i32
      %dma_start3A_101 = tpu.memref_slice %arg9[%dma_start3A_99, %dma_start3A_100] : memref<2x128xi32, #tpu.memory_space<vmem>> -> memref<1x128xi32, #tpu.memory_space<vmem>>
      %dma_start3A_102 = tpu.memref_squeeze %dma_start3A_101 : memref<1x128xi32, #tpu.memory_space<vmem>> -> memref<128xi32, #tpu.memory_space<vmem>>
      %dma_start3A_103 = tpu.memref_slice %arg4[%add3A_98] : memref<320000xi32, #tpu.memory_space<hbm>> -> memref<128xi32, #tpu.memory_space<hbm>>
      %dma_start3A_104 = arith.constant 0 : i32
      %dma_start3A_105 = tpu.memref_slice %arg9[%dma_start3A_99, %dma_start3A_104] : memref<2x128xi32, #tpu.memory_space<vmem>> -> memref<1x128xi32, #tpu.memory_space<vmem>>
      %dma_start3A_106 = tpu.memref_squeeze %dma_start3A_105 : memref<1x128xi32, #tpu.memory_space<vmem>> -> memref<128xi32, #tpu.memory_space<vmem>>
      %dma_start3A_107 = tpu.memref_slice %arg4[%add3A_98] : memref<320000xi32, #tpu.memory_space<hbm>> -> memref<128xi32, #tpu.memory_space<hbm>>
      tpu.enqueue_dma source(%dma_start3A_107 : memref<128xi32, #tpu.memory_space<hbm>>) target(%dma_start3A_106 : memref<128xi32, #tpu.memory_space<vmem>>) target_semaphore(%arg10 : memref<!tpu.dma_semaphore, #tpu.memory_space<semaphore_mem>>)
      %dma_wait3A_108 = arith.constant 0 : i32
      %dma_wait3A_109 = tpu.memref_slice %arg8[%dma_wait3A_108] : memref<256xi32, #tpu.memory_space<vmem>> -> memref<256xi32, #tpu.memory_space<vmem>>
      %dma_wait3A_110 = tpu.memref_slice %arg3[%multiple_of3A_79] : memref<320000xi32, #tpu.memory_space<hbm>> -> memref<256xi32, #tpu.memory_space<hbm>>
      %dma_wait3A_111 = arith.constant 0 : i32
      %dma_wait3A_112 = tpu.memref_slice %arg8[%dma_wait3A_111] : memref<256xi32, #tpu.memory_space<vmem>> -> memref<256xi32, #tpu.memory_space<vmem>>
      %dma_wait3A_113 = tpu.memref_slice %arg3[%multiple_of3A_79] : memref<320000xi32, #tpu.memory_space<hbm>> -> memref<256xi32, #tpu.memory_space<hbm>>
      tpu.wait_dma2 semaphore(%arg10 : memref<!tpu.dma_semaphore, #tpu.memory_space<semaphore_mem>>) src(%dma_wait3A_113 : memref<256xi32, #tpu.memory_space<hbm>>) dst(%dma_wait3A_112 : memref<256xi32, #tpu.memory_space<vmem>>)
      %dma_wait3A_114 = arith.constant 0 : i32
      %dma_wait3A_115 = arith.constant 0 : i32
      %dma_wait3A_116 = tpu.memref_slice %arg9[%dma_wait3A_114, %dma_wait3A_115] : memref<2x128xi32, #tpu.memory_space<vmem>> -> memref<1x128xi32, #tpu.memory_space<vmem>>
      %dma_wait3A_117 = tpu.memref_squeeze %dma_wait3A_116 : memref<1x128xi32, #tpu.memory_space<vmem>> -> memref<128xi32, #tpu.memory_space<vmem>>
      %dma_wait3A_118 = tpu.memref_slice %arg4[%add3A_87] : memref<320000xi32, #tpu.memory_space<hbm>> -> memref<128xi32, #tpu.memory_space<hbm>>
      %dma_wait3A_119 = arith.constant 0 : i32
      %dma_wait3A_120 = tpu.memref_slice %arg9[%dma_wait3A_114, %dma_wait3A_119] : memref<2x128xi32, #tpu.memory_space<vmem>> -> memref<1x128xi32, #tpu.memory_space<vmem>>
      %dma_wait3A_121 = tpu.memref_squeeze %dma_wait3A_120 : memref<1x128xi32, #tpu.memory_space<vmem>> -> memref<128xi32, #tpu.memory_space<vmem>>
      %dma_wait3A_122 = tpu.memref_slice %arg4[%add3A_87] : memref<320000xi32, #tpu.memory_space<hbm>> -> memref<128xi32, #tpu.memory_space<hbm>>
      tpu.wait_dma2 semaphore(%arg10 : memref<!tpu.dma_semaphore, #tpu.memory_space<semaphore_mem>>) src(%dma_wait3A_122 : memref<128xi32, #tpu.memory_space<hbm>>) dst(%dma_wait3A_121 : memref<128xi32, #tpu.memory_space<vmem>>)
      %dma_wait3A_123 = arith.constant 1 : i32
      %dma_wait3A_124 = arith.constant 0 : i32
      %dma_wait3A_125 = tpu.memref_slice %arg9[%dma_wait3A_123, %dma_wait3A_124] : memref<2x128xi32, #tpu.memory_space<vmem>> -> memref<1x128xi32, #tpu.memory_space<vmem>>
      %dma_wait3A_126 = tpu.memref_squeeze %dma_wait3A_125 : memref<1x128xi32, #tpu.memory_space<vmem>> -> memref<128xi32, #tpu.memory_space<vmem>>
      %dma_wait3A_127 = tpu.memref_slice %arg4[%add3A_98] : memref<320000xi32, #tpu.memory_space<hbm>> -> memref<128xi32, #tpu.memory_space<hbm>>
      %dma_wait3A_128 = arith.constant 0 : i32
      %dma_wait3A_129 = tpu.memref_slice %arg9[%dma_wait3A_123, %dma_wait3A_128] : memref<2x128xi32, #tpu.memory_space<vmem>> -> memref<1x128xi32, #tpu.memory_space<vmem>>
      %dma_wait3A_130 = tpu.memref_squeeze %dma_wait3A_129 : memref<1x128xi32, #tpu.memory_space<vmem>> -> memref<128xi32, #tpu.memory_space<vmem>>
      %dma_wait3A_131 = tpu.memref_slice %arg4[%add3A_98] : memref<320000xi32, #tpu.memory_space<hbm>> -> memref<128xi32, #tpu.memory_space<hbm>>
      tpu.wait_dma2 semaphore(%arg10 : memref<!tpu.dma_semaphore, #tpu.memory_space<semaphore_mem>>) src(%dma_wait3A_131 : memref<128xi32, #tpu.memory_space<hbm>>) dst(%dma_wait3A_130 : memref<128xi32, #tpu.memory_space<vmem>>)
      %dma_start3A_132 = arith.constant 0 : i32
      %dma_start3A_133 = arith.constant 0 : i32
      %dma_start3A_134 = tpu.memref_slice %arg7[%dma_start3A_132, %dma_start3A_133] : memref<256x128xf32, #tpu.memory_space<vmem>> -> memref<128x128xf32, #tpu.memory_space<vmem>>
      %dma_start3A_135 = arith.constant 0 : i32
      %dma_start3A_136 = tpu.memref_slice %arg8[%dma_start3A_135] : memref<256xi32, #tpu.memory_space<vmem>> -> memref<128xi32, #tpu.memory_space<vmem>>
      %dma_start3A_137 = arith.constant 0 : i32
      %dma_start3A_138 = arith.constant 0 : i32
      %dma_start3A_139 = tpu.memref_slice %arg2[%dma_start3A_137, %dma_start3A_138] : memref<10000x128xf32, #tpu.memory_space<hbm>> -> memref<10000x128xf32, #tpu.memory_space<hbm>>
      tpu.enqueue_indirect_dma source(%dma_start3A_139 : memref<10000x128xf32, #tpu.memory_space<hbm>>) target(%dma_start3A_134 : memref<128x128xf32, #tpu.memory_space<vmem>>) offsets(%dma_start3A_136 : memref<128xi32, #tpu.memory_space<vmem>>) semaphore(%arg11 : memref<!tpu.dma_semaphore, #tpu.memory_space<semaphore_mem>>)
      %dma_start3A_140 = arith.constant 128 : i32
      %dma_start3A_141 = arith.constant 0 : i32
      %dma_start3A_142 = tpu.memref_slice %arg7[%dma_start3A_140, %dma_start3A_141] : memref<256x128xf32, #tpu.memory_space<vmem>> -> memref<128x128xf32, #tpu.memory_space<vmem>>
      %dma_start3A_143 = arith.constant 128 : i32
      %dma_start3A_144 = tpu.memref_slice %arg8[%dma_start3A_143] : memref<256xi32, #tpu.memory_space<vmem>> -> memref<128xi32, #tpu.memory_space<vmem>>
      %dma_start3A_145 = arith.constant 0 : i32
      %dma_start3A_146 = arith.constant 0 : i32
      %dma_start3A_147 = tpu.memref_slice %arg2[%dma_start3A_145, %dma_start3A_146] : memref<10000x128xf32, #tpu.memory_space<hbm>> -> memref<10000x128xf32, #tpu.memory_space<hbm>>
      tpu.enqueue_indirect_dma source(%dma_start3A_147 : memref<10000x128xf32, #tpu.memory_space<hbm>>) target(%dma_start3A_142 : memref<128x128xf32, #tpu.memory_space<vmem>>) offsets(%dma_start3A_144 : memref<128xi32, #tpu.memory_space<vmem>>) semaphore(%arg11 : memref<!tpu.dma_semaphore, #tpu.memory_space<semaphore_mem>>)
      %dma_wait3A_148 = arith.constant 0 : i32
      %dma_wait3A_149 = arith.constant 0 : i32
      %dma_wait3A_150 = tpu.memref_slice %arg7[%dma_wait3A_148, %dma_wait3A_149] : memref<256x128xf32, #tpu.memory_space<vmem>> -> memref<128x128xf32, #tpu.memory_space<vmem>>
      %dma_wait3A_151 = arith.constant 0 : i32
      %dma_wait3A_152 = tpu.memref_slice %arg8[%dma_wait3A_151] : memref<256xi32, #tpu.memory_space<vmem>> -> memref<128xi32, #tpu.memory_space<vmem>>
      %dma_wait3A_153 = arith.constant 0 : i32
      %dma_wait3A_154 = arith.constant 0 : i32
      %dma_wait3A_155 = tpu.memref_slice %arg2[%dma_wait3A_153, %dma_wait3A_154] : memref<10000x128xf32, #tpu.memory_space<hbm>> -> memref<10000x128xf32, #tpu.memory_space<hbm>>
      tpu.wait_indirect_dma semaphore(%arg11 : memref<!tpu.dma_semaphore, #tpu.memory_space<semaphore_mem>>) src(%dma_wait3A_155 : memref<10000x128xf32, #tpu.memory_space<hbm>>) dst(%dma_wait3A_150 : memref<128x128xf32, #tpu.memory_space<vmem>>)
      %dma_wait3A_156 = arith.constant 128 : i32
      %dma_wait3A_157 = arith.constant 0 : i32
      %dma_wait3A_158 = tpu.memref_slice %arg7[%dma_wait3A_156, %dma_wait3A_157] : memref<256x128xf32, #tpu.memory_space<vmem>> -> memref<128x128xf32, #tpu.memory_space<vmem>>
      %dma_wait3A_159 = arith.constant 128 : i32
      %dma_wait3A_160 = tpu.memref_slice %arg8[%dma_wait3A_159] : memref<256xi32, #tpu.memory_space<vmem>> -> memref<128xi32, #tpu.memory_space<vmem>>
      %dma_wait3A_161 = arith.constant 0 : i32
      %dma_wait3A_162 = arith.constant 0 : i32
      %dma_wait3A_163 = tpu.memref_slice %arg2[%dma_wait3A_161, %dma_wait3A_162] : memref<10000x128xf32, #tpu.memory_space<hbm>> -> memref<10000x128xf32, #tpu.memory_space<hbm>>
      tpu.wait_indirect_dma semaphore(%arg11 : memref<!tpu.dma_semaphore, #tpu.memory_space<semaphore_mem>>) src(%dma_wait3A_163 : memref<10000x128xf32, #tpu.memory_space<hbm>>) dst(%dma_wait3A_158 : memref<128x128xf32, #tpu.memory_space<vmem>>)
      %dma_start3A_164 = arith.constant 0 : i32
      %dma_start3A_165 = arith.constant 0 : i32
      %dma_start3A_166 = arith.constant 0 : i32
      %dma_start3A_167 = tpu.memref_slice %arg7[%dma_start3A_165, %dma_start3A_166] : memref<256x128xf32, #tpu.memory_space<vmem>> -> memref<128x128xf32, #tpu.memory_space<vmem>>
      %dma_start3A_168 = arith.constant 0 : i32
      %dma_start3A_169 = tpu.memref_slice %arg9[%dma_start3A_164, %dma_start3A_168] : memref<2x128xi32, #tpu.memory_space<vmem>> -> memref<1x128xi32, #tpu.memory_space<vmem>>
      %dma_start3A_170 = tpu.memref_squeeze %dma_start3A_169 : memref<1x128xi32, #tpu.memory_space<vmem>> -> memref<128xi32, #tpu.memory_space<vmem>>
      %dma_start3A_171 = arith.constant 0 : i32
      %dma_start3A_172 = arith.constant 0 : i32
      %dma_start3A_173 = tpu.memref_slice %arg6[%dma_start3A_171, %dma_start3A_172] : memref<10240x128xf32, #tpu.memory_space<vmem_shared>> -> memref<10240x128xf32, #tpu.memory_space<vmem_shared>>
      tpu.enqueue_indirect_dma source(%dma_start3A_167 : memref<128x128xf32, #tpu.memory_space<vmem>>) target(%dma_start3A_173 : memref<10240x128xf32, #tpu.memory_space<vmem_shared>>) offsets(%dma_start3A_170 : memref<128xi32, #tpu.memory_space<vmem>>) semaphore(%arg12 : memref<!tpu.dma_semaphore, #tpu.memory_space<semaphore_mem>>) {add = true}
      %dma_wait3A_174 = arith.constant 0 : i32
      %dma_wait3A_175 = arith.constant 0 : i32
      %dma_wait3A_176 = arith.constant 0 : i32
      %dma_wait3A_177 = tpu.memref_slice %arg7[%dma_wait3A_175, %dma_wait3A_176] : memref<256x128xf32, #tpu.memory_space<vmem>> -> memref<128x128xf32, #tpu.memory_space<vmem>>
      %dma_wait3A_178 = arith.constant 0 : i32
      %dma_wait3A_179 = tpu.memref_slice %arg9[%dma_wait3A_174, %dma_wait3A_178] : memref<2x128xi32, #tpu.memory_space<vmem>> -> memref<1x128xi32, #tpu.memory_space<vmem>>
      %dma_wait3A_180 = tpu.memref_squeeze %dma_wait3A_179 : memref<1x128xi32, #tpu.memory_space<vmem>> -> memref<128xi32, #tpu.memory_space<vmem>>
      %dma_wait3A_181 = arith.constant 0 : i32
      %dma_wait3A_182 = arith.constant 0 : i32
      %dma_wait3A_183 = tpu.memref_slice %arg6[%dma_wait3A_181, %dma_wait3A_182] : memref<10240x128xf32, #tpu.memory_space<vmem_shared>> -> memref<10240x128xf32, #tpu.memory_space<vmem_shared>>
      tpu.wait_indirect_dma semaphore(%arg12 : memref<!tpu.dma_semaphore, #tpu.memory_space<semaphore_mem>>) src(%dma_wait3A_177 : memref<128x128xf32, #tpu.memory_space<vmem>>) dst(%dma_wait3A_183 : memref<10240x128xf32, #tpu.memory_space<vmem_shared>>)
      %dma_start3A_184 = arith.constant 1 : i32
      %dma_start3A_185 = arith.constant 128 : i32
      %dma_start3A_186 = arith.constant 0 : i32
      %dma_start3A_187 = tpu.memref_slice %arg7[%dma_start3A_185, %dma_start3A_186] : memref<256x128xf32, #tpu.memory_space<vmem>> -> memref<128x128xf32, #tpu.memory_space<vmem>>
      %dma_start3A_188 = arith.constant 0 : i32
      %dma_start3A_189 = tpu.memref_slice %arg9[%dma_start3A_184, %dma_start3A_188] : memref<2x128xi32, #tpu.memory_space<vmem>> -> memref<1x128xi32, #tpu.memory_space<vmem>>
      %dma_start3A_190 = tpu.memref_squeeze %dma_start3A_189 : memref<1x128xi32, #tpu.memory_space<vmem>> -> memref<128xi32, #tpu.memory_space<vmem>>
      %dma_start3A_191 = arith.constant 0 : i32
      %dma_start3A_192 = arith.constant 0 : i32
      %dma_start3A_193 = tpu.memref_slice %arg6[%dma_start3A_191, %dma_start3A_192] : memref<10240x128xf32, #tpu.memory_space<vmem_shared>> -> memref<10240x128xf32, #tpu.memory_space<vmem_shared>>
      tpu.enqueue_indirect_dma source(%dma_start3A_187 : memref<128x128xf32, #tpu.memory_space<vmem>>) target(%dma_start3A_193 : memref<10240x128xf32, #tpu.memory_space<vmem_shared>>) offsets(%dma_start3A_190 : memref<128xi32, #tpu.memory_space<vmem>>) semaphore(%arg12 : memref<!tpu.dma_semaphore, #tpu.memory_space<semaphore_mem>>) {add = true}
      %dma_wait3A_194 = arith.constant 1 : i32
      %dma_wait3A_195 = arith.constant 128 : i32
      %dma_wait3A_196 = arith.constant 0 : i32
      %dma_wait3A_197 = tpu.memref_slice %arg7[%dma_wait3A_195, %dma_wait3A_196] : memref<256x128xf32, #tpu.memory_space<vmem>> -> memref<128x128xf32, #tpu.memory_space<vmem>>
      %dma_wait3A_198 = arith.constant 0 : i32
      %dma_wait3A_199 = tpu.memref_slice %arg9[%dma_wait3A_194, %dma_wait3A_198] : memref<2x128xi32, #tpu.memory_space<vmem>> -> memref<1x128xi32, #tpu.memory_space<vmem>>
      %dma_wait3A_200 = tpu.memref_squeeze %dma_wait3A_199 : memref<1x128xi32, #tpu.memory_space<vmem>> -> memref<128xi32, #tpu.memory_space<vmem>>
      %dma_wait3A_201 = arith.constant 0 : i32
      %dma_wait3A_202 = arith.constant 0 : i32
      %dma_wait3A_203 = tpu.memref_slice %arg6[%dma_wait3A_201, %dma_wait3A_202] : memref<10240x128xf32, #tpu.memory_space<vmem_shared>> -> memref<10240x128xf32, #tpu.memory_space<vmem_shared>>
      tpu.wait_indirect_dma semaphore(%arg12 : memref<!tpu.dma_semaphore, #tpu.memory_space<semaphore_mem>>) src(%dma_wait3A_197 : memref<128x128xf32, #tpu.memory_space<vmem>>) dst(%dma_wait3A_203 : memref<10240x128xf32, #tpu.memory_space<vmem_shared>>)
    }
    %scan3A_33 = arith.constant 39 : i32
    %add3A_34 = arith.constant 9984 : i32
    %add3A_35 = arith.addi %mul3A_27, %add3A_34 : i32
    %multiple_of3A = tpu.assume_multiple %add3A_35, 8 : i32
    "tpu.region"() ({
      %run_scoped3A_75 = tpu.sem_alloc : memref<!tpu.dma_semaphore, #tpu.memory_space<semaphore_mem>>
      %dma_start3A_76 = arith.constant 0 : i32
      %dma_start3A_77 = tpu.memref_slice %arg8[%dma_start3A_76] : memref<256xi32, #tpu.memory_space<vmem>> -> memref<16xi32, #tpu.memory_space<vmem>>
      %dma_start3A_78 = tpu.memref_slice %arg3[%multiple_of3A] : memref<320000xi32, #tpu.memory_space<hbm>> -> memref<16xi32, #tpu.memory_space<hbm>>
      %dma_start3A_79 = arith.constant 0 : i32
      %dma_start3A_80 = tpu.memref_slice %arg8[%dma_start3A_79] : memref<256xi32, #tpu.memory_space<vmem>> -> memref<16xi32, #tpu.memory_space<vmem>>
      %dma_start3A_81 = tpu.memref_slice %arg3[%multiple_of3A] : memref<320000xi32, #tpu.memory_space<hbm>> -> memref<16xi32, #tpu.memory_space<hbm>>
      tpu.enqueue_dma source(%dma_start3A_81 : memref<16xi32, #tpu.memory_space<hbm>>) target(%dma_start3A_80 : memref<16xi32, #tpu.memory_space<vmem>>) target_semaphore(%run_scoped3A_75 : memref<!tpu.dma_semaphore, #tpu.memory_space<semaphore_mem>>)
      %dma_wait3A_82 = arith.constant 0 : i32
      %dma_wait3A_83 = tpu.memref_slice %arg8[%dma_wait3A_82] : memref<256xi32, #tpu.memory_space<vmem>> -> memref<16xi32, #tpu.memory_space<vmem>>
      %dma_wait3A_84 = tpu.memref_slice %arg3[%multiple_of3A] : memref<320000xi32, #tpu.memory_space<hbm>> -> memref<16xi32, #tpu.memory_space<hbm>>
      %dma_wait3A_85 = arith.constant 0 : i32
      %dma_wait3A_86 = tpu.memref_slice %arg8[%dma_wait3A_85] : memref<256xi32, #tpu.memory_space<vmem>> -> memref<16xi32, #tpu.memory_space<vmem>>
      %dma_wait3A_87 = tpu.memref_slice %arg3[%multiple_of3A] : memref<320000xi32, #tpu.memory_space<hbm>> -> memref<16xi32, #tpu.memory_space<hbm>>
      tpu.wait_dma2 semaphore(%run_scoped3A_75 : memref<!tpu.dma_semaphore, #tpu.memory_space<semaphore_mem>>) src(%dma_wait3A_87 : memref<16xi32, #tpu.memory_space<hbm>>) dst(%dma_wait3A_86 : memref<16xi32, #tpu.memory_space<vmem>>)
      tpu.yield
    }) : () -> ()
    %run_scoped3A = arith.constant 0 : i32
    "tpu.region"() ({
      %run_scoped3A_75 = tpu.sem_alloc : memref<!tpu.dma_semaphore, #tpu.memory_space<semaphore_mem>>
      %dma_start3A_76 = arith.constant 0 : i32
      %dma_start3A_77 = tpu.memref_slice %arg9[%run_scoped3A, %dma_start3A_76] : memref<2x128xi32, #tpu.memory_space<vmem>> -> memref<1x16xi32, #tpu.memory_space<vmem>>
      %dma_start3A_78 = tpu.memref_squeeze %dma_start3A_77 : memref<1x16xi32, #tpu.memory_space<vmem>> -> memref<16xi32, #tpu.memory_space<vmem>>
      %dma_start3A_79 = tpu.memref_slice %arg4[%multiple_of3A] : memref<320000xi32, #tpu.memory_space<hbm>> -> memref<16xi32, #tpu.memory_space<hbm>>
      %dma_start3A_80 = arith.constant 0 : i32
      %dma_start3A_81 = tpu.memref_slice %arg9[%run_scoped3A, %dma_start3A_80] : memref<2x128xi32, #tpu.memory_space<vmem>> -> memref<1x16xi32, #tpu.memory_space<vmem>>
      %dma_start3A_82 = tpu.memref_squeeze %dma_start3A_81 : memref<1x16xi32, #tpu.memory_space<vmem>> -> memref<16xi32, #tpu.memory_space<vmem>>
      %dma_start3A_83 = tpu.memref_slice %arg4[%multiple_of3A] : memref<320000xi32, #tpu.memory_space<hbm>> -> memref<16xi32, #tpu.memory_space<hbm>>
      tpu.enqueue_dma source(%dma_start3A_83 : memref<16xi32, #tpu.memory_space<hbm>>) target(%dma_start3A_82 : memref<16xi32, #tpu.memory_space<vmem>>) target_semaphore(%run_scoped3A_75 : memref<!tpu.dma_semaphore, #tpu.memory_space<semaphore_mem>>)
      %dma_wait3A_84 = arith.constant 0 : i32
      %dma_wait3A_85 = tpu.memref_slice %arg9[%run_scoped3A, %dma_wait3A_84] : memref<2x128xi32, #tpu.memory_space<vmem>> -> memref<1x16xi32, #tpu.memory_space<vmem>>
      %dma_wait3A_86 = tpu.memref_squeeze %dma_wait3A_85 : memref<1x16xi32, #tpu.memory_space<vmem>> -> memref<16xi32, #tpu.memory_space<vmem>>
      %dma_wait3A_87 = tpu.memref_slice %arg4[%multiple_of3A] : memref<320000xi32, #tpu.memory_space<hbm>> -> memref<16xi32, #tpu.memory_space<hbm>>
      %dma_wait3A_88 = arith.constant 0 : i32
      %dma_wait3A_89 = tpu.memref_slice %arg9[%run_scoped3A, %dma_wait3A_88] : memref<2x128xi32, #tpu.memory_space<vmem>> -> memref<1x16xi32, #tpu.memory_space<vmem>>
      %dma_wait3A_90 = tpu.memref_squeeze %dma_wait3A_89 : memref<1x16xi32, #tpu.memory_space<vmem>> -> memref<16xi32, #tpu.memory_space<vmem>>
      %dma_wait3A_91 = tpu.memref_slice %arg4[%multiple_of3A] : memref<320000xi32, #tpu.memory_space<hbm>> -> memref<16xi32, #tpu.memory_space<hbm>>
      tpu.wait_dma2 semaphore(%run_scoped3A_75 : memref<!tpu.dma_semaphore, #tpu.memory_space<semaphore_mem>>) src(%dma_wait3A_91 : memref<16xi32, #tpu.memory_space<hbm>>) dst(%dma_wait3A_90 : memref<16xi32, #tpu.memory_space<vmem>>)
      tpu.yield
    }) : () -> ()
    %dma_start3A = arith.constant 0 : i32
    %dma_start3A_36 = arith.constant 0 : i32
    %dma_start3A_37 = tpu.memref_slice %arg7[%dma_start3A, %dma_start3A_36] : memref<256x128xf32, #tpu.memory_space<vmem>> -> memref<16x128xf32, #tpu.memory_space<vmem>>
    %dma_start3A_38 = arith.constant 0 : i32
    %dma_start3A_39 = tpu.memref_slice %arg8[%dma_start3A_38] : memref<256xi32, #tpu.memory_space<vmem>> -> memref<16xi32, #tpu.memory_space<vmem>>
    %dma_start3A_40 = arith.constant 0 : i32
    %dma_start3A_41 = arith.constant 0 : i32
    %dma_start3A_42 = tpu.memref_slice %arg2[%dma_start3A_40, %dma_start3A_41] : memref<10000x128xf32, #tpu.memory_space<hbm>> -> memref<10000x128xf32, #tpu.memory_space<hbm>>
    tpu.enqueue_indirect_dma source(%dma_start3A_42 : memref<10000x128xf32, #tpu.memory_space<hbm>>) target(%dma_start3A_37 : memref<16x128xf32, #tpu.memory_space<vmem>>) offsets(%dma_start3A_39 : memref<16xi32, #tpu.memory_space<vmem>>) semaphore(%arg11 : memref<!tpu.dma_semaphore, #tpu.memory_space<semaphore_mem>>)
    %dma_wait3A = arith.constant 0 : i32
    %dma_wait3A_43 = arith.constant 0 : i32
    %dma_wait3A_44 = tpu.memref_slice %arg7[%dma_wait3A, %dma_wait3A_43] : memref<256x128xf32, #tpu.memory_space<vmem>> -> memref<16x128xf32, #tpu.memory_space<vmem>>
    %dma_wait3A_45 = arith.constant 0 : i32
    %dma_wait3A_46 = tpu.memref_slice %arg8[%dma_wait3A_45] : memref<256xi32, #tpu.memory_space<vmem>> -> memref<16xi32, #tpu.memory_space<vmem>>
    %dma_wait3A_47 = arith.constant 0 : i32
    %dma_wait3A_48 = arith.constant 0 : i32
    %dma_wait3A_49 = tpu.memref_slice %arg2[%dma_wait3A_47, %dma_wait3A_48] : memref<10000x128xf32, #tpu.memory_space<hbm>> -> memref<10000x128xf32, #tpu.memory_space<hbm>>
    tpu.wait_indirect_dma semaphore(%arg11 : memref<!tpu.dma_semaphore, #tpu.memory_space<semaphore_mem>>) src(%dma_wait3A_49 : memref<10000x128xf32, #tpu.memory_space<hbm>>) dst(%dma_wait3A_44 : memref<16x128xf32, #tpu.memory_space<vmem>>)
    %dma_start3A_50 = arith.constant 0 : i32
    %dma_start3A_51 = arith.constant 0 : i32
    %dma_start3A_52 = arith.constant 0 : i32
    %dma_start3A_53 = tpu.memref_slice %arg7[%dma_start3A_51, %dma_start3A_52] : memref<256x128xf32, #tpu.memory_space<vmem>> -> memref<16x128xf32, #tpu.memory_space<vmem>>
    %dma_start3A_54 = arith.constant 0 : i32
    %dma_start3A_55 = tpu.memref_slice %arg9[%dma_start3A_50, %dma_start3A_54] : memref<2x128xi32, #tpu.memory_space<vmem>> -> memref<1x16xi32, #tpu.memory_space<vmem>>
    %dma_start3A_56 = tpu.memref_squeeze %dma_start3A_55 : memref<1x16xi32, #tpu.memory_space<vmem>> -> memref<16xi32, #tpu.memory_space<vmem>>
    %dma_start3A_57 = arith.constant 0 : i32
    %dma_start3A_58 = arith.constant 0 : i32
    %dma_start3A_59 = tpu.memref_slice %arg6[%dma_start3A_57, %dma_start3A_58] : memref<10240x128xf32, #tpu.memory_space<vmem_shared>> -> memref<10240x128xf32, #tpu.memory_space<vmem_shared>>
    tpu.enqueue_indirect_dma source(%dma_start3A_53 : memref<16x128xf32, #tpu.memory_space<vmem>>) target(%dma_start3A_59 : memref<10240x128xf32, #tpu.memory_space<vmem_shared>>) offsets(%dma_start3A_56 : memref<16xi32, #tpu.memory_space<vmem>>) semaphore(%arg12 : memref<!tpu.dma_semaphore, #tpu.memory_space<semaphore_mem>>) {add = true}
    %dma_wait3A_60 = arith.constant 0 : i32
    %dma_wait3A_61 = arith.constant 0 : i32
    %dma_wait3A_62 = arith.constant 0 : i32
    %dma_wait3A_63 = tpu.memref_slice %arg7[%dma_wait3A_61, %dma_wait3A_62] : memref<256x128xf32, #tpu.memory_space<vmem>> -> memref<16x128xf32, #tpu.memory_space<vmem>>
    %dma_wait3A_64 = arith.constant 0 : i32
    %dma_wait3A_65 = tpu.memref_slice %arg9[%dma_wait3A_60, %dma_wait3A_64] : memref<2x128xi32, #tpu.memory_space<vmem>> -> memref<1x16xi32, #tpu.memory_space<vmem>>
    %dma_wait3A_66 = tpu.memref_squeeze %dma_wait3A_65 : memref<1x16xi32, #tpu.memory_space<vmem>> -> memref<16xi32, #tpu.memory_space<vmem>>
    %dma_wait3A_67 = arith.constant 0 : i32
    %dma_wait3A_68 = arith.constant 0 : i32
    %dma_wait3A_69 = tpu.memref_slice %arg6[%dma_wait3A_67, %dma_wait3A_68] : memref<10240x128xf32, #tpu.memory_space<vmem_shared>> -> memref<10240x128xf32, #tpu.memory_space<vmem_shared>>
    tpu.wait_indirect_dma semaphore(%arg12 : memref<!tpu.dma_semaphore, #tpu.memory_space<semaphore_mem>>) src(%dma_wait3A_63 : memref<16x128xf32, #tpu.memory_space<vmem>>) dst(%dma_wait3A_69 : memref<10240x128xf32, #tpu.memory_space<vmem_shared>>)
    %barrier3A_70 = arith.constant 0 : index
    tpu.barrier barrier_id(%barrier3A_70)
    %mul3A_71 = arith.constant 640 : i32
    %mul3A_72 = arith.muli %arg1, %mul3A_71 : i32
    %mul3A_73 = arith.constant 640 : i32
    %mul3A_74 = arith.muli %arg1, %mul3A_73 : i32
    "tpu.region"() ({
      %run_scoped3A_75 = tpu.sem_alloc : memref<!tpu.dma_semaphore, #tpu.memory_space<semaphore_mem>>
      %dma_start3A_76 = arith.constant 0 : i32
      %dma_start3A_77 = tpu.memref_slice %arg5[%arg0, %mul3A_74, %dma_start3A_76] : memref<2x10240x128xf32, #tpu.memory_space<hbm>> -> memref<1x640x128xf32, #tpu.memory_space<hbm>>
      %dma_start3A_78 = tpu.memref_squeeze %dma_start3A_77 : memref<1x640x128xf32, #tpu.memory_space<hbm>> -> memref<640x128xf32, #tpu.memory_space<hbm>>
      %dma_start3A_79 = arith.constant 0 : i32
      %dma_start3A_80 = tpu.memref_slice %arg6[%mul3A_72, %dma_start3A_79] : memref<10240x128xf32, #tpu.memory_space<vmem_shared>> -> memref<640x128xf32, #tpu.memory_space<vmem_shared>>
      tpu.enqueue_dma source(%dma_start3A_80 : memref<640x128xf32, #tpu.memory_space<vmem_shared>>) target(%dma_start3A_78 : memref<640x128xf32, #tpu.memory_space<hbm>>) target_semaphore(%run_scoped3A_75 : memref<!tpu.dma_semaphore, #tpu.memory_space<semaphore_mem>>)
      %dma_wait3A_81 = arith.constant 0 : i32
      %dma_wait3A_82 = tpu.memref_slice %arg5[%arg0, %mul3A_74, %dma_wait3A_81] : memref<2x10240x128xf32, #tpu.memory_space<hbm>> -> memref<1x640x128xf32, #tpu.memory_space<hbm>>
      %dma_wait3A_83 = tpu.memref_squeeze %dma_wait3A_82 : memref<1x640x128xf32, #tpu.memory_space<hbm>> -> memref<640x128xf32, #tpu.memory_space<hbm>>
      %dma_wait3A_84 = arith.constant 0 : i32
      %dma_wait3A_85 = tpu.memref_slice %arg6[%mul3A_72, %dma_wait3A_84] : memref<10240x128xf32, #tpu.memory_space<vmem_shared>> -> memref<640x128xf32, #tpu.memory_space<vmem_shared>>
      tpu.wait_dma2 semaphore(%run_scoped3A_75 : memref<!tpu.dma_semaphore, #tpu.memory_space<semaphore_mem>>) src(%dma_wait3A_85 : memref<640x128xf32, #tpu.memory_space<vmem_shared>>) dst(%dma_wait3A_83 : memref<640x128xf32, #tpu.memory_space<hbm>>)
      tpu.yield
    }) : () -> ()
    return
  }
}

#map = affine_map<(d0, d1) -> (0, 0)>
#map1 = affine_map<(d0, d1) -> (0)>
#map2 = affine_map<(d0, d1) -> (0, 0, 0)>
module attributes {stable_mosaic.version = 14 : i64} {
  func.func @_pass_body(%arg0: i32, %arg1: i32, %arg2: memref<10240x128xf32, #tpu.memory_space<hbm>>, %arg3: memref<320000xi32, #tpu.memory_space<hbm>>, %arg4: memref<320000xi32, #tpu.memory_space<hbm>>, %arg5: memref<2x10240x128xf32, #tpu.memory_space<hbm>>, %arg6: memref<10240x128xf32, #tpu.memory_space<vmem_shared>>, %arg7: memref<256x128xf32, #tpu.memory_space<vmem>>, %arg8: memref<256xi32, #tpu.memory_space<vmem>>, %arg9: memref<2x128xi32, #tpu.memory_space<vmem>>, %arg10: memref<!tpu.dma_semaphore, #tpu.memory_space<semaphore_mem>>, %arg11: memref<!tpu.dma_semaphore, #tpu.memory_space<semaphore_mem>>, %arg12: memref<!tpu.dma_semaphore, #tpu.memory_space<semaphore_mem>>) attributes {dimension_semantics = [#tpu.dimension_semantics<core_parallel>, #tpu.dimension_semantics<subcore_parallel>], iteration_bounds = array<i64: 2, 16>, scalar_prefetch = 0 : i64, scratch_operands = 7 : i64, tpu.core_type = #tpu.core_type<sc_vector_subcore>, window_params = [{transform_indices = #map}, {transform_indices = #map1}, {transform_indices = #map1}, {transform_indices = #map2}]} {
    %mul3A = arith.constant 2 : i32
    %mul3A_0 = arith.muli %arg1, %mul3A : i32
    %add3A = arith.addi %mul3A_0, %arg0 : i32
    %scan3A = arith.constant 0 : i32
    %scan3A_1 = arith.constant 0 : i32
    %scan3A_2 = arith.constant 128 : i32
    %scan3A_3 = arith.addi %scan3A_1, %scan3A_2 : i32
    %scan3A_4 = arith.constant 1 : i32
    scf.for %scan3A_75 = %scan3A_1 to %scan3A_3 step %scan3A_4  : i32 {
      %broadcast_in_dim3A = arith.constant 0.000000e+00 : f32
      %broadcast_in_dim3A_76 = vector.broadcast %broadcast_in_dim3A : f32 to vector<16xf32>
      %swap3A = arith.index_cast %scan3A_75 : i32 to index
      %swap3A_77 = arith.constant 0 : index
      %swap3A_78 = tpu.vector_load %arg7[%swap3A, %swap3A_77] {strides = array<i32>} : memref<256x128xf32, #tpu.memory_space<vmem>>, vector<1x16xf32>,
      %swap3A_79 = vector.shape_cast %swap3A_78 : vector<1x16xf32> to vector<16xf32>
      %swap3A_80 = vector.shape_cast %broadcast_in_dim3A_76 : vector<16xf32> to vector<1x16xf32>
      tpu.vector_store %arg7[%swap3A, %swap3A_77], %swap3A_80 {strides = array<i32>} : memref<256x128xf32, #tpu.memory_space<vmem>>, vector<1x16xf32>,
      %broadcast_in_dim3A_81 = arith.constant 0.000000e+00 : f32
      %broadcast_in_dim3A_82 = vector.broadcast %broadcast_in_dim3A_81 : f32 to vector<16xf32>
      %swap3A_83 = arith.index_cast %scan3A_75 : i32 to index
      %swap3A_84 = arith.constant 16 : index
      %swap3A_85 = tpu.vector_load %arg7[%swap3A_83, %swap3A_84] {strides = array<i32>} : memref<256x128xf32, #tpu.memory_space<vmem>>, vector<1x16xf32>,
      %swap3A_86 = vector.shape_cast %swap3A_85 : vector<1x16xf32> to vector<16xf32>
      %swap3A_87 = vector.shape_cast %broadcast_in_dim3A_82 : vector<16xf32> to vector<1x16xf32>
      tpu.vector_store %arg7[%swap3A_83, %swap3A_84], %swap3A_87 {strides = array<i32>} : memref<256x128xf32, #tpu.memory_space<vmem>>, vector<1x16xf32>,
      %broadcast_in_dim3A_88 = arith.constant 0.000000e+00 : f32
      %broadcast_in_dim3A_89 = vector.broadcast %broadcast_in_dim3A_88 : f32 to vector<16xf32>
      %swap3A_90 = arith.index_cast %scan3A_75 : i32 to index
      %swap3A_91 = arith.constant 32 : index
      %swap3A_92 = tpu.vector_load %arg7[%swap3A_90, %swap3A_91] {strides = array<i32>} : memref<256x128xf32, #tpu.memory_space<vmem>>, vector<1x16xf32>,
      %swap3A_93 = vector.shape_cast %swap3A_92 : vector<1x16xf32> to vector<16xf32>
      %swap3A_94 = vector.shape_cast %broadcast_in_dim3A_89 : vector<16xf32> to vector<1x16xf32>
      tpu.vector_store %arg7[%swap3A_90, %swap3A_91], %swap3A_94 {strides = array<i32>} : memref<256x128xf32, #tpu.memory_space<vmem>>, vector<1x16xf32>,
      %broadcast_in_dim3A_95 = arith.constant 0.000000e+00 : f32
      %broadcast_in_dim3A_96 = vector.broadcast %broadcast_in_dim3A_95 : f32 to vector<16xf32>
      %swap3A_97 = arith.index_cast %scan3A_75 : i32 to index
      %swap3A_98 = arith.constant 48 : index
      %swap3A_99 = tpu.vector_load %arg7[%swap3A_97, %swap3A_98] {strides = array<i32>} : memref<256x128xf32, #tpu.memory_space<vmem>>, vector<1x16xf32>,
      %swap3A_100 = vector.shape_cast %swap3A_99 : vector<1x16xf32> to vector<16xf32>
      %swap3A_101 = vector.shape_cast %broadcast_in_dim3A_96 : vector<16xf32> to vector<1x16xf32>
      tpu.vector_store %arg7[%swap3A_97, %swap3A_98], %swap3A_101 {strides = array<i32>} : memref<256x128xf32, #tpu.memory_space<vmem>>, vector<1x16xf32>,
      %broadcast_in_dim3A_102 = arith.constant 0.000000e+00 : f32
      %broadcast_in_dim3A_103 = vector.broadcast %broadcast_in_dim3A_102 : f32 to vector<16xf32>
      %swap3A_104 = arith.index_cast %scan3A_75 : i32 to index
      %swap3A_105 = arith.constant 64 : index
      %swap3A_106 = tpu.vector_load %arg7[%swap3A_104, %swap3A_105] {strides = array<i32>} : memref<256x128xf32, #tpu.memory_space<vmem>>, vector<1x16xf32>,
      %swap3A_107 = vector.shape_cast %swap3A_106 : vector<1x16xf32> to vector<16xf32>
      %swap3A_108 = vector.shape_cast %broadcast_in_dim3A_103 : vector<16xf32> to vector<1x16xf32>
      tpu.vector_store %arg7[%swap3A_104, %swap3A_105], %swap3A_108 {strides = array<i32>} : memref<256x128xf32, #tpu.memory_space<vmem>>, vector<1x16xf32>,
      %broadcast_in_dim3A_109 = arith.constant 0.000000e+00 : f32
      %broadcast_in_dim3A_110 = vector.broadcast %broadcast_in_dim3A_109 : f32 to vector<16xf32>
      %swap3A_111 = arith.index_cast %scan3A_75 : i32 to index
      %swap3A_112 = arith.constant 80 : index
      %swap3A_113 = tpu.vector_load %arg7[%swap3A_111, %swap3A_112] {strides = array<i32>} : memref<256x128xf32, #tpu.memory_space<vmem>>, vector<1x16xf32>,
      %swap3A_114 = vector.shape_cast %swap3A_113 : vector<1x16xf32> to vector<16xf32>
      %swap3A_115 = vector.shape_cast %broadcast_in_dim3A_110 : vector<16xf32> to vector<1x16xf32>
      tpu.vector_store %arg7[%swap3A_111, %swap3A_112], %swap3A_115 {strides = array<i32>} : memref<256x128xf32, #tpu.memory_space<vmem>>, vector<1x16xf32>,
      %broadcast_in_dim3A_116 = arith.constant 0.000000e+00 : f32
      %broadcast_in_dim3A_117 = vector.broadcast %broadcast_in_dim3A_116 : f32 to vector<16xf32>
      %swap3A_118 = arith.index_cast %scan3A_75 : i32 to index
      %swap3A_119 = arith.constant 96 : index
      %swap3A_120 = tpu.vector_load %arg7[%swap3A_118, %swap3A_119] {strides = array<i32>} : memref<256x128xf32, #tpu.memory_space<vmem>>, vector<1x16xf32>,
      %swap3A_121 = vector.shape_cast %swap3A_120 : vector<1x16xf32> to vector<16xf32>
      %swap3A_122 = vector.shape_cast %broadcast_in_dim3A_117 : vector<16xf32> to vector<1x16xf32>
      tpu.vector_store %arg7[%swap3A_118, %swap3A_119], %swap3A_122 {strides = array<i32>} : memref<256x128xf32, #tpu.memory_space<vmem>>, vector<1x16xf32>,
      %broadcast_in_dim3A_123 = arith.constant 0.000000e+00 : f32
      %broadcast_in_dim3A_124 = vector.broadcast %broadcast_in_dim3A_123 : f32 to vector<16xf32>
      %swap3A_125 = arith.index_cast %scan3A_75 : i32 to index
      %swap3A_126 = arith.constant 112 : index
      %swap3A_127 = tpu.vector_load %arg7[%swap3A_125, %swap3A_126] {strides = array<i32>} : memref<256x128xf32, #tpu.memory_space<vmem>>, vector<1x16xf32>,
      %swap3A_128 = vector.shape_cast %swap3A_127 : vector<1x16xf32> to vector<16xf32>
      %swap3A_129 = vector.shape_cast %broadcast_in_dim3A_124 : vector<16xf32> to vector<1x16xf32>
      tpu.vector_store %arg7[%swap3A_125, %swap3A_126], %swap3A_129 {strides = array<i32>} : memref<256x128xf32, #tpu.memory_space<vmem>>, vector<1x16xf32>,
    }
    %scan3A_5 = arith.constant 128 : i32
    %mul3A_6 = arith.constant 640 : i32
    %mul3A_7 = arith.muli %arg1, %mul3A_6 : i32
    %add3A_8 = arith.constant 0 : i32
    %add3A_9 = arith.addi %mul3A_7, %add3A_8 : i32
    "tpu.region"() ({
      %run_scoped3A_75 = tpu.sem_alloc : memref<!tpu.dma_semaphore, #tpu.memory_space<semaphore_mem>>
      %dma_start3A_76 = arith.constant 0 : i32
      %dma_start3A_77 = arith.constant 0 : i32
      %dma_start3A_78 = tpu.memref_slice %arg7[%dma_start3A_76, %dma_start3A_77] : memref<256x128xf32, #tpu.memory_space<vmem>> -> memref<128x128xf32, #tpu.memory_space<vmem>>
      %dma_start3A_79 = arith.constant 0 : i32
      %dma_start3A_80 = tpu.memref_slice %arg6[%add3A_9, %dma_start3A_79] : memref<10240x128xf32, #tpu.memory_space<vmem_shared>> -> memref<128x128xf32, #tpu.memory_space<vmem_shared>>
      %dma_start3A_81 = arith.constant 0 : i32
      %dma_start3A_82 = tpu.memref_slice %arg6[%add3A_9, %dma_start3A_81] : memref<10240x128xf32, #tpu.memory_space<vmem_shared>> -> memref<128x128xf32, #tpu.memory_space<vmem_shared>>
      %dma_start3A_83 = arith.constant 0 : i32
      %dma_start3A_84 = arith.constant 0 : i32
      %dma_start3A_85 = tpu.memref_slice %arg7[%dma_start3A_83, %dma_start3A_84] : memref<256x128xf32, #tpu.memory_space<vmem>> -> memref<128x128xf32, #tpu.memory_space<vmem>>
      tpu.enqueue_dma source(%dma_start3A_85 : memref<128x128xf32, #tpu.memory_space<vmem>>) target(%dma_start3A_82 : memref<128x128xf32, #tpu.memory_space<vmem_shared>>) target_semaphore(%run_scoped3A_75 : memref<!tpu.dma_semaphore, #tpu.memory_space<semaphore_mem>>)
      %dma_wait3A_86 = arith.constant 0 : i32
      %dma_wait3A_87 = arith.constant 0 : i32
      %dma_wait3A_88 = tpu.memref_slice %arg7[%dma_wait3A_86, %dma_wait3A_87] : memref<256x128xf32, #tpu.memory_space<vmem>> -> memref<128x128xf32, #tpu.memory_space<vmem>>
      %dma_wait3A_89 = arith.constant 0 : i32
      %dma_wait3A_90 = tpu.memref_slice %arg6[%add3A_9, %dma_wait3A_89] : memref<10240x128xf32, #tpu.memory_space<vmem_shared>> -> memref<128x128xf32, #tpu.memory_space<vmem_shared>>
      %dma_wait3A_91 = arith.constant 0 : i32
      %dma_wait3A_92 = tpu.memref_slice %arg6[%add3A_9, %dma_wait3A_91] : memref<10240x128xf32, #tpu.memory_space<vmem_shared>> -> memref<128x128xf32, #tpu.memory_space<vmem_shared>>
      %dma_wait3A_93 = arith.constant 0 : i32
      %dma_wait3A_94 = arith.constant 0 : i32
      %dma_wait3A_95 = tpu.memref_slice %arg7[%dma_wait3A_93, %dma_wait3A_94] : memref<256x128xf32, #tpu.memory_space<vmem>> -> memref<128x128xf32, #tpu.memory_space<vmem>>
      tpu.wait_dma2 semaphore(%run_scoped3A_75 : memref<!tpu.dma_semaphore, #tpu.memory_space<semaphore_mem>>) src(%dma_wait3A_95 : memref<128x128xf32, #tpu.memory_space<vmem>>) dst(%dma_wait3A_92 : memref<128x128xf32, #tpu.memory_space<vmem_shared>>)
      tpu.yield
    }) : () -> ()
    %mul3A_10 = arith.constant 640 : i32
    %mul3A_11 = arith.muli %arg1, %mul3A_10 : i32
    %add3A_12 = arith.constant 128 : i32
    %add3A_13 = arith.addi %mul3A_11, %add3A_12 : i32
    "tpu.region"() ({
      %run_scoped3A_75 = tpu.sem_alloc : memref<!tpu.dma_semaphore, #tpu.memory_space<semaphore_mem>>
      %dma_start3A_76 = arith.constant 0 : i32
      %dma_start3A_77 = arith.constant 0 : i32
      %dma_start3A_78 = tpu.memref_slice %arg7[%dma_start3A_76, %dma_start3A_77] : memref<256x128xf32, #tpu.memory_space<vmem>> -> memref<128x128xf32, #tpu.memory_space<vmem>>
      %dma_start3A_79 = arith.constant 0 : i32
      %dma_start3A_80 = tpu.memref_slice %arg6[%add3A_13, %dma_start3A_79] : memref<10240x128xf32, #tpu.memory_space<vmem_shared>> -> memref<128x128xf32, #tpu.memory_space<vmem_shared>>
      %dma_start3A_81 = arith.constant 0 : i32
      %dma_start3A_82 = tpu.memref_slice %arg6[%add3A_13, %dma_start3A_81] : memref<10240x128xf32, #tpu.memory_space<vmem_shared>> -> memref<128x128xf32, #tpu.memory_space<vmem_shared>>
      %dma_start3A_83 = arith.constant 0 : i32
      %dma_start3A_84 = arith.constant 0 : i32
      %dma_start3A_85 = tpu.memref_slice %arg7[%dma_start3A_83, %dma_start3A_84] : memref<256x128xf32, #tpu.memory_space<vmem>> -> memref<128x128xf32, #tpu.memory_space<vmem>>
      tpu.enqueue_dma source(%dma_start3A_85 : memref<128x128xf32, #tpu.memory_space<vmem>>) target(%dma_start3A_82 : memref<128x128xf32, #tpu.memory_space<vmem_shared>>) target_semaphore(%run_scoped3A_75 : memref<!tpu.dma_semaphore, #tpu.memory_space<semaphore_mem>>)
      %dma_wait3A_86 = arith.constant 0 : i32
      %dma_wait3A_87 = arith.constant 0 : i32
      %dma_wait3A_88 = tpu.memref_slice %arg7[%dma_wait3A_86, %dma_wait3A_87] : memref<256x128xf32, #tpu.memory_space<vmem>> -> memref<128x128xf32, #tpu.memory_space<vmem>>
      %dma_wait3A_89 = arith.constant 0 : i32
      %dma_wait3A_90 = tpu.memref_slice %arg6[%add3A_13, %dma_wait3A_89] : memref<10240x128xf32, #tpu.memory_space<vmem_shared>> -> memref<128x128xf32, #tpu.memory_space<vmem_shared>>
      %dma_wait3A_91 = arith.constant 0 : i32
      %dma_wait3A_92 = tpu.memref_slice %arg6[%add3A_13, %dma_wait3A_91] : memref<10240x128xf32, #tpu.memory_space<vmem_shared>> -> memref<128x128xf32, #tpu.memory_space<vmem_shared>>
      %dma_wait3A_93 = arith.constant 0 : i32
      %dma_wait3A_94 = arith.constant 0 : i32
      %dma_wait3A_95 = tpu.memref_slice %arg7[%dma_wait3A_93, %dma_wait3A_94] : memref<256x128xf32, #tpu.memory_space<vmem>> -> memref<128x128xf32, #tpu.memory_space<vmem>>
      tpu.wait_dma2 semaphore(%run_scoped3A_75 : memref<!tpu.dma_semaphore, #tpu.memory_space<semaphore_mem>>) src(%dma_wait3A_95 : memref<128x128xf32, #tpu.memory_space<vmem>>) dst(%dma_wait3A_92 : memref<128x128xf32, #tpu.memory_space<vmem_shared>>)
      tpu.yield
    }) : () -> ()
    %mul3A_14 = arith.constant 640 : i32
    %mul3A_15 = arith.muli %arg1, %mul3A_14 : i32
    %add3A_16 = arith.constant 256 : i32
    %add3A_17 = arith.addi %mul3A_15, %add3A_16 : i32
    "tpu.region"() ({
      %run_scoped3A_75 = tpu.sem_alloc : memref<!tpu.dma_semaphore, #tpu.memory_space<semaphore_mem>>
      %dma_start3A_76 = arith.constant 0 : i32
      %dma_start3A_77 = arith.constant 0 : i32
      %dma_start3A_78 = tpu.memref_slice %arg7[%dma_start3A_76, %dma_start3A_77] : memref<256x128xf32, #tpu.memory_space<vmem>> -> memref<128x128xf32, #tpu.memory_space<vmem>>
      %dma_start3A_79 = arith.constant 0 : i32
      %dma_start3A_80 = tpu.memref_slice %arg6[%add3A_17, %dma_start3A_79] : memref<10240x128xf32, #tpu.memory_space<vmem_shared>> -> memref<128x128xf32, #tpu.memory_space<vmem_shared>>
      %dma_start3A_81 = arith.constant 0 : i32
      %dma_start3A_82 = tpu.memref_slice %arg6[%add3A_17, %dma_start3A_81] : memref<10240x128xf32, #tpu.memory_space<vmem_shared>> -> memref<128x128xf32, #tpu.memory_space<vmem_shared>>
      %dma_start3A_83 = arith.constant 0 : i32
      %dma_start3A_84 = arith.constant 0 : i32
      %dma_start3A_85 = tpu.memref_slice %arg7[%dma_start3A_83, %dma_start3A_84] : memref<256x128xf32, #tpu.memory_space<vmem>> -> memref<128x128xf32, #tpu.memory_space<vmem>>
      tpu.enqueue_dma source(%dma_start3A_85 : memref<128x128xf32, #tpu.memory_space<vmem>>) target(%dma_start3A_82 : memref<128x128xf32, #tpu.memory_space<vmem_shared>>) target_semaphore(%run_scoped3A_75 : memref<!tpu.dma_semaphore, #tpu.memory_space<semaphore_mem>>)
      %dma_wait3A_86 = arith.constant 0 : i32
      %dma_wait3A_87 = arith.constant 0 : i32
      %dma_wait3A_88 = tpu.memref_slice %arg7[%dma_wait3A_86, %dma_wait3A_87] : memref<256x128xf32, #tpu.memory_space<vmem>> -> memref<128x128xf32, #tpu.memory_space<vmem>>
      %dma_wait3A_89 = arith.constant 0 : i32
      %dma_wait3A_90 = tpu.memref_slice %arg6[%add3A_17, %dma_wait3A_89] : memref<10240x128xf32, #tpu.memory_space<vmem_shared>> -> memref<128x128xf32, #tpu.memory_space<vmem_shared>>
      %dma_wait3A_91 = arith.constant 0 : i32
      %dma_wait3A_92 = tpu.memref_slice %arg6[%add3A_17, %dma_wait3A_91] : memref<10240x128xf32, #tpu.memory_space<vmem_shared>> -> memref<128x128xf32, #tpu.memory_space<vmem_shared>>
      %dma_wait3A_93 = arith.constant 0 : i32
      %dma_wait3A_94 = arith.constant 0 : i32
      %dma_wait3A_95 = tpu.memref_slice %arg7[%dma_wait3A_93, %dma_wait3A_94] : memref<256x128xf32, #tpu.memory_space<vmem>> -> memref<128x128xf32, #tpu.memory_space<vmem>>
      tpu.wait_dma2 semaphore(%run_scoped3A_75 : memref<!tpu.dma_semaphore, #tpu.memory_space<semaphore_mem>>) src(%dma_wait3A_95 : memref<128x128xf32, #tpu.memory_space<vmem>>) dst(%dma_wait3A_92 : memref<128x128xf32, #tpu.memory_space<vmem_shared>>)
      tpu.yield
    }) : () -> ()
    %mul3A_18 = arith.constant 640 : i32
    %mul3A_19 = arith.muli %arg1, %mul3A_18 : i32
    %add3A_20 = arith.constant 384 : i32
    %add3A_21 = arith.addi %mul3A_19, %add3A_20 : i32
    "tpu.region"() ({
      %run_scoped3A_75 = tpu.sem_alloc : memref<!tpu.dma_semaphore, #tpu.memory_space<semaphore_mem>>
      %dma_start3A_76 = arith.constant 0 : i32
      %dma_start3A_77 = arith.constant 0 : i32
      %dma_start3A_78 = tpu.memref_slice %arg7[%dma_start3A_76, %dma_start3A_77] : memref<256x128xf32, #tpu.memory_space<vmem>> -> memref<128x128xf32, #tpu.memory_space<vmem>>
      %dma_start3A_79 = arith.constant 0 : i32
      %dma_start3A_80 = tpu.memref_slice %arg6[%add3A_21, %dma_start3A_79] : memref<10240x128xf32, #tpu.memory_space<vmem_shared>> -> memref<128x128xf32, #tpu.memory_space<vmem_shared>>
      %dma_start3A_81 = arith.constant 0 : i32
      %dma_start3A_82 = tpu.memref_slice %arg6[%add3A_21, %dma_start3A_81] : memref<10240x128xf32, #tpu.memory_space<vmem_shared>> -> memref<128x128xf32, #tpu.memory_space<vmem_shared>>
      %dma_start3A_83 = arith.constant 0 : i32
      %dma_start3A_84 = arith.constant 0 : i32
      %dma_start3A_85 = tpu.memref_slice %arg7[%dma_start3A_83, %dma_start3A_84] : memref<256x128xf32, #tpu.memory_space<vmem>> -> memref<128x128xf32, #tpu.memory_space<vmem>>
      tpu.enqueue_dma source(%dma_start3A_85 : memref<128x128xf32, #tpu.memory_space<vmem>>) target(%dma_start3A_82 : memref<128x128xf32, #tpu.memory_space<vmem_shared>>) target_semaphore(%run_scoped3A_75 : memref<!tpu.dma_semaphore, #tpu.memory_space<semaphore_mem>>)
      %dma_wait3A_86 = arith.constant 0 : i32
      %dma_wait3A_87 = arith.constant 0 : i32
      %dma_wait3A_88 = tpu.memref_slice %arg7[%dma_wait3A_86, %dma_wait3A_87] : memref<256x128xf32, #tpu.memory_space<vmem>> -> memref<128x128xf32, #tpu.memory_space<vmem>>
      %dma_wait3A_89 = arith.constant 0 : i32
      %dma_wait3A_90 = tpu.memref_slice %arg6[%add3A_21, %dma_wait3A_89] : memref<10240x128xf32, #tpu.memory_space<vmem_shared>> -> memref<128x128xf32, #tpu.memory_space<vmem_shared>>
      %dma_wait3A_91 = arith.constant 0 : i32
      %dma_wait3A_92 = tpu.memref_slice %arg6[%add3A_21, %dma_wait3A_91] : memref<10240x128xf32, #tpu.memory_space<vmem_shared>> -> memref<128x128xf32, #tpu.memory_space<vmem_shared>>
      %dma_wait3A_93 = arith.constant 0 : i32
      %dma_wait3A_94 = arith.constant 0 : i32
      %dma_wait3A_95 = tpu.memref_slice %arg7[%dma_wait3A_93, %dma_wait3A_94] : memref<256x128xf32, #tpu.memory_space<vmem>> -> memref<128x128xf32, #tpu.memory_space<vmem>>
      tpu.wait_dma2 semaphore(%run_scoped3A_75 : memref<!tpu.dma_semaphore, #tpu.memory_space<semaphore_mem>>) src(%dma_wait3A_95 : memref<128x128xf32, #tpu.memory_space<vmem>>) dst(%dma_wait3A_92 : memref<128x128xf32, #tpu.memory_space<vmem_shared>>)
      tpu.yield
    }) : () -> ()
    %mul3A_22 = arith.constant 640 : i32
    %mul3A_23 = arith.muli %arg1, %mul3A_22 : i32
    %add3A_24 = arith.constant 512 : i32
    %add3A_25 = arith.addi %mul3A_23, %add3A_24 : i32
    "tpu.region"() ({
      %run_scoped3A_75 = tpu.sem_alloc : memref<!tpu.dma_semaphore, #tpu.memory_space<semaphore_mem>>
      %dma_start3A_76 = arith.constant 0 : i32
      %dma_start3A_77 = arith.constant 0 : i32
      %dma_start3A_78 = tpu.memref_slice %arg7[%dma_start3A_76, %dma_start3A_77] : memref<256x128xf32, #tpu.memory_space<vmem>> -> memref<128x128xf32, #tpu.memory_space<vmem>>
      %dma_start3A_79 = arith.constant 0 : i32
      %dma_start3A_80 = tpu.memref_slice %arg6[%add3A_25, %dma_start3A_79] : memref<10240x128xf32, #tpu.memory_space<vmem_shared>> -> memref<128x128xf32, #tpu.memory_space<vmem_shared>>
      %dma_start3A_81 = arith.constant 0 : i32
      %dma_start3A_82 = tpu.memref_slice %arg6[%add3A_25, %dma_start3A_81] : memref<10240x128xf32, #tpu.memory_space<vmem_shared>> -> memref<128x128xf32, #tpu.memory_space<vmem_shared>>
      %dma_start3A_83 = arith.constant 0 : i32
      %dma_start3A_84 = arith.constant 0 : i32
      %dma_start3A_85 = tpu.memref_slice %arg7[%dma_start3A_83, %dma_start3A_84] : memref<256x128xf32, #tpu.memory_space<vmem>> -> memref<128x128xf32, #tpu.memory_space<vmem>>
      tpu.enqueue_dma source(%dma_start3A_85 : memref<128x128xf32, #tpu.memory_space<vmem>>) target(%dma_start3A_82 : memref<128x128xf32, #tpu.memory_space<vmem_shared>>) target_semaphore(%run_scoped3A_75 : memref<!tpu.dma_semaphore, #tpu.memory_space<semaphore_mem>>)
      %dma_wait3A_86 = arith.constant 0 : i32
      %dma_wait3A_87 = arith.constant 0 : i32
      %dma_wait3A_88 = tpu.memref_slice %arg7[%dma_wait3A_86, %dma_wait3A_87] : memref<256x128xf32, #tpu.memory_space<vmem>> -> memref<128x128xf32, #tpu.memory_space<vmem>>
      %dma_wait3A_89 = arith.constant 0 : i32
      %dma_wait3A_90 = tpu.memref_slice %arg6[%add3A_25, %dma_wait3A_89] : memref<10240x128xf32, #tpu.memory_space<vmem_shared>> -> memref<128x128xf32, #tpu.memory_space<vmem_shared>>
      %dma_wait3A_91 = arith.constant 0 : i32
      %dma_wait3A_92 = tpu.memref_slice %arg6[%add3A_25, %dma_wait3A_91] : memref<10240x128xf32, #tpu.memory_space<vmem_shared>> -> memref<128x128xf32, #tpu.memory_space<vmem_shared>>
      %dma_wait3A_93 = arith.constant 0 : i32
      %dma_wait3A_94 = arith.constant 0 : i32
      %dma_wait3A_95 = tpu.memref_slice %arg7[%dma_wait3A_93, %dma_wait3A_94] : memref<256x128xf32, #tpu.memory_space<vmem>> -> memref<128x128xf32, #tpu.memory_space<vmem>>
      tpu.wait_dma2 semaphore(%run_scoped3A_75 : memref<!tpu.dma_semaphore, #tpu.memory_space<semaphore_mem>>) src(%dma_wait3A_95 : memref<128x128xf32, #tpu.memory_space<vmem>>) dst(%dma_wait3A_92 : memref<128x128xf32, #tpu.memory_space<vmem_shared>>)
      tpu.yield
    }) : () -> ()
    %barrier3A = arith.constant 0 : index
    tpu.barrier barrier_id(%barrier3A)
    %mul3A_26 = arith.constant 10000 : i32
    %mul3A_27 = arith.muli %add3A, %mul3A_26 : i32
    %scan3A_28 = arith.constant 0 : i32
    %scan3A_29 = arith.constant 0 : i32
    %scan3A_30 = arith.constant 39 : i32
    %scan3A_31 = arith.addi %scan3A_29, %scan3A_30 : i32
    %scan3A_32 = arith.constant 1 : i32
    scf.for %scan3A_75 = %scan3A_29 to %scan3A_31 step %scan3A_32  : i32 {
      %mul3A_76 = arith.constant 256 : i32
      %mul3A_77 = arith.muli %scan3A_75, %mul3A_76 : i32
      %add3A_78 = arith.addi %mul3A_27, %mul3A_77 : i32
      %multiple_of3A_79 = tpu.assume_multiple %add3A_78, 8 : i32
      %dma_start3A_80 = arith.constant 0 : i32
      %dma_start3A_81 = tpu.memref_slice %arg8[%dma_start3A_80] : memref<256xi32, #tpu.memory_space<vmem>> -> memref<256xi32, #tpu.memory_space<vmem>>
      %dma_start3A_82 = tpu.memref_slice %arg3[%multiple_of3A_79] : memref<320000xi32, #tpu.memory_space<hbm>> -> memref<256xi32, #tpu.memory_space<hbm>>
      %dma_start3A_83 = arith.constant 0 : i32
      %dma_start3A_84 = tpu.memref_slice %arg8[%dma_start3A_83] : memref<256xi32, #tpu.memory_space<vmem>> -> memref<256xi32, #tpu.memory_space<vmem>>
      %dma_start3A_85 = tpu.memref_slice %arg3[%multiple_of3A_79] : memref<320000xi32, #tpu.memory_space<hbm>> -> memref<256xi32, #tpu.memory_space<hbm>>
      tpu.enqueue_dma source(%dma_start3A_85 : memref<256xi32, #tpu.memory_space<hbm>>) target(%dma_start3A_84 : memref<256xi32, #tpu.memory_space<vmem>>) target_semaphore(%arg10 : memref<!tpu.dma_semaphore, #tpu.memory_space<semaphore_mem>>)
      %add3A_86 = arith.constant 0 : i32
      %add3A_87 = arith.addi %multiple_of3A_79, %add3A_86 : i32
      %dma_start3A_88 = arith.constant 0 : i32
      %dma_start3A_89 = arith.constant 0 : i32
      %dma_start3A_90 = tpu.memref_slice %arg9[%dma_start3A_88, %dma_start3A_89] : memref<2x128xi32, #tpu.memory_space<vmem>> -> memref<1x128xi32, #tpu.memory_space<vmem>>
      %dma_start3A_91 = tpu.memref_squeeze %dma_start3A_90 : memref<1x128xi32, #tpu.memory_space<vmem>> -> memref<128xi32, #tpu.memory_space<vmem>>
      %dma_start3A_92 = tpu.memref_slice %arg4[%add3A_87] : memref<320000xi32, #tpu.memory_space<hbm>> -> memref<128xi32, #tpu.memory_space<hbm>>
      %dma_start3A_93 = arith.constant 0 : i32
      %dma_start3A_94 = tpu.memref_slice %arg9[%dma_start3A_88, %dma_start3A_93] : memref<2x128xi32, #tpu.memory_space<vmem>> -> memref<1x128xi32, #tpu.memory_space<vmem>>
      %dma_start3A_95 = tpu.memref_squeeze %dma_start3A_94 : memref<1x128xi32, #tpu.memory_space<vmem>> -> memref<128xi32, #tpu.memory_space<vmem>>
      %dma_start3A_96 = tpu.memref_slice %arg4[%add3A_87] : memref<320000xi32, #tpu.memory_space<hbm>> -> memref<128xi32, #tpu.memory_space<hbm>>
      tpu.enqueue_dma source(%dma_start3A_96 : memref<128xi32, #tpu.memory_space<hbm>>) target(%dma_start3A_95 : memref<128xi32, #tpu.memory_space<vmem>>) target_semaphore(%arg10 : memref<!tpu.dma_semaphore, #tpu.memory_space<semaphore_mem>>)
      %add3A_97 = arith.constant 128 : i32
      %add3A_98 = arith.addi %multiple_of3A_79, %add3A_97 : i32
      %dma_start3A_99 = arith.constant 1 : i32
      %dma_start3A_100 = arith.constant 0 : i32
      %dma_start3A_101 = tpu.memref_slice %arg9[%dma_start3A_99, %dma_start3A_100] : memref<2x128xi32, #tpu.memory_space<vmem>> -> memref<1x128xi32, #tpu.memory_space<vmem>>
      %dma_start3A_102 = tpu.memref_squeeze %dma_start3A_101 : memref<1x128xi32, #tpu.memory_space<vmem>> -> memref<128xi32, #tpu.memory_space<vmem>>
      %dma_start3A_103 = tpu.memref_slice %arg4[%add3A_98] : memref<320000xi32, #tpu.memory_space<hbm>> -> memref<128xi32, #tpu.memory_space<hbm>>
      %dma_start3A_104 = arith.constant 0 : i32
      %dma_start3A_105 = tpu.memref_slice %arg9[%dma_start3A_99, %dma_start3A_104] : memref<2x128xi32, #tpu.memory_space<vmem>> -> memref<1x128xi32, #tpu.memory_space<vmem>>
      %dma_start3A_106 = tpu.memref_squeeze %dma_start3A_105 : memref<1x128xi32, #tpu.memory_space<vmem>> -> memref<128xi32, #tpu.memory_space<vmem>>
      %dma_start3A_107 = tpu.memref_slice %arg4[%add3A_98] : memref<320000xi32, #tpu.memory_space<hbm>> -> memref<128xi32, #tpu.memory_space<hbm>>
      tpu.enqueue_dma source(%dma_start3A_107 : memref<128xi32, #tpu.memory_space<hbm>>) target(%dma_start3A_106 : memref<128xi32, #tpu.memory_space<vmem>>) target_semaphore(%arg10 : memref<!tpu.dma_semaphore, #tpu.memory_space<semaphore_mem>>)
      %dma_wait3A_108 = arith.constant 0 : i32
      %dma_wait3A_109 = tpu.memref_slice %arg8[%dma_wait3A_108] : memref<256xi32, #tpu.memory_space<vmem>> -> memref<256xi32, #tpu.memory_space<vmem>>
      %dma_wait3A_110 = tpu.memref_slice %arg3[%multiple_of3A_79] : memref<320000xi32, #tpu.memory_space<hbm>> -> memref<256xi32, #tpu.memory_space<hbm>>
      %dma_wait3A_111 = arith.constant 0 : i32
      %dma_wait3A_112 = tpu.memref_slice %arg8[%dma_wait3A_111] : memref<256xi32, #tpu.memory_space<vmem>> -> memref<256xi32, #tpu.memory_space<vmem>>
      %dma_wait3A_113 = tpu.memref_slice %arg3[%multiple_of3A_79] : memref<320000xi32, #tpu.memory_space<hbm>> -> memref<256xi32, #tpu.memory_space<hbm>>
      tpu.wait_dma2 semaphore(%arg10 : memref<!tpu.dma_semaphore, #tpu.memory_space<semaphore_mem>>) src(%dma_wait3A_113 : memref<256xi32, #tpu.memory_space<hbm>>) dst(%dma_wait3A_112 : memref<256xi32, #tpu.memory_space<vmem>>)
      %dma_wait3A_114 = arith.constant 0 : i32
      %dma_wait3A_115 = arith.constant 0 : i32
      %dma_wait3A_116 = tpu.memref_slice %arg9[%dma_wait3A_114, %dma_wait3A_115] : memref<2x128xi32, #tpu.memory_space<vmem>> -> memref<1x128xi32, #tpu.memory_space<vmem>>
      %dma_wait3A_117 = tpu.memref_squeeze %dma_wait3A_116 : memref<1x128xi32, #tpu.memory_space<vmem>> -> memref<128xi32, #tpu.memory_space<vmem>>
      %dma_wait3A_118 = tpu.memref_slice %arg4[%add3A_87] : memref<320000xi32, #tpu.memory_space<hbm>> -> memref<128xi32, #tpu.memory_space<hbm>>
      %dma_wait3A_119 = arith.constant 0 : i32
      %dma_wait3A_120 = tpu.memref_slice %arg9[%dma_wait3A_114, %dma_wait3A_119] : memref<2x128xi32, #tpu.memory_space<vmem>> -> memref<1x128xi32, #tpu.memory_space<vmem>>
      %dma_wait3A_121 = tpu.memref_squeeze %dma_wait3A_120 : memref<1x128xi32, #tpu.memory_space<vmem>> -> memref<128xi32, #tpu.memory_space<vmem>>
      %dma_wait3A_122 = tpu.memref_slice %arg4[%add3A_87] : memref<320000xi32, #tpu.memory_space<hbm>> -> memref<128xi32, #tpu.memory_space<hbm>>
      tpu.wait_dma2 semaphore(%arg10 : memref<!tpu.dma_semaphore, #tpu.memory_space<semaphore_mem>>) src(%dma_wait3A_122 : memref<128xi32, #tpu.memory_space<hbm>>) dst(%dma_wait3A_121 : memref<128xi32, #tpu.memory_space<vmem>>)
      %dma_wait3A_123 = arith.constant 1 : i32
      %dma_wait3A_124 = arith.constant 0 : i32
      %dma_wait3A_125 = tpu.memref_slice %arg9[%dma_wait3A_123, %dma_wait3A_124] : memref<2x128xi32, #tpu.memory_space<vmem>> -> memref<1x128xi32, #tpu.memory_space<vmem>>
      %dma_wait3A_126 = tpu.memref_squeeze %dma_wait3A_125 : memref<1x128xi32, #tpu.memory_space<vmem>> -> memref<128xi32, #tpu.memory_space<vmem>>
      %dma_wait3A_127 = tpu.memref_slice %arg4[%add3A_98] : memref<320000xi32, #tpu.memory_space<hbm>> -> memref<128xi32, #tpu.memory_space<hbm>>
      %dma_wait3A_128 = arith.constant 0 : i32
      %dma_wait3A_129 = tpu.memref_slice %arg9[%dma_wait3A_123, %dma_wait3A_128] : memref<2x128xi32, #tpu.memory_space<vmem>> -> memref<1x128xi32, #tpu.memory_space<vmem>>
      %dma_wait3A_130 = tpu.memref_squeeze %dma_wait3A_129 : memref<1x128xi32, #tpu.memory_space<vmem>> -> memref<128xi32, #tpu.memory_space<vmem>>
      %dma_wait3A_131 = tpu.memref_slice %arg4[%add3A_98] : memref<320000xi32, #tpu.memory_space<hbm>> -> memref<128xi32, #tpu.memory_space<hbm>>
      tpu.wait_dma2 semaphore(%arg10 : memref<!tpu.dma_semaphore, #tpu.memory_space<semaphore_mem>>) src(%dma_wait3A_131 : memref<128xi32, #tpu.memory_space<hbm>>) dst(%dma_wait3A_130 : memref<128xi32, #tpu.memory_space<vmem>>)
      %dma_start3A_132 = arith.constant 0 : i32
      %dma_start3A_133 = arith.constant 0 : i32
      %dma_start3A_134 = tpu.memref_slice %arg7[%dma_start3A_132, %dma_start3A_133] : memref<256x128xf32, #tpu.memory_space<vmem>> -> memref<128x128xf32, #tpu.memory_space<vmem>>
      %dma_start3A_135 = arith.constant 0 : i32
      %dma_start3A_136 = tpu.memref_slice %arg8[%dma_start3A_135] : memref<256xi32, #tpu.memory_space<vmem>> -> memref<128xi32, #tpu.memory_space<vmem>>
      %dma_start3A_137 = arith.constant 0 : i32
      %dma_start3A_138 = arith.constant 0 : i32
      %dma_start3A_139 = tpu.memref_slice %arg2[%dma_start3A_137, %dma_start3A_138] : memref<10240x128xf32, #tpu.memory_space<hbm>> -> memref<10240x128xf32, #tpu.memory_space<hbm>>
      tpu.enqueue_indirect_dma source(%dma_start3A_139 : memref<10240x128xf32, #tpu.memory_space<hbm>>) target(%dma_start3A_134 : memref<128x128xf32, #tpu.memory_space<vmem>>) offsets(%dma_start3A_136 : memref<128xi32, #tpu.memory_space<vmem>>) semaphore(%arg11 : memref<!tpu.dma_semaphore, #tpu.memory_space<semaphore_mem>>)
      %dma_start3A_140 = arith.constant 128 : i32
      %dma_start3A_141 = arith.constant 0 : i32
      %dma_start3A_142 = tpu.memref_slice %arg7[%dma_start3A_140, %dma_start3A_141] : memref<256x128xf32, #tpu.memory_space<vmem>> -> memref<128x128xf32, #tpu.memory_space<vmem>>
      %dma_start3A_143 = arith.constant 128 : i32
      %dma_start3A_144 = tpu.memref_slice %arg8[%dma_start3A_143] : memref<256xi32, #tpu.memory_space<vmem>> -> memref<128xi32, #tpu.memory_space<vmem>>
      %dma_start3A_145 = arith.constant 0 : i32
      %dma_start3A_146 = arith.constant 0 : i32
      %dma_start3A_147 = tpu.memref_slice %arg2[%dma_start3A_145, %dma_start3A_146] : memref<10240x128xf32, #tpu.memory_space<hbm>> -> memref<10240x128xf32, #tpu.memory_space<hbm>>
      tpu.enqueue_indirect_dma source(%dma_start3A_147 : memref<10240x128xf32, #tpu.memory_space<hbm>>) target(%dma_start3A_142 : memref<128x128xf32, #tpu.memory_space<vmem>>) offsets(%dma_start3A_144 : memref<128xi32, #tpu.memory_space<vmem>>) semaphore(%arg11 : memref<!tpu.dma_semaphore, #tpu.memory_space<semaphore_mem>>)
      %dma_wait3A_148 = arith.constant 0 : i32
      %dma_wait3A_149 = arith.constant 0 : i32
      %dma_wait3A_150 = tpu.memref_slice %arg7[%dma_wait3A_148, %dma_wait3A_149] : memref<256x128xf32, #tpu.memory_space<vmem>> -> memref<128x128xf32, #tpu.memory_space<vmem>>
      %dma_wait3A_151 = arith.constant 0 : i32
      %dma_wait3A_152 = tpu.memref_slice %arg8[%dma_wait3A_151] : memref<256xi32, #tpu.memory_space<vmem>> -> memref<128xi32, #tpu.memory_space<vmem>>
      %dma_wait3A_153 = arith.constant 0 : i32
      %dma_wait3A_154 = arith.constant 0 : i32
      %dma_wait3A_155 = tpu.memref_slice %arg2[%dma_wait3A_153, %dma_wait3A_154] : memref<10240x128xf32, #tpu.memory_space<hbm>> -> memref<10240x128xf32, #tpu.memory_space<hbm>>
      tpu.wait_indirect_dma semaphore(%arg11 : memref<!tpu.dma_semaphore, #tpu.memory_space<semaphore_mem>>) src(%dma_wait3A_155 : memref<10240x128xf32, #tpu.memory_space<hbm>>) dst(%dma_wait3A_150 : memref<128x128xf32, #tpu.memory_space<vmem>>)
      %dma_wait3A_156 = arith.constant 128 : i32
      %dma_wait3A_157 = arith.constant 0 : i32
      %dma_wait3A_158 = tpu.memref_slice %arg7[%dma_wait3A_156, %dma_wait3A_157] : memref<256x128xf32, #tpu.memory_space<vmem>> -> memref<128x128xf32, #tpu.memory_space<vmem>>
      %dma_wait3A_159 = arith.constant 128 : i32
      %dma_wait3A_160 = tpu.memref_slice %arg8[%dma_wait3A_159] : memref<256xi32, #tpu.memory_space<vmem>> -> memref<128xi32, #tpu.memory_space<vmem>>
      %dma_wait3A_161 = arith.constant 0 : i32
      %dma_wait3A_162 = arith.constant 0 : i32
      %dma_wait3A_163 = tpu.memref_slice %arg2[%dma_wait3A_161, %dma_wait3A_162] : memref<10240x128xf32, #tpu.memory_space<hbm>> -> memref<10240x128xf32, #tpu.memory_space<hbm>>
      tpu.wait_indirect_dma semaphore(%arg11 : memref<!tpu.dma_semaphore, #tpu.memory_space<semaphore_mem>>) src(%dma_wait3A_163 : memref<10240x128xf32, #tpu.memory_space<hbm>>) dst(%dma_wait3A_158 : memref<128x128xf32, #tpu.memory_space<vmem>>)
      %dma_start3A_164 = arith.constant 0 : i32
      %dma_start3A_165 = arith.constant 0 : i32
      %dma_start3A_166 = arith.constant 0 : i32
      %dma_start3A_167 = tpu.memref_slice %arg7[%dma_start3A_165, %dma_start3A_166] : memref<256x128xf32, #tpu.memory_space<vmem>> -> memref<128x128xf32, #tpu.memory_space<vmem>>
      %dma_start3A_168 = arith.constant 0 : i32
      %dma_start3A_169 = tpu.memref_slice %arg9[%dma_start3A_164, %dma_start3A_168] : memref<2x128xi32, #tpu.memory_space<vmem>> -> memref<1x128xi32, #tpu.memory_space<vmem>>
      %dma_start3A_170 = tpu.memref_squeeze %dma_start3A_169 : memref<1x128xi32, #tpu.memory_space<vmem>> -> memref<128xi32, #tpu.memory_space<vmem>>
      %dma_start3A_171 = arith.constant 0 : i32
      %dma_start3A_172 = arith.constant 0 : i32
      %dma_start3A_173 = tpu.memref_slice %arg6[%dma_start3A_171, %dma_start3A_172] : memref<10240x128xf32, #tpu.memory_space<vmem_shared>> -> memref<10240x128xf32, #tpu.memory_space<vmem_shared>>
      tpu.enqueue_indirect_dma source(%dma_start3A_167 : memref<128x128xf32, #tpu.memory_space<vmem>>) target(%dma_start3A_173 : memref<10240x128xf32, #tpu.memory_space<vmem_shared>>) offsets(%dma_start3A_170 : memref<128xi32, #tpu.memory_space<vmem>>) semaphore(%arg12 : memref<!tpu.dma_semaphore, #tpu.memory_space<semaphore_mem>>) {add = true}
      %dma_wait3A_174 = arith.constant 0 : i32
      %dma_wait3A_175 = arith.constant 0 : i32
      %dma_wait3A_176 = arith.constant 0 : i32
      %dma_wait3A_177 = tpu.memref_slice %arg7[%dma_wait3A_175, %dma_wait3A_176] : memref<256x128xf32, #tpu.memory_space<vmem>> -> memref<128x128xf32, #tpu.memory_space<vmem>>
      %dma_wait3A_178 = arith.constant 0 : i32
      %dma_wait3A_179 = tpu.memref_slice %arg9[%dma_wait3A_174, %dma_wait3A_178] : memref<2x128xi32, #tpu.memory_space<vmem>> -> memref<1x128xi32, #tpu.memory_space<vmem>>
      %dma_wait3A_180 = tpu.memref_squeeze %dma_wait3A_179 : memref<1x128xi32, #tpu.memory_space<vmem>> -> memref<128xi32, #tpu.memory_space<vmem>>
      %dma_wait3A_181 = arith.constant 0 : i32
      %dma_wait3A_182 = arith.constant 0 : i32
      %dma_wait3A_183 = tpu.memref_slice %arg6[%dma_wait3A_181, %dma_wait3A_182] : memref<10240x128xf32, #tpu.memory_space<vmem_shared>> -> memref<10240x128xf32, #tpu.memory_space<vmem_shared>>
      tpu.wait_indirect_dma semaphore(%arg12 : memref<!tpu.dma_semaphore, #tpu.memory_space<semaphore_mem>>) src(%dma_wait3A_177 : memref<128x128xf32, #tpu.memory_space<vmem>>) dst(%dma_wait3A_183 : memref<10240x128xf32, #tpu.memory_space<vmem_shared>>)
      %dma_start3A_184 = arith.constant 1 : i32
      %dma_start3A_185 = arith.constant 128 : i32
      %dma_start3A_186 = arith.constant 0 : i32
      %dma_start3A_187 = tpu.memref_slice %arg7[%dma_start3A_185, %dma_start3A_186] : memref<256x128xf32, #tpu.memory_space<vmem>> -> memref<128x128xf32, #tpu.memory_space<vmem>>
      %dma_start3A_188 = arith.constant 0 : i32
      %dma_start3A_189 = tpu.memref_slice %arg9[%dma_start3A_184, %dma_start3A_188] : memref<2x128xi32, #tpu.memory_space<vmem>> -> memref<1x128xi32, #tpu.memory_space<vmem>>
      %dma_start3A_190 = tpu.memref_squeeze %dma_start3A_189 : memref<1x128xi32, #tpu.memory_space<vmem>> -> memref<128xi32, #tpu.memory_space<vmem>>
      %dma_start3A_191 = arith.constant 0 : i32
      %dma_start3A_192 = arith.constant 0 : i32
      %dma_start3A_193 = tpu.memref_slice %arg6[%dma_start3A_191, %dma_start3A_192] : memref<10240x128xf32, #tpu.memory_space<vmem_shared>> -> memref<10240x128xf32, #tpu.memory_space<vmem_shared>>
      tpu.enqueue_indirect_dma source(%dma_start3A_187 : memref<128x128xf32, #tpu.memory_space<vmem>>) target(%dma_start3A_193 : memref<10240x128xf32, #tpu.memory_space<vmem_shared>>) offsets(%dma_start3A_190 : memref<128xi32, #tpu.memory_space<vmem>>) semaphore(%arg12 : memref<!tpu.dma_semaphore, #tpu.memory_space<semaphore_mem>>) {add = true}
      %dma_wait3A_194 = arith.constant 1 : i32
      %dma_wait3A_195 = arith.constant 128 : i32
      %dma_wait3A_196 = arith.constant 0 : i32
      %dma_wait3A_197 = tpu.memref_slice %arg7[%dma_wait3A_195, %dma_wait3A_196] : memref<256x128xf32, #tpu.memory_space<vmem>> -> memref<128x128xf32, #tpu.memory_space<vmem>>
      %dma_wait3A_198 = arith.constant 0 : i32
      %dma_wait3A_199 = tpu.memref_slice %arg9[%dma_wait3A_194, %dma_wait3A_198] : memref<2x128xi32, #tpu.memory_space<vmem>> -> memref<1x128xi32, #tpu.memory_space<vmem>>
      %dma_wait3A_200 = tpu.memref_squeeze %dma_wait3A_199 : memref<1x128xi32, #tpu.memory_space<vmem>> -> memref<128xi32, #tpu.memory_space<vmem>>
      %dma_wait3A_201 = arith.constant 0 : i32
      %dma_wait3A_202 = arith.constant 0 : i32
      %dma_wait3A_203 = tpu.memref_slice %arg6[%dma_wait3A_201, %dma_wait3A_202] : memref<10240x128xf32, #tpu.memory_space<vmem_shared>> -> memref<10240x128xf32, #tpu.memory_space<vmem_shared>>
      tpu.wait_indirect_dma semaphore(%arg12 : memref<!tpu.dma_semaphore, #tpu.memory_space<semaphore_mem>>) src(%dma_wait3A_197 : memref<128x128xf32, #tpu.memory_space<vmem>>) dst(%dma_wait3A_203 : memref<10240x128xf32, #tpu.memory_space<vmem_shared>>)
    }
    %scan3A_33 = arith.constant 39 : i32
    %add3A_34 = arith.constant 9984 : i32
    %add3A_35 = arith.addi %mul3A_27, %add3A_34 : i32
    %multiple_of3A = tpu.assume_multiple %add3A_35, 8 : i32
    "tpu.region"() ({
      %run_scoped3A_75 = tpu.sem_alloc : memref<!tpu.dma_semaphore, #tpu.memory_space<semaphore_mem>>
      %dma_start3A_76 = arith.constant 0 : i32
      %dma_start3A_77 = tpu.memref_slice %arg8[%dma_start3A_76] : memref<256xi32, #tpu.memory_space<vmem>> -> memref<16xi32, #tpu.memory_space<vmem>>
      %dma_start3A_78 = tpu.memref_slice %arg3[%multiple_of3A] : memref<320000xi32, #tpu.memory_space<hbm>> -> memref<16xi32, #tpu.memory_space<hbm>>
      %dma_start3A_79 = arith.constant 0 : i32
      %dma_start3A_80 = tpu.memref_slice %arg8[%dma_start3A_79] : memref<256xi32, #tpu.memory_space<vmem>> -> memref<16xi32, #tpu.memory_space<vmem>>
      %dma_start3A_81 = tpu.memref_slice %arg3[%multiple_of3A] : memref<320000xi32, #tpu.memory_space<hbm>> -> memref<16xi32, #tpu.memory_space<hbm>>
      tpu.enqueue_dma source(%dma_start3A_81 : memref<16xi32, #tpu.memory_space<hbm>>) target(%dma_start3A_80 : memref<16xi32, #tpu.memory_space<vmem>>) target_semaphore(%run_scoped3A_75 : memref<!tpu.dma_semaphore, #tpu.memory_space<semaphore_mem>>)
      %dma_wait3A_82 = arith.constant 0 : i32
      %dma_wait3A_83 = tpu.memref_slice %arg8[%dma_wait3A_82] : memref<256xi32, #tpu.memory_space<vmem>> -> memref<16xi32, #tpu.memory_space<vmem>>
      %dma_wait3A_84 = tpu.memref_slice %arg3[%multiple_of3A] : memref<320000xi32, #tpu.memory_space<hbm>> -> memref<16xi32, #tpu.memory_space<hbm>>
      %dma_wait3A_85 = arith.constant 0 : i32
      %dma_wait3A_86 = tpu.memref_slice %arg8[%dma_wait3A_85] : memref<256xi32, #tpu.memory_space<vmem>> -> memref<16xi32, #tpu.memory_space<vmem>>
      %dma_wait3A_87 = tpu.memref_slice %arg3[%multiple_of3A] : memref<320000xi32, #tpu.memory_space<hbm>> -> memref<16xi32, #tpu.memory_space<hbm>>
      tpu.wait_dma2 semaphore(%run_scoped3A_75 : memref<!tpu.dma_semaphore, #tpu.memory_space<semaphore_mem>>) src(%dma_wait3A_87 : memref<16xi32, #tpu.memory_space<hbm>>) dst(%dma_wait3A_86 : memref<16xi32, #tpu.memory_space<vmem>>)
      tpu.yield
    }) : () -> ()
    %run_scoped3A = arith.constant 0 : i32
    "tpu.region"() ({
      %run_scoped3A_75 = tpu.sem_alloc : memref<!tpu.dma_semaphore, #tpu.memory_space<semaphore_mem>>
      %dma_start3A_76 = arith.constant 0 : i32
      %dma_start3A_77 = tpu.memref_slice %arg9[%run_scoped3A, %dma_start3A_76] : memref<2x128xi32, #tpu.memory_space<vmem>> -> memref<1x16xi32, #tpu.memory_space<vmem>>
      %dma_start3A_78 = tpu.memref_squeeze %dma_start3A_77 : memref<1x16xi32, #tpu.memory_space<vmem>> -> memref<16xi32, #tpu.memory_space<vmem>>
      %dma_start3A_79 = tpu.memref_slice %arg4[%multiple_of3A] : memref<320000xi32, #tpu.memory_space<hbm>> -> memref<16xi32, #tpu.memory_space<hbm>>
      %dma_start3A_80 = arith.constant 0 : i32
      %dma_start3A_81 = tpu.memref_slice %arg9[%run_scoped3A, %dma_start3A_80] : memref<2x128xi32, #tpu.memory_space<vmem>> -> memref<1x16xi32, #tpu.memory_space<vmem>>
      %dma_start3A_82 = tpu.memref_squeeze %dma_start3A_81 : memref<1x16xi32, #tpu.memory_space<vmem>> -> memref<16xi32, #tpu.memory_space<vmem>>
      %dma_start3A_83 = tpu.memref_slice %arg4[%multiple_of3A] : memref<320000xi32, #tpu.memory_space<hbm>> -> memref<16xi32, #tpu.memory_space<hbm>>
      tpu.enqueue_dma source(%dma_start3A_83 : memref<16xi32, #tpu.memory_space<hbm>>) target(%dma_start3A_82 : memref<16xi32, #tpu.memory_space<vmem>>) target_semaphore(%run_scoped3A_75 : memref<!tpu.dma_semaphore, #tpu.memory_space<semaphore_mem>>)
      %dma_wait3A_84 = arith.constant 0 : i32
      %dma_wait3A_85 = tpu.memref_slice %arg9[%run_scoped3A, %dma_wait3A_84] : memref<2x128xi32, #tpu.memory_space<vmem>> -> memref<1x16xi32, #tpu.memory_space<vmem>>
      %dma_wait3A_86 = tpu.memref_squeeze %dma_wait3A_85 : memref<1x16xi32, #tpu.memory_space<vmem>> -> memref<16xi32, #tpu.memory_space<vmem>>
      %dma_wait3A_87 = tpu.memref_slice %arg4[%multiple_of3A] : memref<320000xi32, #tpu.memory_space<hbm>> -> memref<16xi32, #tpu.memory_space<hbm>>
      %dma_wait3A_88 = arith.constant 0 : i32
      %dma_wait3A_89 = tpu.memref_slice %arg9[%run_scoped3A, %dma_wait3A_88] : memref<2x128xi32, #tpu.memory_space<vmem>> -> memref<1x16xi32, #tpu.memory_space<vmem>>
      %dma_wait3A_90 = tpu.memref_squeeze %dma_wait3A_89 : memref<1x16xi32, #tpu.memory_space<vmem>> -> memref<16xi32, #tpu.memory_space<vmem>>
      %dma_wait3A_91 = tpu.memref_slice %arg4[%multiple_of3A] : memref<320000xi32, #tpu.memory_space<hbm>> -> memref<16xi32, #tpu.memory_space<hbm>>
      tpu.wait_dma2 semaphore(%run_scoped3A_75 : memref<!tpu.dma_semaphore, #tpu.memory_space<semaphore_mem>>) src(%dma_wait3A_91 : memref<16xi32, #tpu.memory_space<hbm>>) dst(%dma_wait3A_90 : memref<16xi32, #tpu.memory_space<vmem>>)
      tpu.yield
    }) : () -> ()
    %dma_start3A = arith.constant 0 : i32
    %dma_start3A_36 = arith.constant 0 : i32
    %dma_start3A_37 = tpu.memref_slice %arg7[%dma_start3A, %dma_start3A_36] : memref<256x128xf32, #tpu.memory_space<vmem>> -> memref<16x128xf32, #tpu.memory_space<vmem>>
    %dma_start3A_38 = arith.constant 0 : i32
    %dma_start3A_39 = tpu.memref_slice %arg8[%dma_start3A_38] : memref<256xi32, #tpu.memory_space<vmem>> -> memref<16xi32, #tpu.memory_space<vmem>>
    %dma_start3A_40 = arith.constant 0 : i32
    %dma_start3A_41 = arith.constant 0 : i32
    %dma_start3A_42 = tpu.memref_slice %arg2[%dma_start3A_40, %dma_start3A_41] : memref<10240x128xf32, #tpu.memory_space<hbm>> -> memref<10240x128xf32, #tpu.memory_space<hbm>>
    tpu.enqueue_indirect_dma source(%dma_start3A_42 : memref<10240x128xf32, #tpu.memory_space<hbm>>) target(%dma_start3A_37 : memref<16x128xf32, #tpu.memory_space<vmem>>) offsets(%dma_start3A_39 : memref<16xi32, #tpu.memory_space<vmem>>) semaphore(%arg11 : memref<!tpu.dma_semaphore, #tpu.memory_space<semaphore_mem>>)
    %dma_wait3A = arith.constant 0 : i32
    %dma_wait3A_43 = arith.constant 0 : i32
    %dma_wait3A_44 = tpu.memref_slice %arg7[%dma_wait3A, %dma_wait3A_43] : memref<256x128xf32, #tpu.memory_space<vmem>> -> memref<16x128xf32, #tpu.memory_space<vmem>>
    %dma_wait3A_45 = arith.constant 0 : i32
    %dma_wait3A_46 = tpu.memref_slice %arg8[%dma_wait3A_45] : memref<256xi32, #tpu.memory_space<vmem>> -> memref<16xi32, #tpu.memory_space<vmem>>
    %dma_wait3A_47 = arith.constant 0 : i32
    %dma_wait3A_48 = arith.constant 0 : i32
    %dma_wait3A_49 = tpu.memref_slice %arg2[%dma_wait3A_47, %dma_wait3A_48] : memref<10240x128xf32, #tpu.memory_space<hbm>> -> memref<10240x128xf32, #tpu.memory_space<hbm>>
    tpu.wait_indirect_dma semaphore(%arg11 : memref<!tpu.dma_semaphore, #tpu.memory_space<semaphore_mem>>) src(%dma_wait3A_49 : memref<10240x128xf32, #tpu.memory_space<hbm>>) dst(%dma_wait3A_44 : memref<16x128xf32, #tpu.memory_space<vmem>>)
    %dma_start3A_50 = arith.constant 0 : i32
    %dma_start3A_51 = arith.constant 0 : i32
    %dma_start3A_52 = arith.constant 0 : i32
    %dma_start3A_53 = tpu.memref_slice %arg7[%dma_start3A_51, %dma_start3A_52] : memref<256x128xf32, #tpu.memory_space<vmem>> -> memref<16x128xf32, #tpu.memory_space<vmem>>
    %dma_start3A_54 = arith.constant 0 : i32
    %dma_start3A_55 = tpu.memref_slice %arg9[%dma_start3A_50, %dma_start3A_54] : memref<2x128xi32, #tpu.memory_space<vmem>> -> memref<1x16xi32, #tpu.memory_space<vmem>>
    %dma_start3A_56 = tpu.memref_squeeze %dma_start3A_55 : memref<1x16xi32, #tpu.memory_space<vmem>> -> memref<16xi32, #tpu.memory_space<vmem>>
    %dma_start3A_57 = arith.constant 0 : i32
    %dma_start3A_58 = arith.constant 0 : i32
    %dma_start3A_59 = tpu.memref_slice %arg6[%dma_start3A_57, %dma_start3A_58] : memref<10240x128xf32, #tpu.memory_space<vmem_shared>> -> memref<10240x128xf32, #tpu.memory_space<vmem_shared>>
    tpu.enqueue_indirect_dma source(%dma_start3A_53 : memref<16x128xf32, #tpu.memory_space<vmem>>) target(%dma_start3A_59 : memref<10240x128xf32, #tpu.memory_space<vmem_shared>>) offsets(%dma_start3A_56 : memref<16xi32, #tpu.memory_space<vmem>>) semaphore(%arg12 : memref<!tpu.dma_semaphore, #tpu.memory_space<semaphore_mem>>) {add = true}
    %dma_wait3A_60 = arith.constant 0 : i32
    %dma_wait3A_61 = arith.constant 0 : i32
    %dma_wait3A_62 = arith.constant 0 : i32
    %dma_wait3A_63 = tpu.memref_slice %arg7[%dma_wait3A_61, %dma_wait3A_62] : memref<256x128xf32, #tpu.memory_space<vmem>> -> memref<16x128xf32, #tpu.memory_space<vmem>>
    %dma_wait3A_64 = arith.constant 0 : i32
    %dma_wait3A_65 = tpu.memref_slice %arg9[%dma_wait3A_60, %dma_wait3A_64] : memref<2x128xi32, #tpu.memory_space<vmem>> -> memref<1x16xi32, #tpu.memory_space<vmem>>
    %dma_wait3A_66 = tpu.memref_squeeze %dma_wait3A_65 : memref<1x16xi32, #tpu.memory_space<vmem>> -> memref<16xi32, #tpu.memory_space<vmem>>
    %dma_wait3A_67 = arith.constant 0 : i32
    %dma_wait3A_68 = arith.constant 0 : i32
    %dma_wait3A_69 = tpu.memref_slice %arg6[%dma_wait3A_67, %dma_wait3A_68] : memref<10240x128xf32, #tpu.memory_space<vmem_shared>> -> memref<10240x128xf32, #tpu.memory_space<vmem_shared>>
    tpu.wait_indirect_dma semaphore(%arg12 : memref<!tpu.dma_semaphore, #tpu.memory_space<semaphore_mem>>) src(%dma_wait3A_63 : memref<16x128xf32, #tpu.memory_space<vmem>>) dst(%dma_wait3A_69 : memref<10240x128xf32, #tpu.memory_space<vmem_shared>>)
    %barrier3A_70 = arith.constant 0 : index
    tpu.barrier barrier_id(%barrier3A_70)
    %mul3A_71 = arith.constant 640 : i32
    %mul3A_72 = arith.muli %arg1, %mul3A_71 : i32
    %mul3A_73 = arith.constant 640 : i32
    %mul3A_74 = arith.muli %arg1, %mul3A_73 : i32
    "tpu.region"() ({
      %run_scoped3A_75 = tpu.sem_alloc : memref<!tpu.dma_semaphore, #tpu.memory_space<semaphore_mem>>
      %dma_start3A_76 = arith.constant 0 : i32
      %dma_start3A_77 = tpu.memref_slice %arg5[%arg0, %mul3A_74, %dma_start3A_76] : memref<2x10240x128xf32, #tpu.memory_space<hbm>> -> memref<1x640x128xf32, #tpu.memory_space<hbm>>
      %dma_start3A_78 = tpu.memref_squeeze %dma_start3A_77 : memref<1x640x128xf32, #tpu.memory_space<hbm>> -> memref<640x128xf32, #tpu.memory_space<hbm>>
      %dma_start3A_79 = arith.constant 0 : i32
      %dma_start3A_80 = tpu.memref_slice %arg6[%mul3A_72, %dma_start3A_79] : memref<10240x128xf32, #tpu.memory_space<vmem_shared>> -> memref<640x128xf32, #tpu.memory_space<vmem_shared>>
      tpu.enqueue_dma source(%dma_start3A_80 : memref<640x128xf32, #tpu.memory_space<vmem_shared>>) target(%dma_start3A_78 : memref<640x128xf32, #tpu.memory_space<hbm>>) target_semaphore(%run_scoped3A_75 : memref<!tpu.dma_semaphore, #tpu.memory_space<semaphore_mem>>)
      %dma_wait3A_81 = arith.constant 0 : i32
      %dma_wait3A_82 = tpu.memref_slice %arg5[%arg0, %mul3A_74, %dma_wait3A_81] : memref<2x10240x128xf32, #tpu.memory_space<hbm>> -> memref<1x640x128xf32, #tpu.memory_space<hbm>>
      %dma_wait3A_83 = tpu.memref_squeeze %dma_wait3A_82 : memref<1x640x128xf32, #tpu.memory_space<hbm>> -> memref<640x128xf32, #tpu.memory_space<hbm>>
      %dma_wait3A_84 = arith.constant 0 : i32
      %dma_wait3A_85 = tpu.memref_slice %arg6[%mul3A_72, %dma_wait3A_84] : memref<10240x128xf32, #tpu.memory_space<vmem_shared>> -> memref<640x128xf32, #tpu.memory_space<vmem_shared>>
      tpu.wait_dma2 semaphore(%run_scoped3A_75 : memref<!tpu.dma_semaphore, #tpu.memory_space<semaphore_mem>>) src(%dma_wait3A_85 : memref<640x128xf32, #tpu.memory_space<vmem_shared>>) dst(%dma_wait3A_83 : memref<640x128xf32, #tpu.memory_space<hbm>>)
      tpu.yield
    }) : () -> ()
    return
  }
}

#map = affine_map<(d0, d1) -> (0, 0)>
#map1 = affine_map<(d0, d1) -> (0)>
#map2 = affine_map<(d0, d1) -> (0, 0, 0)>
module attributes {stable_mosaic.version = 14 : i64} {
  func.func @_pass_body(%arg0: i32, %arg1: i32, %arg2: memref<10000x128xf32, #tpu.memory_space<hbm>>, %arg3: memref<320000xi32, #tpu.memory_space<hbm>>, %arg4: memref<320000xi32, #tpu.memory_space<hbm>>, %arg5: memref<2x10240x128xf32, #tpu.memory_space<hbm>>, %arg6: memref<10240x128xf32, #tpu.memory_space<vmem_shared>>, %arg7: memref<256x128xf32, #tpu.memory_space<vmem>>, %arg8: memref<256xi32, #tpu.memory_space<vmem>>, %arg9: memref<2x128xi32, #tpu.memory_space<vmem>>, %arg10: memref<!tpu.dma_semaphore, #tpu.memory_space<semaphore_mem>>, %arg11: memref<!tpu.dma_semaphore, #tpu.memory_space<semaphore_mem>>, %arg12: memref<!tpu.dma_semaphore, #tpu.memory_space<semaphore_mem>>) attributes {dimension_semantics = [#tpu.dimension_semantics<core_parallel>, #tpu.dimension_semantics<subcore_parallel>], iteration_bounds = array<i64: 2, 16>, scalar_prefetch = 0 : i64, scratch_operands = 7 : i64, tpu.core_type = #tpu.core_type<sc_vector_subcore>, window_params = [{transform_indices = #map}, {transform_indices = #map1}, {transform_indices = #map1}, {transform_indices = #map2}]} {
    %mul3A = arith.constant 2 : i32
    %mul3A_0 = arith.muli %arg1, %mul3A : i32
    %add3A = arith.addi %mul3A_0, %arg0 : i32
    %scan3A = arith.constant 0 : i32
    %scan3A_1 = arith.constant 0 : i32
    %scan3A_2 = arith.constant 128 : i32
    %scan3A_3 = arith.addi %scan3A_1, %scan3A_2 : i32
    %scan3A_4 = arith.constant 1 : i32
    scf.for %scan3A_75 = %scan3A_1 to %scan3A_3 step %scan3A_4  : i32 {
      %broadcast_in_dim3A = arith.constant 0.000000e+00 : f32
      %broadcast_in_dim3A_76 = vector.broadcast %broadcast_in_dim3A : f32 to vector<16xf32>
      %swap3A = arith.index_cast %scan3A_75 : i32 to index
      %swap3A_77 = arith.constant 0 : index
      %swap3A_78 = tpu.vector_load %arg7[%swap3A, %swap3A_77] {strides = array<i32>} : memref<256x128xf32, #tpu.memory_space<vmem>>, vector<1x16xf32>,
      %swap3A_79 = vector.shape_cast %swap3A_78 : vector<1x16xf32> to vector<16xf32>
      %swap3A_80 = vector.shape_cast %broadcast_in_dim3A_76 : vector<16xf32> to vector<1x16xf32>
      tpu.vector_store %arg7[%swap3A, %swap3A_77], %swap3A_80 {strides = array<i32>} : memref<256x128xf32, #tpu.memory_space<vmem>>, vector<1x16xf32>,
      %broadcast_in_dim3A_81 = arith.constant 0.000000e+00 : f32
      %broadcast_in_dim3A_82 = vector.broadcast %broadcast_in_dim3A_81 : f32 to vector<16xf32>
      %swap3A_83 = arith.index_cast %scan3A_75 : i32 to index
      %swap3A_84 = arith.constant 16 : index
      %swap3A_85 = tpu.vector_load %arg7[%swap3A_83, %swap3A_84] {strides = array<i32>} : memref<256x128xf32, #tpu.memory_space<vmem>>, vector<1x16xf32>,
      %swap3A_86 = vector.shape_cast %swap3A_85 : vector<1x16xf32> to vector<16xf32>
      %swap3A_87 = vector.shape_cast %broadcast_in_dim3A_82 : vector<16xf32> to vector<1x16xf32>
      tpu.vector_store %arg7[%swap3A_83, %swap3A_84], %swap3A_87 {strides = array<i32>} : memref<256x128xf32, #tpu.memory_space<vmem>>, vector<1x16xf32>,
      %broadcast_in_dim3A_88 = arith.constant 0.000000e+00 : f32
      %broadcast_in_dim3A_89 = vector.broadcast %broadcast_in_dim3A_88 : f32 to vector<16xf32>
      %swap3A_90 = arith.index_cast %scan3A_75 : i32 to index
      %swap3A_91 = arith.constant 32 : index
      %swap3A_92 = tpu.vector_load %arg7[%swap3A_90, %swap3A_91] {strides = array<i32>} : memref<256x128xf32, #tpu.memory_space<vmem>>, vector<1x16xf32>,
      %swap3A_93 = vector.shape_cast %swap3A_92 : vector<1x16xf32> to vector<16xf32>
      %swap3A_94 = vector.shape_cast %broadcast_in_dim3A_89 : vector<16xf32> to vector<1x16xf32>
      tpu.vector_store %arg7[%swap3A_90, %swap3A_91], %swap3A_94 {strides = array<i32>} : memref<256x128xf32, #tpu.memory_space<vmem>>, vector<1x16xf32>,
      %broadcast_in_dim3A_95 = arith.constant 0.000000e+00 : f32
      %broadcast_in_dim3A_96 = vector.broadcast %broadcast_in_dim3A_95 : f32 to vector<16xf32>
      %swap3A_97 = arith.index_cast %scan3A_75 : i32 to index
      %swap3A_98 = arith.constant 48 : index
      %swap3A_99 = tpu.vector_load %arg7[%swap3A_97, %swap3A_98] {strides = array<i32>} : memref<256x128xf32, #tpu.memory_space<vmem>>, vector<1x16xf32>,
      %swap3A_100 = vector.shape_cast %swap3A_99 : vector<1x16xf32> to vector<16xf32>
      %swap3A_101 = vector.shape_cast %broadcast_in_dim3A_96 : vector<16xf32> to vector<1x16xf32>
      tpu.vector_store %arg7[%swap3A_97, %swap3A_98], %swap3A_101 {strides = array<i32>} : memref<256x128xf32, #tpu.memory_space<vmem>>, vector<1x16xf32>,
      %broadcast_in_dim3A_102 = arith.constant 0.000000e+00 : f32
      %broadcast_in_dim3A_103 = vector.broadcast %broadcast_in_dim3A_102 : f32 to vector<16xf32>
      %swap3A_104 = arith.index_cast %scan3A_75 : i32 to index
      %swap3A_105 = arith.constant 64 : index
      %swap3A_106 = tpu.vector_load %arg7[%swap3A_104, %swap3A_105] {strides = array<i32>} : memref<256x128xf32, #tpu.memory_space<vmem>>, vector<1x16xf32>,
      %swap3A_107 = vector.shape_cast %swap3A_106 : vector<1x16xf32> to vector<16xf32>
      %swap3A_108 = vector.shape_cast %broadcast_in_dim3A_103 : vector<16xf32> to vector<1x16xf32>
      tpu.vector_store %arg7[%swap3A_104, %swap3A_105], %swap3A_108 {strides = array<i32>} : memref<256x128xf32, #tpu.memory_space<vmem>>, vector<1x16xf32>,
      %broadcast_in_dim3A_109 = arith.constant 0.000000e+00 : f32
      %broadcast_in_dim3A_110 = vector.broadcast %broadcast_in_dim3A_109 : f32 to vector<16xf32>
      %swap3A_111 = arith.index_cast %scan3A_75 : i32 to index
      %swap3A_112 = arith.constant 80 : index
      %swap3A_113 = tpu.vector_load %arg7[%swap3A_111, %swap3A_112] {strides = array<i32>} : memref<256x128xf32, #tpu.memory_space<vmem>>, vector<1x16xf32>,
      %swap3A_114 = vector.shape_cast %swap3A_113 : vector<1x16xf32> to vector<16xf32>
      %swap3A_115 = vector.shape_cast %broadcast_in_dim3A_110 : vector<16xf32> to vector<1x16xf32>
      tpu.vector_store %arg7[%swap3A_111, %swap3A_112], %swap3A_115 {strides = array<i32>} : memref<256x128xf32, #tpu.memory_space<vmem>>, vector<1x16xf32>,
      %broadcast_in_dim3A_116 = arith.constant 0.000000e+00 : f32
      %broadcast_in_dim3A_117 = vector.broadcast %broadcast_in_dim3A_116 : f32 to vector<16xf32>
      %swap3A_118 = arith.index_cast %scan3A_75 : i32 to index
      %swap3A_119 = arith.constant 96 : index
      %swap3A_120 = tpu.vector_load %arg7[%swap3A_118, %swap3A_119] {strides = array<i32>} : memref<256x128xf32, #tpu.memory_space<vmem>>, vector<1x16xf32>,
      %swap3A_121 = vector.shape_cast %swap3A_120 : vector<1x16xf32> to vector<16xf32>
      %swap3A_122 = vector.shape_cast %broadcast_in_dim3A_117 : vector<16xf32> to vector<1x16xf32>
      tpu.vector_store %arg7[%swap3A_118, %swap3A_119], %swap3A_122 {strides = array<i32>} : memref<256x128xf32, #tpu.memory_space<vmem>>, vector<1x16xf32>,
      %broadcast_in_dim3A_123 = arith.constant 0.000000e+00 : f32
      %broadcast_in_dim3A_124 = vector.broadcast %broadcast_in_dim3A_123 : f32 to vector<16xf32>
      %swap3A_125 = arith.index_cast %scan3A_75 : i32 to index
      %swap3A_126 = arith.constant 112 : index
      %swap3A_127 = tpu.vector_load %arg7[%swap3A_125, %swap3A_126] {strides = array<i32>} : memref<256x128xf32, #tpu.memory_space<vmem>>, vector<1x16xf32>,
      %swap3A_128 = vector.shape_cast %swap3A_127 : vector<1x16xf32> to vector<16xf32>
      %swap3A_129 = vector.shape_cast %broadcast_in_dim3A_124 : vector<16xf32> to vector<1x16xf32>
      tpu.vector_store %arg7[%swap3A_125, %swap3A_126], %swap3A_129 {strides = array<i32>} : memref<256x128xf32, #tpu.memory_space<vmem>>, vector<1x16xf32>,
    }
    %scan3A_5 = arith.constant 128 : i32
    %mul3A_6 = arith.constant 640 : i32
    %mul3A_7 = arith.muli %arg1, %mul3A_6 : i32
    %add3A_8 = arith.constant 0 : i32
    %add3A_9 = arith.addi %mul3A_7, %add3A_8 : i32
    "tpu.region"() ({
      %run_scoped3A_75 = tpu.sem_alloc : memref<!tpu.dma_semaphore, #tpu.memory_space<semaphore_mem>>
      %dma_start3A_76 = arith.constant 0 : i32
      %dma_start3A_77 = arith.constant 0 : i32
      %dma_start3A_78 = tpu.memref_slice %arg7[%dma_start3A_76, %dma_start3A_77] : memref<256x128xf32, #tpu.memory_space<vmem>> -> memref<128x128xf32, #tpu.memory_space<vmem>>
      %dma_start3A_79 = arith.constant 0 : i32
      %dma_start3A_80 = tpu.memref_slice %arg6[%add3A_9, %dma_start3A_79] : memref<10240x128xf32, #tpu.memory_space<vmem_shared>> -> memref<128x128xf32, #tpu.memory_space<vmem_shared>>
      %dma_start3A_81 = arith.constant 0 : i32
      %dma_start3A_82 = tpu.memref_slice %arg6[%add3A_9, %dma_start3A_81] : memref<10240x128xf32, #tpu.memory_space<vmem_shared>> -> memref<128x128xf32, #tpu.memory_space<vmem_shared>>
      %dma_start3A_83 = arith.constant 0 : i32
      %dma_start3A_84 = arith.constant 0 : i32
      %dma_start3A_85 = tpu.memref_slice %arg7[%dma_start3A_83, %dma_start3A_84] : memref<256x128xf32, #tpu.memory_space<vmem>> -> memref<128x128xf32, #tpu.memory_space<vmem>>
      tpu.enqueue_dma source(%dma_start3A_85 : memref<128x128xf32, #tpu.memory_space<vmem>>) target(%dma_start3A_82 : memref<128x128xf32, #tpu.memory_space<vmem_shared>>) target_semaphore(%run_scoped3A_75 : memref<!tpu.dma_semaphore, #tpu.memory_space<semaphore_mem>>)
      %dma_wait3A_86 = arith.constant 0 : i32
      %dma_wait3A_87 = arith.constant 0 : i32
      %dma_wait3A_88 = tpu.memref_slice %arg7[%dma_wait3A_86, %dma_wait3A_87] : memref<256x128xf32, #tpu.memory_space<vmem>> -> memref<128x128xf32, #tpu.memory_space<vmem>>
      %dma_wait3A_89 = arith.constant 0 : i32
      %dma_wait3A_90 = tpu.memref_slice %arg6[%add3A_9, %dma_wait3A_89] : memref<10240x128xf32, #tpu.memory_space<vmem_shared>> -> memref<128x128xf32, #tpu.memory_space<vmem_shared>>
      %dma_wait3A_91 = arith.constant 0 : i32
      %dma_wait3A_92 = tpu.memref_slice %arg6[%add3A_9, %dma_wait3A_91] : memref<10240x128xf32, #tpu.memory_space<vmem_shared>> -> memref<128x128xf32, #tpu.memory_space<vmem_shared>>
      %dma_wait3A_93 = arith.constant 0 : i32
      %dma_wait3A_94 = arith.constant 0 : i32
      %dma_wait3A_95 = tpu.memref_slice %arg7[%dma_wait3A_93, %dma_wait3A_94] : memref<256x128xf32, #tpu.memory_space<vmem>> -> memref<128x128xf32, #tpu.memory_space<vmem>>
      tpu.wait_dma2 semaphore(%run_scoped3A_75 : memref<!tpu.dma_semaphore, #tpu.memory_space<semaphore_mem>>) src(%dma_wait3A_95 : memref<128x128xf32, #tpu.memory_space<vmem>>) dst(%dma_wait3A_92 : memref<128x128xf32, #tpu.memory_space<vmem_shared>>)
      tpu.yield
    }) : () -> ()
    %mul3A_10 = arith.constant 640 : i32
    %mul3A_11 = arith.muli %arg1, %mul3A_10 : i32
    %add3A_12 = arith.constant 128 : i32
    %add3A_13 = arith.addi %mul3A_11, %add3A_12 : i32
    "tpu.region"() ({
      %run_scoped3A_75 = tpu.sem_alloc : memref<!tpu.dma_semaphore, #tpu.memory_space<semaphore_mem>>
      %dma_start3A_76 = arith.constant 0 : i32
      %dma_start3A_77 = arith.constant 0 : i32
      %dma_start3A_78 = tpu.memref_slice %arg7[%dma_start3A_76, %dma_start3A_77] : memref<256x128xf32, #tpu.memory_space<vmem>> -> memref<128x128xf32, #tpu.memory_space<vmem>>
      %dma_start3A_79 = arith.constant 0 : i32
      %dma_start3A_80 = tpu.memref_slice %arg6[%add3A_13, %dma_start3A_79] : memref<10240x128xf32, #tpu.memory_space<vmem_shared>> -> memref<128x128xf32, #tpu.memory_space<vmem_shared>>
      %dma_start3A_81 = arith.constant 0 : i32
      %dma_start3A_82 = tpu.memref_slice %arg6[%add3A_13, %dma_start3A_81] : memref<10240x128xf32, #tpu.memory_space<vmem_shared>> -> memref<128x128xf32, #tpu.memory_space<vmem_shared>>
      %dma_start3A_83 = arith.constant 0 : i32
      %dma_start3A_84 = arith.constant 0 : i32
      %dma_start3A_85 = tpu.memref_slice %arg7[%dma_start3A_83, %dma_start3A_84] : memref<256x128xf32, #tpu.memory_space<vmem>> -> memref<128x128xf32, #tpu.memory_space<vmem>>
      tpu.enqueue_dma source(%dma_start3A_85 : memref<128x128xf32, #tpu.memory_space<vmem>>) target(%dma_start3A_82 : memref<128x128xf32, #tpu.memory_space<vmem_shared>>) target_semaphore(%run_scoped3A_75 : memref<!tpu.dma_semaphore, #tpu.memory_space<semaphore_mem>>)
      %dma_wait3A_86 = arith.constant 0 : i32
      %dma_wait3A_87 = arith.constant 0 : i32
      %dma_wait3A_88 = tpu.memref_slice %arg7[%dma_wait3A_86, %dma_wait3A_87] : memref<256x128xf32, #tpu.memory_space<vmem>> -> memref<128x128xf32, #tpu.memory_space<vmem>>
      %dma_wait3A_89 = arith.constant 0 : i32
      %dma_wait3A_90 = tpu.memref_slice %arg6[%add3A_13, %dma_wait3A_89] : memref<10240x128xf32, #tpu.memory_space<vmem_shared>> -> memref<128x128xf32, #tpu.memory_space<vmem_shared>>
      %dma_wait3A_91 = arith.constant 0 : i32
      %dma_wait3A_92 = tpu.memref_slice %arg6[%add3A_13, %dma_wait3A_91] : memref<10240x128xf32, #tpu.memory_space<vmem_shared>> -> memref<128x128xf32, #tpu.memory_space<vmem_shared>>
      %dma_wait3A_93 = arith.constant 0 : i32
      %dma_wait3A_94 = arith.constant 0 : i32
      %dma_wait3A_95 = tpu.memref_slice %arg7[%dma_wait3A_93, %dma_wait3A_94] : memref<256x128xf32, #tpu.memory_space<vmem>> -> memref<128x128xf32, #tpu.memory_space<vmem>>
      tpu.wait_dma2 semaphore(%run_scoped3A_75 : memref<!tpu.dma_semaphore, #tpu.memory_space<semaphore_mem>>) src(%dma_wait3A_95 : memref<128x128xf32, #tpu.memory_space<vmem>>) dst(%dma_wait3A_92 : memref<128x128xf32, #tpu.memory_space<vmem_shared>>)
      tpu.yield
    }) : () -> ()
    %mul3A_14 = arith.constant 640 : i32
    %mul3A_15 = arith.muli %arg1, %mul3A_14 : i32
    %add3A_16 = arith.constant 256 : i32
    %add3A_17 = arith.addi %mul3A_15, %add3A_16 : i32
    "tpu.region"() ({
      %run_scoped3A_75 = tpu.sem_alloc : memref<!tpu.dma_semaphore, #tpu.memory_space<semaphore_mem>>
      %dma_start3A_76 = arith.constant 0 : i32
      %dma_start3A_77 = arith.constant 0 : i32
      %dma_start3A_78 = tpu.memref_slice %arg7[%dma_start3A_76, %dma_start3A_77] : memref<256x128xf32, #tpu.memory_space<vmem>> -> memref<128x128xf32, #tpu.memory_space<vmem>>
      %dma_start3A_79 = arith.constant 0 : i32
      %dma_start3A_80 = tpu.memref_slice %arg6[%add3A_17, %dma_start3A_79] : memref<10240x128xf32, #tpu.memory_space<vmem_shared>> -> memref<128x128xf32, #tpu.memory_space<vmem_shared>>
      %dma_start3A_81 = arith.constant 0 : i32
      %dma_start3A_82 = tpu.memref_slice %arg6[%add3A_17, %dma_start3A_81] : memref<10240x128xf32, #tpu.memory_space<vmem_shared>> -> memref<128x128xf32, #tpu.memory_space<vmem_shared>>
      %dma_start3A_83 = arith.constant 0 : i32
      %dma_start3A_84 = arith.constant 0 : i32
      %dma_start3A_85 = tpu.memref_slice %arg7[%dma_start3A_83, %dma_start3A_84] : memref<256x128xf32, #tpu.memory_space<vmem>> -> memref<128x128xf32, #tpu.memory_space<vmem>>
      tpu.enqueue_dma source(%dma_start3A_85 : memref<128x128xf32, #tpu.memory_space<vmem>>) target(%dma_start3A_82 : memref<128x128xf32, #tpu.memory_space<vmem_shared>>) target_semaphore(%run_scoped3A_75 : memref<!tpu.dma_semaphore, #tpu.memory_space<semaphore_mem>>)
      %dma_wait3A_86 = arith.constant 0 : i32
      %dma_wait3A_87 = arith.constant 0 : i32
      %dma_wait3A_88 = tpu.memref_slice %arg7[%dma_wait3A_86, %dma_wait3A_87] : memref<256x128xf32, #tpu.memory_space<vmem>> -> memref<128x128xf32, #tpu.memory_space<vmem>>
      %dma_wait3A_89 = arith.constant 0 : i32
      %dma_wait3A_90 = tpu.memref_slice %arg6[%add3A_17, %dma_wait3A_89] : memref<10240x128xf32, #tpu.memory_space<vmem_shared>> -> memref<128x128xf32, #tpu.memory_space<vmem_shared>>
      %dma_wait3A_91 = arith.constant 0 : i32
      %dma_wait3A_92 = tpu.memref_slice %arg6[%add3A_17, %dma_wait3A_91] : memref<10240x128xf32, #tpu.memory_space<vmem_shared>> -> memref<128x128xf32, #tpu.memory_space<vmem_shared>>
      %dma_wait3A_93 = arith.constant 0 : i32
      %dma_wait3A_94 = arith.constant 0 : i32
      %dma_wait3A_95 = tpu.memref_slice %arg7[%dma_wait3A_93, %dma_wait3A_94] : memref<256x128xf32, #tpu.memory_space<vmem>> -> memref<128x128xf32, #tpu.memory_space<vmem>>
      tpu.wait_dma2 semaphore(%run_scoped3A_75 : memref<!tpu.dma_semaphore, #tpu.memory_space<semaphore_mem>>) src(%dma_wait3A_95 : memref<128x128xf32, #tpu.memory_space<vmem>>) dst(%dma_wait3A_92 : memref<128x128xf32, #tpu.memory_space<vmem_shared>>)
      tpu.yield
    }) : () -> ()
    %mul3A_18 = arith.constant 640 : i32
    %mul3A_19 = arith.muli %arg1, %mul3A_18 : i32
    %add3A_20 = arith.constant 384 : i32
    %add3A_21 = arith.addi %mul3A_19, %add3A_20 : i32
    "tpu.region"() ({
      %run_scoped3A_75 = tpu.sem_alloc : memref<!tpu.dma_semaphore, #tpu.memory_space<semaphore_mem>>
      %dma_start3A_76 = arith.constant 0 : i32
      %dma_start3A_77 = arith.constant 0 : i32
      %dma_start3A_78 = tpu.memref_slice %arg7[%dma_start3A_76, %dma_start3A_77] : memref<256x128xf32, #tpu.memory_space<vmem>> -> memref<128x128xf32, #tpu.memory_space<vmem>>
      %dma_start3A_79 = arith.constant 0 : i32
      %dma_start3A_80 = tpu.memref_slice %arg6[%add3A_21, %dma_start3A_79] : memref<10240x128xf32, #tpu.memory_space<vmem_shared>> -> memref<128x128xf32, #tpu.memory_space<vmem_shared>>
      %dma_start3A_81 = arith.constant 0 : i32
      %dma_start3A_82 = tpu.memref_slice %arg6[%add3A_21, %dma_start3A_81] : memref<10240x128xf32, #tpu.memory_space<vmem_shared>> -> memref<128x128xf32, #tpu.memory_space<vmem_shared>>
      %dma_start3A_83 = arith.constant 0 : i32
      %dma_start3A_84 = arith.constant 0 : i32
      %dma_start3A_85 = tpu.memref_slice %arg7[%dma_start3A_83, %dma_start3A_84] : memref<256x128xf32, #tpu.memory_space<vmem>> -> memref<128x128xf32, #tpu.memory_space<vmem>>
      tpu.enqueue_dma source(%dma_start3A_85 : memref<128x128xf32, #tpu.memory_space<vmem>>) target(%dma_start3A_82 : memref<128x128xf32, #tpu.memory_space<vmem_shared>>) target_semaphore(%run_scoped3A_75 : memref<!tpu.dma_semaphore, #tpu.memory_space<semaphore_mem>>)
      %dma_wait3A_86 = arith.constant 0 : i32
      %dma_wait3A_87 = arith.constant 0 : i32
      %dma_wait3A_88 = tpu.memref_slice %arg7[%dma_wait3A_86, %dma_wait3A_87] : memref<256x128xf32, #tpu.memory_space<vmem>> -> memref<128x128xf32, #tpu.memory_space<vmem>>
      %dma_wait3A_89 = arith.constant 0 : i32
      %dma_wait3A_90 = tpu.memref_slice %arg6[%add3A_21, %dma_wait3A_89] : memref<10240x128xf32, #tpu.memory_space<vmem_shared>> -> memref<128x128xf32, #tpu.memory_space<vmem_shared>>
      %dma_wait3A_91 = arith.constant 0 : i32
      %dma_wait3A_92 = tpu.memref_slice %arg6[%add3A_21, %dma_wait3A_91] : memref<10240x128xf32, #tpu.memory_space<vmem_shared>> -> memref<128x128xf32, #tpu.memory_space<vmem_shared>>
      %dma_wait3A_93 = arith.constant 0 : i32
      %dma_wait3A_94 = arith.constant 0 : i32
      %dma_wait3A_95 = tpu.memref_slice %arg7[%dma_wait3A_93, %dma_wait3A_94] : memref<256x128xf32, #tpu.memory_space<vmem>> -> memref<128x128xf32, #tpu.memory_space<vmem>>
      tpu.wait_dma2 semaphore(%run_scoped3A_75 : memref<!tpu.dma_semaphore, #tpu.memory_space<semaphore_mem>>) src(%dma_wait3A_95 : memref<128x128xf32, #tpu.memory_space<vmem>>) dst(%dma_wait3A_92 : memref<128x128xf32, #tpu.memory_space<vmem_shared>>)
      tpu.yield
    }) : () -> ()
    %mul3A_22 = arith.constant 640 : i32
    %mul3A_23 = arith.muli %arg1, %mul3A_22 : i32
    %add3A_24 = arith.constant 512 : i32
    %add3A_25 = arith.addi %mul3A_23, %add3A_24 : i32
    "tpu.region"() ({
      %run_scoped3A_75 = tpu.sem_alloc : memref<!tpu.dma_semaphore, #tpu.memory_space<semaphore_mem>>
      %dma_start3A_76 = arith.constant 0 : i32
      %dma_start3A_77 = arith.constant 0 : i32
      %dma_start3A_78 = tpu.memref_slice %arg7[%dma_start3A_76, %dma_start3A_77] : memref<256x128xf32, #tpu.memory_space<vmem>> -> memref<128x128xf32, #tpu.memory_space<vmem>>
      %dma_start3A_79 = arith.constant 0 : i32
      %dma_start3A_80 = tpu.memref_slice %arg6[%add3A_25, %dma_start3A_79] : memref<10240x128xf32, #tpu.memory_space<vmem_shared>> -> memref<128x128xf32, #tpu.memory_space<vmem_shared>>
      %dma_start3A_81 = arith.constant 0 : i32
      %dma_start3A_82 = tpu.memref_slice %arg6[%add3A_25, %dma_start3A_81] : memref<10240x128xf32, #tpu.memory_space<vmem_shared>> -> memref<128x128xf32, #tpu.memory_space<vmem_shared>>
      %dma_start3A_83 = arith.constant 0 : i32
      %dma_start3A_84 = arith.constant 0 : i32
      %dma_start3A_85 = tpu.memref_slice %arg7[%dma_start3A_83, %dma_start3A_84] : memref<256x128xf32, #tpu.memory_space<vmem>> -> memref<128x128xf32, #tpu.memory_space<vmem>>
      tpu.enqueue_dma source(%dma_start3A_85 : memref<128x128xf32, #tpu.memory_space<vmem>>) target(%dma_start3A_82 : memref<128x128xf32, #tpu.memory_space<vmem_shared>>) target_semaphore(%run_scoped3A_75 : memref<!tpu.dma_semaphore, #tpu.memory_space<semaphore_mem>>)
      %dma_wait3A_86 = arith.constant 0 : i32
      %dma_wait3A_87 = arith.constant 0 : i32
      %dma_wait3A_88 = tpu.memref_slice %arg7[%dma_wait3A_86, %dma_wait3A_87] : memref<256x128xf32, #tpu.memory_space<vmem>> -> memref<128x128xf32, #tpu.memory_space<vmem>>
      %dma_wait3A_89 = arith.constant 0 : i32
      %dma_wait3A_90 = tpu.memref_slice %arg6[%add3A_25, %dma_wait3A_89] : memref<10240x128xf32, #tpu.memory_space<vmem_shared>> -> memref<128x128xf32, #tpu.memory_space<vmem_shared>>
      %dma_wait3A_91 = arith.constant 0 : i32
      %dma_wait3A_92 = tpu.memref_slice %arg6[%add3A_25, %dma_wait3A_91] : memref<10240x128xf32, #tpu.memory_space<vmem_shared>> -> memref<128x128xf32, #tpu.memory_space<vmem_shared>>
      %dma_wait3A_93 = arith.constant 0 : i32
      %dma_wait3A_94 = arith.constant 0 : i32
      %dma_wait3A_95 = tpu.memref_slice %arg7[%dma_wait3A_93, %dma_wait3A_94] : memref<256x128xf32, #tpu.memory_space<vmem>> -> memref<128x128xf32, #tpu.memory_space<vmem>>
      tpu.wait_dma2 semaphore(%run_scoped3A_75 : memref<!tpu.dma_semaphore, #tpu.memory_space<semaphore_mem>>) src(%dma_wait3A_95 : memref<128x128xf32, #tpu.memory_space<vmem>>) dst(%dma_wait3A_92 : memref<128x128xf32, #tpu.memory_space<vmem_shared>>)
      tpu.yield
    }) : () -> ()
    %barrier3A = arith.constant 0 : index
    tpu.barrier barrier_id(%barrier3A)
    %mul3A_26 = arith.constant 10000 : i32
    %mul3A_27 = arith.muli %add3A, %mul3A_26 : i32
    %scan3A_28 = arith.constant 0 : i32
    %scan3A_29 = arith.constant 0 : i32
    %scan3A_30 = arith.constant 39 : i32
    %scan3A_31 = arith.addi %scan3A_29, %scan3A_30 : i32
    %scan3A_32 = arith.constant 1 : i32
    scf.for %scan3A_75 = %scan3A_29 to %scan3A_31 step %scan3A_32  : i32 {
      %mul3A_76 = arith.constant 256 : i32
      %mul3A_77 = arith.muli %scan3A_75, %mul3A_76 : i32
      %add3A_78 = arith.addi %mul3A_27, %mul3A_77 : i32
      %multiple_of3A_79 = tpu.assume_multiple %add3A_78, 8 : i32
      %dma_start3A_80 = arith.constant 0 : i32
      %dma_start3A_81 = tpu.memref_slice %arg8[%dma_start3A_80] : memref<256xi32, #tpu.memory_space<vmem>> -> memref<256xi32, #tpu.memory_space<vmem>>
      %dma_start3A_82 = tpu.memref_slice %arg3[%multiple_of3A_79] : memref<320000xi32, #tpu.memory_space<hbm>> -> memref<256xi32, #tpu.memory_space<hbm>>
      %dma_start3A_83 = arith.constant 0 : i32
      %dma_start3A_84 = tpu.memref_slice %arg8[%dma_start3A_83] : memref<256xi32, #tpu.memory_space<vmem>> -> memref<256xi32, #tpu.memory_space<vmem>>
      %dma_start3A_85 = tpu.memref_slice %arg3[%multiple_of3A_79] : memref<320000xi32, #tpu.memory_space<hbm>> -> memref<256xi32, #tpu.memory_space<hbm>>
      tpu.enqueue_dma source(%dma_start3A_85 : memref<256xi32, #tpu.memory_space<hbm>>) target(%dma_start3A_84 : memref<256xi32, #tpu.memory_space<vmem>>) target_semaphore(%arg10 : memref<!tpu.dma_semaphore, #tpu.memory_space<semaphore_mem>>)
      %add3A_86 = arith.constant 0 : i32
      %add3A_87 = arith.addi %multiple_of3A_79, %add3A_86 : i32
      %dma_start3A_88 = arith.constant 0 : i32
      %dma_start3A_89 = arith.constant 0 : i32
      %dma_start3A_90 = tpu.memref_slice %arg9[%dma_start3A_88, %dma_start3A_89] : memref<2x128xi32, #tpu.memory_space<vmem>> -> memref<1x128xi32, #tpu.memory_space<vmem>>
      %dma_start3A_91 = tpu.memref_squeeze %dma_start3A_90 : memref<1x128xi32, #tpu.memory_space<vmem>> -> memref<128xi32, #tpu.memory_space<vmem>>
      %dma_start3A_92 = tpu.memref_slice %arg4[%add3A_87] : memref<320000xi32, #tpu.memory_space<hbm>> -> memref<128xi32, #tpu.memory_space<hbm>>
      %dma_start3A_93 = arith.constant 0 : i32
      %dma_start3A_94 = tpu.memref_slice %arg9[%dma_start3A_88, %dma_start3A_93] : memref<2x128xi32, #tpu.memory_space<vmem>> -> memref<1x128xi32, #tpu.memory_space<vmem>>
      %dma_start3A_95 = tpu.memref_squeeze %dma_start3A_94 : memref<1x128xi32, #tpu.memory_space<vmem>> -> memref<128xi32, #tpu.memory_space<vmem>>
      %dma_start3A_96 = tpu.memref_slice %arg4[%add3A_87] : memref<320000xi32, #tpu.memory_space<hbm>> -> memref<128xi32, #tpu.memory_space<hbm>>
      tpu.enqueue_dma source(%dma_start3A_96 : memref<128xi32, #tpu.memory_space<hbm>>) target(%dma_start3A_95 : memref<128xi32, #tpu.memory_space<vmem>>) target_semaphore(%arg10 : memref<!tpu.dma_semaphore, #tpu.memory_space<semaphore_mem>>)
      %add3A_97 = arith.constant 128 : i32
      %add3A_98 = arith.addi %multiple_of3A_79, %add3A_97 : i32
      %dma_start3A_99 = arith.constant 1 : i32
      %dma_start3A_100 = arith.constant 0 : i32
      %dma_start3A_101 = tpu.memref_slice %arg9[%dma_start3A_99, %dma_start3A_100] : memref<2x128xi32, #tpu.memory_space<vmem>> -> memref<1x128xi32, #tpu.memory_space<vmem>>
      %dma_start3A_102 = tpu.memref_squeeze %dma_start3A_101 : memref<1x128xi32, #tpu.memory_space<vmem>> -> memref<128xi32, #tpu.memory_space<vmem>>
      %dma_start3A_103 = tpu.memref_slice %arg4[%add3A_98] : memref<320000xi32, #tpu.memory_space<hbm>> -> memref<128xi32, #tpu.memory_space<hbm>>
      %dma_start3A_104 = arith.constant 0 : i32
      %dma_start3A_105 = tpu.memref_slice %arg9[%dma_start3A_99, %dma_start3A_104] : memref<2x128xi32, #tpu.memory_space<vmem>> -> memref<1x128xi32, #tpu.memory_space<vmem>>
      %dma_start3A_106 = tpu.memref_squeeze %dma_start3A_105 : memref<1x128xi32, #tpu.memory_space<vmem>> -> memref<128xi32, #tpu.memory_space<vmem>>
      %dma_start3A_107 = tpu.memref_slice %arg4[%add3A_98] : memref<320000xi32, #tpu.memory_space<hbm>> -> memref<128xi32, #tpu.memory_space<hbm>>
      tpu.enqueue_dma source(%dma_start3A_107 : memref<128xi32, #tpu.memory_space<hbm>>) target(%dma_start3A_106 : memref<128xi32, #tpu.memory_space<vmem>>) target_semaphore(%arg10 : memref<!tpu.dma_semaphore, #tpu.memory_space<semaphore_mem>>)
      %dma_wait3A_108 = arith.constant 0 : i32
      %dma_wait3A_109 = tpu.memref_slice %arg8[%dma_wait3A_108] : memref<256xi32, #tpu.memory_space<vmem>> -> memref<256xi32, #tpu.memory_space<vmem>>
      %dma_wait3A_110 = tpu.memref_slice %arg3[%multiple_of3A_79] : memref<320000xi32, #tpu.memory_space<hbm>> -> memref<256xi32, #tpu.memory_space<hbm>>
      %dma_wait3A_111 = arith.constant 0 : i32
      %dma_wait3A_112 = tpu.memref_slice %arg8[%dma_wait3A_111] : memref<256xi32, #tpu.memory_space<vmem>> -> memref<256xi32, #tpu.memory_space<vmem>>
      %dma_wait3A_113 = tpu.memref_slice %arg3[%multiple_of3A_79] : memref<320000xi32, #tpu.memory_space<hbm>> -> memref<256xi32, #tpu.memory_space<hbm>>
      tpu.wait_dma2 semaphore(%arg10 : memref<!tpu.dma_semaphore, #tpu.memory_space<semaphore_mem>>) src(%dma_wait3A_113 : memref<256xi32, #tpu.memory_space<hbm>>) dst(%dma_wait3A_112 : memref<256xi32, #tpu.memory_space<vmem>>)
      %dma_wait3A_114 = arith.constant 0 : i32
      %dma_wait3A_115 = arith.constant 0 : i32
      %dma_wait3A_116 = tpu.memref_slice %arg9[%dma_wait3A_114, %dma_wait3A_115] : memref<2x128xi32, #tpu.memory_space<vmem>> -> memref<1x128xi32, #tpu.memory_space<vmem>>
      %dma_wait3A_117 = tpu.memref_squeeze %dma_wait3A_116 : memref<1x128xi32, #tpu.memory_space<vmem>> -> memref<128xi32, #tpu.memory_space<vmem>>
      %dma_wait3A_118 = tpu.memref_slice %arg4[%add3A_87] : memref<320000xi32, #tpu.memory_space<hbm>> -> memref<128xi32, #tpu.memory_space<hbm>>
      %dma_wait3A_119 = arith.constant 0 : i32
      %dma_wait3A_120 = tpu.memref_slice %arg9[%dma_wait3A_114, %dma_wait3A_119] : memref<2x128xi32, #tpu.memory_space<vmem>> -> memref<1x128xi32, #tpu.memory_space<vmem>>
      %dma_wait3A_121 = tpu.memref_squeeze %dma_wait3A_120 : memref<1x128xi32, #tpu.memory_space<vmem>> -> memref<128xi32, #tpu.memory_space<vmem>>
      %dma_wait3A_122 = tpu.memref_slice %arg4[%add3A_87] : memref<320000xi32, #tpu.memory_space<hbm>> -> memref<128xi32, #tpu.memory_space<hbm>>
      tpu.wait_dma2 semaphore(%arg10 : memref<!tpu.dma_semaphore, #tpu.memory_space<semaphore_mem>>) src(%dma_wait3A_122 : memref<128xi32, #tpu.memory_space<hbm>>) dst(%dma_wait3A_121 : memref<128xi32, #tpu.memory_space<vmem>>)
      %dma_wait3A_123 = arith.constant 1 : i32
      %dma_wait3A_124 = arith.constant 0 : i32
      %dma_wait3A_125 = tpu.memref_slice %arg9[%dma_wait3A_123, %dma_wait3A_124] : memref<2x128xi32, #tpu.memory_space<vmem>> -> memref<1x128xi32, #tpu.memory_space<vmem>>
      %dma_wait3A_126 = tpu.memref_squeeze %dma_wait3A_125 : memref<1x128xi32, #tpu.memory_space<vmem>> -> memref<128xi32, #tpu.memory_space<vmem>>
      %dma_wait3A_127 = tpu.memref_slice %arg4[%add3A_98] : memref<320000xi32, #tpu.memory_space<hbm>> -> memref<128xi32, #tpu.memory_space<hbm>>
      %dma_wait3A_128 = arith.constant 0 : i32
      %dma_wait3A_129 = tpu.memref_slice %arg9[%dma_wait3A_123, %dma_wait3A_128] : memref<2x128xi32, #tpu.memory_space<vmem>> -> memref<1x128xi32, #tpu.memory_space<vmem>>
      %dma_wait3A_130 = tpu.memref_squeeze %dma_wait3A_129 : memref<1x128xi32, #tpu.memory_space<vmem>> -> memref<128xi32, #tpu.memory_space<vmem>>
      %dma_wait3A_131 = tpu.memref_slice %arg4[%add3A_98] : memref<320000xi32, #tpu.memory_space<hbm>> -> memref<128xi32, #tpu.memory_space<hbm>>
      tpu.wait_dma2 semaphore(%arg10 : memref<!tpu.dma_semaphore, #tpu.memory_space<semaphore_mem>>) src(%dma_wait3A_131 : memref<128xi32, #tpu.memory_space<hbm>>) dst(%dma_wait3A_130 : memref<128xi32, #tpu.memory_space<vmem>>)
      %dma_start3A_132 = arith.constant 0 : i32
      %dma_start3A_133 = arith.constant 0 : i32
      %dma_start3A_134 = tpu.memref_slice %arg7[%dma_start3A_132, %dma_start3A_133] : memref<256x128xf32, #tpu.memory_space<vmem>> -> memref<128x128xf32, #tpu.memory_space<vmem>>
      %dma_start3A_135 = arith.constant 0 : i32
      %dma_start3A_136 = tpu.memref_slice %arg8[%dma_start3A_135] : memref<256xi32, #tpu.memory_space<vmem>> -> memref<128xi32, #tpu.memory_space<vmem>>
      %dma_start3A_137 = arith.constant 0 : i32
      %dma_start3A_138 = arith.constant 0 : i32
      %dma_start3A_139 = tpu.memref_slice %arg2[%dma_start3A_137, %dma_start3A_138] : memref<10000x128xf32, #tpu.memory_space<hbm>> -> memref<10000x128xf32, #tpu.memory_space<hbm>>
      tpu.enqueue_indirect_dma source(%dma_start3A_139 : memref<10000x128xf32, #tpu.memory_space<hbm>>) target(%dma_start3A_134 : memref<128x128xf32, #tpu.memory_space<vmem>>) offsets(%dma_start3A_136 : memref<128xi32, #tpu.memory_space<vmem>>) semaphore(%arg11 : memref<!tpu.dma_semaphore, #tpu.memory_space<semaphore_mem>>)
      %dma_start3A_140 = arith.constant 128 : i32
      %dma_start3A_141 = arith.constant 0 : i32
      %dma_start3A_142 = tpu.memref_slice %arg7[%dma_start3A_140, %dma_start3A_141] : memref<256x128xf32, #tpu.memory_space<vmem>> -> memref<128x128xf32, #tpu.memory_space<vmem>>
      %dma_start3A_143 = arith.constant 128 : i32
      %dma_start3A_144 = tpu.memref_slice %arg8[%dma_start3A_143] : memref<256xi32, #tpu.memory_space<vmem>> -> memref<128xi32, #tpu.memory_space<vmem>>
      %dma_start3A_145 = arith.constant 0 : i32
      %dma_start3A_146 = arith.constant 0 : i32
      %dma_start3A_147 = tpu.memref_slice %arg2[%dma_start3A_145, %dma_start3A_146] : memref<10000x128xf32, #tpu.memory_space<hbm>> -> memref<10000x128xf32, #tpu.memory_space<hbm>>
      tpu.enqueue_indirect_dma source(%dma_start3A_147 : memref<10000x128xf32, #tpu.memory_space<hbm>>) target(%dma_start3A_142 : memref<128x128xf32, #tpu.memory_space<vmem>>) offsets(%dma_start3A_144 : memref<128xi32, #tpu.memory_space<vmem>>) semaphore(%arg11 : memref<!tpu.dma_semaphore, #tpu.memory_space<semaphore_mem>>)
      %dma_wait3A_148 = arith.constant 0 : i32
      %dma_wait3A_149 = arith.constant 0 : i32
      %dma_wait3A_150 = tpu.memref_slice %arg7[%dma_wait3A_148, %dma_wait3A_149] : memref<256x128xf32, #tpu.memory_space<vmem>> -> memref<128x128xf32, #tpu.memory_space<vmem>>
      %dma_wait3A_151 = arith.constant 0 : i32
      %dma_wait3A_152 = tpu.memref_slice %arg8[%dma_wait3A_151] : memref<256xi32, #tpu.memory_space<vmem>> -> memref<128xi32, #tpu.memory_space<vmem>>
      %dma_wait3A_153 = arith.constant 0 : i32
      %dma_wait3A_154 = arith.constant 0 : i32
      %dma_wait3A_155 = tpu.memref_slice %arg2[%dma_wait3A_153, %dma_wait3A_154] : memref<10000x128xf32, #tpu.memory_space<hbm>> -> memref<10000x128xf32, #tpu.memory_space<hbm>>
      tpu.wait_indirect_dma semaphore(%arg11 : memref<!tpu.dma_semaphore, #tpu.memory_space<semaphore_mem>>) src(%dma_wait3A_155 : memref<10000x128xf32, #tpu.memory_space<hbm>>) dst(%dma_wait3A_150 : memref<128x128xf32, #tpu.memory_space<vmem>>)
      %dma_wait3A_156 = arith.constant 128 : i32
      %dma_wait3A_157 = arith.constant 0 : i32
      %dma_wait3A_158 = tpu.memref_slice %arg7[%dma_wait3A_156, %dma_wait3A_157] : memref<256x128xf32, #tpu.memory_space<vmem>> -> memref<128x128xf32, #tpu.memory_space<vmem>>
      %dma_wait3A_159 = arith.constant 128 : i32
      %dma_wait3A_160 = tpu.memref_slice %arg8[%dma_wait3A_159] : memref<256xi32, #tpu.memory_space<vmem>> -> memref<128xi32, #tpu.memory_space<vmem>>
      %dma_wait3A_161 = arith.constant 0 : i32
      %dma_wait3A_162 = arith.constant 0 : i32
      %dma_wait3A_163 = tpu.memref_slice %arg2[%dma_wait3A_161, %dma_wait3A_162] : memref<10000x128xf32, #tpu.memory_space<hbm>> -> memref<10000x128xf32, #tpu.memory_space<hbm>>
      tpu.wait_indirect_dma semaphore(%arg11 : memref<!tpu.dma_semaphore, #tpu.memory_space<semaphore_mem>>) src(%dma_wait3A_163 : memref<10000x128xf32, #tpu.memory_space<hbm>>) dst(%dma_wait3A_158 : memref<128x128xf32, #tpu.memory_space<vmem>>)
      %dma_start3A_164 = arith.constant 0 : i32
      %dma_start3A_165 = arith.constant 0 : i32
      %dma_start3A_166 = arith.constant 0 : i32
      %dma_start3A_167 = tpu.memref_slice %arg7[%dma_start3A_165, %dma_start3A_166] : memref<256x128xf32, #tpu.memory_space<vmem>> -> memref<128x128xf32, #tpu.memory_space<vmem>>
      %dma_start3A_168 = arith.constant 0 : i32
      %dma_start3A_169 = tpu.memref_slice %arg9[%dma_start3A_164, %dma_start3A_168] : memref<2x128xi32, #tpu.memory_space<vmem>> -> memref<1x128xi32, #tpu.memory_space<vmem>>
      %dma_start3A_170 = tpu.memref_squeeze %dma_start3A_169 : memref<1x128xi32, #tpu.memory_space<vmem>> -> memref<128xi32, #tpu.memory_space<vmem>>
      %dma_start3A_171 = arith.constant 0 : i32
      %dma_start3A_172 = arith.constant 0 : i32
      %dma_start3A_173 = tpu.memref_slice %arg6[%dma_start3A_171, %dma_start3A_172] : memref<10240x128xf32, #tpu.memory_space<vmem_shared>> -> memref<10240x128xf32, #tpu.memory_space<vmem_shared>>
      tpu.enqueue_indirect_dma source(%dma_start3A_167 : memref<128x128xf32, #tpu.memory_space<vmem>>) target(%dma_start3A_173 : memref<10240x128xf32, #tpu.memory_space<vmem_shared>>) offsets(%dma_start3A_170 : memref<128xi32, #tpu.memory_space<vmem>>) semaphore(%arg12 : memref<!tpu.dma_semaphore, #tpu.memory_space<semaphore_mem>>) {add = true}
      %dma_wait3A_174 = arith.constant 0 : i32
      %dma_wait3A_175 = arith.constant 0 : i32
      %dma_wait3A_176 = arith.constant 0 : i32
      %dma_wait3A_177 = tpu.memref_slice %arg7[%dma_wait3A_175, %dma_wait3A_176] : memref<256x128xf32, #tpu.memory_space<vmem>> -> memref<128x128xf32, #tpu.memory_space<vmem>>
      %dma_wait3A_178 = arith.constant 0 : i32
      %dma_wait3A_179 = tpu.memref_slice %arg9[%dma_wait3A_174, %dma_wait3A_178] : memref<2x128xi32, #tpu.memory_space<vmem>> -> memref<1x128xi32, #tpu.memory_space<vmem>>
      %dma_wait3A_180 = tpu.memref_squeeze %dma_wait3A_179 : memref<1x128xi32, #tpu.memory_space<vmem>> -> memref<128xi32, #tpu.memory_space<vmem>>
      %dma_wait3A_181 = arith.constant 0 : i32
      %dma_wait3A_182 = arith.constant 0 : i32
      %dma_wait3A_183 = tpu.memref_slice %arg6[%dma_wait3A_181, %dma_wait3A_182] : memref<10240x128xf32, #tpu.memory_space<vmem_shared>> -> memref<10240x128xf32, #tpu.memory_space<vmem_shared>>
      tpu.wait_indirect_dma semaphore(%arg12 : memref<!tpu.dma_semaphore, #tpu.memory_space<semaphore_mem>>) src(%dma_wait3A_177 : memref<128x128xf32, #tpu.memory_space<vmem>>) dst(%dma_wait3A_183 : memref<10240x128xf32, #tpu.memory_space<vmem_shared>>)
      %dma_start3A_184 = arith.constant 1 : i32
      %dma_start3A_185 = arith.constant 128 : i32
      %dma_start3A_186 = arith.constant 0 : i32
      %dma_start3A_187 = tpu.memref_slice %arg7[%dma_start3A_185, %dma_start3A_186] : memref<256x128xf32, #tpu.memory_space<vmem>> -> memref<128x128xf32, #tpu.memory_space<vmem>>
      %dma_start3A_188 = arith.constant 0 : i32
      %dma_start3A_189 = tpu.memref_slice %arg9[%dma_start3A_184, %dma_start3A_188] : memref<2x128xi32, #tpu.memory_space<vmem>> -> memref<1x128xi32, #tpu.memory_space<vmem>>
      %dma_start3A_190 = tpu.memref_squeeze %dma_start3A_189 : memref<1x128xi32, #tpu.memory_space<vmem>> -> memref<128xi32, #tpu.memory_space<vmem>>
      %dma_start3A_191 = arith.constant 0 : i32
      %dma_start3A_192 = arith.constant 0 : i32
      %dma_start3A_193 = tpu.memref_slice %arg6[%dma_start3A_191, %dma_start3A_192] : memref<10240x128xf32, #tpu.memory_space<vmem_shared>> -> memref<10240x128xf32, #tpu.memory_space<vmem_shared>>
      tpu.enqueue_indirect_dma source(%dma_start3A_187 : memref<128x128xf32, #tpu.memory_space<vmem>>) target(%dma_start3A_193 : memref<10240x128xf32, #tpu.memory_space<vmem_shared>>) offsets(%dma_start3A_190 : memref<128xi32, #tpu.memory_space<vmem>>) semaphore(%arg12 : memref<!tpu.dma_semaphore, #tpu.memory_space<semaphore_mem>>) {add = true}
      %dma_wait3A_194 = arith.constant 1 : i32
      %dma_wait3A_195 = arith.constant 128 : i32
      %dma_wait3A_196 = arith.constant 0 : i32
      %dma_wait3A_197 = tpu.memref_slice %arg7[%dma_wait3A_195, %dma_wait3A_196] : memref<256x128xf32, #tpu.memory_space<vmem>> -> memref<128x128xf32, #tpu.memory_space<vmem>>
      %dma_wait3A_198 = arith.constant 0 : i32
      %dma_wait3A_199 = tpu.memref_slice %arg9[%dma_wait3A_194, %dma_wait3A_198] : memref<2x128xi32, #tpu.memory_space<vmem>> -> memref<1x128xi32, #tpu.memory_space<vmem>>
      %dma_wait3A_200 = tpu.memref_squeeze %dma_wait3A_199 : memref<1x128xi32, #tpu.memory_space<vmem>> -> memref<128xi32, #tpu.memory_space<vmem>>
      %dma_wait3A_201 = arith.constant 0 : i32
      %dma_wait3A_202 = arith.constant 0 : i32
      %dma_wait3A_203 = tpu.memref_slice %arg6[%dma_wait3A_201, %dma_wait3A_202] : memref<10240x128xf32, #tpu.memory_space<vmem_shared>> -> memref<10240x128xf32, #tpu.memory_space<vmem_shared>>
      tpu.wait_indirect_dma semaphore(%arg12 : memref<!tpu.dma_semaphore, #tpu.memory_space<semaphore_mem>>) src(%dma_wait3A_197 : memref<128x128xf32, #tpu.memory_space<vmem>>) dst(%dma_wait3A_203 : memref<10240x128xf32, #tpu.memory_space<vmem_shared>>)
    }
    %scan3A_33 = arith.constant 39 : i32
    %add3A_34 = arith.constant 9984 : i32
    %add3A_35 = arith.addi %mul3A_27, %add3A_34 : i32
    %multiple_of3A = tpu.assume_multiple %add3A_35, 8 : i32
    "tpu.region"() ({
      %run_scoped3A_75 = tpu.sem_alloc : memref<!tpu.dma_semaphore, #tpu.memory_space<semaphore_mem>>
      %dma_start3A_76 = arith.constant 0 : i32
      %dma_start3A_77 = tpu.memref_slice %arg8[%dma_start3A_76] : memref<256xi32, #tpu.memory_space<vmem>> -> memref<16xi32, #tpu.memory_space<vmem>>
      %dma_start3A_78 = tpu.memref_slice %arg3[%multiple_of3A] : memref<320000xi32, #tpu.memory_space<hbm>> -> memref<16xi32, #tpu.memory_space<hbm>>
      %dma_start3A_79 = arith.constant 0 : i32
      %dma_start3A_80 = tpu.memref_slice %arg8[%dma_start3A_79] : memref<256xi32, #tpu.memory_space<vmem>> -> memref<16xi32, #tpu.memory_space<vmem>>
      %dma_start3A_81 = tpu.memref_slice %arg3[%multiple_of3A] : memref<320000xi32, #tpu.memory_space<hbm>> -> memref<16xi32, #tpu.memory_space<hbm>>
      tpu.enqueue_dma source(%dma_start3A_81 : memref<16xi32, #tpu.memory_space<hbm>>) target(%dma_start3A_80 : memref<16xi32, #tpu.memory_space<vmem>>) target_semaphore(%run_scoped3A_75 : memref<!tpu.dma_semaphore, #tpu.memory_space<semaphore_mem>>)
      %dma_wait3A_82 = arith.constant 0 : i32
      %dma_wait3A_83 = tpu.memref_slice %arg8[%dma_wait3A_82] : memref<256xi32, #tpu.memory_space<vmem>> -> memref<16xi32, #tpu.memory_space<vmem>>
      %dma_wait3A_84 = tpu.memref_slice %arg3[%multiple_of3A] : memref<320000xi32, #tpu.memory_space<hbm>> -> memref<16xi32, #tpu.memory_space<hbm>>
      %dma_wait3A_85 = arith.constant 0 : i32
      %dma_wait3A_86 = tpu.memref_slice %arg8[%dma_wait3A_85] : memref<256xi32, #tpu.memory_space<vmem>> -> memref<16xi32, #tpu.memory_space<vmem>>
      %dma_wait3A_87 = tpu.memref_slice %arg3[%multiple_of3A] : memref<320000xi32, #tpu.memory_space<hbm>> -> memref<16xi32, #tpu.memory_space<hbm>>
      tpu.wait_dma2 semaphore(%run_scoped3A_75 : memref<!tpu.dma_semaphore, #tpu.memory_space<semaphore_mem>>) src(%dma_wait3A_87 : memref<16xi32, #tpu.memory_space<hbm>>) dst(%dma_wait3A_86 : memref<16xi32, #tpu.memory_space<vmem>>)
      tpu.yield
    }) : () -> ()
    %run_scoped3A = arith.constant 0 : i32
    "tpu.region"() ({
      %run_scoped3A_75 = tpu.sem_alloc : memref<!tpu.dma_semaphore, #tpu.memory_space<semaphore_mem>>
      %dma_start3A_76 = arith.constant 0 : i32
      %dma_start3A_77 = tpu.memref_slice %arg9[%run_scoped3A, %dma_start3A_76] : memref<2x128xi32, #tpu.memory_space<vmem>> -> memref<1x16xi32, #tpu.memory_space<vmem>>
      %dma_start3A_78 = tpu.memref_squeeze %dma_start3A_77 : memref<1x16xi32, #tpu.memory_space<vmem>> -> memref<16xi32, #tpu.memory_space<vmem>>
      %dma_start3A_79 = tpu.memref_slice %arg4[%multiple_of3A] : memref<320000xi32, #tpu.memory_space<hbm>> -> memref<16xi32, #tpu.memory_space<hbm>>
      %dma_start3A_80 = arith.constant 0 : i32
      %dma_start3A_81 = tpu.memref_slice %arg9[%run_scoped3A, %dma_start3A_80] : memref<2x128xi32, #tpu.memory_space<vmem>> -> memref<1x16xi32, #tpu.memory_space<vmem>>
      %dma_start3A_82 = tpu.memref_squeeze %dma_start3A_81 : memref<1x16xi32, #tpu.memory_space<vmem>> -> memref<16xi32, #tpu.memory_space<vmem>>
      %dma_start3A_83 = tpu.memref_slice %arg4[%multiple_of3A] : memref<320000xi32, #tpu.memory_space<hbm>> -> memref<16xi32, #tpu.memory_space<hbm>>
      tpu.enqueue_dma source(%dma_start3A_83 : memref<16xi32, #tpu.memory_space<hbm>>) target(%dma_start3A_82 : memref<16xi32, #tpu.memory_space<vmem>>) target_semaphore(%run_scoped3A_75 : memref<!tpu.dma_semaphore, #tpu.memory_space<semaphore_mem>>)
      %dma_wait3A_84 = arith.constant 0 : i32
      %dma_wait3A_85 = tpu.memref_slice %arg9[%run_scoped3A, %dma_wait3A_84] : memref<2x128xi32, #tpu.memory_space<vmem>> -> memref<1x16xi32, #tpu.memory_space<vmem>>
      %dma_wait3A_86 = tpu.memref_squeeze %dma_wait3A_85 : memref<1x16xi32, #tpu.memory_space<vmem>> -> memref<16xi32, #tpu.memory_space<vmem>>
      %dma_wait3A_87 = tpu.memref_slice %arg4[%multiple_of3A] : memref<320000xi32, #tpu.memory_space<hbm>> -> memref<16xi32, #tpu.memory_space<hbm>>
      %dma_wait3A_88 = arith.constant 0 : i32
      %dma_wait3A_89 = tpu.memref_slice %arg9[%run_scoped3A, %dma_wait3A_88] : memref<2x128xi32, #tpu.memory_space<vmem>> -> memref<1x16xi32, #tpu.memory_space<vmem>>
      %dma_wait3A_90 = tpu.memref_squeeze %dma_wait3A_89 : memref<1x16xi32, #tpu.memory_space<vmem>> -> memref<16xi32, #tpu.memory_space<vmem>>
      %dma_wait3A_91 = tpu.memref_slice %arg4[%multiple_of3A] : memref<320000xi32, #tpu.memory_space<hbm>> -> memref<16xi32, #tpu.memory_space<hbm>>
      tpu.wait_dma2 semaphore(%run_scoped3A_75 : memref<!tpu.dma_semaphore, #tpu.memory_space<semaphore_mem>>) src(%dma_wait3A_91 : memref<16xi32, #tpu.memory_space<hbm>>) dst(%dma_wait3A_90 : memref<16xi32, #tpu.memory_space<vmem>>)
      tpu.yield
    }) : () -> ()
    %dma_start3A = arith.constant 0 : i32
    %dma_start3A_36 = arith.constant 0 : i32
    %dma_start3A_37 = tpu.memref_slice %arg7[%dma_start3A, %dma_start3A_36] : memref<256x128xf32, #tpu.memory_space<vmem>> -> memref<16x128xf32, #tpu.memory_space<vmem>>
    %dma_start3A_38 = arith.constant 0 : i32
    %dma_start3A_39 = tpu.memref_slice %arg8[%dma_start3A_38] : memref<256xi32, #tpu.memory_space<vmem>> -> memref<16xi32, #tpu.memory_space<vmem>>
    %dma_start3A_40 = arith.constant 0 : i32
    %dma_start3A_41 = arith.constant 0 : i32
    %dma_start3A_42 = tpu.memref_slice %arg2[%dma_start3A_40, %dma_start3A_41] : memref<10000x128xf32, #tpu.memory_space<hbm>> -> memref<10000x128xf32, #tpu.memory_space<hbm>>
    tpu.enqueue_indirect_dma source(%dma_start3A_42 : memref<10000x128xf32, #tpu.memory_space<hbm>>) target(%dma_start3A_37 : memref<16x128xf32, #tpu.memory_space<vmem>>) offsets(%dma_start3A_39 : memref<16xi32, #tpu.memory_space<vmem>>) semaphore(%arg11 : memref<!tpu.dma_semaphore, #tpu.memory_space<semaphore_mem>>)
    %dma_wait3A = arith.constant 0 : i32
    %dma_wait3A_43 = arith.constant 0 : i32
    %dma_wait3A_44 = tpu.memref_slice %arg7[%dma_wait3A, %dma_wait3A_43] : memref<256x128xf32, #tpu.memory_space<vmem>> -> memref<16x128xf32, #tpu.memory_space<vmem>>
    %dma_wait3A_45 = arith.constant 0 : i32
    %dma_wait3A_46 = tpu.memref_slice %arg8[%dma_wait3A_45] : memref<256xi32, #tpu.memory_space<vmem>> -> memref<16xi32, #tpu.memory_space<vmem>>
    %dma_wait3A_47 = arith.constant 0 : i32
    %dma_wait3A_48 = arith.constant 0 : i32
    %dma_wait3A_49 = tpu.memref_slice %arg2[%dma_wait3A_47, %dma_wait3A_48] : memref<10000x128xf32, #tpu.memory_space<hbm>> -> memref<10000x128xf32, #tpu.memory_space<hbm>>
    tpu.wait_indirect_dma semaphore(%arg11 : memref<!tpu.dma_semaphore, #tpu.memory_space<semaphore_mem>>) src(%dma_wait3A_49 : memref<10000x128xf32, #tpu.memory_space<hbm>>) dst(%dma_wait3A_44 : memref<16x128xf32, #tpu.memory_space<vmem>>)
    %dma_start3A_50 = arith.constant 0 : i32
    %dma_start3A_51 = arith.constant 0 : i32
    %dma_start3A_52 = arith.constant 0 : i32
    %dma_start3A_53 = tpu.memref_slice %arg7[%dma_start3A_51, %dma_start3A_52] : memref<256x128xf32, #tpu.memory_space<vmem>> -> memref<16x128xf32, #tpu.memory_space<vmem>>
    %dma_start3A_54 = arith.constant 0 : i32
    %dma_start3A_55 = tpu.memref_slice %arg9[%dma_start3A_50, %dma_start3A_54] : memref<2x128xi32, #tpu.memory_space<vmem>> -> memref<1x16xi32, #tpu.memory_space<vmem>>
    %dma_start3A_56 = tpu.memref_squeeze %dma_start3A_55 : memref<1x16xi32, #tpu.memory_space<vmem>> -> memref<16xi32, #tpu.memory_space<vmem>>
    %dma_start3A_57 = arith.constant 0 : i32
    %dma_start3A_58 = arith.constant 0 : i32
    %dma_start3A_59 = tpu.memref_slice %arg6[%dma_start3A_57, %dma_start3A_58] : memref<10240x128xf32, #tpu.memory_space<vmem_shared>> -> memref<10240x128xf32, #tpu.memory_space<vmem_shared>>
    tpu.enqueue_indirect_dma source(%dma_start3A_53 : memref<16x128xf32, #tpu.memory_space<vmem>>) target(%dma_start3A_59 : memref<10240x128xf32, #tpu.memory_space<vmem_shared>>) offsets(%dma_start3A_56 : memref<16xi32, #tpu.memory_space<vmem>>) semaphore(%arg12 : memref<!tpu.dma_semaphore, #tpu.memory_space<semaphore_mem>>) {add = true}
    %dma_wait3A_60 = arith.constant 0 : i32
    %dma_wait3A_61 = arith.constant 0 : i32
    %dma_wait3A_62 = arith.constant 0 : i32
    %dma_wait3A_63 = tpu.memref_slice %arg7[%dma_wait3A_61, %dma_wait3A_62] : memref<256x128xf32, #tpu.memory_space<vmem>> -> memref<16x128xf32, #tpu.memory_space<vmem>>
    %dma_wait3A_64 = arith.constant 0 : i32
    %dma_wait3A_65 = tpu.memref_slice %arg9[%dma_wait3A_60, %dma_wait3A_64] : memref<2x128xi32, #tpu.memory_space<vmem>> -> memref<1x16xi32, #tpu.memory_space<vmem>>
    %dma_wait3A_66 = tpu.memref_squeeze %dma_wait3A_65 : memref<1x16xi32, #tpu.memory_space<vmem>> -> memref<16xi32, #tpu.memory_space<vmem>>
    %dma_wait3A_67 = arith.constant 0 : i32
    %dma_wait3A_68 = arith.constant 0 : i32
    %dma_wait3A_69 = tpu.memref_slice %arg6[%dma_wait3A_67, %dma_wait3A_68] : memref<10240x128xf32, #tpu.memory_space<vmem_shared>> -> memref<10240x128xf32, #tpu.memory_space<vmem_shared>>
    tpu.wait_indirect_dma semaphore(%arg12 : memref<!tpu.dma_semaphore, #tpu.memory_space<semaphore_mem>>) src(%dma_wait3A_63 : memref<16x128xf32, #tpu.memory_space<vmem>>) dst(%dma_wait3A_69 : memref<10240x128xf32, #tpu.memory_space<vmem_shared>>)
    %barrier3A_70 = arith.constant 0 : index
    tpu.barrier barrier_id(%barrier3A_70)
    %mul3A_71 = arith.constant 640 : i32
    %mul3A_72 = arith.muli %arg1, %mul3A_71 : i32
    %mul3A_73 = arith.constant 640 : i32
    %mul3A_74 = arith.muli %arg1, %mul3A_73 : i32
    "tpu.region"() ({
      %run_scoped3A_75 = tpu.sem_alloc : memref<!tpu.dma_semaphore, #tpu.memory_space<semaphore_mem>>
      %dma_start3A_76 = arith.constant 0 : i32
      %dma_start3A_77 = tpu.memref_slice %arg5[%arg0, %mul3A_74, %dma_start3A_76] : memref<2x10240x128xf32, #tpu.memory_space<hbm>> -> memref<1x640x128xf32, #tpu.memory_space<hbm>>
      %dma_start3A_78 = tpu.memref_squeeze %dma_start3A_77 : memref<1x640x128xf32, #tpu.memory_space<hbm>> -> memref<640x128xf32, #tpu.memory_space<hbm>>
      %dma_start3A_79 = arith.constant 0 : i32
      %dma_start3A_80 = tpu.memref_slice %arg6[%mul3A_72, %dma_start3A_79] : memref<10240x128xf32, #tpu.memory_space<vmem_shared>> -> memref<640x128xf32, #tpu.memory_space<vmem_shared>>
      tpu.enqueue_dma source(%dma_start3A_80 : memref<640x128xf32, #tpu.memory_space<vmem_shared>>) target(%dma_start3A_78 : memref<640x128xf32, #tpu.memory_space<hbm>>) target_semaphore(%run_scoped3A_75 : memref<!tpu.dma_semaphore, #tpu.memory_space<semaphore_mem>>)
      %dma_wait3A_81 = arith.constant 0 : i32
      %dma_wait3A_82 = tpu.memref_slice %arg5[%arg0, %mul3A_74, %dma_wait3A_81] : memref<2x10240x128xf32, #tpu.memory_space<hbm>> -> memref<1x640x128xf32, #tpu.memory_space<hbm>>
      %dma_wait3A_83 = tpu.memref_squeeze %dma_wait3A_82 : memref<1x640x128xf32, #tpu.memory_space<hbm>> -> memref<640x128xf32, #tpu.memory_space<hbm>>
      %dma_wait3A_84 = arith.constant 0 : i32
      %dma_wait3A_85 = tpu.memref_slice %arg6[%mul3A_72, %dma_wait3A_84] : memref<10240x128xf32, #tpu.memory_space<vmem_shared>> -> memref<640x128xf32, #tpu.memory_space<vmem_shared>>
      tpu.wait_dma2 semaphore(%run_scoped3A_75 : memref<!tpu.dma_semaphore, #tpu.memory_space<semaphore_mem>>) src(%dma_wait3A_85 : memref<640x128xf32, #tpu.memory_space<vmem_shared>>) dst(%dma_wait3A_83 : memref<640x128xf32, #tpu.memory_space<hbm>>)
      tpu.yield
    }) : () -> ()
    return
  }
}

#map = affine_map<(d0, d1) -> (0, 0)>
#map1 = affine_map<(d0, d1) -> (0)>
#map2 = affine_map<(d0, d1) -> (0, 0, 0)>
module attributes {stable_mosaic.version = 14 : i64} {
  func.func @_pass_body(%arg0: i32, %arg1: i32, %arg2: memref<10000x128xf32, #tpu.memory_space<hbm>>, %arg3: memref<320000xi32, #tpu.memory_space<hbm>>, %arg4: memref<320000xi32, #tpu.memory_space<hbm>>, %arg5: memref<2x10240x128xf32, #tpu.memory_space<hbm>>, %arg6: memref<10240x128xf32, #tpu.memory_space<vmem_shared>>, %arg7: memref<256x128xf32, #tpu.memory_space<vmem>>, %arg8: memref<256xi32, #tpu.memory_space<vmem>>, %arg9: memref<2x128xi32, #tpu.memory_space<vmem>>, %arg10: memref<!tpu.dma_semaphore, #tpu.memory_space<semaphore_mem>>, %arg11: memref<!tpu.dma_semaphore, #tpu.memory_space<semaphore_mem>>, %arg12: memref<!tpu.dma_semaphore, #tpu.memory_space<semaphore_mem>>) attributes {dimension_semantics = [#tpu.dimension_semantics<core_parallel>, #tpu.dimension_semantics<subcore_parallel>], iteration_bounds = array<i64: 2, 16>, scalar_prefetch = 0 : i64, scratch_operands = 7 : i64, tpu.core_type = #tpu.core_type<sc_vector_subcore>, window_params = [{transform_indices = #map}, {transform_indices = #map1}, {transform_indices = #map1}, {transform_indices = #map2}]} {
    %mul3A = arith.constant 2 : i32
    %mul3A_0 = arith.muli %arg1, %mul3A : i32
    %add3A = arith.addi %mul3A_0, %arg0 : i32
    %scan3A = arith.constant 0 : i32
    %scan3A_1 = arith.constant 0 : i32
    %scan3A_2 = arith.constant 128 : i32
    %scan3A_3 = arith.addi %scan3A_1, %scan3A_2 : i32
    %scan3A_4 = arith.constant 1 : i32
    scf.for %scan3A_75 = %scan3A_1 to %scan3A_3 step %scan3A_4  : i32 {
      %broadcast_in_dim3A = arith.constant 0.000000e+00 : f32
      %broadcast_in_dim3A_76 = vector.broadcast %broadcast_in_dim3A : f32 to vector<16xf32>
      %swap3A = arith.index_cast %scan3A_75 : i32 to index
      %swap3A_77 = arith.constant 0 : index
      %swap3A_78 = tpu.vector_load %arg7[%swap3A, %swap3A_77] {strides = array<i32>} : memref<256x128xf32, #tpu.memory_space<vmem>>, vector<1x16xf32>,
      %swap3A_79 = vector.shape_cast %swap3A_78 : vector<1x16xf32> to vector<16xf32>
      %swap3A_80 = vector.shape_cast %broadcast_in_dim3A_76 : vector<16xf32> to vector<1x16xf32>
      tpu.vector_store %arg7[%swap3A, %swap3A_77], %swap3A_80 {strides = array<i32>} : memref<256x128xf32, #tpu.memory_space<vmem>>, vector<1x16xf32>,
      %broadcast_in_dim3A_81 = arith.constant 0.000000e+00 : f32
      %broadcast_in_dim3A_82 = vector.broadcast %broadcast_in_dim3A_81 : f32 to vector<16xf32>
      %swap3A_83 = arith.index_cast %scan3A_75 : i32 to index
      %swap3A_84 = arith.constant 16 : index
      %swap3A_85 = tpu.vector_load %arg7[%swap3A_83, %swap3A_84] {strides = array<i32>} : memref<256x128xf32, #tpu.memory_space<vmem>>, vector<1x16xf32>,
      %swap3A_86 = vector.shape_cast %swap3A_85 : vector<1x16xf32> to vector<16xf32>
      %swap3A_87 = vector.shape_cast %broadcast_in_dim3A_82 : vector<16xf32> to vector<1x16xf32>
      tpu.vector_store %arg7[%swap3A_83, %swap3A_84], %swap3A_87 {strides = array<i32>} : memref<256x128xf32, #tpu.memory_space<vmem>>, vector<1x16xf32>,
      %broadcast_in_dim3A_88 = arith.constant 0.000000e+00 : f32
      %broadcast_in_dim3A_89 = vector.broadcast %broadcast_in_dim3A_88 : f32 to vector<16xf32>
      %swap3A_90 = arith.index_cast %scan3A_75 : i32 to index
      %swap3A_91 = arith.constant 32 : index
      %swap3A_92 = tpu.vector_load %arg7[%swap3A_90, %swap3A_91] {strides = array<i32>} : memref<256x128xf32, #tpu.memory_space<vmem>>, vector<1x16xf32>,
      %swap3A_93 = vector.shape_cast %swap3A_92 : vector<1x16xf32> to vector<16xf32>
      %swap3A_94 = vector.shape_cast %broadcast_in_dim3A_89 : vector<16xf32> to vector<1x16xf32>
      tpu.vector_store %arg7[%swap3A_90, %swap3A_91], %swap3A_94 {strides = array<i32>} : memref<256x128xf32, #tpu.memory_space<vmem>>, vector<1x16xf32>,
      %broadcast_in_dim3A_95 = arith.constant 0.000000e+00 : f32
      %broadcast_in_dim3A_96 = vector.broadcast %broadcast_in_dim3A_95 : f32 to vector<16xf32>
      %swap3A_97 = arith.index_cast %scan3A_75 : i32 to index
      %swap3A_98 = arith.constant 48 : index
      %swap3A_99 = tpu.vector_load %arg7[%swap3A_97, %swap3A_98] {strides = array<i32>} : memref<256x128xf32, #tpu.memory_space<vmem>>, vector<1x16xf32>,
      %swap3A_100 = vector.shape_cast %swap3A_99 : vector<1x16xf32> to vector<16xf32>
      %swap3A_101 = vector.shape_cast %broadcast_in_dim3A_96 : vector<16xf32> to vector<1x16xf32>
      tpu.vector_store %arg7[%swap3A_97, %swap3A_98], %swap3A_101 {strides = array<i32>} : memref<256x128xf32, #tpu.memory_space<vmem>>, vector<1x16xf32>,
      %broadcast_in_dim3A_102 = arith.constant 0.000000e+00 : f32
      %broadcast_in_dim3A_103 = vector.broadcast %broadcast_in_dim3A_102 : f32 to vector<16xf32>
      %swap3A_104 = arith.index_cast %scan3A_75 : i32 to index
      %swap3A_105 = arith.constant 64 : index
      %swap3A_106 = tpu.vector_load %arg7[%swap3A_104, %swap3A_105] {strides = array<i32>} : memref<256x128xf32, #tpu.memory_space<vmem>>, vector<1x16xf32>,
      %swap3A_107 = vector.shape_cast %swap3A_106 : vector<1x16xf32> to vector<16xf32>
      %swap3A_108 = vector.shape_cast %broadcast_in_dim3A_103 : vector<16xf32> to vector<1x16xf32>
      tpu.vector_store %arg7[%swap3A_104, %swap3A_105], %swap3A_108 {strides = array<i32>} : memref<256x128xf32, #tpu.memory_space<vmem>>, vector<1x16xf32>,
      %broadcast_in_dim3A_109 = arith.constant 0.000000e+00 : f32
      %broadcast_in_dim3A_110 = vector.broadcast %broadcast_in_dim3A_109 : f32 to vector<16xf32>
      %swap3A_111 = arith.index_cast %scan3A_75 : i32 to index
      %swap3A_112 = arith.constant 80 : index
      %swap3A_113 = tpu.vector_load %arg7[%swap3A_111, %swap3A_112] {strides = array<i32>} : memref<256x128xf32, #tpu.memory_space<vmem>>, vector<1x16xf32>,
      %swap3A_114 = vector.shape_cast %swap3A_113 : vector<1x16xf32> to vector<16xf32>
      %swap3A_115 = vector.shape_cast %broadcast_in_dim3A_110 : vector<16xf32> to vector<1x16xf32>
      tpu.vector_store %arg7[%swap3A_111, %swap3A_112], %swap3A_115 {strides = array<i32>} : memref<256x128xf32, #tpu.memory_space<vmem>>, vector<1x16xf32>,
      %broadcast_in_dim3A_116 = arith.constant 0.000000e+00 : f32
      %broadcast_in_dim3A_117 = vector.broadcast %broadcast_in_dim3A_116 : f32 to vector<16xf32>
      %swap3A_118 = arith.index_cast %scan3A_75 : i32 to index
      %swap3A_119 = arith.constant 96 : index
      %swap3A_120 = tpu.vector_load %arg7[%swap3A_118, %swap3A_119] {strides = array<i32>} : memref<256x128xf32, #tpu.memory_space<vmem>>, vector<1x16xf32>,
      %swap3A_121 = vector.shape_cast %swap3A_120 : vector<1x16xf32> to vector<16xf32>
      %swap3A_122 = vector.shape_cast %broadcast_in_dim3A_117 : vector<16xf32> to vector<1x16xf32>
      tpu.vector_store %arg7[%swap3A_118, %swap3A_119], %swap3A_122 {strides = array<i32>} : memref<256x128xf32, #tpu.memory_space<vmem>>, vector<1x16xf32>,
      %broadcast_in_dim3A_123 = arith.constant 0.000000e+00 : f32
      %broadcast_in_dim3A_124 = vector.broadcast %broadcast_in_dim3A_123 : f32 to vector<16xf32>
      %swap3A_125 = arith.index_cast %scan3A_75 : i32 to index
      %swap3A_126 = arith.constant 112 : index
      %swap3A_127 = tpu.vector_load %arg7[%swap3A_125, %swap3A_126] {strides = array<i32>} : memref<256x128xf32, #tpu.memory_space<vmem>>, vector<1x16xf32>,
      %swap3A_128 = vector.shape_cast %swap3A_127 : vector<1x16xf32> to vector<16xf32>
      %swap3A_129 = vector.shape_cast %broadcast_in_dim3A_124 : vector<16xf32> to vector<1x16xf32>
      tpu.vector_store %arg7[%swap3A_125, %swap3A_126], %swap3A_129 {strides = array<i32>} : memref<256x128xf32, #tpu.memory_space<vmem>>, vector<1x16xf32>,
    }
    %scan3A_5 = arith.constant 128 : i32
    %mul3A_6 = arith.constant 640 : i32
    %mul3A_7 = arith.muli %arg1, %mul3A_6 : i32
    %add3A_8 = arith.constant 0 : i32
    %add3A_9 = arith.addi %mul3A_7, %add3A_8 : i32
    "tpu.region"() ({
      %run_scoped3A_75 = tpu.sem_alloc : memref<!tpu.dma_semaphore, #tpu.memory_space<semaphore_mem>>
      %dma_start3A_76 = arith.constant 0 : i32
      %dma_start3A_77 = arith.constant 0 : i32
      %dma_start3A_78 = tpu.memref_slice %arg7[%dma_start3A_76, %dma_start3A_77] : memref<256x128xf32, #tpu.memory_space<vmem>> -> memref<128x128xf32, #tpu.memory_space<vmem>>
      %dma_start3A_79 = arith.constant 0 : i32
      %dma_start3A_80 = tpu.memref_slice %arg6[%add3A_9, %dma_start3A_79] : memref<10240x128xf32, #tpu.memory_space<vmem_shared>> -> memref<128x128xf32, #tpu.memory_space<vmem_shared>>
      %dma_start3A_81 = arith.constant 0 : i32
      %dma_start3A_82 = tpu.memref_slice %arg6[%add3A_9, %dma_start3A_81] : memref<10240x128xf32, #tpu.memory_space<vmem_shared>> -> memref<128x128xf32, #tpu.memory_space<vmem_shared>>
      %dma_start3A_83 = arith.constant 0 : i32
      %dma_start3A_84 = arith.constant 0 : i32
      %dma_start3A_85 = tpu.memref_slice %arg7[%dma_start3A_83, %dma_start3A_84] : memref<256x128xf32, #tpu.memory_space<vmem>> -> memref<128x128xf32, #tpu.memory_space<vmem>>
      tpu.enqueue_dma source(%dma_start3A_85 : memref<128x128xf32, #tpu.memory_space<vmem>>) target(%dma_start3A_82 : memref<128x128xf32, #tpu.memory_space<vmem_shared>>) target_semaphore(%run_scoped3A_75 : memref<!tpu.dma_semaphore, #tpu.memory_space<semaphore_mem>>)
      %dma_wait3A_86 = arith.constant 0 : i32
      %dma_wait3A_87 = arith.constant 0 : i32
      %dma_wait3A_88 = tpu.memref_slice %arg7[%dma_wait3A_86, %dma_wait3A_87] : memref<256x128xf32, #tpu.memory_space<vmem>> -> memref<128x128xf32, #tpu.memory_space<vmem>>
      %dma_wait3A_89 = arith.constant 0 : i32
      %dma_wait3A_90 = tpu.memref_slice %arg6[%add3A_9, %dma_wait3A_89] : memref<10240x128xf32, #tpu.memory_space<vmem_shared>> -> memref<128x128xf32, #tpu.memory_space<vmem_shared>>
      %dma_wait3A_91 = arith.constant 0 : i32
      %dma_wait3A_92 = tpu.memref_slice %arg6[%add3A_9, %dma_wait3A_91] : memref<10240x128xf32, #tpu.memory_space<vmem_shared>> -> memref<128x128xf32, #tpu.memory_space<vmem_shared>>
      %dma_wait3A_93 = arith.constant 0 : i32
      %dma_wait3A_94 = arith.constant 0 : i32
      %dma_wait3A_95 = tpu.memref_slice %arg7[%dma_wait3A_93, %dma_wait3A_94] : memref<256x128xf32, #tpu.memory_space<vmem>> -> memref<128x128xf32, #tpu.memory_space<vmem>>
      tpu.wait_dma2 semaphore(%run_scoped3A_75 : memref<!tpu.dma_semaphore, #tpu.memory_space<semaphore_mem>>) src(%dma_wait3A_95 : memref<128x128xf32, #tpu.memory_space<vmem>>) dst(%dma_wait3A_92 : memref<128x128xf32, #tpu.memory_space<vmem_shared>>)
      tpu.yield
    }) : () -> ()
    %mul3A_10 = arith.constant 640 : i32
    %mul3A_11 = arith.muli %arg1, %mul3A_10 : i32
    %add3A_12 = arith.constant 128 : i32
    %add3A_13 = arith.addi %mul3A_11, %add3A_12 : i32
    "tpu.region"() ({
      %run_scoped3A_75 = tpu.sem_alloc : memref<!tpu.dma_semaphore, #tpu.memory_space<semaphore_mem>>
      %dma_start3A_76 = arith.constant 0 : i32
      %dma_start3A_77 = arith.constant 0 : i32
      %dma_start3A_78 = tpu.memref_slice %arg7[%dma_start3A_76, %dma_start3A_77] : memref<256x128xf32, #tpu.memory_space<vmem>> -> memref<128x128xf32, #tpu.memory_space<vmem>>
      %dma_start3A_79 = arith.constant 0 : i32
      %dma_start3A_80 = tpu.memref_slice %arg6[%add3A_13, %dma_start3A_79] : memref<10240x128xf32, #tpu.memory_space<vmem_shared>> -> memref<128x128xf32, #tpu.memory_space<vmem_shared>>
      %dma_start3A_81 = arith.constant 0 : i32
      %dma_start3A_82 = tpu.memref_slice %arg6[%add3A_13, %dma_start3A_81] : memref<10240x128xf32, #tpu.memory_space<vmem_shared>> -> memref<128x128xf32, #tpu.memory_space<vmem_shared>>
      %dma_start3A_83 = arith.constant 0 : i32
      %dma_start3A_84 = arith.constant 0 : i32
      %dma_start3A_85 = tpu.memref_slice %arg7[%dma_start3A_83, %dma_start3A_84] : memref<256x128xf32, #tpu.memory_space<vmem>> -> memref<128x128xf32, #tpu.memory_space<vmem>>
      tpu.enqueue_dma source(%dma_start3A_85 : memref<128x128xf32, #tpu.memory_space<vmem>>) target(%dma_start3A_82 : memref<128x128xf32, #tpu.memory_space<vmem_shared>>) target_semaphore(%run_scoped3A_75 : memref<!tpu.dma_semaphore, #tpu.memory_space<semaphore_mem>>)
      %dma_wait3A_86 = arith.constant 0 : i32
      %dma_wait3A_87 = arith.constant 0 : i32
      %dma_wait3A_88 = tpu.memref_slice %arg7[%dma_wait3A_86, %dma_wait3A_87] : memref<256x128xf32, #tpu.memory_space<vmem>> -> memref<128x128xf32, #tpu.memory_space<vmem>>
      %dma_wait3A_89 = arith.constant 0 : i32
      %dma_wait3A_90 = tpu.memref_slice %arg6[%add3A_13, %dma_wait3A_89] : memref<10240x128xf32, #tpu.memory_space<vmem_shared>> -> memref<128x128xf32, #tpu.memory_space<vmem_shared>>
      %dma_wait3A_91 = arith.constant 0 : i32
      %dma_wait3A_92 = tpu.memref_slice %arg6[%add3A_13, %dma_wait3A_91] : memref<10240x128xf32, #tpu.memory_space<vmem_shared>> -> memref<128x128xf32, #tpu.memory_space<vmem_shared>>
      %dma_wait3A_93 = arith.constant 0 : i32
      %dma_wait3A_94 = arith.constant 0 : i32
      %dma_wait3A_95 = tpu.memref_slice %arg7[%dma_wait3A_93, %dma_wait3A_94] : memref<256x128xf32, #tpu.memory_space<vmem>> -> memref<128x128xf32, #tpu.memory_space<vmem>>
      tpu.wait_dma2 semaphore(%run_scoped3A_75 : memref<!tpu.dma_semaphore, #tpu.memory_space<semaphore_mem>>) src(%dma_wait3A_95 : memref<128x128xf32, #tpu.memory_space<vmem>>) dst(%dma_wait3A_92 : memref<128x128xf32, #tpu.memory_space<vmem_shared>>)
      tpu.yield
    }) : () -> ()
    %mul3A_14 = arith.constant 640 : i32
    %mul3A_15 = arith.muli %arg1, %mul3A_14 : i32
    %add3A_16 = arith.constant 256 : i32
    %add3A_17 = arith.addi %mul3A_15, %add3A_16 : i32
    "tpu.region"() ({
      %run_scoped3A_75 = tpu.sem_alloc : memref<!tpu.dma_semaphore, #tpu.memory_space<semaphore_mem>>
      %dma_start3A_76 = arith.constant 0 : i32
      %dma_start3A_77 = arith.constant 0 : i32
      %dma_start3A_78 = tpu.memref_slice %arg7[%dma_start3A_76, %dma_start3A_77] : memref<256x128xf32, #tpu.memory_space<vmem>> -> memref<128x128xf32, #tpu.memory_space<vmem>>
      %dma_start3A_79 = arith.constant 0 : i32
      %dma_start3A_80 = tpu.memref_slice %arg6[%add3A_17, %dma_start3A_79] : memref<10240x128xf32, #tpu.memory_space<vmem_shared>> -> memref<128x128xf32, #tpu.memory_space<vmem_shared>>
      %dma_start3A_81 = arith.constant 0 : i32
      %dma_start3A_82 = tpu.memref_slice %arg6[%add3A_17, %dma_start3A_81] : memref<10240x128xf32, #tpu.memory_space<vmem_shared>> -> memref<128x128xf32, #tpu.memory_space<vmem_shared>>
      %dma_start3A_83 = arith.constant 0 : i32
      %dma_start3A_84 = arith.constant 0 : i32
      %dma_start3A_85 = tpu.memref_slice %arg7[%dma_start3A_83, %dma_start3A_84] : memref<256x128xf32, #tpu.memory_space<vmem>> -> memref<128x128xf32, #tpu.memory_space<vmem>>
      tpu.enqueue_dma source(%dma_start3A_85 : memref<128x128xf32, #tpu.memory_space<vmem>>) target(%dma_start3A_82 : memref<128x128xf32, #tpu.memory_space<vmem_shared>>) target_semaphore(%run_scoped3A_75 : memref<!tpu.dma_semaphore, #tpu.memory_space<semaphore_mem>>)
      %dma_wait3A_86 = arith.constant 0 : i32
      %dma_wait3A_87 = arith.constant 0 : i32
      %dma_wait3A_88 = tpu.memref_slice %arg7[%dma_wait3A_86, %dma_wait3A_87] : memref<256x128xf32, #tpu.memory_space<vmem>> -> memref<128x128xf32, #tpu.memory_space<vmem>>
      %dma_wait3A_89 = arith.constant 0 : i32
      %dma_wait3A_90 = tpu.memref_slice %arg6[%add3A_17, %dma_wait3A_89] : memref<10240x128xf32, #tpu.memory_space<vmem_shared>> -> memref<128x128xf32, #tpu.memory_space<vmem_shared>>
      %dma_wait3A_91 = arith.constant 0 : i32
      %dma_wait3A_92 = tpu.memref_slice %arg6[%add3A_17, %dma_wait3A_91] : memref<10240x128xf32, #tpu.memory_space<vmem_shared>> -> memref<128x128xf32, #tpu.memory_space<vmem_shared>>
      %dma_wait3A_93 = arith.constant 0 : i32
      %dma_wait3A_94 = arith.constant 0 : i32
      %dma_wait3A_95 = tpu.memref_slice %arg7[%dma_wait3A_93, %dma_wait3A_94] : memref<256x128xf32, #tpu.memory_space<vmem>> -> memref<128x128xf32, #tpu.memory_space<vmem>>
      tpu.wait_dma2 semaphore(%run_scoped3A_75 : memref<!tpu.dma_semaphore, #tpu.memory_space<semaphore_mem>>) src(%dma_wait3A_95 : memref<128x128xf32, #tpu.memory_space<vmem>>) dst(%dma_wait3A_92 : memref<128x128xf32, #tpu.memory_space<vmem_shared>>)
      tpu.yield
    }) : () -> ()
    %mul3A_18 = arith.constant 640 : i32
    %mul3A_19 = arith.muli %arg1, %mul3A_18 : i32
    %add3A_20 = arith.constant 384 : i32
    %add3A_21 = arith.addi %mul3A_19, %add3A_20 : i32
    "tpu.region"() ({
      %run_scoped3A_75 = tpu.sem_alloc : memref<!tpu.dma_semaphore, #tpu.memory_space<semaphore_mem>>
      %dma_start3A_76 = arith.constant 0 : i32
      %dma_start3A_77 = arith.constant 0 : i32
      %dma_start3A_78 = tpu.memref_slice %arg7[%dma_start3A_76, %dma_start3A_77] : memref<256x128xf32, #tpu.memory_space<vmem>> -> memref<128x128xf32, #tpu.memory_space<vmem>>
      %dma_start3A_79 = arith.constant 0 : i32
      %dma_start3A_80 = tpu.memref_slice %arg6[%add3A_21, %dma_start3A_79] : memref<10240x128xf32, #tpu.memory_space<vmem_shared>> -> memref<128x128xf32, #tpu.memory_space<vmem_shared>>
      %dma_start3A_81 = arith.constant 0 : i32
      %dma_start3A_82 = tpu.memref_slice %arg6[%add3A_21, %dma_start3A_81] : memref<10240x128xf32, #tpu.memory_space<vmem_shared>> -> memref<128x128xf32, #tpu.memory_space<vmem_shared>>
      %dma_start3A_83 = arith.constant 0 : i32
      %dma_start3A_84 = arith.constant 0 : i32
      %dma_start3A_85 = tpu.memref_slice %arg7[%dma_start3A_83, %dma_start3A_84] : memref<256x128xf32, #tpu.memory_space<vmem>> -> memref<128x128xf32, #tpu.memory_space<vmem>>
      tpu.enqueue_dma source(%dma_start3A_85 : memref<128x128xf32, #tpu.memory_space<vmem>>) target(%dma_start3A_82 : memref<128x128xf32, #tpu.memory_space<vmem_shared>>) target_semaphore(%run_scoped3A_75 : memref<!tpu.dma_semaphore, #tpu.memory_space<semaphore_mem>>)
      %dma_wait3A_86 = arith.constant 0 : i32
      %dma_wait3A_87 = arith.constant 0 : i32
      %dma_wait3A_88 = tpu.memref_slice %arg7[%dma_wait3A_86, %dma_wait3A_87] : memref<256x128xf32, #tpu.memory_space<vmem>> -> memref<128x128xf32, #tpu.memory_space<vmem>>
      %dma_wait3A_89 = arith.constant 0 : i32
      %dma_wait3A_90 = tpu.memref_slice %arg6[%add3A_21, %dma_wait3A_89] : memref<10240x128xf32, #tpu.memory_space<vmem_shared>> -> memref<128x128xf32, #tpu.memory_space<vmem_shared>>
      %dma_wait3A_91 = arith.constant 0 : i32
      %dma_wait3A_92 = tpu.memref_slice %arg6[%add3A_21, %dma_wait3A_91] : memref<10240x128xf32, #tpu.memory_space<vmem_shared>> -> memref<128x128xf32, #tpu.memory_space<vmem_shared>>
      %dma_wait3A_93 = arith.constant 0 : i32
      %dma_wait3A_94 = arith.constant 0 : i32
      %dma_wait3A_95 = tpu.memref_slice %arg7[%dma_wait3A_93, %dma_wait3A_94] : memref<256x128xf32, #tpu.memory_space<vmem>> -> memref<128x128xf32, #tpu.memory_space<vmem>>
      tpu.wait_dma2 semaphore(%run_scoped3A_75 : memref<!tpu.dma_semaphore, #tpu.memory_space<semaphore_mem>>) src(%dma_wait3A_95 : memref<128x128xf32, #tpu.memory_space<vmem>>) dst(%dma_wait3A_92 : memref<128x128xf32, #tpu.memory_space<vmem_shared>>)
      tpu.yield
    }) : () -> ()
    %mul3A_22 = arith.constant 640 : i32
    %mul3A_23 = arith.muli %arg1, %mul3A_22 : i32
    %add3A_24 = arith.constant 512 : i32
    %add3A_25 = arith.addi %mul3A_23, %add3A_24 : i32
    "tpu.region"() ({
      %run_scoped3A_75 = tpu.sem_alloc : memref<!tpu.dma_semaphore, #tpu.memory_space<semaphore_mem>>
      %dma_start3A_76 = arith.constant 0 : i32
      %dma_start3A_77 = arith.constant 0 : i32
      %dma_start3A_78 = tpu.memref_slice %arg7[%dma_start3A_76, %dma_start3A_77] : memref<256x128xf32, #tpu.memory_space<vmem>> -> memref<128x128xf32, #tpu.memory_space<vmem>>
      %dma_start3A_79 = arith.constant 0 : i32
      %dma_start3A_80 = tpu.memref_slice %arg6[%add3A_25, %dma_start3A_79] : memref<10240x128xf32, #tpu.memory_space<vmem_shared>> -> memref<128x128xf32, #tpu.memory_space<vmem_shared>>
      %dma_start3A_81 = arith.constant 0 : i32
      %dma_start3A_82 = tpu.memref_slice %arg6[%add3A_25, %dma_start3A_81] : memref<10240x128xf32, #tpu.memory_space<vmem_shared>> -> memref<128x128xf32, #tpu.memory_space<vmem_shared>>
      %dma_start3A_83 = arith.constant 0 : i32
      %dma_start3A_84 = arith.constant 0 : i32
      %dma_start3A_85 = tpu.memref_slice %arg7[%dma_start3A_83, %dma_start3A_84] : memref<256x128xf32, #tpu.memory_space<vmem>> -> memref<128x128xf32, #tpu.memory_space<vmem>>
      tpu.enqueue_dma source(%dma_start3A_85 : memref<128x128xf32, #tpu.memory_space<vmem>>) target(%dma_start3A_82 : memref<128x128xf32, #tpu.memory_space<vmem_shared>>) target_semaphore(%run_scoped3A_75 : memref<!tpu.dma_semaphore, #tpu.memory_space<semaphore_mem>>)
      %dma_wait3A_86 = arith.constant 0 : i32
      %dma_wait3A_87 = arith.constant 0 : i32
      %dma_wait3A_88 = tpu.memref_slice %arg7[%dma_wait3A_86, %dma_wait3A_87] : memref<256x128xf32, #tpu.memory_space<vmem>> -> memref<128x128xf32, #tpu.memory_space<vmem>>
      %dma_wait3A_89 = arith.constant 0 : i32
      %dma_wait3A_90 = tpu.memref_slice %arg6[%add3A_25, %dma_wait3A_89] : memref<10240x128xf32, #tpu.memory_space<vmem_shared>> -> memref<128x128xf32, #tpu.memory_space<vmem_shared>>
      %dma_wait3A_91 = arith.constant 0 : i32
      %dma_wait3A_92 = tpu.memref_slice %arg6[%add3A_25, %dma_wait3A_91] : memref<10240x128xf32, #tpu.memory_space<vmem_shared>> -> memref<128x128xf32, #tpu.memory_space<vmem_shared>>
      %dma_wait3A_93 = arith.constant 0 : i32
      %dma_wait3A_94 = arith.constant 0 : i32
      %dma_wait3A_95 = tpu.memref_slice %arg7[%dma_wait3A_93, %dma_wait3A_94] : memref<256x128xf32, #tpu.memory_space<vmem>> -> memref<128x128xf32, #tpu.memory_space<vmem>>
      tpu.wait_dma2 semaphore(%run_scoped3A_75 : memref<!tpu.dma_semaphore, #tpu.memory_space<semaphore_mem>>) src(%dma_wait3A_95 : memref<128x128xf32, #tpu.memory_space<vmem>>) dst(%dma_wait3A_92 : memref<128x128xf32, #tpu.memory_space<vmem_shared>>)
      tpu.yield
    }) : () -> ()
    %barrier3A = arith.constant 0 : index
    tpu.barrier barrier_id(%barrier3A)
    %mul3A_26 = arith.constant 10000 : i32
    %mul3A_27 = arith.muli %add3A, %mul3A_26 : i32
    %scan3A_28 = arith.constant 0 : i32
    %scan3A_29 = arith.constant 0 : i32
    %scan3A_30 = arith.constant 39 : i32
    %scan3A_31 = arith.addi %scan3A_29, %scan3A_30 : i32
    %scan3A_32 = arith.constant 1 : i32
    scf.for %scan3A_75 = %scan3A_29 to %scan3A_31 step %scan3A_32  : i32 {
      %mul3A_76 = arith.constant 256 : i32
      %mul3A_77 = arith.muli %scan3A_75, %mul3A_76 : i32
      %add3A_78 = arith.addi %mul3A_27, %mul3A_77 : i32
      %multiple_of3A_79 = tpu.assume_multiple %add3A_78, 8 : i32
      %dma_start3A_80 = arith.constant 0 : i32
      %dma_start3A_81 = tpu.memref_slice %arg8[%dma_start3A_80] : memref<256xi32, #tpu.memory_space<vmem>> -> memref<256xi32, #tpu.memory_space<vmem>>
      %dma_start3A_82 = tpu.memref_slice %arg3[%multiple_of3A_79] : memref<320000xi32, #tpu.memory_space<hbm>> -> memref<256xi32, #tpu.memory_space<hbm>>
      %dma_start3A_83 = arith.constant 0 : i32
      %dma_start3A_84 = tpu.memref_slice %arg8[%dma_start3A_83] : memref<256xi32, #tpu.memory_space<vmem>> -> memref<256xi32, #tpu.memory_space<vmem>>
      %dma_start3A_85 = tpu.memref_slice %arg3[%multiple_of3A_79] : memref<320000xi32, #tpu.memory_space<hbm>> -> memref<256xi32, #tpu.memory_space<hbm>>
      tpu.enqueue_dma source(%dma_start3A_85 : memref<256xi32, #tpu.memory_space<hbm>>) target(%dma_start3A_84 : memref<256xi32, #tpu.memory_space<vmem>>) target_semaphore(%arg10 : memref<!tpu.dma_semaphore, #tpu.memory_space<semaphore_mem>>)
      %add3A_86 = arith.constant 0 : i32
      %add3A_87 = arith.addi %multiple_of3A_79, %add3A_86 : i32
      %dma_start3A_88 = arith.constant 0 : i32
      %dma_start3A_89 = arith.constant 0 : i32
      %dma_start3A_90 = tpu.memref_slice %arg9[%dma_start3A_88, %dma_start3A_89] : memref<2x128xi32, #tpu.memory_space<vmem>> -> memref<1x128xi32, #tpu.memory_space<vmem>>
      %dma_start3A_91 = tpu.memref_squeeze %dma_start3A_90 : memref<1x128xi32, #tpu.memory_space<vmem>> -> memref<128xi32, #tpu.memory_space<vmem>>
      %dma_start3A_92 = tpu.memref_slice %arg4[%add3A_87] : memref<320000xi32, #tpu.memory_space<hbm>> -> memref<128xi32, #tpu.memory_space<hbm>>
      %dma_start3A_93 = arith.constant 0 : i32
      %dma_start3A_94 = tpu.memref_slice %arg9[%dma_start3A_88, %dma_start3A_93] : memref<2x128xi32, #tpu.memory_space<vmem>> -> memref<1x128xi32, #tpu.memory_space<vmem>>
      %dma_start3A_95 = tpu.memref_squeeze %dma_start3A_94 : memref<1x128xi32, #tpu.memory_space<vmem>> -> memref<128xi32, #tpu.memory_space<vmem>>
      %dma_start3A_96 = tpu.memref_slice %arg4[%add3A_87] : memref<320000xi32, #tpu.memory_space<hbm>> -> memref<128xi32, #tpu.memory_space<hbm>>
      tpu.enqueue_dma source(%dma_start3A_96 : memref<128xi32, #tpu.memory_space<hbm>>) target(%dma_start3A_95 : memref<128xi32, #tpu.memory_space<vmem>>) target_semaphore(%arg10 : memref<!tpu.dma_semaphore, #tpu.memory_space<semaphore_mem>>)
      %add3A_97 = arith.constant 128 : i32
      %add3A_98 = arith.addi %multiple_of3A_79, %add3A_97 : i32
      %dma_start3A_99 = arith.constant 1 : i32
      %dma_start3A_100 = arith.constant 0 : i32
      %dma_start3A_101 = tpu.memref_slice %arg9[%dma_start3A_99, %dma_start3A_100] : memref<2x128xi32, #tpu.memory_space<vmem>> -> memref<1x128xi32, #tpu.memory_space<vmem>>
      %dma_start3A_102 = tpu.memref_squeeze %dma_start3A_101 : memref<1x128xi32, #tpu.memory_space<vmem>> -> memref<128xi32, #tpu.memory_space<vmem>>
      %dma_start3A_103 = tpu.memref_slice %arg4[%add3A_98] : memref<320000xi32, #tpu.memory_space<hbm>> -> memref<128xi32, #tpu.memory_space<hbm>>
      %dma_start3A_104 = arith.constant 0 : i32
      %dma_start3A_105 = tpu.memref_slice %arg9[%dma_start3A_99, %dma_start3A_104] : memref<2x128xi32, #tpu.memory_space<vmem>> -> memref<1x128xi32, #tpu.memory_space<vmem>>
      %dma_start3A_106 = tpu.memref_squeeze %dma_start3A_105 : memref<1x128xi32, #tpu.memory_space<vmem>> -> memref<128xi32, #tpu.memory_space<vmem>>
      %dma_start3A_107 = tpu.memref_slice %arg4[%add3A_98] : memref<320000xi32, #tpu.memory_space<hbm>> -> memref<128xi32, #tpu.memory_space<hbm>>
      tpu.enqueue_dma source(%dma_start3A_107 : memref<128xi32, #tpu.memory_space<hbm>>) target(%dma_start3A_106 : memref<128xi32, #tpu.memory_space<vmem>>) target_semaphore(%arg10 : memref<!tpu.dma_semaphore, #tpu.memory_space<semaphore_mem>>)
      %dma_wait3A_108 = arith.constant 0 : i32
      %dma_wait3A_109 = tpu.memref_slice %arg8[%dma_wait3A_108] : memref<256xi32, #tpu.memory_space<vmem>> -> memref<256xi32, #tpu.memory_space<vmem>>
      %dma_wait3A_110 = tpu.memref_slice %arg3[%multiple_of3A_79] : memref<320000xi32, #tpu.memory_space<hbm>> -> memref<256xi32, #tpu.memory_space<hbm>>
      %dma_wait3A_111 = arith.constant 0 : i32
      %dma_wait3A_112 = tpu.memref_slice %arg8[%dma_wait3A_111] : memref<256xi32, #tpu.memory_space<vmem>> -> memref<256xi32, #tpu.memory_space<vmem>>
      %dma_wait3A_113 = tpu.memref_slice %arg3[%multiple_of3A_79] : memref<320000xi32, #tpu.memory_space<hbm>> -> memref<256xi32, #tpu.memory_space<hbm>>
      tpu.wait_dma2 semaphore(%arg10 : memref<!tpu.dma_semaphore, #tpu.memory_space<semaphore_mem>>) src(%dma_wait3A_113 : memref<256xi32, #tpu.memory_space<hbm>>) dst(%dma_wait3A_112 : memref<256xi32, #tpu.memory_space<vmem>>)
      %dma_wait3A_114 = arith.constant 0 : i32
      %dma_wait3A_115 = arith.constant 0 : i32
      %dma_wait3A_116 = tpu.memref_slice %arg9[%dma_wait3A_114, %dma_wait3A_115] : memref<2x128xi32, #tpu.memory_space<vmem>> -> memref<1x128xi32, #tpu.memory_space<vmem>>
      %dma_wait3A_117 = tpu.memref_squeeze %dma_wait3A_116 : memref<1x128xi32, #tpu.memory_space<vmem>> -> memref<128xi32, #tpu.memory_space<vmem>>
      %dma_wait3A_118 = tpu.memref_slice %arg4[%add3A_87] : memref<320000xi32, #tpu.memory_space<hbm>> -> memref<128xi32, #tpu.memory_space<hbm>>
      %dma_wait3A_119 = arith.constant 0 : i32
      %dma_wait3A_120 = tpu.memref_slice %arg9[%dma_wait3A_114, %dma_wait3A_119] : memref<2x128xi32, #tpu.memory_space<vmem>> -> memref<1x128xi32, #tpu.memory_space<vmem>>
      %dma_wait3A_121 = tpu.memref_squeeze %dma_wait3A_120 : memref<1x128xi32, #tpu.memory_space<vmem>> -> memref<128xi32, #tpu.memory_space<vmem>>
      %dma_wait3A_122 = tpu.memref_slice %arg4[%add3A_87] : memref<320000xi32, #tpu.memory_space<hbm>> -> memref<128xi32, #tpu.memory_space<hbm>>
      tpu.wait_dma2 semaphore(%arg10 : memref<!tpu.dma_semaphore, #tpu.memory_space<semaphore_mem>>) src(%dma_wait3A_122 : memref<128xi32, #tpu.memory_space<hbm>>) dst(%dma_wait3A_121 : memref<128xi32, #tpu.memory_space<vmem>>)
      %dma_wait3A_123 = arith.constant 1 : i32
      %dma_wait3A_124 = arith.constant 0 : i32
      %dma_wait3A_125 = tpu.memref_slice %arg9[%dma_wait3A_123, %dma_wait3A_124] : memref<2x128xi32, #tpu.memory_space<vmem>> -> memref<1x128xi32, #tpu.memory_space<vmem>>
      %dma_wait3A_126 = tpu.memref_squeeze %dma_wait3A_125 : memref<1x128xi32, #tpu.memory_space<vmem>> -> memref<128xi32, #tpu.memory_space<vmem>>
      %dma_wait3A_127 = tpu.memref_slice %arg4[%add3A_98] : memref<320000xi32, #tpu.memory_space<hbm>> -> memref<128xi32, #tpu.memory_space<hbm>>
      %dma_wait3A_128 = arith.constant 0 : i32
      %dma_wait3A_129 = tpu.memref_slice %arg9[%dma_wait3A_123, %dma_wait3A_128] : memref<2x128xi32, #tpu.memory_space<vmem>> -> memref<1x128xi32, #tpu.memory_space<vmem>>
      %dma_wait3A_130 = tpu.memref_squeeze %dma_wait3A_129 : memref<1x128xi32, #tpu.memory_space<vmem>> -> memref<128xi32, #tpu.memory_space<vmem>>
      %dma_wait3A_131 = tpu.memref_slice %arg4[%add3A_98] : memref<320000xi32, #tpu.memory_space<hbm>> -> memref<128xi32, #tpu.memory_space<hbm>>
      tpu.wait_dma2 semaphore(%arg10 : memref<!tpu.dma_semaphore, #tpu.memory_space<semaphore_mem>>) src(%dma_wait3A_131 : memref<128xi32, #tpu.memory_space<hbm>>) dst(%dma_wait3A_130 : memref<128xi32, #tpu.memory_space<vmem>>)
      %dma_start3A_132 = arith.constant 0 : i32
      %dma_start3A_133 = arith.constant 0 : i32
      %dma_start3A_134 = tpu.memref_slice %arg7[%dma_start3A_132, %dma_start3A_133] : memref<256x128xf32, #tpu.memory_space<vmem>> -> memref<128x128xf32, #tpu.memory_space<vmem>>
      %dma_start3A_135 = arith.constant 0 : i32
      %dma_start3A_136 = tpu.memref_slice %arg8[%dma_start3A_135] : memref<256xi32, #tpu.memory_space<vmem>> -> memref<128xi32, #tpu.memory_space<vmem>>
      %dma_start3A_137 = arith.constant 0 : i32
      %dma_start3A_138 = arith.constant 0 : i32
      %dma_start3A_139 = tpu.memref_slice %arg2[%dma_start3A_137, %dma_start3A_138] : memref<10000x128xf32, #tpu.memory_space<hbm>> -> memref<10000x128xf32, #tpu.memory_space<hbm>>
      tpu.enqueue_indirect_dma source(%dma_start3A_139 : memref<10000x128xf32, #tpu.memory_space<hbm>>) target(%dma_start3A_134 : memref<128x128xf32, #tpu.memory_space<vmem>>) offsets(%dma_start3A_136 : memref<128xi32, #tpu.memory_space<vmem>>) semaphore(%arg11 : memref<!tpu.dma_semaphore, #tpu.memory_space<semaphore_mem>>)
      %dma_start3A_140 = arith.constant 128 : i32
      %dma_start3A_141 = arith.constant 0 : i32
      %dma_start3A_142 = tpu.memref_slice %arg7[%dma_start3A_140, %dma_start3A_141] : memref<256x128xf32, #tpu.memory_space<vmem>> -> memref<128x128xf32, #tpu.memory_space<vmem>>
      %dma_start3A_143 = arith.constant 128 : i32
      %dma_start3A_144 = tpu.memref_slice %arg8[%dma_start3A_143] : memref<256xi32, #tpu.memory_space<vmem>> -> memref<128xi32, #tpu.memory_space<vmem>>
      %dma_start3A_145 = arith.constant 0 : i32
      %dma_start3A_146 = arith.constant 0 : i32
      %dma_start3A_147 = tpu.memref_slice %arg2[%dma_start3A_145, %dma_start3A_146] : memref<10000x128xf32, #tpu.memory_space<hbm>> -> memref<10000x128xf32, #tpu.memory_space<hbm>>
      tpu.enqueue_indirect_dma source(%dma_start3A_147 : memref<10000x128xf32, #tpu.memory_space<hbm>>) target(%dma_start3A_142 : memref<128x128xf32, #tpu.memory_space<vmem>>) offsets(%dma_start3A_144 : memref<128xi32, #tpu.memory_space<vmem>>) semaphore(%arg11 : memref<!tpu.dma_semaphore, #tpu.memory_space<semaphore_mem>>)
      %dma_wait3A_148 = arith.constant 0 : i32
      %dma_wait3A_149 = arith.constant 0 : i32
      %dma_wait3A_150 = tpu.memref_slice %arg7[%dma_wait3A_148, %dma_wait3A_149] : memref<256x128xf32, #tpu.memory_space<vmem>> -> memref<128x128xf32, #tpu.memory_space<vmem>>
      %dma_wait3A_151 = arith.constant 0 : i32
      %dma_wait3A_152 = tpu.memref_slice %arg8[%dma_wait3A_151] : memref<256xi32, #tpu.memory_space<vmem>> -> memref<128xi32, #tpu.memory_space<vmem>>
      %dma_wait3A_153 = arith.constant 0 : i32
      %dma_wait3A_154 = arith.constant 0 : i32
      %dma_wait3A_155 = tpu.memref_slice %arg2[%dma_wait3A_153, %dma_wait3A_154] : memref<10000x128xf32, #tpu.memory_space<hbm>> -> memref<10000x128xf32, #tpu.memory_space<hbm>>
      tpu.wait_indirect_dma semaphore(%arg11 : memref<!tpu.dma_semaphore, #tpu.memory_space<semaphore_mem>>) src(%dma_wait3A_155 : memref<10000x128xf32, #tpu.memory_space<hbm>>) dst(%dma_wait3A_150 : memref<128x128xf32, #tpu.memory_space<vmem>>)
      %dma_wait3A_156 = arith.constant 128 : i32
      %dma_wait3A_157 = arith.constant 0 : i32
      %dma_wait3A_158 = tpu.memref_slice %arg7[%dma_wait3A_156, %dma_wait3A_157] : memref<256x128xf32, #tpu.memory_space<vmem>> -> memref<128x128xf32, #tpu.memory_space<vmem>>
      %dma_wait3A_159 = arith.constant 128 : i32
      %dma_wait3A_160 = tpu.memref_slice %arg8[%dma_wait3A_159] : memref<256xi32, #tpu.memory_space<vmem>> -> memref<128xi32, #tpu.memory_space<vmem>>
      %dma_wait3A_161 = arith.constant 0 : i32
      %dma_wait3A_162 = arith.constant 0 : i32
      %dma_wait3A_163 = tpu.memref_slice %arg2[%dma_wait3A_161, %dma_wait3A_162] : memref<10000x128xf32, #tpu.memory_space<hbm>> -> memref<10000x128xf32, #tpu.memory_space<hbm>>
      tpu.wait_indirect_dma semaphore(%arg11 : memref<!tpu.dma_semaphore, #tpu.memory_space<semaphore_mem>>) src(%dma_wait3A_163 : memref<10000x128xf32, #tpu.memory_space<hbm>>) dst(%dma_wait3A_158 : memref<128x128xf32, #tpu.memory_space<vmem>>)
      %dma_start3A_164 = arith.constant 0 : i32
      %dma_start3A_165 = arith.constant 0 : i32
      %dma_start3A_166 = arith.constant 0 : i32
      %dma_start3A_167 = tpu.memref_slice %arg7[%dma_start3A_165, %dma_start3A_166] : memref<256x128xf32, #tpu.memory_space<vmem>> -> memref<128x128xf32, #tpu.memory_space<vmem>>
      %dma_start3A_168 = arith.constant 0 : i32
      %dma_start3A_169 = tpu.memref_slice %arg9[%dma_start3A_164, %dma_start3A_168] : memref<2x128xi32, #tpu.memory_space<vmem>> -> memref<1x128xi32, #tpu.memory_space<vmem>>
      %dma_start3A_170 = tpu.memref_squeeze %dma_start3A_169 : memref<1x128xi32, #tpu.memory_space<vmem>> -> memref<128xi32, #tpu.memory_space<vmem>>
      %dma_start3A_171 = arith.constant 0 : i32
      %dma_start3A_172 = arith.constant 0 : i32
      %dma_start3A_173 = tpu.memref_slice %arg6[%dma_start3A_171, %dma_start3A_172] : memref<10240x128xf32, #tpu.memory_space<vmem_shared>> -> memref<10240x128xf32, #tpu.memory_space<vmem_shared>>
      tpu.enqueue_indirect_dma source(%dma_start3A_167 : memref<128x128xf32, #tpu.memory_space<vmem>>) target(%dma_start3A_173 : memref<10240x128xf32, #tpu.memory_space<vmem_shared>>) offsets(%dma_start3A_170 : memref<128xi32, #tpu.memory_space<vmem>>) semaphore(%arg12 : memref<!tpu.dma_semaphore, #tpu.memory_space<semaphore_mem>>) {add = true}
      %dma_wait3A_174 = arith.constant 0 : i32
      %dma_wait3A_175 = arith.constant 0 : i32
      %dma_wait3A_176 = arith.constant 0 : i32
      %dma_wait3A_177 = tpu.memref_slice %arg7[%dma_wait3A_175, %dma_wait3A_176] : memref<256x128xf32, #tpu.memory_space<vmem>> -> memref<128x128xf32, #tpu.memory_space<vmem>>
      %dma_wait3A_178 = arith.constant 0 : i32
      %dma_wait3A_179 = tpu.memref_slice %arg9[%dma_wait3A_174, %dma_wait3A_178] : memref<2x128xi32, #tpu.memory_space<vmem>> -> memref<1x128xi32, #tpu.memory_space<vmem>>
      %dma_wait3A_180 = tpu.memref_squeeze %dma_wait3A_179 : memref<1x128xi32, #tpu.memory_space<vmem>> -> memref<128xi32, #tpu.memory_space<vmem>>
      %dma_wait3A_181 = arith.constant 0 : i32
      %dma_wait3A_182 = arith.constant 0 : i32
      %dma_wait3A_183 = tpu.memref_slice %arg6[%dma_wait3A_181, %dma_wait3A_182] : memref<10240x128xf32, #tpu.memory_space<vmem_shared>> -> memref<10240x128xf32, #tpu.memory_space<vmem_shared>>
      tpu.wait_indirect_dma semaphore(%arg12 : memref<!tpu.dma_semaphore, #tpu.memory_space<semaphore_mem>>) src(%dma_wait3A_177 : memref<128x128xf32, #tpu.memory_space<vmem>>) dst(%dma_wait3A_183 : memref<10240x128xf32, #tpu.memory_space<vmem_shared>>)
      %dma_start3A_184 = arith.constant 1 : i32
      %dma_start3A_185 = arith.constant 128 : i32
      %dma_start3A_186 = arith.constant 0 : i32
      %dma_start3A_187 = tpu.memref_slice %arg7[%dma_start3A_185, %dma_start3A_186] : memref<256x128xf32, #tpu.memory_space<vmem>> -> memref<128x128xf32, #tpu.memory_space<vmem>>
      %dma_start3A_188 = arith.constant 0 : i32
      %dma_start3A_189 = tpu.memref_slice %arg9[%dma_start3A_184, %dma_start3A_188] : memref<2x128xi32, #tpu.memory_space<vmem>> -> memref<1x128xi32, #tpu.memory_space<vmem>>
      %dma_start3A_190 = tpu.memref_squeeze %dma_start3A_189 : memref<1x128xi32, #tpu.memory_space<vmem>> -> memref<128xi32, #tpu.memory_space<vmem>>
      %dma_start3A_191 = arith.constant 0 : i32
      %dma_start3A_192 = arith.constant 0 : i32
      %dma_start3A_193 = tpu.memref_slice %arg6[%dma_start3A_191, %dma_start3A_192] : memref<10240x128xf32, #tpu.memory_space<vmem_shared>> -> memref<10240x128xf32, #tpu.memory_space<vmem_shared>>
      tpu.enqueue_indirect_dma source(%dma_start3A_187 : memref<128x128xf32, #tpu.memory_space<vmem>>) target(%dma_start3A_193 : memref<10240x128xf32, #tpu.memory_space<vmem_shared>>) offsets(%dma_start3A_190 : memref<128xi32, #tpu.memory_space<vmem>>) semaphore(%arg12 : memref<!tpu.dma_semaphore, #tpu.memory_space<semaphore_mem>>) {add = true}
      %dma_wait3A_194 = arith.constant 1 : i32
      %dma_wait3A_195 = arith.constant 128 : i32
      %dma_wait3A_196 = arith.constant 0 : i32
      %dma_wait3A_197 = tpu.memref_slice %arg7[%dma_wait3A_195, %dma_wait3A_196] : memref<256x128xf32, #tpu.memory_space<vmem>> -> memref<128x128xf32, #tpu.memory_space<vmem>>
      %dma_wait3A_198 = arith.constant 0 : i32
      %dma_wait3A_199 = tpu.memref_slice %arg9[%dma_wait3A_194, %dma_wait3A_198] : memref<2x128xi32, #tpu.memory_space<vmem>> -> memref<1x128xi32, #tpu.memory_space<vmem>>
      %dma_wait3A_200 = tpu.memref_squeeze %dma_wait3A_199 : memref<1x128xi32, #tpu.memory_space<vmem>> -> memref<128xi32, #tpu.memory_space<vmem>>
      %dma_wait3A_201 = arith.constant 0 : i32
      %dma_wait3A_202 = arith.constant 0 : i32
      %dma_wait3A_203 = tpu.memref_slice %arg6[%dma_wait3A_201, %dma_wait3A_202] : memref<10240x128xf32, #tpu.memory_space<vmem_shared>> -> memref<10240x128xf32, #tpu.memory_space<vmem_shared>>
      tpu.wait_indirect_dma semaphore(%arg12 : memref<!tpu.dma_semaphore, #tpu.memory_space<semaphore_mem>>) src(%dma_wait3A_197 : memref<128x128xf32, #tpu.memory_space<vmem>>) dst(%dma_wait3A_203 : memref<10240x128xf32, #tpu.memory_space<vmem_shared>>)
    }
    %scan3A_33 = arith.constant 39 : i32
    %add3A_34 = arith.constant 9984 : i32
    %add3A_35 = arith.addi %mul3A_27, %add3A_34 : i32
    %multiple_of3A = tpu.assume_multiple %add3A_35, 8 : i32
    "tpu.region"() ({
      %run_scoped3A_75 = tpu.sem_alloc : memref<!tpu.dma_semaphore, #tpu.memory_space<semaphore_mem>>
      %dma_start3A_76 = arith.constant 0 : i32
      %dma_start3A_77 = tpu.memref_slice %arg8[%dma_start3A_76] : memref<256xi32, #tpu.memory_space<vmem>> -> memref<16xi32, #tpu.memory_space<vmem>>
      %dma_start3A_78 = tpu.memref_slice %arg3[%multiple_of3A] : memref<320000xi32, #tpu.memory_space<hbm>> -> memref<16xi32, #tpu.memory_space<hbm>>
      %dma_start3A_79 = arith.constant 0 : i32
      %dma_start3A_80 = tpu.memref_slice %arg8[%dma_start3A_79] : memref<256xi32, #tpu.memory_space<vmem>> -> memref<16xi32, #tpu.memory_space<vmem>>
      %dma_start3A_81 = tpu.memref_slice %arg3[%multiple_of3A] : memref<320000xi32, #tpu.memory_space<hbm>> -> memref<16xi32, #tpu.memory_space<hbm>>
      tpu.enqueue_dma source(%dma_start3A_81 : memref<16xi32, #tpu.memory_space<hbm>>) target(%dma_start3A_80 : memref<16xi32, #tpu.memory_space<vmem>>) target_semaphore(%run_scoped3A_75 : memref<!tpu.dma_semaphore, #tpu.memory_space<semaphore_mem>>)
      %dma_wait3A_82 = arith.constant 0 : i32
      %dma_wait3A_83 = tpu.memref_slice %arg8[%dma_wait3A_82] : memref<256xi32, #tpu.memory_space<vmem>> -> memref<16xi32, #tpu.memory_space<vmem>>
      %dma_wait3A_84 = tpu.memref_slice %arg3[%multiple_of3A] : memref<320000xi32, #tpu.memory_space<hbm>> -> memref<16xi32, #tpu.memory_space<hbm>>
      %dma_wait3A_85 = arith.constant 0 : i32
      %dma_wait3A_86 = tpu.memref_slice %arg8[%dma_wait3A_85] : memref<256xi32, #tpu.memory_space<vmem>> -> memref<16xi32, #tpu.memory_space<vmem>>
      %dma_wait3A_87 = tpu.memref_slice %arg3[%multiple_of3A] : memref<320000xi32, #tpu.memory_space<hbm>> -> memref<16xi32, #tpu.memory_space<hbm>>
      tpu.wait_dma2 semaphore(%run_scoped3A_75 : memref<!tpu.dma_semaphore, #tpu.memory_space<semaphore_mem>>) src(%dma_wait3A_87 : memref<16xi32, #tpu.memory_space<hbm>>) dst(%dma_wait3A_86 : memref<16xi32, #tpu.memory_space<vmem>>)
      tpu.yield
    }) : () -> ()
    %run_scoped3A = arith.constant 0 : i32
    "tpu.region"() ({
      %run_scoped3A_75 = tpu.sem_alloc : memref<!tpu.dma_semaphore, #tpu.memory_space<semaphore_mem>>
      %dma_start3A_76 = arith.constant 0 : i32
      %dma_start3A_77 = tpu.memref_slice %arg9[%run_scoped3A, %dma_start3A_76] : memref<2x128xi32, #tpu.memory_space<vmem>> -> memref<1x16xi32, #tpu.memory_space<vmem>>
      %dma_start3A_78 = tpu.memref_squeeze %dma_start3A_77 : memref<1x16xi32, #tpu.memory_space<vmem>> -> memref<16xi32, #tpu.memory_space<vmem>>
      %dma_start3A_79 = tpu.memref_slice %arg4[%multiple_of3A] : memref<320000xi32, #tpu.memory_space<hbm>> -> memref<16xi32, #tpu.memory_space<hbm>>
      %dma_start3A_80 = arith.constant 0 : i32
      %dma_start3A_81 = tpu.memref_slice %arg9[%run_scoped3A, %dma_start3A_80] : memref<2x128xi32, #tpu.memory_space<vmem>> -> memref<1x16xi32, #tpu.memory_space<vmem>>
      %dma_start3A_82 = tpu.memref_squeeze %dma_start3A_81 : memref<1x16xi32, #tpu.memory_space<vmem>> -> memref<16xi32, #tpu.memory_space<vmem>>
      %dma_start3A_83 = tpu.memref_slice %arg4[%multiple_of3A] : memref<320000xi32, #tpu.memory_space<hbm>> -> memref<16xi32, #tpu.memory_space<hbm>>
      tpu.enqueue_dma source(%dma_start3A_83 : memref<16xi32, #tpu.memory_space<hbm>>) target(%dma_start3A_82 : memref<16xi32, #tpu.memory_space<vmem>>) target_semaphore(%run_scoped3A_75 : memref<!tpu.dma_semaphore, #tpu.memory_space<semaphore_mem>>)
      %dma_wait3A_84 = arith.constant 0 : i32
      %dma_wait3A_85 = tpu.memref_slice %arg9[%run_scoped3A, %dma_wait3A_84] : memref<2x128xi32, #tpu.memory_space<vmem>> -> memref<1x16xi32, #tpu.memory_space<vmem>>
      %dma_wait3A_86 = tpu.memref_squeeze %dma_wait3A_85 : memref<1x16xi32, #tpu.memory_space<vmem>> -> memref<16xi32, #tpu.memory_space<vmem>>
      %dma_wait3A_87 = tpu.memref_slice %arg4[%multiple_of3A] : memref<320000xi32, #tpu.memory_space<hbm>> -> memref<16xi32, #tpu.memory_space<hbm>>
      %dma_wait3A_88 = arith.constant 0 : i32
      %dma_wait3A_89 = tpu.memref_slice %arg9[%run_scoped3A, %dma_wait3A_88] : memref<2x128xi32, #tpu.memory_space<vmem>> -> memref<1x16xi32, #tpu.memory_space<vmem>>
      %dma_wait3A_90 = tpu.memref_squeeze %dma_wait3A_89 : memref<1x16xi32, #tpu.memory_space<vmem>> -> memref<16xi32, #tpu.memory_space<vmem>>
      %dma_wait3A_91 = tpu.memref_slice %arg4[%multiple_of3A] : memref<320000xi32, #tpu.memory_space<hbm>> -> memref<16xi32, #tpu.memory_space<hbm>>
      tpu.wait_dma2 semaphore(%run_scoped3A_75 : memref<!tpu.dma_semaphore, #tpu.memory_space<semaphore_mem>>) src(%dma_wait3A_91 : memref<16xi32, #tpu.memory_space<hbm>>) dst(%dma_wait3A_90 : memref<16xi32, #tpu.memory_space<vmem>>)
      tpu.yield
    }) : () -> ()
    %dma_start3A = arith.constant 0 : i32
    %dma_start3A_36 = arith.constant 0 : i32
    %dma_start3A_37 = tpu.memref_slice %arg7[%dma_start3A, %dma_start3A_36] : memref<256x128xf32, #tpu.memory_space<vmem>> -> memref<16x128xf32, #tpu.memory_space<vmem>>
    %dma_start3A_38 = arith.constant 0 : i32
    %dma_start3A_39 = tpu.memref_slice %arg8[%dma_start3A_38] : memref<256xi32, #tpu.memory_space<vmem>> -> memref<16xi32, #tpu.memory_space<vmem>>
    %dma_start3A_40 = arith.constant 0 : i32
    %dma_start3A_41 = arith.constant 0 : i32
    %dma_start3A_42 = tpu.memref_slice %arg2[%dma_start3A_40, %dma_start3A_41] : memref<10000x128xf32, #tpu.memory_space<hbm>> -> memref<10000x128xf32, #tpu.memory_space<hbm>>
    tpu.enqueue_indirect_dma source(%dma_start3A_42 : memref<10000x128xf32, #tpu.memory_space<hbm>>) target(%dma_start3A_37 : memref<16x128xf32, #tpu.memory_space<vmem>>) offsets(%dma_start3A_39 : memref<16xi32, #tpu.memory_space<vmem>>) semaphore(%arg11 : memref<!tpu.dma_semaphore, #tpu.memory_space<semaphore_mem>>)
    %dma_wait3A = arith.constant 0 : i32
    %dma_wait3A_43 = arith.constant 0 : i32
    %dma_wait3A_44 = tpu.memref_slice %arg7[%dma_wait3A, %dma_wait3A_43] : memref<256x128xf32, #tpu.memory_space<vmem>> -> memref<16x128xf32, #tpu.memory_space<vmem>>
    %dma_wait3A_45 = arith.constant 0 : i32
    %dma_wait3A_46 = tpu.memref_slice %arg8[%dma_wait3A_45] : memref<256xi32, #tpu.memory_space<vmem>> -> memref<16xi32, #tpu.memory_space<vmem>>
    %dma_wait3A_47 = arith.constant 0 : i32
    %dma_wait3A_48 = arith.constant 0 : i32
    %dma_wait3A_49 = tpu.memref_slice %arg2[%dma_wait3A_47, %dma_wait3A_48] : memref<10000x128xf32, #tpu.memory_space<hbm>> -> memref<10000x128xf32, #tpu.memory_space<hbm>>
    tpu.wait_indirect_dma semaphore(%arg11 : memref<!tpu.dma_semaphore, #tpu.memory_space<semaphore_mem>>) src(%dma_wait3A_49 : memref<10000x128xf32, #tpu.memory_space<hbm>>) dst(%dma_wait3A_44 : memref<16x128xf32, #tpu.memory_space<vmem>>)
    %dma_start3A_50 = arith.constant 0 : i32
    %dma_start3A_51 = arith.constant 0 : i32
    %dma_start3A_52 = arith.constant 0 : i32
    %dma_start3A_53 = tpu.memref_slice %arg7[%dma_start3A_51, %dma_start3A_52] : memref<256x128xf32, #tpu.memory_space<vmem>> -> memref<16x128xf32, #tpu.memory_space<vmem>>
    %dma_start3A_54 = arith.constant 0 : i32
    %dma_start3A_55 = tpu.memref_slice %arg9[%dma_start3A_50, %dma_start3A_54] : memref<2x128xi32, #tpu.memory_space<vmem>> -> memref<1x16xi32, #tpu.memory_space<vmem>>
    %dma_start3A_56 = tpu.memref_squeeze %dma_start3A_55 : memref<1x16xi32, #tpu.memory_space<vmem>> -> memref<16xi32, #tpu.memory_space<vmem>>
    %dma_start3A_57 = arith.constant 0 : i32
    %dma_start3A_58 = arith.constant 0 : i32
    %dma_start3A_59 = tpu.memref_slice %arg6[%dma_start3A_57, %dma_start3A_58] : memref<10240x128xf32, #tpu.memory_space<vmem_shared>> -> memref<10240x128xf32, #tpu.memory_space<vmem_shared>>
    tpu.enqueue_indirect_dma source(%dma_start3A_53 : memref<16x128xf32, #tpu.memory_space<vmem>>) target(%dma_start3A_59 : memref<10240x128xf32, #tpu.memory_space<vmem_shared>>) offsets(%dma_start3A_56 : memref<16xi32, #tpu.memory_space<vmem>>) semaphore(%arg12 : memref<!tpu.dma_semaphore, #tpu.memory_space<semaphore_mem>>) {add = true}
    %dma_wait3A_60 = arith.constant 0 : i32
    %dma_wait3A_61 = arith.constant 0 : i32
    %dma_wait3A_62 = arith.constant 0 : i32
    %dma_wait3A_63 = tpu.memref_slice %arg7[%dma_wait3A_61, %dma_wait3A_62] : memref<256x128xf32, #tpu.memory_space<vmem>> -> memref<16x128xf32, #tpu.memory_space<vmem>>
    %dma_wait3A_64 = arith.constant 0 : i32
    %dma_wait3A_65 = tpu.memref_slice %arg9[%dma_wait3A_60, %dma_wait3A_64] : memref<2x128xi32, #tpu.memory_space<vmem>> -> memref<1x16xi32, #tpu.memory_space<vmem>>
    %dma_wait3A_66 = tpu.memref_squeeze %dma_wait3A_65 : memref<1x16xi32, #tpu.memory_space<vmem>> -> memref<16xi32, #tpu.memory_space<vmem>>
    %dma_wait3A_67 = arith.constant 0 : i32
    %dma_wait3A_68 = arith.constant 0 : i32
    %dma_wait3A_69 = tpu.memref_slice %arg6[%dma_wait3A_67, %dma_wait3A_68] : memref<10240x128xf32, #tpu.memory_space<vmem_shared>> -> memref<10240x128xf32, #tpu.memory_space<vmem_shared>>
    tpu.wait_indirect_dma semaphore(%arg12 : memref<!tpu.dma_semaphore, #tpu.memory_space<semaphore_mem>>) src(%dma_wait3A_63 : memref<16x128xf32, #tpu.memory_space<vmem>>) dst(%dma_wait3A_69 : memref<10240x128xf32, #tpu.memory_space<vmem_shared>>)
    %barrier3A_70 = arith.constant 0 : index
    tpu.barrier barrier_id(%barrier3A_70)
    %mul3A_71 = arith.constant 640 : i32
    %mul3A_72 = arith.muli %arg1, %mul3A_71 : i32
    %mul3A_73 = arith.constant 640 : i32
    %mul3A_74 = arith.muli %arg1, %mul3A_73 : i32
    "tpu.region"() ({
      %run_scoped3A_75 = tpu.sem_alloc : memref<!tpu.dma_semaphore, #tpu.memory_space<semaphore_mem>>
      %dma_start3A_76 = arith.constant 0 : i32
      %dma_start3A_77 = tpu.memref_slice %arg5[%arg0, %mul3A_74, %dma_start3A_76] : memref<2x10240x128xf32, #tpu.memory_space<hbm>> -> memref<1x640x128xf32, #tpu.memory_space<hbm>>
      %dma_start3A_78 = tpu.memref_squeeze %dma_start3A_77 : memref<1x640x128xf32, #tpu.memory_space<hbm>> -> memref<640x128xf32, #tpu.memory_space<hbm>>
      %dma_start3A_79 = arith.constant 0 : i32
      %dma_start3A_80 = tpu.memref_slice %arg6[%mul3A_72, %dma_start3A_79] : memref<10240x128xf32, #tpu.memory_space<vmem_shared>> -> memref<640x128xf32, #tpu.memory_space<vmem_shared>>
      tpu.enqueue_dma source(%dma_start3A_80 : memref<640x128xf32, #tpu.memory_space<vmem_shared>>) target(%dma_start3A_78 : memref<640x128xf32, #tpu.memory_space<hbm>>) target_semaphore(%run_scoped3A_75 : memref<!tpu.dma_semaphore, #tpu.memory_space<semaphore_mem>>)
      %dma_wait3A_81 = arith.constant 0 : i32
      %dma_wait3A_82 = tpu.memref_slice %arg5[%arg0, %mul3A_74, %dma_wait3A_81] : memref<2x10240x128xf32, #tpu.memory_space<hbm>> -> memref<1x640x128xf32, #tpu.memory_space<hbm>>
      %dma_wait3A_83 = tpu.memref_squeeze %dma_wait3A_82 : memref<1x640x128xf32, #tpu.memory_space<hbm>> -> memref<640x128xf32, #tpu.memory_space<hbm>>
      %dma_wait3A_84 = arith.constant 0 : i32
      %dma_wait3A_85 = tpu.memref_slice %arg6[%mul3A_72, %dma_wait3A_84] : memref<10240x128xf32, #tpu.memory_space<vmem_shared>> -> memref<640x128xf32, #tpu.memory_space<vmem_shared>>
      tpu.wait_dma2 semaphore(%run_scoped3A_75 : memref<!tpu.dma_semaphore, #tpu.memory_space<semaphore_mem>>) src(%dma_wait3A_85 : memref<640x128xf32, #tpu.memory_space<vmem_shared>>) dst(%dma_wait3A_83 : memref<640x128xf32, #tpu.memory_space<hbm>>)
      tpu.yield
    }) : () -> ()
    return
  }
}

#map = affine_map<(d0, d1) -> (0, 0)>
#map1 = affine_map<(d0, d1) -> (0)>
#map2 = affine_map<(d0, d1) -> (0, 0, 0)>
module attributes {stable_mosaic.version = 14 : i64} {
  func.func @_pass_body(%arg0: i32, %arg1: i32, %arg2: memref<10000x128xf32, #tpu.memory_space<hbm>>, %arg3: memref<320000xi32, #tpu.memory_space<hbm>>, %arg4: memref<320000xi32, #tpu.memory_space<hbm>>, %arg5: memref<2x10240x128xf32, #tpu.memory_space<hbm>>, %arg6: memref<10240x128xf32, #tpu.memory_space<vmem_shared>>, %arg7: memref<256x128xf32, #tpu.memory_space<vmem>>, %arg8: memref<256xi32, #tpu.memory_space<vmem>>, %arg9: memref<2x128xi32, #tpu.memory_space<vmem>>, %arg10: memref<!tpu.dma_semaphore, #tpu.memory_space<semaphore_mem>>, %arg11: memref<!tpu.dma_semaphore, #tpu.memory_space<semaphore_mem>>, %arg12: memref<!tpu.dma_semaphore, #tpu.memory_space<semaphore_mem>>) attributes {dimension_semantics = [#tpu.dimension_semantics<core_parallel>, #tpu.dimension_semantics<subcore_parallel>], iteration_bounds = array<i64: 2, 16>, scalar_prefetch = 0 : i64, scratch_operands = 7 : i64, tpu.core_type = #tpu.core_type<sc_vector_subcore>, window_params = [{transform_indices = #map}, {transform_indices = #map1}, {transform_indices = #map1}, {transform_indices = #map2}]} {
    %mul3A = arith.constant 2 : i32
    %mul3A_0 = arith.muli %arg1, %mul3A : i32
    %add3A = arith.addi %mul3A_0, %arg0 : i32
    %scan3A = arith.constant 0 : i32
    %scan3A_1 = arith.constant 0 : i32
    %scan3A_2 = arith.constant 128 : i32
    %scan3A_3 = arith.addi %scan3A_1, %scan3A_2 : i32
    %scan3A_4 = arith.constant 1 : i32
    scf.for %scan3A_75 = %scan3A_1 to %scan3A_3 step %scan3A_4  : i32 {
      %broadcast_in_dim3A = arith.constant 0.000000e+00 : f32
      %broadcast_in_dim3A_76 = vector.broadcast %broadcast_in_dim3A : f32 to vector<16xf32>
      %swap3A = arith.index_cast %scan3A_75 : i32 to index
      %swap3A_77 = arith.constant 0 : index
      %swap3A_78 = tpu.vector_load %arg7[%swap3A, %swap3A_77] {strides = array<i32>} : memref<256x128xf32, #tpu.memory_space<vmem>>, vector<1x16xf32>,
      %swap3A_79 = vector.shape_cast %swap3A_78 : vector<1x16xf32> to vector<16xf32>
      %swap3A_80 = vector.shape_cast %broadcast_in_dim3A_76 : vector<16xf32> to vector<1x16xf32>
      tpu.vector_store %arg7[%swap3A, %swap3A_77], %swap3A_80 {strides = array<i32>} : memref<256x128xf32, #tpu.memory_space<vmem>>, vector<1x16xf32>,
      %broadcast_in_dim3A_81 = arith.constant 0.000000e+00 : f32
      %broadcast_in_dim3A_82 = vector.broadcast %broadcast_in_dim3A_81 : f32 to vector<16xf32>
      %swap3A_83 = arith.index_cast %scan3A_75 : i32 to index
      %swap3A_84 = arith.constant 16 : index
      %swap3A_85 = tpu.vector_load %arg7[%swap3A_83, %swap3A_84] {strides = array<i32>} : memref<256x128xf32, #tpu.memory_space<vmem>>, vector<1x16xf32>,
      %swap3A_86 = vector.shape_cast %swap3A_85 : vector<1x16xf32> to vector<16xf32>
      %swap3A_87 = vector.shape_cast %broadcast_in_dim3A_82 : vector<16xf32> to vector<1x16xf32>
      tpu.vector_store %arg7[%swap3A_83, %swap3A_84], %swap3A_87 {strides = array<i32>} : memref<256x128xf32, #tpu.memory_space<vmem>>, vector<1x16xf32>,
      %broadcast_in_dim3A_88 = arith.constant 0.000000e+00 : f32
      %broadcast_in_dim3A_89 = vector.broadcast %broadcast_in_dim3A_88 : f32 to vector<16xf32>
      %swap3A_90 = arith.index_cast %scan3A_75 : i32 to index
      %swap3A_91 = arith.constant 32 : index
      %swap3A_92 = tpu.vector_load %arg7[%swap3A_90, %swap3A_91] {strides = array<i32>} : memref<256x128xf32, #tpu.memory_space<vmem>>, vector<1x16xf32>,
      %swap3A_93 = vector.shape_cast %swap3A_92 : vector<1x16xf32> to vector<16xf32>
      %swap3A_94 = vector.shape_cast %broadcast_in_dim3A_89 : vector<16xf32> to vector<1x16xf32>
      tpu.vector_store %arg7[%swap3A_90, %swap3A_91], %swap3A_94 {strides = array<i32>} : memref<256x128xf32, #tpu.memory_space<vmem>>, vector<1x16xf32>,
      %broadcast_in_dim3A_95 = arith.constant 0.000000e+00 : f32
      %broadcast_in_dim3A_96 = vector.broadcast %broadcast_in_dim3A_95 : f32 to vector<16xf32>
      %swap3A_97 = arith.index_cast %scan3A_75 : i32 to index
      %swap3A_98 = arith.constant 48 : index
      %swap3A_99 = tpu.vector_load %arg7[%swap3A_97, %swap3A_98] {strides = array<i32>} : memref<256x128xf32, #tpu.memory_space<vmem>>, vector<1x16xf32>,
      %swap3A_100 = vector.shape_cast %swap3A_99 : vector<1x16xf32> to vector<16xf32>
      %swap3A_101 = vector.shape_cast %broadcast_in_dim3A_96 : vector<16xf32> to vector<1x16xf32>
      tpu.vector_store %arg7[%swap3A_97, %swap3A_98], %swap3A_101 {strides = array<i32>} : memref<256x128xf32, #tpu.memory_space<vmem>>, vector<1x16xf32>,
      %broadcast_in_dim3A_102 = arith.constant 0.000000e+00 : f32
      %broadcast_in_dim3A_103 = vector.broadcast %broadcast_in_dim3A_102 : f32 to vector<16xf32>
      %swap3A_104 = arith.index_cast %scan3A_75 : i32 to index
      %swap3A_105 = arith.constant 64 : index
      %swap3A_106 = tpu.vector_load %arg7[%swap3A_104, %swap3A_105] {strides = array<i32>} : memref<256x128xf32, #tpu.memory_space<vmem>>, vector<1x16xf32>,
      %swap3A_107 = vector.shape_cast %swap3A_106 : vector<1x16xf32> to vector<16xf32>
      %swap3A_108 = vector.shape_cast %broadcast_in_dim3A_103 : vector<16xf32> to vector<1x16xf32>
      tpu.vector_store %arg7[%swap3A_104, %swap3A_105], %swap3A_108 {strides = array<i32>} : memref<256x128xf32, #tpu.memory_space<vmem>>, vector<1x16xf32>,
      %broadcast_in_dim3A_109 = arith.constant 0.000000e+00 : f32
      %broadcast_in_dim3A_110 = vector.broadcast %broadcast_in_dim3A_109 : f32 to vector<16xf32>
      %swap3A_111 = arith.index_cast %scan3A_75 : i32 to index
      %swap3A_112 = arith.constant 80 : index
      %swap3A_113 = tpu.vector_load %arg7[%swap3A_111, %swap3A_112] {strides = array<i32>} : memref<256x128xf32, #tpu.memory_space<vmem>>, vector<1x16xf32>,
      %swap3A_114 = vector.shape_cast %swap3A_113 : vector<1x16xf32> to vector<16xf32>
      %swap3A_115 = vector.shape_cast %broadcast_in_dim3A_110 : vector<16xf32> to vector<1x16xf32>
      tpu.vector_store %arg7[%swap3A_111, %swap3A_112], %swap3A_115 {strides = array<i32>} : memref<256x128xf32, #tpu.memory_space<vmem>>, vector<1x16xf32>,
      %broadcast_in_dim3A_116 = arith.constant 0.000000e+00 : f32
      %broadcast_in_dim3A_117 = vector.broadcast %broadcast_in_dim3A_116 : f32 to vector<16xf32>
      %swap3A_118 = arith.index_cast %scan3A_75 : i32 to index
      %swap3A_119 = arith.constant 96 : index
      %swap3A_120 = tpu.vector_load %arg7[%swap3A_118, %swap3A_119] {strides = array<i32>} : memref<256x128xf32, #tpu.memory_space<vmem>>, vector<1x16xf32>,
      %swap3A_121 = vector.shape_cast %swap3A_120 : vector<1x16xf32> to vector<16xf32>
      %swap3A_122 = vector.shape_cast %broadcast_in_dim3A_117 : vector<16xf32> to vector<1x16xf32>
      tpu.vector_store %arg7[%swap3A_118, %swap3A_119], %swap3A_122 {strides = array<i32>} : memref<256x128xf32, #tpu.memory_space<vmem>>, vector<1x16xf32>,
      %broadcast_in_dim3A_123 = arith.constant 0.000000e+00 : f32
      %broadcast_in_dim3A_124 = vector.broadcast %broadcast_in_dim3A_123 : f32 to vector<16xf32>
      %swap3A_125 = arith.index_cast %scan3A_75 : i32 to index
      %swap3A_126 = arith.constant 112 : index
      %swap3A_127 = tpu.vector_load %arg7[%swap3A_125, %swap3A_126] {strides = array<i32>} : memref<256x128xf32, #tpu.memory_space<vmem>>, vector<1x16xf32>,
      %swap3A_128 = vector.shape_cast %swap3A_127 : vector<1x16xf32> to vector<16xf32>
      %swap3A_129 = vector.shape_cast %broadcast_in_dim3A_124 : vector<16xf32> to vector<1x16xf32>
      tpu.vector_store %arg7[%swap3A_125, %swap3A_126], %swap3A_129 {strides = array<i32>} : memref<256x128xf32, #tpu.memory_space<vmem>>, vector<1x16xf32>,
    }
    %scan3A_5 = arith.constant 128 : i32
    %mul3A_6 = arith.constant 640 : i32
    %mul3A_7 = arith.muli %arg1, %mul3A_6 : i32
    %add3A_8 = arith.constant 0 : i32
    %add3A_9 = arith.addi %mul3A_7, %add3A_8 : i32
    "tpu.region"() ({
      %run_scoped3A_75 = tpu.sem_alloc : memref<!tpu.dma_semaphore, #tpu.memory_space<semaphore_mem>>
      %dma_start3A_76 = arith.constant 0 : i32
      %dma_start3A_77 = arith.constant 0 : i32
      %dma_start3A_78 = tpu.memref_slice %arg7[%dma_start3A_76, %dma_start3A_77] : memref<256x128xf32, #tpu.memory_space<vmem>> -> memref<128x128xf32, #tpu.memory_space<vmem>>
      %dma_start3A_79 = arith.constant 0 : i32
      %dma_start3A_80 = tpu.memref_slice %arg6[%add3A_9, %dma_start3A_79] : memref<10240x128xf32, #tpu.memory_space<vmem_shared>> -> memref<128x128xf32, #tpu.memory_space<vmem_shared>>
      %dma_start3A_81 = arith.constant 0 : i32
      %dma_start3A_82 = tpu.memref_slice %arg6[%add3A_9, %dma_start3A_81] : memref<10240x128xf32, #tpu.memory_space<vmem_shared>> -> memref<128x128xf32, #tpu.memory_space<vmem_shared>>
      %dma_start3A_83 = arith.constant 0 : i32
      %dma_start3A_84 = arith.constant 0 : i32
      %dma_start3A_85 = tpu.memref_slice %arg7[%dma_start3A_83, %dma_start3A_84] : memref<256x128xf32, #tpu.memory_space<vmem>> -> memref<128x128xf32, #tpu.memory_space<vmem>>
      tpu.enqueue_dma source(%dma_start3A_85 : memref<128x128xf32, #tpu.memory_space<vmem>>) target(%dma_start3A_82 : memref<128x128xf32, #tpu.memory_space<vmem_shared>>) target_semaphore(%run_scoped3A_75 : memref<!tpu.dma_semaphore, #tpu.memory_space<semaphore_mem>>)
      %dma_wait3A_86 = arith.constant 0 : i32
      %dma_wait3A_87 = arith.constant 0 : i32
      %dma_wait3A_88 = tpu.memref_slice %arg7[%dma_wait3A_86, %dma_wait3A_87] : memref<256x128xf32, #tpu.memory_space<vmem>> -> memref<128x128xf32, #tpu.memory_space<vmem>>
      %dma_wait3A_89 = arith.constant 0 : i32
      %dma_wait3A_90 = tpu.memref_slice %arg6[%add3A_9, %dma_wait3A_89] : memref<10240x128xf32, #tpu.memory_space<vmem_shared>> -> memref<128x128xf32, #tpu.memory_space<vmem_shared>>
      %dma_wait3A_91 = arith.constant 0 : i32
      %dma_wait3A_92 = tpu.memref_slice %arg6[%add3A_9, %dma_wait3A_91] : memref<10240x128xf32, #tpu.memory_space<vmem_shared>> -> memref<128x128xf32, #tpu.memory_space<vmem_shared>>
      %dma_wait3A_93 = arith.constant 0 : i32
      %dma_wait3A_94 = arith.constant 0 : i32
      %dma_wait3A_95 = tpu.memref_slice %arg7[%dma_wait3A_93, %dma_wait3A_94] : memref<256x128xf32, #tpu.memory_space<vmem>> -> memref<128x128xf32, #tpu.memory_space<vmem>>
      tpu.wait_dma2 semaphore(%run_scoped3A_75 : memref<!tpu.dma_semaphore, #tpu.memory_space<semaphore_mem>>) src(%dma_wait3A_95 : memref<128x128xf32, #tpu.memory_space<vmem>>) dst(%dma_wait3A_92 : memref<128x128xf32, #tpu.memory_space<vmem_shared>>)
      tpu.yield
    }) : () -> ()
    %mul3A_10 = arith.constant 640 : i32
    %mul3A_11 = arith.muli %arg1, %mul3A_10 : i32
    %add3A_12 = arith.constant 128 : i32
    %add3A_13 = arith.addi %mul3A_11, %add3A_12 : i32
    "tpu.region"() ({
      %run_scoped3A_75 = tpu.sem_alloc : memref<!tpu.dma_semaphore, #tpu.memory_space<semaphore_mem>>
      %dma_start3A_76 = arith.constant 0 : i32
      %dma_start3A_77 = arith.constant 0 : i32
      %dma_start3A_78 = tpu.memref_slice %arg7[%dma_start3A_76, %dma_start3A_77] : memref<256x128xf32, #tpu.memory_space<vmem>> -> memref<128x128xf32, #tpu.memory_space<vmem>>
      %dma_start3A_79 = arith.constant 0 : i32
      %dma_start3A_80 = tpu.memref_slice %arg6[%add3A_13, %dma_start3A_79] : memref<10240x128xf32, #tpu.memory_space<vmem_shared>> -> memref<128x128xf32, #tpu.memory_space<vmem_shared>>
      %dma_start3A_81 = arith.constant 0 : i32
      %dma_start3A_82 = tpu.memref_slice %arg6[%add3A_13, %dma_start3A_81] : memref<10240x128xf32, #tpu.memory_space<vmem_shared>> -> memref<128x128xf32, #tpu.memory_space<vmem_shared>>
      %dma_start3A_83 = arith.constant 0 : i32
      %dma_start3A_84 = arith.constant 0 : i32
      %dma_start3A_85 = tpu.memref_slice %arg7[%dma_start3A_83, %dma_start3A_84] : memref<256x128xf32, #tpu.memory_space<vmem>> -> memref<128x128xf32, #tpu.memory_space<vmem>>
      tpu.enqueue_dma source(%dma_start3A_85 : memref<128x128xf32, #tpu.memory_space<vmem>>) target(%dma_start3A_82 : memref<128x128xf32, #tpu.memory_space<vmem_shared>>) target_semaphore(%run_scoped3A_75 : memref<!tpu.dma_semaphore, #tpu.memory_space<semaphore_mem>>)
      %dma_wait3A_86 = arith.constant 0 : i32
      %dma_wait3A_87 = arith.constant 0 : i32
      %dma_wait3A_88 = tpu.memref_slice %arg7[%dma_wait3A_86, %dma_wait3A_87] : memref<256x128xf32, #tpu.memory_space<vmem>> -> memref<128x128xf32, #tpu.memory_space<vmem>>
      %dma_wait3A_89 = arith.constant 0 : i32
      %dma_wait3A_90 = tpu.memref_slice %arg6[%add3A_13, %dma_wait3A_89] : memref<10240x128xf32, #tpu.memory_space<vmem_shared>> -> memref<128x128xf32, #tpu.memory_space<vmem_shared>>
      %dma_wait3A_91 = arith.constant 0 : i32
      %dma_wait3A_92 = tpu.memref_slice %arg6[%add3A_13, %dma_wait3A_91] : memref<10240x128xf32, #tpu.memory_space<vmem_shared>> -> memref<128x128xf32, #tpu.memory_space<vmem_shared>>
      %dma_wait3A_93 = arith.constant 0 : i32
      %dma_wait3A_94 = arith.constant 0 : i32
      %dma_wait3A_95 = tpu.memref_slice %arg7[%dma_wait3A_93, %dma_wait3A_94] : memref<256x128xf32, #tpu.memory_space<vmem>> -> memref<128x128xf32, #tpu.memory_space<vmem>>
      tpu.wait_dma2 semaphore(%run_scoped3A_75 : memref<!tpu.dma_semaphore, #tpu.memory_space<semaphore_mem>>) src(%dma_wait3A_95 : memref<128x128xf32, #tpu.memory_space<vmem>>) dst(%dma_wait3A_92 : memref<128x128xf32, #tpu.memory_space<vmem_shared>>)
      tpu.yield
    }) : () -> ()
    %mul3A_14 = arith.constant 640 : i32
    %mul3A_15 = arith.muli %arg1, %mul3A_14 : i32
    %add3A_16 = arith.constant 256 : i32
    %add3A_17 = arith.addi %mul3A_15, %add3A_16 : i32
    "tpu.region"() ({
      %run_scoped3A_75 = tpu.sem_alloc : memref<!tpu.dma_semaphore, #tpu.memory_space<semaphore_mem>>
      %dma_start3A_76 = arith.constant 0 : i32
      %dma_start3A_77 = arith.constant 0 : i32
      %dma_start3A_78 = tpu.memref_slice %arg7[%dma_start3A_76, %dma_start3A_77] : memref<256x128xf32, #tpu.memory_space<vmem>> -> memref<128x128xf32, #tpu.memory_space<vmem>>
      %dma_start3A_79 = arith.constant 0 : i32
      %dma_start3A_80 = tpu.memref_slice %arg6[%add3A_17, %dma_start3A_79] : memref<10240x128xf32, #tpu.memory_space<vmem_shared>> -> memref<128x128xf32, #tpu.memory_space<vmem_shared>>
      %dma_start3A_81 = arith.constant 0 : i32
      %dma_start3A_82 = tpu.memref_slice %arg6[%add3A_17, %dma_start3A_81] : memref<10240x128xf32, #tpu.memory_space<vmem_shared>> -> memref<128x128xf32, #tpu.memory_space<vmem_shared>>
      %dma_start3A_83 = arith.constant 0 : i32
      %dma_start3A_84 = arith.constant 0 : i32
      %dma_start3A_85 = tpu.memref_slice %arg7[%dma_start3A_83, %dma_start3A_84] : memref<256x128xf32, #tpu.memory_space<vmem>> -> memref<128x128xf32, #tpu.memory_space<vmem>>
      tpu.enqueue_dma source(%dma_start3A_85 : memref<128x128xf32, #tpu.memory_space<vmem>>) target(%dma_start3A_82 : memref<128x128xf32, #tpu.memory_space<vmem_shared>>) target_semaphore(%run_scoped3A_75 : memref<!tpu.dma_semaphore, #tpu.memory_space<semaphore_mem>>)
      %dma_wait3A_86 = arith.constant 0 : i32
      %dma_wait3A_87 = arith.constant 0 : i32
      %dma_wait3A_88 = tpu.memref_slice %arg7[%dma_wait3A_86, %dma_wait3A_87] : memref<256x128xf32, #tpu.memory_space<vmem>> -> memref<128x128xf32, #tpu.memory_space<vmem>>
      %dma_wait3A_89 = arith.constant 0 : i32
      %dma_wait3A_90 = tpu.memref_slice %arg6[%add3A_17, %dma_wait3A_89] : memref<10240x128xf32, #tpu.memory_space<vmem_shared>> -> memref<128x128xf32, #tpu.memory_space<vmem_shared>>
      %dma_wait3A_91 = arith.constant 0 : i32
      %dma_wait3A_92 = tpu.memref_slice %arg6[%add3A_17, %dma_wait3A_91] : memref<10240x128xf32, #tpu.memory_space<vmem_shared>> -> memref<128x128xf32, #tpu.memory_space<vmem_shared>>
      %dma_wait3A_93 = arith.constant 0 : i32
      %dma_wait3A_94 = arith.constant 0 : i32
      %dma_wait3A_95 = tpu.memref_slice %arg7[%dma_wait3A_93, %dma_wait3A_94] : memref<256x128xf32, #tpu.memory_space<vmem>> -> memref<128x128xf32, #tpu.memory_space<vmem>>
      tpu.wait_dma2 semaphore(%run_scoped3A_75 : memref<!tpu.dma_semaphore, #tpu.memory_space<semaphore_mem>>) src(%dma_wait3A_95 : memref<128x128xf32, #tpu.memory_space<vmem>>) dst(%dma_wait3A_92 : memref<128x128xf32, #tpu.memory_space<vmem_shared>>)
      tpu.yield
    }) : () -> ()
    %mul3A_18 = arith.constant 640 : i32
    %mul3A_19 = arith.muli %arg1, %mul3A_18 : i32
    %add3A_20 = arith.constant 384 : i32
    %add3A_21 = arith.addi %mul3A_19, %add3A_20 : i32
    "tpu.region"() ({
      %run_scoped3A_75 = tpu.sem_alloc : memref<!tpu.dma_semaphore, #tpu.memory_space<semaphore_mem>>
      %dma_start3A_76 = arith.constant 0 : i32
      %dma_start3A_77 = arith.constant 0 : i32
      %dma_start3A_78 = tpu.memref_slice %arg7[%dma_start3A_76, %dma_start3A_77] : memref<256x128xf32, #tpu.memory_space<vmem>> -> memref<128x128xf32, #tpu.memory_space<vmem>>
      %dma_start3A_79 = arith.constant 0 : i32
      %dma_start3A_80 = tpu.memref_slice %arg6[%add3A_21, %dma_start3A_79] : memref<10240x128xf32, #tpu.memory_space<vmem_shared>> -> memref<128x128xf32, #tpu.memory_space<vmem_shared>>
      %dma_start3A_81 = arith.constant 0 : i32
      %dma_start3A_82 = tpu.memref_slice %arg6[%add3A_21, %dma_start3A_81] : memref<10240x128xf32, #tpu.memory_space<vmem_shared>> -> memref<128x128xf32, #tpu.memory_space<vmem_shared>>
      %dma_start3A_83 = arith.constant 0 : i32
      %dma_start3A_84 = arith.constant 0 : i32
      %dma_start3A_85 = tpu.memref_slice %arg7[%dma_start3A_83, %dma_start3A_84] : memref<256x128xf32, #tpu.memory_space<vmem>> -> memref<128x128xf32, #tpu.memory_space<vmem>>
      tpu.enqueue_dma source(%dma_start3A_85 : memref<128x128xf32, #tpu.memory_space<vmem>>) target(%dma_start3A_82 : memref<128x128xf32, #tpu.memory_space<vmem_shared>>) target_semaphore(%run_scoped3A_75 : memref<!tpu.dma_semaphore, #tpu.memory_space<semaphore_mem>>)
      %dma_wait3A_86 = arith.constant 0 : i32
      %dma_wait3A_87 = arith.constant 0 : i32
      %dma_wait3A_88 = tpu.memref_slice %arg7[%dma_wait3A_86, %dma_wait3A_87] : memref<256x128xf32, #tpu.memory_space<vmem>> -> memref<128x128xf32, #tpu.memory_space<vmem>>
      %dma_wait3A_89 = arith.constant 0 : i32
      %dma_wait3A_90 = tpu.memref_slice %arg6[%add3A_21, %dma_wait3A_89] : memref<10240x128xf32, #tpu.memory_space<vmem_shared>> -> memref<128x128xf32, #tpu.memory_space<vmem_shared>>
      %dma_wait3A_91 = arith.constant 0 : i32
      %dma_wait3A_92 = tpu.memref_slice %arg6[%add3A_21, %dma_wait3A_91] : memref<10240x128xf32, #tpu.memory_space<vmem_shared>> -> memref<128x128xf32, #tpu.memory_space<vmem_shared>>
      %dma_wait3A_93 = arith.constant 0 : i32
      %dma_wait3A_94 = arith.constant 0 : i32
      %dma_wait3A_95 = tpu.memref_slice %arg7[%dma_wait3A_93, %dma_wait3A_94] : memref<256x128xf32, #tpu.memory_space<vmem>> -> memref<128x128xf32, #tpu.memory_space<vmem>>
      tpu.wait_dma2 semaphore(%run_scoped3A_75 : memref<!tpu.dma_semaphore, #tpu.memory_space<semaphore_mem>>) src(%dma_wait3A_95 : memref<128x128xf32, #tpu.memory_space<vmem>>) dst(%dma_wait3A_92 : memref<128x128xf32, #tpu.memory_space<vmem_shared>>)
      tpu.yield
    }) : () -> ()
    %mul3A_22 = arith.constant 640 : i32
    %mul3A_23 = arith.muli %arg1, %mul3A_22 : i32
    %add3A_24 = arith.constant 512 : i32
    %add3A_25 = arith.addi %mul3A_23, %add3A_24 : i32
    "tpu.region"() ({
      %run_scoped3A_75 = tpu.sem_alloc : memref<!tpu.dma_semaphore, #tpu.memory_space<semaphore_mem>>
      %dma_start3A_76 = arith.constant 0 : i32
      %dma_start3A_77 = arith.constant 0 : i32
      %dma_start3A_78 = tpu.memref_slice %arg7[%dma_start3A_76, %dma_start3A_77] : memref<256x128xf32, #tpu.memory_space<vmem>> -> memref<128x128xf32, #tpu.memory_space<vmem>>
      %dma_start3A_79 = arith.constant 0 : i32
      %dma_start3A_80 = tpu.memref_slice %arg6[%add3A_25, %dma_start3A_79] : memref<10240x128xf32, #tpu.memory_space<vmem_shared>> -> memref<128x128xf32, #tpu.memory_space<vmem_shared>>
      %dma_start3A_81 = arith.constant 0 : i32
      %dma_start3A_82 = tpu.memref_slice %arg6[%add3A_25, %dma_start3A_81] : memref<10240x128xf32, #tpu.memory_space<vmem_shared>> -> memref<128x128xf32, #tpu.memory_space<vmem_shared>>
      %dma_start3A_83 = arith.constant 0 : i32
      %dma_start3A_84 = arith.constant 0 : i32
      %dma_start3A_85 = tpu.memref_slice %arg7[%dma_start3A_83, %dma_start3A_84] : memref<256x128xf32, #tpu.memory_space<vmem>> -> memref<128x128xf32, #tpu.memory_space<vmem>>
      tpu.enqueue_dma source(%dma_start3A_85 : memref<128x128xf32, #tpu.memory_space<vmem>>) target(%dma_start3A_82 : memref<128x128xf32, #tpu.memory_space<vmem_shared>>) target_semaphore(%run_scoped3A_75 : memref<!tpu.dma_semaphore, #tpu.memory_space<semaphore_mem>>)
      %dma_wait3A_86 = arith.constant 0 : i32
      %dma_wait3A_87 = arith.constant 0 : i32
      %dma_wait3A_88 = tpu.memref_slice %arg7[%dma_wait3A_86, %dma_wait3A_87] : memref<256x128xf32, #tpu.memory_space<vmem>> -> memref<128x128xf32, #tpu.memory_space<vmem>>
      %dma_wait3A_89 = arith.constant 0 : i32
      %dma_wait3A_90 = tpu.memref_slice %arg6[%add3A_25, %dma_wait3A_89] : memref<10240x128xf32, #tpu.memory_space<vmem_shared>> -> memref<128x128xf32, #tpu.memory_space<vmem_shared>>
      %dma_wait3A_91 = arith.constant 0 : i32
      %dma_wait3A_92 = tpu.memref_slice %arg6[%add3A_25, %dma_wait3A_91] : memref<10240x128xf32, #tpu.memory_space<vmem_shared>> -> memref<128x128xf32, #tpu.memory_space<vmem_shared>>
      %dma_wait3A_93 = arith.constant 0 : i32
      %dma_wait3A_94 = arith.constant 0 : i32
      %dma_wait3A_95 = tpu.memref_slice %arg7[%dma_wait3A_93, %dma_wait3A_94] : memref<256x128xf32, #tpu.memory_space<vmem>> -> memref<128x128xf32, #tpu.memory_space<vmem>>
      tpu.wait_dma2 semaphore(%run_scoped3A_75 : memref<!tpu.dma_semaphore, #tpu.memory_space<semaphore_mem>>) src(%dma_wait3A_95 : memref<128x128xf32, #tpu.memory_space<vmem>>) dst(%dma_wait3A_92 : memref<128x128xf32, #tpu.memory_space<vmem_shared>>)
      tpu.yield
    }) : () -> ()
    %barrier3A = arith.constant 0 : index
    tpu.barrier barrier_id(%barrier3A)
    %mul3A_26 = arith.constant 10000 : i32
    %mul3A_27 = arith.muli %add3A, %mul3A_26 : i32
    %scan3A_28 = arith.constant 0 : i32
    %scan3A_29 = arith.constant 0 : i32
    %scan3A_30 = arith.constant 39 : i32
    %scan3A_31 = arith.addi %scan3A_29, %scan3A_30 : i32
    %scan3A_32 = arith.constant 1 : i32
    scf.for %scan3A_75 = %scan3A_29 to %scan3A_31 step %scan3A_32  : i32 {
      %mul3A_76 = arith.constant 256 : i32
      %mul3A_77 = arith.muli %scan3A_75, %mul3A_76 : i32
      %add3A_78 = arith.addi %mul3A_27, %mul3A_77 : i32
      %multiple_of3A_79 = tpu.assume_multiple %add3A_78, 8 : i32
      %dma_start3A_80 = arith.constant 0 : i32
      %dma_start3A_81 = tpu.memref_slice %arg8[%dma_start3A_80] : memref<256xi32, #tpu.memory_space<vmem>> -> memref<256xi32, #tpu.memory_space<vmem>>
      %dma_start3A_82 = tpu.memref_slice %arg3[%multiple_of3A_79] : memref<320000xi32, #tpu.memory_space<hbm>> -> memref<256xi32, #tpu.memory_space<hbm>>
      %dma_start3A_83 = arith.constant 0 : i32
      %dma_start3A_84 = tpu.memref_slice %arg8[%dma_start3A_83] : memref<256xi32, #tpu.memory_space<vmem>> -> memref<256xi32, #tpu.memory_space<vmem>>
      %dma_start3A_85 = tpu.memref_slice %arg3[%multiple_of3A_79] : memref<320000xi32, #tpu.memory_space<hbm>> -> memref<256xi32, #tpu.memory_space<hbm>>
      tpu.enqueue_dma source(%dma_start3A_85 : memref<256xi32, #tpu.memory_space<hbm>>) target(%dma_start3A_84 : memref<256xi32, #tpu.memory_space<vmem>>) target_semaphore(%arg10 : memref<!tpu.dma_semaphore, #tpu.memory_space<semaphore_mem>>)
      %add3A_86 = arith.constant 0 : i32
      %add3A_87 = arith.addi %multiple_of3A_79, %add3A_86 : i32
      %dma_start3A_88 = arith.constant 0 : i32
      %dma_start3A_89 = arith.constant 0 : i32
      %dma_start3A_90 = tpu.memref_slice %arg9[%dma_start3A_88, %dma_start3A_89] : memref<2x128xi32, #tpu.memory_space<vmem>> -> memref<1x128xi32, #tpu.memory_space<vmem>>
      %dma_start3A_91 = tpu.memref_squeeze %dma_start3A_90 : memref<1x128xi32, #tpu.memory_space<vmem>> -> memref<128xi32, #tpu.memory_space<vmem>>
      %dma_start3A_92 = tpu.memref_slice %arg4[%add3A_87] : memref<320000xi32, #tpu.memory_space<hbm>> -> memref<128xi32, #tpu.memory_space<hbm>>
      %dma_start3A_93 = arith.constant 0 : i32
      %dma_start3A_94 = tpu.memref_slice %arg9[%dma_start3A_88, %dma_start3A_93] : memref<2x128xi32, #tpu.memory_space<vmem>> -> memref<1x128xi32, #tpu.memory_space<vmem>>
      %dma_start3A_95 = tpu.memref_squeeze %dma_start3A_94 : memref<1x128xi32, #tpu.memory_space<vmem>> -> memref<128xi32, #tpu.memory_space<vmem>>
      %dma_start3A_96 = tpu.memref_slice %arg4[%add3A_87] : memref<320000xi32, #tpu.memory_space<hbm>> -> memref<128xi32, #tpu.memory_space<hbm>>
      tpu.enqueue_dma source(%dma_start3A_96 : memref<128xi32, #tpu.memory_space<hbm>>) target(%dma_start3A_95 : memref<128xi32, #tpu.memory_space<vmem>>) target_semaphore(%arg10 : memref<!tpu.dma_semaphore, #tpu.memory_space<semaphore_mem>>)
      %add3A_97 = arith.constant 128 : i32
      %add3A_98 = arith.addi %multiple_of3A_79, %add3A_97 : i32
      %dma_start3A_99 = arith.constant 1 : i32
      %dma_start3A_100 = arith.constant 0 : i32
      %dma_start3A_101 = tpu.memref_slice %arg9[%dma_start3A_99, %dma_start3A_100] : memref<2x128xi32, #tpu.memory_space<vmem>> -> memref<1x128xi32, #tpu.memory_space<vmem>>
      %dma_start3A_102 = tpu.memref_squeeze %dma_start3A_101 : memref<1x128xi32, #tpu.memory_space<vmem>> -> memref<128xi32, #tpu.memory_space<vmem>>
      %dma_start3A_103 = tpu.memref_slice %arg4[%add3A_98] : memref<320000xi32, #tpu.memory_space<hbm>> -> memref<128xi32, #tpu.memory_space<hbm>>
      %dma_start3A_104 = arith.constant 0 : i32
      %dma_start3A_105 = tpu.memref_slice %arg9[%dma_start3A_99, %dma_start3A_104] : memref<2x128xi32, #tpu.memory_space<vmem>> -> memref<1x128xi32, #tpu.memory_space<vmem>>
      %dma_start3A_106 = tpu.memref_squeeze %dma_start3A_105 : memref<1x128xi32, #tpu.memory_space<vmem>> -> memref<128xi32, #tpu.memory_space<vmem>>
      %dma_start3A_107 = tpu.memref_slice %arg4[%add3A_98] : memref<320000xi32, #tpu.memory_space<hbm>> -> memref<128xi32, #tpu.memory_space<hbm>>
      tpu.enqueue_dma source(%dma_start3A_107 : memref<128xi32, #tpu.memory_space<hbm>>) target(%dma_start3A_106 : memref<128xi32, #tpu.memory_space<vmem>>) target_semaphore(%arg10 : memref<!tpu.dma_semaphore, #tpu.memory_space<semaphore_mem>>)
      %dma_wait3A_108 = arith.constant 0 : i32
      %dma_wait3A_109 = tpu.memref_slice %arg8[%dma_wait3A_108] : memref<256xi32, #tpu.memory_space<vmem>> -> memref<256xi32, #tpu.memory_space<vmem>>
      %dma_wait3A_110 = tpu.memref_slice %arg3[%multiple_of3A_79] : memref<320000xi32, #tpu.memory_space<hbm>> -> memref<256xi32, #tpu.memory_space<hbm>>
      %dma_wait3A_111 = arith.constant 0 : i32
      %dma_wait3A_112 = tpu.memref_slice %arg8[%dma_wait3A_111] : memref<256xi32, #tpu.memory_space<vmem>> -> memref<256xi32, #tpu.memory_space<vmem>>
      %dma_wait3A_113 = tpu.memref_slice %arg3[%multiple_of3A_79] : memref<320000xi32, #tpu.memory_space<hbm>> -> memref<256xi32, #tpu.memory_space<hbm>>
      tpu.wait_dma2 semaphore(%arg10 : memref<!tpu.dma_semaphore, #tpu.memory_space<semaphore_mem>>) src(%dma_wait3A_113 : memref<256xi32, #tpu.memory_space<hbm>>) dst(%dma_wait3A_112 : memref<256xi32, #tpu.memory_space<vmem>>)
      %dma_wait3A_114 = arith.constant 0 : i32
      %dma_wait3A_115 = arith.constant 0 : i32
      %dma_wait3A_116 = tpu.memref_slice %arg9[%dma_wait3A_114, %dma_wait3A_115] : memref<2x128xi32, #tpu.memory_space<vmem>> -> memref<1x128xi32, #tpu.memory_space<vmem>>
      %dma_wait3A_117 = tpu.memref_squeeze %dma_wait3A_116 : memref<1x128xi32, #tpu.memory_space<vmem>> -> memref<128xi32, #tpu.memory_space<vmem>>
      %dma_wait3A_118 = tpu.memref_slice %arg4[%add3A_87] : memref<320000xi32, #tpu.memory_space<hbm>> -> memref<128xi32, #tpu.memory_space<hbm>>
      %dma_wait3A_119 = arith.constant 0 : i32
      %dma_wait3A_120 = tpu.memref_slice %arg9[%dma_wait3A_114, %dma_wait3A_119] : memref<2x128xi32, #tpu.memory_space<vmem>> -> memref<1x128xi32, #tpu.memory_space<vmem>>
      %dma_wait3A_121 = tpu.memref_squeeze %dma_wait3A_120 : memref<1x128xi32, #tpu.memory_space<vmem>> -> memref<128xi32, #tpu.memory_space<vmem>>
      %dma_wait3A_122 = tpu.memref_slice %arg4[%add3A_87] : memref<320000xi32, #tpu.memory_space<hbm>> -> memref<128xi32, #tpu.memory_space<hbm>>
      tpu.wait_dma2 semaphore(%arg10 : memref<!tpu.dma_semaphore, #tpu.memory_space<semaphore_mem>>) src(%dma_wait3A_122 : memref<128xi32, #tpu.memory_space<hbm>>) dst(%dma_wait3A_121 : memref<128xi32, #tpu.memory_space<vmem>>)
      %dma_wait3A_123 = arith.constant 1 : i32
      %dma_wait3A_124 = arith.constant 0 : i32
      %dma_wait3A_125 = tpu.memref_slice %arg9[%dma_wait3A_123, %dma_wait3A_124] : memref<2x128xi32, #tpu.memory_space<vmem>> -> memref<1x128xi32, #tpu.memory_space<vmem>>
      %dma_wait3A_126 = tpu.memref_squeeze %dma_wait3A_125 : memref<1x128xi32, #tpu.memory_space<vmem>> -> memref<128xi32, #tpu.memory_space<vmem>>
      %dma_wait3A_127 = tpu.memref_slice %arg4[%add3A_98] : memref<320000xi32, #tpu.memory_space<hbm>> -> memref<128xi32, #tpu.memory_space<hbm>>
      %dma_wait3A_128 = arith.constant 0 : i32
      %dma_wait3A_129 = tpu.memref_slice %arg9[%dma_wait3A_123, %dma_wait3A_128] : memref<2x128xi32, #tpu.memory_space<vmem>> -> memref<1x128xi32, #tpu.memory_space<vmem>>
      %dma_wait3A_130 = tpu.memref_squeeze %dma_wait3A_129 : memref<1x128xi32, #tpu.memory_space<vmem>> -> memref<128xi32, #tpu.memory_space<vmem>>
      %dma_wait3A_131 = tpu.memref_slice %arg4[%add3A_98] : memref<320000xi32, #tpu.memory_space<hbm>> -> memref<128xi32, #tpu.memory_space<hbm>>
      tpu.wait_dma2 semaphore(%arg10 : memref<!tpu.dma_semaphore, #tpu.memory_space<semaphore_mem>>) src(%dma_wait3A_131 : memref<128xi32, #tpu.memory_space<hbm>>) dst(%dma_wait3A_130 : memref<128xi32, #tpu.memory_space<vmem>>)
      %dma_start3A_132 = arith.constant 0 : i32
      %dma_start3A_133 = arith.constant 0 : i32
      %dma_start3A_134 = tpu.memref_slice %arg7[%dma_start3A_132, %dma_start3A_133] : memref<256x128xf32, #tpu.memory_space<vmem>> -> memref<128x128xf32, #tpu.memory_space<vmem>>
      %dma_start3A_135 = arith.constant 0 : i32
      %dma_start3A_136 = tpu.memref_slice %arg8[%dma_start3A_135] : memref<256xi32, #tpu.memory_space<vmem>> -> memref<128xi32, #tpu.memory_space<vmem>>
      %dma_start3A_137 = arith.constant 0 : i32
      %dma_start3A_138 = arith.constant 0 : i32
      %dma_start3A_139 = tpu.memref_slice %arg2[%dma_start3A_137, %dma_start3A_138] : memref<10000x128xf32, #tpu.memory_space<hbm>> -> memref<10000x128xf32, #tpu.memory_space<hbm>>
      tpu.enqueue_indirect_dma source(%dma_start3A_139 : memref<10000x128xf32, #tpu.memory_space<hbm>>) target(%dma_start3A_134 : memref<128x128xf32, #tpu.memory_space<vmem>>) offsets(%dma_start3A_136 : memref<128xi32, #tpu.memory_space<vmem>>) semaphore(%arg11 : memref<!tpu.dma_semaphore, #tpu.memory_space<semaphore_mem>>)
      %dma_start3A_140 = arith.constant 128 : i32
      %dma_start3A_141 = arith.constant 0 : i32
      %dma_start3A_142 = tpu.memref_slice %arg7[%dma_start3A_140, %dma_start3A_141] : memref<256x128xf32, #tpu.memory_space<vmem>> -> memref<128x128xf32, #tpu.memory_space<vmem>>
      %dma_start3A_143 = arith.constant 128 : i32
      %dma_start3A_144 = tpu.memref_slice %arg8[%dma_start3A_143] : memref<256xi32, #tpu.memory_space<vmem>> -> memref<128xi32, #tpu.memory_space<vmem>>
      %dma_start3A_145 = arith.constant 0 : i32
      %dma_start3A_146 = arith.constant 0 : i32
      %dma_start3A_147 = tpu.memref_slice %arg2[%dma_start3A_145, %dma_start3A_146] : memref<10000x128xf32, #tpu.memory_space<hbm>> -> memref<10000x128xf32, #tpu.memory_space<hbm>>
      tpu.enqueue_indirect_dma source(%dma_start3A_147 : memref<10000x128xf32, #tpu.memory_space<hbm>>) target(%dma_start3A_142 : memref<128x128xf32, #tpu.memory_space<vmem>>) offsets(%dma_start3A_144 : memref<128xi32, #tpu.memory_space<vmem>>) semaphore(%arg11 : memref<!tpu.dma_semaphore, #tpu.memory_space<semaphore_mem>>)
      %dma_wait3A_148 = arith.constant 0 : i32
      %dma_wait3A_149 = arith.constant 0 : i32
      %dma_wait3A_150 = tpu.memref_slice %arg7[%dma_wait3A_148, %dma_wait3A_149] : memref<256x128xf32, #tpu.memory_space<vmem>> -> memref<128x128xf32, #tpu.memory_space<vmem>>
      %dma_wait3A_151 = arith.constant 0 : i32
      %dma_wait3A_152 = tpu.memref_slice %arg8[%dma_wait3A_151] : memref<256xi32, #tpu.memory_space<vmem>> -> memref<128xi32, #tpu.memory_space<vmem>>
      %dma_wait3A_153 = arith.constant 0 : i32
      %dma_wait3A_154 = arith.constant 0 : i32
      %dma_wait3A_155 = tpu.memref_slice %arg2[%dma_wait3A_153, %dma_wait3A_154] : memref<10000x128xf32, #tpu.memory_space<hbm>> -> memref<10000x128xf32, #tpu.memory_space<hbm>>
      tpu.wait_indirect_dma semaphore(%arg11 : memref<!tpu.dma_semaphore, #tpu.memory_space<semaphore_mem>>) src(%dma_wait3A_155 : memref<10000x128xf32, #tpu.memory_space<hbm>>) dst(%dma_wait3A_150 : memref<128x128xf32, #tpu.memory_space<vmem>>)
      %dma_wait3A_156 = arith.constant 128 : i32
      %dma_wait3A_157 = arith.constant 0 : i32
      %dma_wait3A_158 = tpu.memref_slice %arg7[%dma_wait3A_156, %dma_wait3A_157] : memref<256x128xf32, #tpu.memory_space<vmem>> -> memref<128x128xf32, #tpu.memory_space<vmem>>
      %dma_wait3A_159 = arith.constant 128 : i32
      %dma_wait3A_160 = tpu.memref_slice %arg8[%dma_wait3A_159] : memref<256xi32, #tpu.memory_space<vmem>> -> memref<128xi32, #tpu.memory_space<vmem>>
      %dma_wait3A_161 = arith.constant 0 : i32
      %dma_wait3A_162 = arith.constant 0 : i32
      %dma_wait3A_163 = tpu.memref_slice %arg2[%dma_wait3A_161, %dma_wait3A_162] : memref<10000x128xf32, #tpu.memory_space<hbm>> -> memref<10000x128xf32, #tpu.memory_space<hbm>>
      tpu.wait_indirect_dma semaphore(%arg11 : memref<!tpu.dma_semaphore, #tpu.memory_space<semaphore_mem>>) src(%dma_wait3A_163 : memref<10000x128xf32, #tpu.memory_space<hbm>>) dst(%dma_wait3A_158 : memref<128x128xf32, #tpu.memory_space<vmem>>)
      %dma_start3A_164 = arith.constant 0 : i32
      %dma_start3A_165 = arith.constant 0 : i32
      %dma_start3A_166 = arith.constant 0 : i32
      %dma_start3A_167 = tpu.memref_slice %arg7[%dma_start3A_165, %dma_start3A_166] : memref<256x128xf32, #tpu.memory_space<vmem>> -> memref<128x128xf32, #tpu.memory_space<vmem>>
      %dma_start3A_168 = arith.constant 0 : i32
      %dma_start3A_169 = tpu.memref_slice %arg9[%dma_start3A_164, %dma_start3A_168] : memref<2x128xi32, #tpu.memory_space<vmem>> -> memref<1x128xi32, #tpu.memory_space<vmem>>
      %dma_start3A_170 = tpu.memref_squeeze %dma_start3A_169 : memref<1x128xi32, #tpu.memory_space<vmem>> -> memref<128xi32, #tpu.memory_space<vmem>>
      %dma_start3A_171 = arith.constant 0 : i32
      %dma_start3A_172 = arith.constant 0 : i32
      %dma_start3A_173 = tpu.memref_slice %arg6[%dma_start3A_171, %dma_start3A_172] : memref<10240x128xf32, #tpu.memory_space<vmem_shared>> -> memref<10240x128xf32, #tpu.memory_space<vmem_shared>>
      tpu.enqueue_indirect_dma source(%dma_start3A_167 : memref<128x128xf32, #tpu.memory_space<vmem>>) target(%dma_start3A_173 : memref<10240x128xf32, #tpu.memory_space<vmem_shared>>) offsets(%dma_start3A_170 : memref<128xi32, #tpu.memory_space<vmem>>) semaphore(%arg12 : memref<!tpu.dma_semaphore, #tpu.memory_space<semaphore_mem>>) {add = true}
      %dma_wait3A_174 = arith.constant 0 : i32
      %dma_wait3A_175 = arith.constant 0 : i32
      %dma_wait3A_176 = arith.constant 0 : i32
      %dma_wait3A_177 = tpu.memref_slice %arg7[%dma_wait3A_175, %dma_wait3A_176] : memref<256x128xf32, #tpu.memory_space<vmem>> -> memref<128x128xf32, #tpu.memory_space<vmem>>
      %dma_wait3A_178 = arith.constant 0 : i32
      %dma_wait3A_179 = tpu.memref_slice %arg9[%dma_wait3A_174, %dma_wait3A_178] : memref<2x128xi32, #tpu.memory_space<vmem>> -> memref<1x128xi32, #tpu.memory_space<vmem>>
      %dma_wait3A_180 = tpu.memref_squeeze %dma_wait3A_179 : memref<1x128xi32, #tpu.memory_space<vmem>> -> memref<128xi32, #tpu.memory_space<vmem>>
      %dma_wait3A_181 = arith.constant 0 : i32
      %dma_wait3A_182 = arith.constant 0 : i32
      %dma_wait3A_183 = tpu.memref_slice %arg6[%dma_wait3A_181, %dma_wait3A_182] : memref<10240x128xf32, #tpu.memory_space<vmem_shared>> -> memref<10240x128xf32, #tpu.memory_space<vmem_shared>>
      tpu.wait_indirect_dma semaphore(%arg12 : memref<!tpu.dma_semaphore, #tpu.memory_space<semaphore_mem>>) src(%dma_wait3A_177 : memref<128x128xf32, #tpu.memory_space<vmem>>) dst(%dma_wait3A_183 : memref<10240x128xf32, #tpu.memory_space<vmem_shared>>)
      %dma_start3A_184 = arith.constant 1 : i32
      %dma_start3A_185 = arith.constant 128 : i32
      %dma_start3A_186 = arith.constant 0 : i32
      %dma_start3A_187 = tpu.memref_slice %arg7[%dma_start3A_185, %dma_start3A_186] : memref<256x128xf32, #tpu.memory_space<vmem>> -> memref<128x128xf32, #tpu.memory_space<vmem>>
      %dma_start3A_188 = arith.constant 0 : i32
      %dma_start3A_189 = tpu.memref_slice %arg9[%dma_start3A_184, %dma_start3A_188] : memref<2x128xi32, #tpu.memory_space<vmem>> -> memref<1x128xi32, #tpu.memory_space<vmem>>
      %dma_start3A_190 = tpu.memref_squeeze %dma_start3A_189 : memref<1x128xi32, #tpu.memory_space<vmem>> -> memref<128xi32, #tpu.memory_space<vmem>>
      %dma_start3A_191 = arith.constant 0 : i32
      %dma_start3A_192 = arith.constant 0 : i32
      %dma_start3A_193 = tpu.memref_slice %arg6[%dma_start3A_191, %dma_start3A_192] : memref<10240x128xf32, #tpu.memory_space<vmem_shared>> -> memref<10240x128xf32, #tpu.memory_space<vmem_shared>>
      tpu.enqueue_indirect_dma source(%dma_start3A_187 : memref<128x128xf32, #tpu.memory_space<vmem>>) target(%dma_start3A_193 : memref<10240x128xf32, #tpu.memory_space<vmem_shared>>) offsets(%dma_start3A_190 : memref<128xi32, #tpu.memory_space<vmem>>) semaphore(%arg12 : memref<!tpu.dma_semaphore, #tpu.memory_space<semaphore_mem>>) {add = true}
      %dma_wait3A_194 = arith.constant 1 : i32
      %dma_wait3A_195 = arith.constant 128 : i32
      %dma_wait3A_196 = arith.constant 0 : i32
      %dma_wait3A_197 = tpu.memref_slice %arg7[%dma_wait3A_195, %dma_wait3A_196] : memref<256x128xf32, #tpu.memory_space<vmem>> -> memref<128x128xf32, #tpu.memory_space<vmem>>
      %dma_wait3A_198 = arith.constant 0 : i32
      %dma_wait3A_199 = tpu.memref_slice %arg9[%dma_wait3A_194, %dma_wait3A_198] : memref<2x128xi32, #tpu.memory_space<vmem>> -> memref<1x128xi32, #tpu.memory_space<vmem>>
      %dma_wait3A_200 = tpu.memref_squeeze %dma_wait3A_199 : memref<1x128xi32, #tpu.memory_space<vmem>> -> memref<128xi32, #tpu.memory_space<vmem>>
      %dma_wait3A_201 = arith.constant 0 : i32
      %dma_wait3A_202 = arith.constant 0 : i32
      %dma_wait3A_203 = tpu.memref_slice %arg6[%dma_wait3A_201, %dma_wait3A_202] : memref<10240x128xf32, #tpu.memory_space<vmem_shared>> -> memref<10240x128xf32, #tpu.memory_space<vmem_shared>>
      tpu.wait_indirect_dma semaphore(%arg12 : memref<!tpu.dma_semaphore, #tpu.memory_space<semaphore_mem>>) src(%dma_wait3A_197 : memref<128x128xf32, #tpu.memory_space<vmem>>) dst(%dma_wait3A_203 : memref<10240x128xf32, #tpu.memory_space<vmem_shared>>)
    }
    %scan3A_33 = arith.constant 39 : i32
    %add3A_34 = arith.constant 9984 : i32
    %add3A_35 = arith.addi %mul3A_27, %add3A_34 : i32
    %multiple_of3A = tpu.assume_multiple %add3A_35, 8 : i32
    "tpu.region"() ({
      %run_scoped3A_75 = tpu.sem_alloc : memref<!tpu.dma_semaphore, #tpu.memory_space<semaphore_mem>>
      %dma_start3A_76 = arith.constant 0 : i32
      %dma_start3A_77 = tpu.memref_slice %arg8[%dma_start3A_76] : memref<256xi32, #tpu.memory_space<vmem>> -> memref<16xi32, #tpu.memory_space<vmem>>
      %dma_start3A_78 = tpu.memref_slice %arg3[%multiple_of3A] : memref<320000xi32, #tpu.memory_space<hbm>> -> memref<16xi32, #tpu.memory_space<hbm>>
      %dma_start3A_79 = arith.constant 0 : i32
      %dma_start3A_80 = tpu.memref_slice %arg8[%dma_start3A_79] : memref<256xi32, #tpu.memory_space<vmem>> -> memref<16xi32, #tpu.memory_space<vmem>>
      %dma_start3A_81 = tpu.memref_slice %arg3[%multiple_of3A] : memref<320000xi32, #tpu.memory_space<hbm>> -> memref<16xi32, #tpu.memory_space<hbm>>
      tpu.enqueue_dma source(%dma_start3A_81 : memref<16xi32, #tpu.memory_space<hbm>>) target(%dma_start3A_80 : memref<16xi32, #tpu.memory_space<vmem>>) target_semaphore(%run_scoped3A_75 : memref<!tpu.dma_semaphore, #tpu.memory_space<semaphore_mem>>)
      %dma_wait3A_82 = arith.constant 0 : i32
      %dma_wait3A_83 = tpu.memref_slice %arg8[%dma_wait3A_82] : memref<256xi32, #tpu.memory_space<vmem>> -> memref<16xi32, #tpu.memory_space<vmem>>
      %dma_wait3A_84 = tpu.memref_slice %arg3[%multiple_of3A] : memref<320000xi32, #tpu.memory_space<hbm>> -> memref<16xi32, #tpu.memory_space<hbm>>
      %dma_wait3A_85 = arith.constant 0 : i32
      %dma_wait3A_86 = tpu.memref_slice %arg8[%dma_wait3A_85] : memref<256xi32, #tpu.memory_space<vmem>> -> memref<16xi32, #tpu.memory_space<vmem>>
      %dma_wait3A_87 = tpu.memref_slice %arg3[%multiple_of3A] : memref<320000xi32, #tpu.memory_space<hbm>> -> memref<16xi32, #tpu.memory_space<hbm>>
      tpu.wait_dma2 semaphore(%run_scoped3A_75 : memref<!tpu.dma_semaphore, #tpu.memory_space<semaphore_mem>>) src(%dma_wait3A_87 : memref<16xi32, #tpu.memory_space<hbm>>) dst(%dma_wait3A_86 : memref<16xi32, #tpu.memory_space<vmem>>)
      tpu.yield
    }) : () -> ()
    %run_scoped3A = arith.constant 0 : i32
    "tpu.region"() ({
      %run_scoped3A_75 = tpu.sem_alloc : memref<!tpu.dma_semaphore, #tpu.memory_space<semaphore_mem>>
      %dma_start3A_76 = arith.constant 0 : i32
      %dma_start3A_77 = tpu.memref_slice %arg9[%run_scoped3A, %dma_start3A_76] : memref<2x128xi32, #tpu.memory_space<vmem>> -> memref<1x16xi32, #tpu.memory_space<vmem>>
      %dma_start3A_78 = tpu.memref_squeeze %dma_start3A_77 : memref<1x16xi32, #tpu.memory_space<vmem>> -> memref<16xi32, #tpu.memory_space<vmem>>
      %dma_start3A_79 = tpu.memref_slice %arg4[%multiple_of3A] : memref<320000xi32, #tpu.memory_space<hbm>> -> memref<16xi32, #tpu.memory_space<hbm>>
      %dma_start3A_80 = arith.constant 0 : i32
      %dma_start3A_81 = tpu.memref_slice %arg9[%run_scoped3A, %dma_start3A_80] : memref<2x128xi32, #tpu.memory_space<vmem>> -> memref<1x16xi32, #tpu.memory_space<vmem>>
      %dma_start3A_82 = tpu.memref_squeeze %dma_start3A_81 : memref<1x16xi32, #tpu.memory_space<vmem>> -> memref<16xi32, #tpu.memory_space<vmem>>
      %dma_start3A_83 = tpu.memref_slice %arg4[%multiple_of3A] : memref<320000xi32, #tpu.memory_space<hbm>> -> memref<16xi32, #tpu.memory_space<hbm>>
      tpu.enqueue_dma source(%dma_start3A_83 : memref<16xi32, #tpu.memory_space<hbm>>) target(%dma_start3A_82 : memref<16xi32, #tpu.memory_space<vmem>>) target_semaphore(%run_scoped3A_75 : memref<!tpu.dma_semaphore, #tpu.memory_space<semaphore_mem>>)
      %dma_wait3A_84 = arith.constant 0 : i32
      %dma_wait3A_85 = tpu.memref_slice %arg9[%run_scoped3A, %dma_wait3A_84] : memref<2x128xi32, #tpu.memory_space<vmem>> -> memref<1x16xi32, #tpu.memory_space<vmem>>
      %dma_wait3A_86 = tpu.memref_squeeze %dma_wait3A_85 : memref<1x16xi32, #tpu.memory_space<vmem>> -> memref<16xi32, #tpu.memory_space<vmem>>
      %dma_wait3A_87 = tpu.memref_slice %arg4[%multiple_of3A] : memref<320000xi32, #tpu.memory_space<hbm>> -> memref<16xi32, #tpu.memory_space<hbm>>
      %dma_wait3A_88 = arith.constant 0 : i32
      %dma_wait3A_89 = tpu.memref_slice %arg9[%run_scoped3A, %dma_wait3A_88] : memref<2x128xi32, #tpu.memory_space<vmem>> -> memref<1x16xi32, #tpu.memory_space<vmem>>
      %dma_wait3A_90 = tpu.memref_squeeze %dma_wait3A_89 : memref<1x16xi32, #tpu.memory_space<vmem>> -> memref<16xi32, #tpu.memory_space<vmem>>
      %dma_wait3A_91 = tpu.memref_slice %arg4[%multiple_of3A] : memref<320000xi32, #tpu.memory_space<hbm>> -> memref<16xi32, #tpu.memory_space<hbm>>
      tpu.wait_dma2 semaphore(%run_scoped3A_75 : memref<!tpu.dma_semaphore, #tpu.memory_space<semaphore_mem>>) src(%dma_wait3A_91 : memref<16xi32, #tpu.memory_space<hbm>>) dst(%dma_wait3A_90 : memref<16xi32, #tpu.memory_space<vmem>>)
      tpu.yield
    }) : () -> ()
    %dma_start3A = arith.constant 0 : i32
    %dma_start3A_36 = arith.constant 0 : i32
    %dma_start3A_37 = tpu.memref_slice %arg7[%dma_start3A, %dma_start3A_36] : memref<256x128xf32, #tpu.memory_space<vmem>> -> memref<16x128xf32, #tpu.memory_space<vmem>>
    %dma_start3A_38 = arith.constant 0 : i32
    %dma_start3A_39 = tpu.memref_slice %arg8[%dma_start3A_38] : memref<256xi32, #tpu.memory_space<vmem>> -> memref<16xi32, #tpu.memory_space<vmem>>
    %dma_start3A_40 = arith.constant 0 : i32
    %dma_start3A_41 = arith.constant 0 : i32
    %dma_start3A_42 = tpu.memref_slice %arg2[%dma_start3A_40, %dma_start3A_41] : memref<10000x128xf32, #tpu.memory_space<hbm>> -> memref<10000x128xf32, #tpu.memory_space<hbm>>
    tpu.enqueue_indirect_dma source(%dma_start3A_42 : memref<10000x128xf32, #tpu.memory_space<hbm>>) target(%dma_start3A_37 : memref<16x128xf32, #tpu.memory_space<vmem>>) offsets(%dma_start3A_39 : memref<16xi32, #tpu.memory_space<vmem>>) semaphore(%arg11 : memref<!tpu.dma_semaphore, #tpu.memory_space<semaphore_mem>>)
    %dma_wait3A = arith.constant 0 : i32
    %dma_wait3A_43 = arith.constant 0 : i32
    %dma_wait3A_44 = tpu.memref_slice %arg7[%dma_wait3A, %dma_wait3A_43] : memref<256x128xf32, #tpu.memory_space<vmem>> -> memref<16x128xf32, #tpu.memory_space<vmem>>
    %dma_wait3A_45 = arith.constant 0 : i32
    %dma_wait3A_46 = tpu.memref_slice %arg8[%dma_wait3A_45] : memref<256xi32, #tpu.memory_space<vmem>> -> memref<16xi32, #tpu.memory_space<vmem>>
    %dma_wait3A_47 = arith.constant 0 : i32
    %dma_wait3A_48 = arith.constant 0 : i32
    %dma_wait3A_49 = tpu.memref_slice %arg2[%dma_wait3A_47, %dma_wait3A_48] : memref<10000x128xf32, #tpu.memory_space<hbm>> -> memref<10000x128xf32, #tpu.memory_space<hbm>>
    tpu.wait_indirect_dma semaphore(%arg11 : memref<!tpu.dma_semaphore, #tpu.memory_space<semaphore_mem>>) src(%dma_wait3A_49 : memref<10000x128xf32, #tpu.memory_space<hbm>>) dst(%dma_wait3A_44 : memref<16x128xf32, #tpu.memory_space<vmem>>)
    %dma_start3A_50 = arith.constant 0 : i32
    %dma_start3A_51 = arith.constant 0 : i32
    %dma_start3A_52 = arith.constant 0 : i32
    %dma_start3A_53 = tpu.memref_slice %arg7[%dma_start3A_51, %dma_start3A_52] : memref<256x128xf32, #tpu.memory_space<vmem>> -> memref<16x128xf32, #tpu.memory_space<vmem>>
    %dma_start3A_54 = arith.constant 0 : i32
    %dma_start3A_55 = tpu.memref_slice %arg9[%dma_start3A_50, %dma_start3A_54] : memref<2x128xi32, #tpu.memory_space<vmem>> -> memref<1x16xi32, #tpu.memory_space<vmem>>
    %dma_start3A_56 = tpu.memref_squeeze %dma_start3A_55 : memref<1x16xi32, #tpu.memory_space<vmem>> -> memref<16xi32, #tpu.memory_space<vmem>>
    %dma_start3A_57 = arith.constant 0 : i32
    %dma_start3A_58 = arith.constant 0 : i32
    %dma_start3A_59 = tpu.memref_slice %arg6[%dma_start3A_57, %dma_start3A_58] : memref<10240x128xf32, #tpu.memory_space<vmem_shared>> -> memref<10240x128xf32, #tpu.memory_space<vmem_shared>>
    tpu.enqueue_indirect_dma source(%dma_start3A_53 : memref<16x128xf32, #tpu.memory_space<vmem>>) target(%dma_start3A_59 : memref<10240x128xf32, #tpu.memory_space<vmem_shared>>) offsets(%dma_start3A_56 : memref<16xi32, #tpu.memory_space<vmem>>) semaphore(%arg12 : memref<!tpu.dma_semaphore, #tpu.memory_space<semaphore_mem>>) {add = true}
    %dma_wait3A_60 = arith.constant 0 : i32
    %dma_wait3A_61 = arith.constant 0 : i32
    %dma_wait3A_62 = arith.constant 0 : i32
    %dma_wait3A_63 = tpu.memref_slice %arg7[%dma_wait3A_61, %dma_wait3A_62] : memref<256x128xf32, #tpu.memory_space<vmem>> -> memref<16x128xf32, #tpu.memory_space<vmem>>
    %dma_wait3A_64 = arith.constant 0 : i32
    %dma_wait3A_65 = tpu.memref_slice %arg9[%dma_wait3A_60, %dma_wait3A_64] : memref<2x128xi32, #tpu.memory_space<vmem>> -> memref<1x16xi32, #tpu.memory_space<vmem>>
    %dma_wait3A_66 = tpu.memref_squeeze %dma_wait3A_65 : memref<1x16xi32, #tpu.memory_space<vmem>> -> memref<16xi32, #tpu.memory_space<vmem>>
    %dma_wait3A_67 = arith.constant 0 : i32
    %dma_wait3A_68 = arith.constant 0 : i32
    %dma_wait3A_69 = tpu.memref_slice %arg6[%dma_wait3A_67, %dma_wait3A_68] : memref<10240x128xf32, #tpu.memory_space<vmem_shared>> -> memref<10240x128xf32, #tpu.memory_space<vmem_shared>>
    tpu.wait_indirect_dma semaphore(%arg12 : memref<!tpu.dma_semaphore, #tpu.memory_space<semaphore_mem>>) src(%dma_wait3A_63 : memref<16x128xf32, #tpu.memory_space<vmem>>) dst(%dma_wait3A_69 : memref<10240x128xf32, #tpu.memory_space<vmem_shared>>)
    %barrier3A_70 = arith.constant 0 : index
    tpu.barrier barrier_id(%barrier3A_70)
    %mul3A_71 = arith.constant 640 : i32
    %mul3A_72 = arith.muli %arg1, %mul3A_71 : i32
    %mul3A_73 = arith.constant 640 : i32
    %mul3A_74 = arith.muli %arg1, %mul3A_73 : i32
    "tpu.region"() ({
      %run_scoped3A_75 = tpu.sem_alloc : memref<!tpu.dma_semaphore, #tpu.memory_space<semaphore_mem>>
      %dma_start3A_76 = arith.constant 0 : i32
      %dma_start3A_77 = tpu.memref_slice %arg5[%arg0, %mul3A_74, %dma_start3A_76] : memref<2x10240x128xf32, #tpu.memory_space<hbm>> -> memref<1x640x128xf32, #tpu.memory_space<hbm>>
      %dma_start3A_78 = tpu.memref_squeeze %dma_start3A_77 : memref<1x640x128xf32, #tpu.memory_space<hbm>> -> memref<640x128xf32, #tpu.memory_space<hbm>>
      %dma_start3A_79 = arith.constant 0 : i32
      %dma_start3A_80 = tpu.memref_slice %arg6[%mul3A_72, %dma_start3A_79] : memref<10240x128xf32, #tpu.memory_space<vmem_shared>> -> memref<640x128xf32, #tpu.memory_space<vmem_shared>>
      tpu.enqueue_dma source(%dma_start3A_80 : memref<640x128xf32, #tpu.memory_space<vmem_shared>>) target(%dma_start3A_78 : memref<640x128xf32, #tpu.memory_space<hbm>>) target_semaphore(%run_scoped3A_75 : memref<!tpu.dma_semaphore, #tpu.memory_space<semaphore_mem>>)
      %dma_wait3A_81 = arith.constant 0 : i32
      %dma_wait3A_82 = tpu.memref_slice %arg5[%arg0, %mul3A_74, %dma_wait3A_81] : memref<2x10240x128xf32, #tpu.memory_space<hbm>> -> memref<1x640x128xf32, #tpu.memory_space<hbm>>
      %dma_wait3A_83 = tpu.memref_squeeze %dma_wait3A_82 : memref<1x640x128xf32, #tpu.memory_space<hbm>> -> memref<640x128xf32, #tpu.memory_space<hbm>>
      %dma_wait3A_84 = arith.constant 0 : i32
      %dma_wait3A_85 = tpu.memref_slice %arg6[%mul3A_72, %dma_wait3A_84] : memref<10240x128xf32, #tpu.memory_space<vmem_shared>> -> memref<640x128xf32, #tpu.memory_space<vmem_shared>>
      tpu.wait_dma2 semaphore(%run_scoped3A_75 : memref<!tpu.dma_semaphore, #tpu.memory_space<semaphore_mem>>) src(%dma_wait3A_85 : memref<640x128xf32, #tpu.memory_space<vmem_shared>>) dst(%dma_wait3A_83 : memref<640x128xf32, #tpu.memory_space<hbm>>)
      tpu.yield
    }) : () -> ()
    return
  }
}

#map = affine_map<(d0, d1) -> (0, 0)>
#map1 = affine_map<(d0, d1) -> (0)>
#map2 = affine_map<(d0, d1) -> (0, 0, 0)>
module attributes {stable_mosaic.version = 14 : i64} {
  func.func @_pass_body(%arg0: i32, %arg1: i32, %arg2: memref<10240x128xf32, #tpu.memory_space<hbm>>, %arg3: memref<320000xi32, #tpu.memory_space<hbm>>, %arg4: memref<320000xi32, #tpu.memory_space<hbm>>, %arg5: memref<2x10240x128xf32, #tpu.memory_space<hbm>>, %arg6: memref<10240x128xf32, #tpu.memory_space<vmem_shared>>, %arg7: memref<256x128xf32, #tpu.memory_space<vmem>>, %arg8: memref<256xi32, #tpu.memory_space<vmem>>, %arg9: memref<2x128xi32, #tpu.memory_space<vmem>>, %arg10: memref<!tpu.dma_semaphore, #tpu.memory_space<semaphore_mem>>, %arg11: memref<!tpu.dma_semaphore, #tpu.memory_space<semaphore_mem>>, %arg12: memref<!tpu.dma_semaphore, #tpu.memory_space<semaphore_mem>>) attributes {dimension_semantics = [#tpu.dimension_semantics<core_parallel>, #tpu.dimension_semantics<subcore_parallel>], iteration_bounds = array<i64: 2, 16>, scalar_prefetch = 0 : i64, scratch_operands = 7 : i64, tpu.core_type = #tpu.core_type<sc_vector_subcore>, window_params = [{transform_indices = #map}, {transform_indices = #map1}, {transform_indices = #map1}, {transform_indices = #map2}]} {
    %mul3A = arith.constant 2 : i32
    %mul3A_0 = arith.muli %arg1, %mul3A : i32
    %add3A = arith.addi %mul3A_0, %arg0 : i32
    %scan3A = arith.constant 0 : i32
    %scan3A_1 = arith.constant 0 : i32
    %scan3A_2 = arith.constant 128 : i32
    %scan3A_3 = arith.addi %scan3A_1, %scan3A_2 : i32
    %scan3A_4 = arith.constant 1 : i32
    scf.for %scan3A_75 = %scan3A_1 to %scan3A_3 step %scan3A_4  : i32 {
      %broadcast_in_dim3A = arith.constant 0.000000e+00 : f32
      %broadcast_in_dim3A_76 = vector.broadcast %broadcast_in_dim3A : f32 to vector<16xf32>
      %swap3A = arith.index_cast %scan3A_75 : i32 to index
      %swap3A_77 = arith.constant 0 : index
      %swap3A_78 = tpu.vector_load %arg7[%swap3A, %swap3A_77] {strides = array<i32>} : memref<256x128xf32, #tpu.memory_space<vmem>>, vector<1x16xf32>,
      %swap3A_79 = vector.shape_cast %swap3A_78 : vector<1x16xf32> to vector<16xf32>
      %swap3A_80 = vector.shape_cast %broadcast_in_dim3A_76 : vector<16xf32> to vector<1x16xf32>
      tpu.vector_store %arg7[%swap3A, %swap3A_77], %swap3A_80 {strides = array<i32>} : memref<256x128xf32, #tpu.memory_space<vmem>>, vector<1x16xf32>,
      %broadcast_in_dim3A_81 = arith.constant 0.000000e+00 : f32
      %broadcast_in_dim3A_82 = vector.broadcast %broadcast_in_dim3A_81 : f32 to vector<16xf32>
      %swap3A_83 = arith.index_cast %scan3A_75 : i32 to index
      %swap3A_84 = arith.constant 16 : index
      %swap3A_85 = tpu.vector_load %arg7[%swap3A_83, %swap3A_84] {strides = array<i32>} : memref<256x128xf32, #tpu.memory_space<vmem>>, vector<1x16xf32>,
      %swap3A_86 = vector.shape_cast %swap3A_85 : vector<1x16xf32> to vector<16xf32>
      %swap3A_87 = vector.shape_cast %broadcast_in_dim3A_82 : vector<16xf32> to vector<1x16xf32>
      tpu.vector_store %arg7[%swap3A_83, %swap3A_84], %swap3A_87 {strides = array<i32>} : memref<256x128xf32, #tpu.memory_space<vmem>>, vector<1x16xf32>,
      %broadcast_in_dim3A_88 = arith.constant 0.000000e+00 : f32
      %broadcast_in_dim3A_89 = vector.broadcast %broadcast_in_dim3A_88 : f32 to vector<16xf32>
      %swap3A_90 = arith.index_cast %scan3A_75 : i32 to index
      %swap3A_91 = arith.constant 32 : index
      %swap3A_92 = tpu.vector_load %arg7[%swap3A_90, %swap3A_91] {strides = array<i32>} : memref<256x128xf32, #tpu.memory_space<vmem>>, vector<1x16xf32>,
      %swap3A_93 = vector.shape_cast %swap3A_92 : vector<1x16xf32> to vector<16xf32>
      %swap3A_94 = vector.shape_cast %broadcast_in_dim3A_89 : vector<16xf32> to vector<1x16xf32>
      tpu.vector_store %arg7[%swap3A_90, %swap3A_91], %swap3A_94 {strides = array<i32>} : memref<256x128xf32, #tpu.memory_space<vmem>>, vector<1x16xf32>,
      %broadcast_in_dim3A_95 = arith.constant 0.000000e+00 : f32
      %broadcast_in_dim3A_96 = vector.broadcast %broadcast_in_dim3A_95 : f32 to vector<16xf32>
      %swap3A_97 = arith.index_cast %scan3A_75 : i32 to index
      %swap3A_98 = arith.constant 48 : index
      %swap3A_99 = tpu.vector_load %arg7[%swap3A_97, %swap3A_98] {strides = array<i32>} : memref<256x128xf32, #tpu.memory_space<vmem>>, vector<1x16xf32>,
      %swap3A_100 = vector.shape_cast %swap3A_99 : vector<1x16xf32> to vector<16xf32>
      %swap3A_101 = vector.shape_cast %broadcast_in_dim3A_96 : vector<16xf32> to vector<1x16xf32>
      tpu.vector_store %arg7[%swap3A_97, %swap3A_98], %swap3A_101 {strides = array<i32>} : memref<256x128xf32, #tpu.memory_space<vmem>>, vector<1x16xf32>,
      %broadcast_in_dim3A_102 = arith.constant 0.000000e+00 : f32
      %broadcast_in_dim3A_103 = vector.broadcast %broadcast_in_dim3A_102 : f32 to vector<16xf32>
      %swap3A_104 = arith.index_cast %scan3A_75 : i32 to index
      %swap3A_105 = arith.constant 64 : index
      %swap3A_106 = tpu.vector_load %arg7[%swap3A_104, %swap3A_105] {strides = array<i32>} : memref<256x128xf32, #tpu.memory_space<vmem>>, vector<1x16xf32>,
      %swap3A_107 = vector.shape_cast %swap3A_106 : vector<1x16xf32> to vector<16xf32>
      %swap3A_108 = vector.shape_cast %broadcast_in_dim3A_103 : vector<16xf32> to vector<1x16xf32>
      tpu.vector_store %arg7[%swap3A_104, %swap3A_105], %swap3A_108 {strides = array<i32>} : memref<256x128xf32, #tpu.memory_space<vmem>>, vector<1x16xf32>,
      %broadcast_in_dim3A_109 = arith.constant 0.000000e+00 : f32
      %broadcast_in_dim3A_110 = vector.broadcast %broadcast_in_dim3A_109 : f32 to vector<16xf32>
      %swap3A_111 = arith.index_cast %scan3A_75 : i32 to index
      %swap3A_112 = arith.constant 80 : index
      %swap3A_113 = tpu.vector_load %arg7[%swap3A_111, %swap3A_112] {strides = array<i32>} : memref<256x128xf32, #tpu.memory_space<vmem>>, vector<1x16xf32>,
      %swap3A_114 = vector.shape_cast %swap3A_113 : vector<1x16xf32> to vector<16xf32>
      %swap3A_115 = vector.shape_cast %broadcast_in_dim3A_110 : vector<16xf32> to vector<1x16xf32>
      tpu.vector_store %arg7[%swap3A_111, %swap3A_112], %swap3A_115 {strides = array<i32>} : memref<256x128xf32, #tpu.memory_space<vmem>>, vector<1x16xf32>,
      %broadcast_in_dim3A_116 = arith.constant 0.000000e+00 : f32
      %broadcast_in_dim3A_117 = vector.broadcast %broadcast_in_dim3A_116 : f32 to vector<16xf32>
      %swap3A_118 = arith.index_cast %scan3A_75 : i32 to index
      %swap3A_119 = arith.constant 96 : index
      %swap3A_120 = tpu.vector_load %arg7[%swap3A_118, %swap3A_119] {strides = array<i32>} : memref<256x128xf32, #tpu.memory_space<vmem>>, vector<1x16xf32>,
      %swap3A_121 = vector.shape_cast %swap3A_120 : vector<1x16xf32> to vector<16xf32>
      %swap3A_122 = vector.shape_cast %broadcast_in_dim3A_117 : vector<16xf32> to vector<1x16xf32>
      tpu.vector_store %arg7[%swap3A_118, %swap3A_119], %swap3A_122 {strides = array<i32>} : memref<256x128xf32, #tpu.memory_space<vmem>>, vector<1x16xf32>,
      %broadcast_in_dim3A_123 = arith.constant 0.000000e+00 : f32
      %broadcast_in_dim3A_124 = vector.broadcast %broadcast_in_dim3A_123 : f32 to vector<16xf32>
      %swap3A_125 = arith.index_cast %scan3A_75 : i32 to index
      %swap3A_126 = arith.constant 112 : index
      %swap3A_127 = tpu.vector_load %arg7[%swap3A_125, %swap3A_126] {strides = array<i32>} : memref<256x128xf32, #tpu.memory_space<vmem>>, vector<1x16xf32>,
      %swap3A_128 = vector.shape_cast %swap3A_127 : vector<1x16xf32> to vector<16xf32>
      %swap3A_129 = vector.shape_cast %broadcast_in_dim3A_124 : vector<16xf32> to vector<1x16xf32>
      tpu.vector_store %arg7[%swap3A_125, %swap3A_126], %swap3A_129 {strides = array<i32>} : memref<256x128xf32, #tpu.memory_space<vmem>>, vector<1x16xf32>,
    }
    %scan3A_5 = arith.constant 128 : i32
    %mul3A_6 = arith.constant 640 : i32
    %mul3A_7 = arith.muli %arg1, %mul3A_6 : i32
    %add3A_8 = arith.constant 0 : i32
    %add3A_9 = arith.addi %mul3A_7, %add3A_8 : i32
    "tpu.region"() ({
      %run_scoped3A_75 = tpu.sem_alloc : memref<!tpu.dma_semaphore, #tpu.memory_space<semaphore_mem>>
      %dma_start3A_76 = arith.constant 0 : i32
      %dma_start3A_77 = arith.constant 0 : i32
      %dma_start3A_78 = tpu.memref_slice %arg7[%dma_start3A_76, %dma_start3A_77] : memref<256x128xf32, #tpu.memory_space<vmem>> -> memref<128x128xf32, #tpu.memory_space<vmem>>
      %dma_start3A_79 = arith.constant 0 : i32
      %dma_start3A_80 = tpu.memref_slice %arg6[%add3A_9, %dma_start3A_79] : memref<10240x128xf32, #tpu.memory_space<vmem_shared>> -> memref<128x128xf32, #tpu.memory_space<vmem_shared>>
      %dma_start3A_81 = arith.constant 0 : i32
      %dma_start3A_82 = tpu.memref_slice %arg6[%add3A_9, %dma_start3A_81] : memref<10240x128xf32, #tpu.memory_space<vmem_shared>> -> memref<128x128xf32, #tpu.memory_space<vmem_shared>>
      %dma_start3A_83 = arith.constant 0 : i32
      %dma_start3A_84 = arith.constant 0 : i32
      %dma_start3A_85 = tpu.memref_slice %arg7[%dma_start3A_83, %dma_start3A_84] : memref<256x128xf32, #tpu.memory_space<vmem>> -> memref<128x128xf32, #tpu.memory_space<vmem>>
      tpu.enqueue_dma source(%dma_start3A_85 : memref<128x128xf32, #tpu.memory_space<vmem>>) target(%dma_start3A_82 : memref<128x128xf32, #tpu.memory_space<vmem_shared>>) target_semaphore(%run_scoped3A_75 : memref<!tpu.dma_semaphore, #tpu.memory_space<semaphore_mem>>)
      %dma_wait3A_86 = arith.constant 0 : i32
      %dma_wait3A_87 = arith.constant 0 : i32
      %dma_wait3A_88 = tpu.memref_slice %arg7[%dma_wait3A_86, %dma_wait3A_87] : memref<256x128xf32, #tpu.memory_space<vmem>> -> memref<128x128xf32, #tpu.memory_space<vmem>>
      %dma_wait3A_89 = arith.constant 0 : i32
      %dma_wait3A_90 = tpu.memref_slice %arg6[%add3A_9, %dma_wait3A_89] : memref<10240x128xf32, #tpu.memory_space<vmem_shared>> -> memref<128x128xf32, #tpu.memory_space<vmem_shared>>
      %dma_wait3A_91 = arith.constant 0 : i32
      %dma_wait3A_92 = tpu.memref_slice %arg6[%add3A_9, %dma_wait3A_91] : memref<10240x128xf32, #tpu.memory_space<vmem_shared>> -> memref<128x128xf32, #tpu.memory_space<vmem_shared>>
      %dma_wait3A_93 = arith.constant 0 : i32
      %dma_wait3A_94 = arith.constant 0 : i32
      %dma_wait3A_95 = tpu.memref_slice %arg7[%dma_wait3A_93, %dma_wait3A_94] : memref<256x128xf32, #tpu.memory_space<vmem>> -> memref<128x128xf32, #tpu.memory_space<vmem>>
      tpu.wait_dma2 semaphore(%run_scoped3A_75 : memref<!tpu.dma_semaphore, #tpu.memory_space<semaphore_mem>>) src(%dma_wait3A_95 : memref<128x128xf32, #tpu.memory_space<vmem>>) dst(%dma_wait3A_92 : memref<128x128xf32, #tpu.memory_space<vmem_shared>>)
      tpu.yield
    }) : () -> ()
    %mul3A_10 = arith.constant 640 : i32
    %mul3A_11 = arith.muli %arg1, %mul3A_10 : i32
    %add3A_12 = arith.constant 128 : i32
    %add3A_13 = arith.addi %mul3A_11, %add3A_12 : i32
    "tpu.region"() ({
      %run_scoped3A_75 = tpu.sem_alloc : memref<!tpu.dma_semaphore, #tpu.memory_space<semaphore_mem>>
      %dma_start3A_76 = arith.constant 0 : i32
      %dma_start3A_77 = arith.constant 0 : i32
      %dma_start3A_78 = tpu.memref_slice %arg7[%dma_start3A_76, %dma_start3A_77] : memref<256x128xf32, #tpu.memory_space<vmem>> -> memref<128x128xf32, #tpu.memory_space<vmem>>
      %dma_start3A_79 = arith.constant 0 : i32
      %dma_start3A_80 = tpu.memref_slice %arg6[%add3A_13, %dma_start3A_79] : memref<10240x128xf32, #tpu.memory_space<vmem_shared>> -> memref<128x128xf32, #tpu.memory_space<vmem_shared>>
      %dma_start3A_81 = arith.constant 0 : i32
      %dma_start3A_82 = tpu.memref_slice %arg6[%add3A_13, %dma_start3A_81] : memref<10240x128xf32, #tpu.memory_space<vmem_shared>> -> memref<128x128xf32, #tpu.memory_space<vmem_shared>>
      %dma_start3A_83 = arith.constant 0 : i32
      %dma_start3A_84 = arith.constant 0 : i32
      %dma_start3A_85 = tpu.memref_slice %arg7[%dma_start3A_83, %dma_start3A_84] : memref<256x128xf32, #tpu.memory_space<vmem>> -> memref<128x128xf32, #tpu.memory_space<vmem>>
      tpu.enqueue_dma source(%dma_start3A_85 : memref<128x128xf32, #tpu.memory_space<vmem>>) target(%dma_start3A_82 : memref<128x128xf32, #tpu.memory_space<vmem_shared>>) target_semaphore(%run_scoped3A_75 : memref<!tpu.dma_semaphore, #tpu.memory_space<semaphore_mem>>)
      %dma_wait3A_86 = arith.constant 0 : i32
      %dma_wait3A_87 = arith.constant 0 : i32
      %dma_wait3A_88 = tpu.memref_slice %arg7[%dma_wait3A_86, %dma_wait3A_87] : memref<256x128xf32, #tpu.memory_space<vmem>> -> memref<128x128xf32, #tpu.memory_space<vmem>>
      %dma_wait3A_89 = arith.constant 0 : i32
      %dma_wait3A_90 = tpu.memref_slice %arg6[%add3A_13, %dma_wait3A_89] : memref<10240x128xf32, #tpu.memory_space<vmem_shared>> -> memref<128x128xf32, #tpu.memory_space<vmem_shared>>
      %dma_wait3A_91 = arith.constant 0 : i32
      %dma_wait3A_92 = tpu.memref_slice %arg6[%add3A_13, %dma_wait3A_91] : memref<10240x128xf32, #tpu.memory_space<vmem_shared>> -> memref<128x128xf32, #tpu.memory_space<vmem_shared>>
      %dma_wait3A_93 = arith.constant 0 : i32
      %dma_wait3A_94 = arith.constant 0 : i32
      %dma_wait3A_95 = tpu.memref_slice %arg7[%dma_wait3A_93, %dma_wait3A_94] : memref<256x128xf32, #tpu.memory_space<vmem>> -> memref<128x128xf32, #tpu.memory_space<vmem>>
      tpu.wait_dma2 semaphore(%run_scoped3A_75 : memref<!tpu.dma_semaphore, #tpu.memory_space<semaphore_mem>>) src(%dma_wait3A_95 : memref<128x128xf32, #tpu.memory_space<vmem>>) dst(%dma_wait3A_92 : memref<128x128xf32, #tpu.memory_space<vmem_shared>>)
      tpu.yield
    }) : () -> ()
    %mul3A_14 = arith.constant 640 : i32
    %mul3A_15 = arith.muli %arg1, %mul3A_14 : i32
    %add3A_16 = arith.constant 256 : i32
    %add3A_17 = arith.addi %mul3A_15, %add3A_16 : i32
    "tpu.region"() ({
      %run_scoped3A_75 = tpu.sem_alloc : memref<!tpu.dma_semaphore, #tpu.memory_space<semaphore_mem>>
      %dma_start3A_76 = arith.constant 0 : i32
      %dma_start3A_77 = arith.constant 0 : i32
      %dma_start3A_78 = tpu.memref_slice %arg7[%dma_start3A_76, %dma_start3A_77] : memref<256x128xf32, #tpu.memory_space<vmem>> -> memref<128x128xf32, #tpu.memory_space<vmem>>
      %dma_start3A_79 = arith.constant 0 : i32
      %dma_start3A_80 = tpu.memref_slice %arg6[%add3A_17, %dma_start3A_79] : memref<10240x128xf32, #tpu.memory_space<vmem_shared>> -> memref<128x128xf32, #tpu.memory_space<vmem_shared>>
      %dma_start3A_81 = arith.constant 0 : i32
      %dma_start3A_82 = tpu.memref_slice %arg6[%add3A_17, %dma_start3A_81] : memref<10240x128xf32, #tpu.memory_space<vmem_shared>> -> memref<128x128xf32, #tpu.memory_space<vmem_shared>>
      %dma_start3A_83 = arith.constant 0 : i32
      %dma_start3A_84 = arith.constant 0 : i32
      %dma_start3A_85 = tpu.memref_slice %arg7[%dma_start3A_83, %dma_start3A_84] : memref<256x128xf32, #tpu.memory_space<vmem>> -> memref<128x128xf32, #tpu.memory_space<vmem>>
      tpu.enqueue_dma source(%dma_start3A_85 : memref<128x128xf32, #tpu.memory_space<vmem>>) target(%dma_start3A_82 : memref<128x128xf32, #tpu.memory_space<vmem_shared>>) target_semaphore(%run_scoped3A_75 : memref<!tpu.dma_semaphore, #tpu.memory_space<semaphore_mem>>)
      %dma_wait3A_86 = arith.constant 0 : i32
      %dma_wait3A_87 = arith.constant 0 : i32
      %dma_wait3A_88 = tpu.memref_slice %arg7[%dma_wait3A_86, %dma_wait3A_87] : memref<256x128xf32, #tpu.memory_space<vmem>> -> memref<128x128xf32, #tpu.memory_space<vmem>>
      %dma_wait3A_89 = arith.constant 0 : i32
      %dma_wait3A_90 = tpu.memref_slice %arg6[%add3A_17, %dma_wait3A_89] : memref<10240x128xf32, #tpu.memory_space<vmem_shared>> -> memref<128x128xf32, #tpu.memory_space<vmem_shared>>
      %dma_wait3A_91 = arith.constant 0 : i32
      %dma_wait3A_92 = tpu.memref_slice %arg6[%add3A_17, %dma_wait3A_91] : memref<10240x128xf32, #tpu.memory_space<vmem_shared>> -> memref<128x128xf32, #tpu.memory_space<vmem_shared>>
      %dma_wait3A_93 = arith.constant 0 : i32
      %dma_wait3A_94 = arith.constant 0 : i32
      %dma_wait3A_95 = tpu.memref_slice %arg7[%dma_wait3A_93, %dma_wait3A_94] : memref<256x128xf32, #tpu.memory_space<vmem>> -> memref<128x128xf32, #tpu.memory_space<vmem>>
      tpu.wait_dma2 semaphore(%run_scoped3A_75 : memref<!tpu.dma_semaphore, #tpu.memory_space<semaphore_mem>>) src(%dma_wait3A_95 : memref<128x128xf32, #tpu.memory_space<vmem>>) dst(%dma_wait3A_92 : memref<128x128xf32, #tpu.memory_space<vmem_shared>>)
      tpu.yield
    }) : () -> ()
    %mul3A_18 = arith.constant 640 : i32
    %mul3A_19 = arith.muli %arg1, %mul3A_18 : i32
    %add3A_20 = arith.constant 384 : i32
    %add3A_21 = arith.addi %mul3A_19, %add3A_20 : i32
    "tpu.region"() ({
      %run_scoped3A_75 = tpu.sem_alloc : memref<!tpu.dma_semaphore, #tpu.memory_space<semaphore_mem>>
      %dma_start3A_76 = arith.constant 0 : i32
      %dma_start3A_77 = arith.constant 0 : i32
      %dma_start3A_78 = tpu.memref_slice %arg7[%dma_start3A_76, %dma_start3A_77] : memref<256x128xf32, #tpu.memory_space<vmem>> -> memref<128x128xf32, #tpu.memory_space<vmem>>
      %dma_start3A_79 = arith.constant 0 : i32
      %dma_start3A_80 = tpu.memref_slice %arg6[%add3A_21, %dma_start3A_79] : memref<10240x128xf32, #tpu.memory_space<vmem_shared>> -> memref<128x128xf32, #tpu.memory_space<vmem_shared>>
      %dma_start3A_81 = arith.constant 0 : i32
      %dma_start3A_82 = tpu.memref_slice %arg6[%add3A_21, %dma_start3A_81] : memref<10240x128xf32, #tpu.memory_space<vmem_shared>> -> memref<128x128xf32, #tpu.memory_space<vmem_shared>>
      %dma_start3A_83 = arith.constant 0 : i32
      %dma_start3A_84 = arith.constant 0 : i32
      %dma_start3A_85 = tpu.memref_slice %arg7[%dma_start3A_83, %dma_start3A_84] : memref<256x128xf32, #tpu.memory_space<vmem>> -> memref<128x128xf32, #tpu.memory_space<vmem>>
      tpu.enqueue_dma source(%dma_start3A_85 : memref<128x128xf32, #tpu.memory_space<vmem>>) target(%dma_start3A_82 : memref<128x128xf32, #tpu.memory_space<vmem_shared>>) target_semaphore(%run_scoped3A_75 : memref<!tpu.dma_semaphore, #tpu.memory_space<semaphore_mem>>)
      %dma_wait3A_86 = arith.constant 0 : i32
      %dma_wait3A_87 = arith.constant 0 : i32
      %dma_wait3A_88 = tpu.memref_slice %arg7[%dma_wait3A_86, %dma_wait3A_87] : memref<256x128xf32, #tpu.memory_space<vmem>> -> memref<128x128xf32, #tpu.memory_space<vmem>>
      %dma_wait3A_89 = arith.constant 0 : i32
      %dma_wait3A_90 = tpu.memref_slice %arg6[%add3A_21, %dma_wait3A_89] : memref<10240x128xf32, #tpu.memory_space<vmem_shared>> -> memref<128x128xf32, #tpu.memory_space<vmem_shared>>
      %dma_wait3A_91 = arith.constant 0 : i32
      %dma_wait3A_92 = tpu.memref_slice %arg6[%add3A_21, %dma_wait3A_91] : memref<10240x128xf32, #tpu.memory_space<vmem_shared>> -> memref<128x128xf32, #tpu.memory_space<vmem_shared>>
      %dma_wait3A_93 = arith.constant 0 : i32
      %dma_wait3A_94 = arith.constant 0 : i32
      %dma_wait3A_95 = tpu.memref_slice %arg7[%dma_wait3A_93, %dma_wait3A_94] : memref<256x128xf32, #tpu.memory_space<vmem>> -> memref<128x128xf32, #tpu.memory_space<vmem>>
      tpu.wait_dma2 semaphore(%run_scoped3A_75 : memref<!tpu.dma_semaphore, #tpu.memory_space<semaphore_mem>>) src(%dma_wait3A_95 : memref<128x128xf32, #tpu.memory_space<vmem>>) dst(%dma_wait3A_92 : memref<128x128xf32, #tpu.memory_space<vmem_shared>>)
      tpu.yield
    }) : () -> ()
    %mul3A_22 = arith.constant 640 : i32
    %mul3A_23 = arith.muli %arg1, %mul3A_22 : i32
    %add3A_24 = arith.constant 512 : i32
    %add3A_25 = arith.addi %mul3A_23, %add3A_24 : i32
    "tpu.region"() ({
      %run_scoped3A_75 = tpu.sem_alloc : memref<!tpu.dma_semaphore, #tpu.memory_space<semaphore_mem>>
      %dma_start3A_76 = arith.constant 0 : i32
      %dma_start3A_77 = arith.constant 0 : i32
      %dma_start3A_78 = tpu.memref_slice %arg7[%dma_start3A_76, %dma_start3A_77] : memref<256x128xf32, #tpu.memory_space<vmem>> -> memref<128x128xf32, #tpu.memory_space<vmem>>
      %dma_start3A_79 = arith.constant 0 : i32
      %dma_start3A_80 = tpu.memref_slice %arg6[%add3A_25, %dma_start3A_79] : memref<10240x128xf32, #tpu.memory_space<vmem_shared>> -> memref<128x128xf32, #tpu.memory_space<vmem_shared>>
      %dma_start3A_81 = arith.constant 0 : i32
      %dma_start3A_82 = tpu.memref_slice %arg6[%add3A_25, %dma_start3A_81] : memref<10240x128xf32, #tpu.memory_space<vmem_shared>> -> memref<128x128xf32, #tpu.memory_space<vmem_shared>>
      %dma_start3A_83 = arith.constant 0 : i32
      %dma_start3A_84 = arith.constant 0 : i32
      %dma_start3A_85 = tpu.memref_slice %arg7[%dma_start3A_83, %dma_start3A_84] : memref<256x128xf32, #tpu.memory_space<vmem>> -> memref<128x128xf32, #tpu.memory_space<vmem>>
      tpu.enqueue_dma source(%dma_start3A_85 : memref<128x128xf32, #tpu.memory_space<vmem>>) target(%dma_start3A_82 : memref<128x128xf32, #tpu.memory_space<vmem_shared>>) target_semaphore(%run_scoped3A_75 : memref<!tpu.dma_semaphore, #tpu.memory_space<semaphore_mem>>)
      %dma_wait3A_86 = arith.constant 0 : i32
      %dma_wait3A_87 = arith.constant 0 : i32
      %dma_wait3A_88 = tpu.memref_slice %arg7[%dma_wait3A_86, %dma_wait3A_87] : memref<256x128xf32, #tpu.memory_space<vmem>> -> memref<128x128xf32, #tpu.memory_space<vmem>>
      %dma_wait3A_89 = arith.constant 0 : i32
      %dma_wait3A_90 = tpu.memref_slice %arg6[%add3A_25, %dma_wait3A_89] : memref<10240x128xf32, #tpu.memory_space<vmem_shared>> -> memref<128x128xf32, #tpu.memory_space<vmem_shared>>
      %dma_wait3A_91 = arith.constant 0 : i32
      %dma_wait3A_92 = tpu.memref_slice %arg6[%add3A_25, %dma_wait3A_91] : memref<10240x128xf32, #tpu.memory_space<vmem_shared>> -> memref<128x128xf32, #tpu.memory_space<vmem_shared>>
      %dma_wait3A_93 = arith.constant 0 : i32
      %dma_wait3A_94 = arith.constant 0 : i32
      %dma_wait3A_95 = tpu.memref_slice %arg7[%dma_wait3A_93, %dma_wait3A_94] : memref<256x128xf32, #tpu.memory_space<vmem>> -> memref<128x128xf32, #tpu.memory_space<vmem>>
      tpu.wait_dma2 semaphore(%run_scoped3A_75 : memref<!tpu.dma_semaphore, #tpu.memory_space<semaphore_mem>>) src(%dma_wait3A_95 : memref<128x128xf32, #tpu.memory_space<vmem>>) dst(%dma_wait3A_92 : memref<128x128xf32, #tpu.memory_space<vmem_shared>>)
      tpu.yield
    }) : () -> ()
    %barrier3A = arith.constant 0 : index
    tpu.barrier barrier_id(%barrier3A)
    %mul3A_26 = arith.constant 10000 : i32
    %mul3A_27 = arith.muli %add3A, %mul3A_26 : i32
    %scan3A_28 = arith.constant 0 : i32
    %scan3A_29 = arith.constant 0 : i32
    %scan3A_30 = arith.constant 39 : i32
    %scan3A_31 = arith.addi %scan3A_29, %scan3A_30 : i32
    %scan3A_32 = arith.constant 1 : i32
    scf.for %scan3A_75 = %scan3A_29 to %scan3A_31 step %scan3A_32  : i32 {
      %mul3A_76 = arith.constant 256 : i32
      %mul3A_77 = arith.muli %scan3A_75, %mul3A_76 : i32
      %add3A_78 = arith.addi %mul3A_27, %mul3A_77 : i32
      %multiple_of3A_79 = tpu.assume_multiple %add3A_78, 8 : i32
      %dma_start3A_80 = arith.constant 0 : i32
      %dma_start3A_81 = tpu.memref_slice %arg8[%dma_start3A_80] : memref<256xi32, #tpu.memory_space<vmem>> -> memref<256xi32, #tpu.memory_space<vmem>>
      %dma_start3A_82 = tpu.memref_slice %arg3[%multiple_of3A_79] : memref<320000xi32, #tpu.memory_space<hbm>> -> memref<256xi32, #tpu.memory_space<hbm>>
      %dma_start3A_83 = arith.constant 0 : i32
      %dma_start3A_84 = tpu.memref_slice %arg8[%dma_start3A_83] : memref<256xi32, #tpu.memory_space<vmem>> -> memref<256xi32, #tpu.memory_space<vmem>>
      %dma_start3A_85 = tpu.memref_slice %arg3[%multiple_of3A_79] : memref<320000xi32, #tpu.memory_space<hbm>> -> memref<256xi32, #tpu.memory_space<hbm>>
      tpu.enqueue_dma source(%dma_start3A_85 : memref<256xi32, #tpu.memory_space<hbm>>) target(%dma_start3A_84 : memref<256xi32, #tpu.memory_space<vmem>>) target_semaphore(%arg10 : memref<!tpu.dma_semaphore, #tpu.memory_space<semaphore_mem>>)
      %add3A_86 = arith.constant 0 : i32
      %add3A_87 = arith.addi %multiple_of3A_79, %add3A_86 : i32
      %dma_start3A_88 = arith.constant 0 : i32
      %dma_start3A_89 = arith.constant 0 : i32
      %dma_start3A_90 = tpu.memref_slice %arg9[%dma_start3A_88, %dma_start3A_89] : memref<2x128xi32, #tpu.memory_space<vmem>> -> memref<1x128xi32, #tpu.memory_space<vmem>>
      %dma_start3A_91 = tpu.memref_squeeze %dma_start3A_90 : memref<1x128xi32, #tpu.memory_space<vmem>> -> memref<128xi32, #tpu.memory_space<vmem>>
      %dma_start3A_92 = tpu.memref_slice %arg4[%add3A_87] : memref<320000xi32, #tpu.memory_space<hbm>> -> memref<128xi32, #tpu.memory_space<hbm>>
      %dma_start3A_93 = arith.constant 0 : i32
      %dma_start3A_94 = tpu.memref_slice %arg9[%dma_start3A_88, %dma_start3A_93] : memref<2x128xi32, #tpu.memory_space<vmem>> -> memref<1x128xi32, #tpu.memory_space<vmem>>
      %dma_start3A_95 = tpu.memref_squeeze %dma_start3A_94 : memref<1x128xi32, #tpu.memory_space<vmem>> -> memref<128xi32, #tpu.memory_space<vmem>>
      %dma_start3A_96 = tpu.memref_slice %arg4[%add3A_87] : memref<320000xi32, #tpu.memory_space<hbm>> -> memref<128xi32, #tpu.memory_space<hbm>>
      tpu.enqueue_dma source(%dma_start3A_96 : memref<128xi32, #tpu.memory_space<hbm>>) target(%dma_start3A_95 : memref<128xi32, #tpu.memory_space<vmem>>) target_semaphore(%arg10 : memref<!tpu.dma_semaphore, #tpu.memory_space<semaphore_mem>>)
      %add3A_97 = arith.constant 128 : i32
      %add3A_98 = arith.addi %multiple_of3A_79, %add3A_97 : i32
      %dma_start3A_99 = arith.constant 1 : i32
      %dma_start3A_100 = arith.constant 0 : i32
      %dma_start3A_101 = tpu.memref_slice %arg9[%dma_start3A_99, %dma_start3A_100] : memref<2x128xi32, #tpu.memory_space<vmem>> -> memref<1x128xi32, #tpu.memory_space<vmem>>
      %dma_start3A_102 = tpu.memref_squeeze %dma_start3A_101 : memref<1x128xi32, #tpu.memory_space<vmem>> -> memref<128xi32, #tpu.memory_space<vmem>>
      %dma_start3A_103 = tpu.memref_slice %arg4[%add3A_98] : memref<320000xi32, #tpu.memory_space<hbm>> -> memref<128xi32, #tpu.memory_space<hbm>>
      %dma_start3A_104 = arith.constant 0 : i32
      %dma_start3A_105 = tpu.memref_slice %arg9[%dma_start3A_99, %dma_start3A_104] : memref<2x128xi32, #tpu.memory_space<vmem>> -> memref<1x128xi32, #tpu.memory_space<vmem>>
      %dma_start3A_106 = tpu.memref_squeeze %dma_start3A_105 : memref<1x128xi32, #tpu.memory_space<vmem>> -> memref<128xi32, #tpu.memory_space<vmem>>
      %dma_start3A_107 = tpu.memref_slice %arg4[%add3A_98] : memref<320000xi32, #tpu.memory_space<hbm>> -> memref<128xi32, #tpu.memory_space<hbm>>
      tpu.enqueue_dma source(%dma_start3A_107 : memref<128xi32, #tpu.memory_space<hbm>>) target(%dma_start3A_106 : memref<128xi32, #tpu.memory_space<vmem>>) target_semaphore(%arg10 : memref<!tpu.dma_semaphore, #tpu.memory_space<semaphore_mem>>)
      %dma_wait3A_108 = arith.constant 0 : i32
      %dma_wait3A_109 = tpu.memref_slice %arg8[%dma_wait3A_108] : memref<256xi32, #tpu.memory_space<vmem>> -> memref<256xi32, #tpu.memory_space<vmem>>
      %dma_wait3A_110 = tpu.memref_slice %arg3[%multiple_of3A_79] : memref<320000xi32, #tpu.memory_space<hbm>> -> memref<256xi32, #tpu.memory_space<hbm>>
      %dma_wait3A_111 = arith.constant 0 : i32
      %dma_wait3A_112 = tpu.memref_slice %arg8[%dma_wait3A_111] : memref<256xi32, #tpu.memory_space<vmem>> -> memref<256xi32, #tpu.memory_space<vmem>>
      %dma_wait3A_113 = tpu.memref_slice %arg3[%multiple_of3A_79] : memref<320000xi32, #tpu.memory_space<hbm>> -> memref<256xi32, #tpu.memory_space<hbm>>
      tpu.wait_dma2 semaphore(%arg10 : memref<!tpu.dma_semaphore, #tpu.memory_space<semaphore_mem>>) src(%dma_wait3A_113 : memref<256xi32, #tpu.memory_space<hbm>>) dst(%dma_wait3A_112 : memref<256xi32, #tpu.memory_space<vmem>>)
      %dma_wait3A_114 = arith.constant 0 : i32
      %dma_wait3A_115 = arith.constant 0 : i32
      %dma_wait3A_116 = tpu.memref_slice %arg9[%dma_wait3A_114, %dma_wait3A_115] : memref<2x128xi32, #tpu.memory_space<vmem>> -> memref<1x128xi32, #tpu.memory_space<vmem>>
      %dma_wait3A_117 = tpu.memref_squeeze %dma_wait3A_116 : memref<1x128xi32, #tpu.memory_space<vmem>> -> memref<128xi32, #tpu.memory_space<vmem>>
      %dma_wait3A_118 = tpu.memref_slice %arg4[%add3A_87] : memref<320000xi32, #tpu.memory_space<hbm>> -> memref<128xi32, #tpu.memory_space<hbm>>
      %dma_wait3A_119 = arith.constant 0 : i32
      %dma_wait3A_120 = tpu.memref_slice %arg9[%dma_wait3A_114, %dma_wait3A_119] : memref<2x128xi32, #tpu.memory_space<vmem>> -> memref<1x128xi32, #tpu.memory_space<vmem>>
      %dma_wait3A_121 = tpu.memref_squeeze %dma_wait3A_120 : memref<1x128xi32, #tpu.memory_space<vmem>> -> memref<128xi32, #tpu.memory_space<vmem>>
      %dma_wait3A_122 = tpu.memref_slice %arg4[%add3A_87] : memref<320000xi32, #tpu.memory_space<hbm>> -> memref<128xi32, #tpu.memory_space<hbm>>
      tpu.wait_dma2 semaphore(%arg10 : memref<!tpu.dma_semaphore, #tpu.memory_space<semaphore_mem>>) src(%dma_wait3A_122 : memref<128xi32, #tpu.memory_space<hbm>>) dst(%dma_wait3A_121 : memref<128xi32, #tpu.memory_space<vmem>>)
      %dma_wait3A_123 = arith.constant 1 : i32
      %dma_wait3A_124 = arith.constant 0 : i32
      %dma_wait3A_125 = tpu.memref_slice %arg9[%dma_wait3A_123, %dma_wait3A_124] : memref<2x128xi32, #tpu.memory_space<vmem>> -> memref<1x128xi32, #tpu.memory_space<vmem>>
      %dma_wait3A_126 = tpu.memref_squeeze %dma_wait3A_125 : memref<1x128xi32, #tpu.memory_space<vmem>> -> memref<128xi32, #tpu.memory_space<vmem>>
      %dma_wait3A_127 = tpu.memref_slice %arg4[%add3A_98] : memref<320000xi32, #tpu.memory_space<hbm>> -> memref<128xi32, #tpu.memory_space<hbm>>
      %dma_wait3A_128 = arith.constant 0 : i32
      %dma_wait3A_129 = tpu.memref_slice %arg9[%dma_wait3A_123, %dma_wait3A_128] : memref<2x128xi32, #tpu.memory_space<vmem>> -> memref<1x128xi32, #tpu.memory_space<vmem>>
      %dma_wait3A_130 = tpu.memref_squeeze %dma_wait3A_129 : memref<1x128xi32, #tpu.memory_space<vmem>> -> memref<128xi32, #tpu.memory_space<vmem>>
      %dma_wait3A_131 = tpu.memref_slice %arg4[%add3A_98] : memref<320000xi32, #tpu.memory_space<hbm>> -> memref<128xi32, #tpu.memory_space<hbm>>
      tpu.wait_dma2 semaphore(%arg10 : memref<!tpu.dma_semaphore, #tpu.memory_space<semaphore_mem>>) src(%dma_wait3A_131 : memref<128xi32, #tpu.memory_space<hbm>>) dst(%dma_wait3A_130 : memref<128xi32, #tpu.memory_space<vmem>>)
      %dma_start3A_132 = arith.constant 0 : i32
      %dma_start3A_133 = arith.constant 0 : i32
      %dma_start3A_134 = tpu.memref_slice %arg7[%dma_start3A_132, %dma_start3A_133] : memref<256x128xf32, #tpu.memory_space<vmem>> -> memref<128x128xf32, #tpu.memory_space<vmem>>
      %dma_start3A_135 = arith.constant 0 : i32
      %dma_start3A_136 = tpu.memref_slice %arg8[%dma_start3A_135] : memref<256xi32, #tpu.memory_space<vmem>> -> memref<128xi32, #tpu.memory_space<vmem>>
      %dma_start3A_137 = arith.constant 0 : i32
      %dma_start3A_138 = arith.constant 0 : i32
      %dma_start3A_139 = tpu.memref_slice %arg2[%dma_start3A_137, %dma_start3A_138] : memref<10240x128xf32, #tpu.memory_space<hbm>> -> memref<10240x128xf32, #tpu.memory_space<hbm>>
      tpu.enqueue_indirect_dma source(%dma_start3A_139 : memref<10240x128xf32, #tpu.memory_space<hbm>>) target(%dma_start3A_134 : memref<128x128xf32, #tpu.memory_space<vmem>>) offsets(%dma_start3A_136 : memref<128xi32, #tpu.memory_space<vmem>>) semaphore(%arg11 : memref<!tpu.dma_semaphore, #tpu.memory_space<semaphore_mem>>)
      %dma_start3A_140 = arith.constant 128 : i32
      %dma_start3A_141 = arith.constant 0 : i32
      %dma_start3A_142 = tpu.memref_slice %arg7[%dma_start3A_140, %dma_start3A_141] : memref<256x128xf32, #tpu.memory_space<vmem>> -> memref<128x128xf32, #tpu.memory_space<vmem>>
      %dma_start3A_143 = arith.constant 128 : i32
      %dma_start3A_144 = tpu.memref_slice %arg8[%dma_start3A_143] : memref<256xi32, #tpu.memory_space<vmem>> -> memref<128xi32, #tpu.memory_space<vmem>>
      %dma_start3A_145 = arith.constant 0 : i32
      %dma_start3A_146 = arith.constant 0 : i32
      %dma_start3A_147 = tpu.memref_slice %arg2[%dma_start3A_145, %dma_start3A_146] : memref<10240x128xf32, #tpu.memory_space<hbm>> -> memref<10240x128xf32, #tpu.memory_space<hbm>>
      tpu.enqueue_indirect_dma source(%dma_start3A_147 : memref<10240x128xf32, #tpu.memory_space<hbm>>) target(%dma_start3A_142 : memref<128x128xf32, #tpu.memory_space<vmem>>) offsets(%dma_start3A_144 : memref<128xi32, #tpu.memory_space<vmem>>) semaphore(%arg11 : memref<!tpu.dma_semaphore, #tpu.memory_space<semaphore_mem>>)
      %dma_wait3A_148 = arith.constant 0 : i32
      %dma_wait3A_149 = arith.constant 0 : i32
      %dma_wait3A_150 = tpu.memref_slice %arg7[%dma_wait3A_148, %dma_wait3A_149] : memref<256x128xf32, #tpu.memory_space<vmem>> -> memref<128x128xf32, #tpu.memory_space<vmem>>
      %dma_wait3A_151 = arith.constant 0 : i32
      %dma_wait3A_152 = tpu.memref_slice %arg8[%dma_wait3A_151] : memref<256xi32, #tpu.memory_space<vmem>> -> memref<128xi32, #tpu.memory_space<vmem>>
      %dma_wait3A_153 = arith.constant 0 : i32
      %dma_wait3A_154 = arith.constant 0 : i32
      %dma_wait3A_155 = tpu.memref_slice %arg2[%dma_wait3A_153, %dma_wait3A_154] : memref<10240x128xf32, #tpu.memory_space<hbm>> -> memref<10240x128xf32, #tpu.memory_space<hbm>>
      tpu.wait_indirect_dma semaphore(%arg11 : memref<!tpu.dma_semaphore, #tpu.memory_space<semaphore_mem>>) src(%dma_wait3A_155 : memref<10240x128xf32, #tpu.memory_space<hbm>>) dst(%dma_wait3A_150 : memref<128x128xf32, #tpu.memory_space<vmem>>)
      %dma_wait3A_156 = arith.constant 128 : i32
      %dma_wait3A_157 = arith.constant 0 : i32
      %dma_wait3A_158 = tpu.memref_slice %arg7[%dma_wait3A_156, %dma_wait3A_157] : memref<256x128xf32, #tpu.memory_space<vmem>> -> memref<128x128xf32, #tpu.memory_space<vmem>>
      %dma_wait3A_159 = arith.constant 128 : i32
      %dma_wait3A_160 = tpu.memref_slice %arg8[%dma_wait3A_159] : memref<256xi32, #tpu.memory_space<vmem>> -> memref<128xi32, #tpu.memory_space<vmem>>
      %dma_wait3A_161 = arith.constant 0 : i32
      %dma_wait3A_162 = arith.constant 0 : i32
      %dma_wait3A_163 = tpu.memref_slice %arg2[%dma_wait3A_161, %dma_wait3A_162] : memref<10240x128xf32, #tpu.memory_space<hbm>> -> memref<10240x128xf32, #tpu.memory_space<hbm>>
      tpu.wait_indirect_dma semaphore(%arg11 : memref<!tpu.dma_semaphore, #tpu.memory_space<semaphore_mem>>) src(%dma_wait3A_163 : memref<10240x128xf32, #tpu.memory_space<hbm>>) dst(%dma_wait3A_158 : memref<128x128xf32, #tpu.memory_space<vmem>>)
      %dma_start3A_164 = arith.constant 0 : i32
      %dma_start3A_165 = arith.constant 0 : i32
      %dma_start3A_166 = arith.constant 0 : i32
      %dma_start3A_167 = tpu.memref_slice %arg7[%dma_start3A_165, %dma_start3A_166] : memref<256x128xf32, #tpu.memory_space<vmem>> -> memref<128x128xf32, #tpu.memory_space<vmem>>
      %dma_start3A_168 = arith.constant 0 : i32
      %dma_start3A_169 = tpu.memref_slice %arg9[%dma_start3A_164, %dma_start3A_168] : memref<2x128xi32, #tpu.memory_space<vmem>> -> memref<1x128xi32, #tpu.memory_space<vmem>>
      %dma_start3A_170 = tpu.memref_squeeze %dma_start3A_169 : memref<1x128xi32, #tpu.memory_space<vmem>> -> memref<128xi32, #tpu.memory_space<vmem>>
      %dma_start3A_171 = arith.constant 0 : i32
      %dma_start3A_172 = arith.constant 0 : i32
      %dma_start3A_173 = tpu.memref_slice %arg6[%dma_start3A_171, %dma_start3A_172] : memref<10240x128xf32, #tpu.memory_space<vmem_shared>> -> memref<10240x128xf32, #tpu.memory_space<vmem_shared>>
      tpu.enqueue_indirect_dma source(%dma_start3A_167 : memref<128x128xf32, #tpu.memory_space<vmem>>) target(%dma_start3A_173 : memref<10240x128xf32, #tpu.memory_space<vmem_shared>>) offsets(%dma_start3A_170 : memref<128xi32, #tpu.memory_space<vmem>>) semaphore(%arg12 : memref<!tpu.dma_semaphore, #tpu.memory_space<semaphore_mem>>) {add = true}
      %dma_wait3A_174 = arith.constant 0 : i32
      %dma_wait3A_175 = arith.constant 0 : i32
      %dma_wait3A_176 = arith.constant 0 : i32
      %dma_wait3A_177 = tpu.memref_slice %arg7[%dma_wait3A_175, %dma_wait3A_176] : memref<256x128xf32, #tpu.memory_space<vmem>> -> memref<128x128xf32, #tpu.memory_space<vmem>>
      %dma_wait3A_178 = arith.constant 0 : i32
      %dma_wait3A_179 = tpu.memref_slice %arg9[%dma_wait3A_174, %dma_wait3A_178] : memref<2x128xi32, #tpu.memory_space<vmem>> -> memref<1x128xi32, #tpu.memory_space<vmem>>
      %dma_wait3A_180 = tpu.memref_squeeze %dma_wait3A_179 : memref<1x128xi32, #tpu.memory_space<vmem>> -> memref<128xi32, #tpu.memory_space<vmem>>
      %dma_wait3A_181 = arith.constant 0 : i32
      %dma_wait3A_182 = arith.constant 0 : i32
      %dma_wait3A_183 = tpu.memref_slice %arg6[%dma_wait3A_181, %dma_wait3A_182] : memref<10240x128xf32, #tpu.memory_space<vmem_shared>> -> memref<10240x128xf32, #tpu.memory_space<vmem_shared>>
      tpu.wait_indirect_dma semaphore(%arg12 : memref<!tpu.dma_semaphore, #tpu.memory_space<semaphore_mem>>) src(%dma_wait3A_177 : memref<128x128xf32, #tpu.memory_space<vmem>>) dst(%dma_wait3A_183 : memref<10240x128xf32, #tpu.memory_space<vmem_shared>>)
      %dma_start3A_184 = arith.constant 1 : i32
      %dma_start3A_185 = arith.constant 128 : i32
      %dma_start3A_186 = arith.constant 0 : i32
      %dma_start3A_187 = tpu.memref_slice %arg7[%dma_start3A_185, %dma_start3A_186] : memref<256x128xf32, #tpu.memory_space<vmem>> -> memref<128x128xf32, #tpu.memory_space<vmem>>
      %dma_start3A_188 = arith.constant 0 : i32
      %dma_start3A_189 = tpu.memref_slice %arg9[%dma_start3A_184, %dma_start3A_188] : memref<2x128xi32, #tpu.memory_space<vmem>> -> memref<1x128xi32, #tpu.memory_space<vmem>>
      %dma_start3A_190 = tpu.memref_squeeze %dma_start3A_189 : memref<1x128xi32, #tpu.memory_space<vmem>> -> memref<128xi32, #tpu.memory_space<vmem>>
      %dma_start3A_191 = arith.constant 0 : i32
      %dma_start3A_192 = arith.constant 0 : i32
      %dma_start3A_193 = tpu.memref_slice %arg6[%dma_start3A_191, %dma_start3A_192] : memref<10240x128xf32, #tpu.memory_space<vmem_shared>> -> memref<10240x128xf32, #tpu.memory_space<vmem_shared>>
      tpu.enqueue_indirect_dma source(%dma_start3A_187 : memref<128x128xf32, #tpu.memory_space<vmem>>) target(%dma_start3A_193 : memref<10240x128xf32, #tpu.memory_space<vmem_shared>>) offsets(%dma_start3A_190 : memref<128xi32, #tpu.memory_space<vmem>>) semaphore(%arg12 : memref<!tpu.dma_semaphore, #tpu.memory_space<semaphore_mem>>) {add = true}
      %dma_wait3A_194 = arith.constant 1 : i32
      %dma_wait3A_195 = arith.constant 128 : i32
      %dma_wait3A_196 = arith.constant 0 : i32
      %dma_wait3A_197 = tpu.memref_slice %arg7[%dma_wait3A_195, %dma_wait3A_196] : memref<256x128xf32, #tpu.memory_space<vmem>> -> memref<128x128xf32, #tpu.memory_space<vmem>>
      %dma_wait3A_198 = arith.constant 0 : i32
      %dma_wait3A_199 = tpu.memref_slice %arg9[%dma_wait3A_194, %dma_wait3A_198] : memref<2x128xi32, #tpu.memory_space<vmem>> -> memref<1x128xi32, #tpu.memory_space<vmem>>
      %dma_wait3A_200 = tpu.memref_squeeze %dma_wait3A_199 : memref<1x128xi32, #tpu.memory_space<vmem>> -> memref<128xi32, #tpu.memory_space<vmem>>
      %dma_wait3A_201 = arith.constant 0 : i32
      %dma_wait3A_202 = arith.constant 0 : i32
      %dma_wait3A_203 = tpu.memref_slice %arg6[%dma_wait3A_201, %dma_wait3A_202] : memref<10240x128xf32, #tpu.memory_space<vmem_shared>> -> memref<10240x128xf32, #tpu.memory_space<vmem_shared>>
      tpu.wait_indirect_dma semaphore(%arg12 : memref<!tpu.dma_semaphore, #tpu.memory_space<semaphore_mem>>) src(%dma_wait3A_197 : memref<128x128xf32, #tpu.memory_space<vmem>>) dst(%dma_wait3A_203 : memref<10240x128xf32, #tpu.memory_space<vmem_shared>>)
    }
    %scan3A_33 = arith.constant 39 : i32
    %add3A_34 = arith.constant 9984 : i32
    %add3A_35 = arith.addi %mul3A_27, %add3A_34 : i32
    %multiple_of3A = tpu.assume_multiple %add3A_35, 8 : i32
    "tpu.region"() ({
      %run_scoped3A_75 = tpu.sem_alloc : memref<!tpu.dma_semaphore, #tpu.memory_space<semaphore_mem>>
      %dma_start3A_76 = arith.constant 0 : i32
      %dma_start3A_77 = tpu.memref_slice %arg8[%dma_start3A_76] : memref<256xi32, #tpu.memory_space<vmem>> -> memref<16xi32, #tpu.memory_space<vmem>>
      %dma_start3A_78 = tpu.memref_slice %arg3[%multiple_of3A] : memref<320000xi32, #tpu.memory_space<hbm>> -> memref<16xi32, #tpu.memory_space<hbm>>
      %dma_start3A_79 = arith.constant 0 : i32
      %dma_start3A_80 = tpu.memref_slice %arg8[%dma_start3A_79] : memref<256xi32, #tpu.memory_space<vmem>> -> memref<16xi32, #tpu.memory_space<vmem>>
      %dma_start3A_81 = tpu.memref_slice %arg3[%multiple_of3A] : memref<320000xi32, #tpu.memory_space<hbm>> -> memref<16xi32, #tpu.memory_space<hbm>>
      tpu.enqueue_dma source(%dma_start3A_81 : memref<16xi32, #tpu.memory_space<hbm>>) target(%dma_start3A_80 : memref<16xi32, #tpu.memory_space<vmem>>) target_semaphore(%run_scoped3A_75 : memref<!tpu.dma_semaphore, #tpu.memory_space<semaphore_mem>>)
      %dma_wait3A_82 = arith.constant 0 : i32
      %dma_wait3A_83 = tpu.memref_slice %arg8[%dma_wait3A_82] : memref<256xi32, #tpu.memory_space<vmem>> -> memref<16xi32, #tpu.memory_space<vmem>>
      %dma_wait3A_84 = tpu.memref_slice %arg3[%multiple_of3A] : memref<320000xi32, #tpu.memory_space<hbm>> -> memref<16xi32, #tpu.memory_space<hbm>>
      %dma_wait3A_85 = arith.constant 0 : i32
      %dma_wait3A_86 = tpu.memref_slice %arg8[%dma_wait3A_85] : memref<256xi32, #tpu.memory_space<vmem>> -> memref<16xi32, #tpu.memory_space<vmem>>
      %dma_wait3A_87 = tpu.memref_slice %arg3[%multiple_of3A] : memref<320000xi32, #tpu.memory_space<hbm>> -> memref<16xi32, #tpu.memory_space<hbm>>
      tpu.wait_dma2 semaphore(%run_scoped3A_75 : memref<!tpu.dma_semaphore, #tpu.memory_space<semaphore_mem>>) src(%dma_wait3A_87 : memref<16xi32, #tpu.memory_space<hbm>>) dst(%dma_wait3A_86 : memref<16xi32, #tpu.memory_space<vmem>>)
      tpu.yield
    }) : () -> ()
    %run_scoped3A = arith.constant 0 : i32
    "tpu.region"() ({
      %run_scoped3A_75 = tpu.sem_alloc : memref<!tpu.dma_semaphore, #tpu.memory_space<semaphore_mem>>
      %dma_start3A_76 = arith.constant 0 : i32
      %dma_start3A_77 = tpu.memref_slice %arg9[%run_scoped3A, %dma_start3A_76] : memref<2x128xi32, #tpu.memory_space<vmem>> -> memref<1x16xi32, #tpu.memory_space<vmem>>
      %dma_start3A_78 = tpu.memref_squeeze %dma_start3A_77 : memref<1x16xi32, #tpu.memory_space<vmem>> -> memref<16xi32, #tpu.memory_space<vmem>>
      %dma_start3A_79 = tpu.memref_slice %arg4[%multiple_of3A] : memref<320000xi32, #tpu.memory_space<hbm>> -> memref<16xi32, #tpu.memory_space<hbm>>
      %dma_start3A_80 = arith.constant 0 : i32
      %dma_start3A_81 = tpu.memref_slice %arg9[%run_scoped3A, %dma_start3A_80] : memref<2x128xi32, #tpu.memory_space<vmem>> -> memref<1x16xi32, #tpu.memory_space<vmem>>
      %dma_start3A_82 = tpu.memref_squeeze %dma_start3A_81 : memref<1x16xi32, #tpu.memory_space<vmem>> -> memref<16xi32, #tpu.memory_space<vmem>>
      %dma_start3A_83 = tpu.memref_slice %arg4[%multiple_of3A] : memref<320000xi32, #tpu.memory_space<hbm>> -> memref<16xi32, #tpu.memory_space<hbm>>
      tpu.enqueue_dma source(%dma_start3A_83 : memref<16xi32, #tpu.memory_space<hbm>>) target(%dma_start3A_82 : memref<16xi32, #tpu.memory_space<vmem>>) target_semaphore(%run_scoped3A_75 : memref<!tpu.dma_semaphore, #tpu.memory_space<semaphore_mem>>)
      %dma_wait3A_84 = arith.constant 0 : i32
      %dma_wait3A_85 = tpu.memref_slice %arg9[%run_scoped3A, %dma_wait3A_84] : memref<2x128xi32, #tpu.memory_space<vmem>> -> memref<1x16xi32, #tpu.memory_space<vmem>>
      %dma_wait3A_86 = tpu.memref_squeeze %dma_wait3A_85 : memref<1x16xi32, #tpu.memory_space<vmem>> -> memref<16xi32, #tpu.memory_space<vmem>>
      %dma_wait3A_87 = tpu.memref_slice %arg4[%multiple_of3A] : memref<320000xi32, #tpu.memory_space<hbm>> -> memref<16xi32, #tpu.memory_space<hbm>>
      %dma_wait3A_88 = arith.constant 0 : i32
      %dma_wait3A_89 = tpu.memref_slice %arg9[%run_scoped3A, %dma_wait3A_88] : memref<2x128xi32, #tpu.memory_space<vmem>> -> memref<1x16xi32, #tpu.memory_space<vmem>>
      %dma_wait3A_90 = tpu.memref_squeeze %dma_wait3A_89 : memref<1x16xi32, #tpu.memory_space<vmem>> -> memref<16xi32, #tpu.memory_space<vmem>>
      %dma_wait3A_91 = tpu.memref_slice %arg4[%multiple_of3A] : memref<320000xi32, #tpu.memory_space<hbm>> -> memref<16xi32, #tpu.memory_space<hbm>>
      tpu.wait_dma2 semaphore(%run_scoped3A_75 : memref<!tpu.dma_semaphore, #tpu.memory_space<semaphore_mem>>) src(%dma_wait3A_91 : memref<16xi32, #tpu.memory_space<hbm>>) dst(%dma_wait3A_90 : memref<16xi32, #tpu.memory_space<vmem>>)
      tpu.yield
    }) : () -> ()
    %dma_start3A = arith.constant 0 : i32
    %dma_start3A_36 = arith.constant 0 : i32
    %dma_start3A_37 = tpu.memref_slice %arg7[%dma_start3A, %dma_start3A_36] : memref<256x128xf32, #tpu.memory_space<vmem>> -> memref<16x128xf32, #tpu.memory_space<vmem>>
    %dma_start3A_38 = arith.constant 0 : i32
    %dma_start3A_39 = tpu.memref_slice %arg8[%dma_start3A_38] : memref<256xi32, #tpu.memory_space<vmem>> -> memref<16xi32, #tpu.memory_space<vmem>>
    %dma_start3A_40 = arith.constant 0 : i32
    %dma_start3A_41 = arith.constant 0 : i32
    %dma_start3A_42 = tpu.memref_slice %arg2[%dma_start3A_40, %dma_start3A_41] : memref<10240x128xf32, #tpu.memory_space<hbm>> -> memref<10240x128xf32, #tpu.memory_space<hbm>>
    tpu.enqueue_indirect_dma source(%dma_start3A_42 : memref<10240x128xf32, #tpu.memory_space<hbm>>) target(%dma_start3A_37 : memref<16x128xf32, #tpu.memory_space<vmem>>) offsets(%dma_start3A_39 : memref<16xi32, #tpu.memory_space<vmem>>) semaphore(%arg11 : memref<!tpu.dma_semaphore, #tpu.memory_space<semaphore_mem>>)
    %dma_wait3A = arith.constant 0 : i32
    %dma_wait3A_43 = arith.constant 0 : i32
    %dma_wait3A_44 = tpu.memref_slice %arg7[%dma_wait3A, %dma_wait3A_43] : memref<256x128xf32, #tpu.memory_space<vmem>> -> memref<16x128xf32, #tpu.memory_space<vmem>>
    %dma_wait3A_45 = arith.constant 0 : i32
    %dma_wait3A_46 = tpu.memref_slice %arg8[%dma_wait3A_45] : memref<256xi32, #tpu.memory_space<vmem>> -> memref<16xi32, #tpu.memory_space<vmem>>
    %dma_wait3A_47 = arith.constant 0 : i32
    %dma_wait3A_48 = arith.constant 0 : i32
    %dma_wait3A_49 = tpu.memref_slice %arg2[%dma_wait3A_47, %dma_wait3A_48] : memref<10240x128xf32, #tpu.memory_space<hbm>> -> memref<10240x128xf32, #tpu.memory_space<hbm>>
    tpu.wait_indirect_dma semaphore(%arg11 : memref<!tpu.dma_semaphore, #tpu.memory_space<semaphore_mem>>) src(%dma_wait3A_49 : memref<10240x128xf32, #tpu.memory_space<hbm>>) dst(%dma_wait3A_44 : memref<16x128xf32, #tpu.memory_space<vmem>>)
    %dma_start3A_50 = arith.constant 0 : i32
    %dma_start3A_51 = arith.constant 0 : i32
    %dma_start3A_52 = arith.constant 0 : i32
    %dma_start3A_53 = tpu.memref_slice %arg7[%dma_start3A_51, %dma_start3A_52] : memref<256x128xf32, #tpu.memory_space<vmem>> -> memref<16x128xf32, #tpu.memory_space<vmem>>
    %dma_start3A_54 = arith.constant 0 : i32
    %dma_start3A_55 = tpu.memref_slice %arg9[%dma_start3A_50, %dma_start3A_54] : memref<2x128xi32, #tpu.memory_space<vmem>> -> memref<1x16xi32, #tpu.memory_space<vmem>>
    %dma_start3A_56 = tpu.memref_squeeze %dma_start3A_55 : memref<1x16xi32, #tpu.memory_space<vmem>> -> memref<16xi32, #tpu.memory_space<vmem>>
    %dma_start3A_57 = arith.constant 0 : i32
    %dma_start3A_58 = arith.constant 0 : i32
    %dma_start3A_59 = tpu.memref_slice %arg6[%dma_start3A_57, %dma_start3A_58] : memref<10240x128xf32, #tpu.memory_space<vmem_shared>> -> memref<10240x128xf32, #tpu.memory_space<vmem_shared>>
    tpu.enqueue_indirect_dma source(%dma_start3A_53 : memref<16x128xf32, #tpu.memory_space<vmem>>) target(%dma_start3A_59 : memref<10240x128xf32, #tpu.memory_space<vmem_shared>>) offsets(%dma_start3A_56 : memref<16xi32, #tpu.memory_space<vmem>>) semaphore(%arg12 : memref<!tpu.dma_semaphore, #tpu.memory_space<semaphore_mem>>) {add = true}
    %dma_wait3A_60 = arith.constant 0 : i32
    %dma_wait3A_61 = arith.constant 0 : i32
    %dma_wait3A_62 = arith.constant 0 : i32
    %dma_wait3A_63 = tpu.memref_slice %arg7[%dma_wait3A_61, %dma_wait3A_62] : memref<256x128xf32, #tpu.memory_space<vmem>> -> memref<16x128xf32, #tpu.memory_space<vmem>>
    %dma_wait3A_64 = arith.constant 0 : i32
    %dma_wait3A_65 = tpu.memref_slice %arg9[%dma_wait3A_60, %dma_wait3A_64] : memref<2x128xi32, #tpu.memory_space<vmem>> -> memref<1x16xi32, #tpu.memory_space<vmem>>
    %dma_wait3A_66 = tpu.memref_squeeze %dma_wait3A_65 : memref<1x16xi32, #tpu.memory_space<vmem>> -> memref<16xi32, #tpu.memory_space<vmem>>
    %dma_wait3A_67 = arith.constant 0 : i32
    %dma_wait3A_68 = arith.constant 0 : i32
    %dma_wait3A_69 = tpu.memref_slice %arg6[%dma_wait3A_67, %dma_wait3A_68] : memref<10240x128xf32, #tpu.memory_space<vmem_shared>> -> memref<10240x128xf32, #tpu.memory_space<vmem_shared>>
    tpu.wait_indirect_dma semaphore(%arg12 : memref<!tpu.dma_semaphore, #tpu.memory_space<semaphore_mem>>) src(%dma_wait3A_63 : memref<16x128xf32, #tpu.memory_space<vmem>>) dst(%dma_wait3A_69 : memref<10240x128xf32, #tpu.memory_space<vmem_shared>>)
    %barrier3A_70 = arith.constant 0 : index
    tpu.barrier barrier_id(%barrier3A_70)
    %mul3A_71 = arith.constant 640 : i32
    %mul3A_72 = arith.muli %arg1, %mul3A_71 : i32
    %mul3A_73 = arith.constant 640 : i32
    %mul3A_74 = arith.muli %arg1, %mul3A_73 : i32
    "tpu.region"() ({
      %run_scoped3A_75 = tpu.sem_alloc : memref<!tpu.dma_semaphore, #tpu.memory_space<semaphore_mem>>
      %dma_start3A_76 = arith.constant 0 : i32
      %dma_start3A_77 = tpu.memref_slice %arg5[%arg0, %mul3A_74, %dma_start3A_76] : memref<2x10240x128xf32, #tpu.memory_space<hbm>> -> memref<1x640x128xf32, #tpu.memory_space<hbm>>
      %dma_start3A_78 = tpu.memref_squeeze %dma_start3A_77 : memref<1x640x128xf32, #tpu.memory_space<hbm>> -> memref<640x128xf32, #tpu.memory_space<hbm>>
      %dma_start3A_79 = arith.constant 0 : i32
      %dma_start3A_80 = tpu.memref_slice %arg6[%mul3A_72, %dma_start3A_79] : memref<10240x128xf32, #tpu.memory_space<vmem_shared>> -> memref<640x128xf32, #tpu.memory_space<vmem_shared>>
      tpu.enqueue_dma source(%dma_start3A_80 : memref<640x128xf32, #tpu.memory_space<vmem_shared>>) target(%dma_start3A_78 : memref<640x128xf32, #tpu.memory_space<hbm>>) target_semaphore(%run_scoped3A_75 : memref<!tpu.dma_semaphore, #tpu.memory_space<semaphore_mem>>)
      %dma_wait3A_81 = arith.constant 0 : i32
      %dma_wait3A_82 = tpu.memref_slice %arg5[%arg0, %mul3A_74, %dma_wait3A_81] : memref<2x10240x128xf32, #tpu.memory_space<hbm>> -> memref<1x640x128xf32, #tpu.memory_space<hbm>>
      %dma_wait3A_83 = tpu.memref_squeeze %dma_wait3A_82 : memref<1x640x128xf32, #tpu.memory_space<hbm>> -> memref<640x128xf32, #tpu.memory_space<hbm>>
      %dma_wait3A_84 = arith.constant 0 : i32
      %dma_wait3A_85 = tpu.memref_slice %arg6[%mul3A_72, %dma_wait3A_84] : memref<10240x128xf32, #tpu.memory_space<vmem_shared>> -> memref<640x128xf32, #tpu.memory_space<vmem_shared>>
      tpu.wait_dma2 semaphore(%run_scoped3A_75 : memref<!tpu.dma_semaphore, #tpu.memory_space<semaphore_mem>>) src(%dma_wait3A_85 : memref<640x128xf32, #tpu.memory_space<vmem_shared>>) dst(%dma_wait3A_83 : memref<640x128xf32, #tpu.memory_space<hbm>>)
      tpu.yield
    }) : () -> ()
    return
  }
}

module attributes {stable_mosaic.version = 14 : i64} {
  func.func @_scale_body(%arg0: i32, %arg1: memref<2x2048x128xf32, #tpu.memory_space<vmem>>, %arg2: memref<2x2048x128xf32, #tpu.memory_space<vmem>>, %arg3: memref<2048x128xf32, #tpu.memory_space<vmem>>) attributes {dimension_semantics = [#tpu.dimension_semantics<arbitrary>], iteration_bounds = array<i64: 5>, scalar_prefetch = 0 : i64, scratch_operands = 0 : i64, tpu.core_type = #tpu.core_type<tc>, window_params = [{transform_indices = @transform_0, window_bounds = array<i64: 2, 2048, 128>}, {transform_indices = @transform_1, window_bounds = array<i64: 2, 2048, 128>}, {transform_indices = @transform_2, window_bounds = array<i64: 2048, 128>}]} {
    %get3A = arith.constant 0 : index
    %get3A_0 = arith.constant 0 : index
    %get3A_1 = arith.constant 0 : index
    %get3A_2 = vector.load %arg1[%get3A, %get3A_0, %get3A_1] : memref<2x2048x128xf32, #tpu.memory_space<vmem>>, vector<1x2048x128xf32>
    %get3A_3 = vector.shape_cast %get3A_2 : vector<1x2048x128xf32> to vector<2048x128xf32>
    %get3A_4 = arith.constant 1 : index
    %get3A_5 = arith.constant 0 : index
    %get3A_6 = arith.constant 0 : index
    %get3A_7 = vector.load %arg1[%get3A_4, %get3A_5, %get3A_6] : memref<2x2048x128xf32, #tpu.memory_space<vmem>>, vector<1x2048x128xf32>
    %get3A_8 = vector.shape_cast %get3A_7 : vector<1x2048x128xf32> to vector<2048x128xf32>
    %add3A = arith.addf %get3A_3, %get3A_8 : vector<2048x128xf32>
    %get3A_9 = arith.constant 0 : index
    %get3A_10 = arith.constant 0 : index
    %get3A_11 = arith.constant 0 : index
    %get3A_12 = vector.load %arg2[%get3A_9, %get3A_10, %get3A_11] : memref<2x2048x128xf32, #tpu.memory_space<vmem>>, vector<1x2048x128xf32>
    %get3A_13 = vector.shape_cast %get3A_12 : vector<1x2048x128xf32> to vector<2048x128xf32>
    %get3A_14 = arith.constant 1 : index
    %get3A_15 = arith.constant 0 : index
    %get3A_16 = arith.constant 0 : index
    %get3A_17 = vector.load %arg2[%get3A_14, %get3A_15, %get3A_16] : memref<2x2048x128xf32, #tpu.memory_space<vmem>>, vector<1x2048x128xf32>
    %get3A_18 = vector.shape_cast %get3A_17 : vector<1x2048x128xf32> to vector<2048x128xf32>
    %add3A_19 = arith.addf %get3A_13, %get3A_18 : vector<2048x128xf32>
    %slice3A = vector.extract_strided_slice %add3A_19 {offsets = [0, 0], sizes = [2048, 1], strides = [1, 1]} : vector<2048x128xf32> to vector<2048x1xf32>
    %gt3A = arith.constant 0.000000e+00 : f32
    %gt3A_20 = vector.broadcast %gt3A : f32 to vector<2048x1xf32>
    %gt3A_21 = arith.cmpf ogt, %slice3A, %gt3A_20 : vector<2048x1xf32>
    %div3A = arith.constant 1.000000e+00 : f32
    %div3A_22 = vector.broadcast %div3A : f32 to vector<2048x1xf32>
    %div3A_23 = arith.divf %div3A_22, %slice3A : vector<2048x1xf32>
    %jit3A = arith.constant 0.000000e+00 : f32
    %broadcast_in_dim3A = vector.broadcast %jit3A : f32 to vector<2048x1xf32>
    %select_n3A = arith.select %gt3A_21, %div3A_23, %broadcast_in_dim3A : vector<2048x1xi1>, vector<2048x1xf32>
    %mul3A = vector.broadcast %select_n3A : vector<2048x1xf32> to vector<2048x128xf32>
    %mul3A_24 = arith.mulf %add3A, %mul3A : vector<2048x128xf32>
    %swap3A = arith.constant 0 : index
    %swap3A_25 = arith.constant 0 : index
    %swap3A_26 = vector.load %arg3[%swap3A, %swap3A_25] : memref<2048x128xf32, #tpu.memory_space<vmem>>, vector<2048x128xf32>
    tpu.vector_store %arg3[%swap3A, %swap3A_25], %mul3A_24 {strides = array<i32>} : memref<2048x128xf32, #tpu.memory_space<vmem>>, vector<2048x128xf32>,
    return
  }
  func.func @transform_0(%arg0: i32) -> (i32, i32, i32) {
    %c0_i32 = arith.constant 0 : i32
    %c0_i32_0 = arith.constant 0 : i32
    %c0_i32_1 = arith.constant 0 : i32
    return %c0_i32, %arg0, %c0_i32_0 : i32, i32, i32
  }
  func.func @transform_1(%arg0: i32) -> (i32, i32, i32) {
    %c0_i32 = arith.constant 0 : i32
    %c0_i32_0 = arith.constant 0 : i32
    %c0_i32_1 = arith.constant 0 : i32
    return %c0_i32, %arg0, %c0_i32_0 : i32, i32, i32
  }
  func.func @transform_2(%arg0: i32) -> (i32, i32) {
    %c0_i32 = arith.constant 0 : i32
    %c0_i32_0 = arith.constant 0 : i32
    return %arg0, %c0_i32 : i32, i32
  }
}

module attributes {stable_mosaic.version = 14 : i64} {
  func.func @_conv_in_body(%arg0: i32, %arg1: memref<2000x128xf32, #tpu.memory_space<vmem>>, %arg2: memref<1x128xf32, #tpu.memory_space<vmem>>, %arg3: memref<1x128xf32, #tpu.memory_space<vmem>>, %arg4: memref<128x128xf32, #tpu.memory_space<vmem>>, %arg5: memref<2000x128xf32, #tpu.memory_space<vmem>>) attributes {dimension_semantics = [#tpu.dimension_semantics<arbitrary>], iteration_bounds = array<i64: 5>, scalar_prefetch = 0 : i64, scratch_operands = 0 : i64, tpu.core_type = #tpu.core_type<tc>, window_params = [{transform_indices = @transform_0, window_bounds = array<i64: 2000, 128>}, {pipeline_mode = #tpu.pipeline_mode<synchronous>, transform_indices = @transform_1, window_bounds = array<i64: 1, 128>}, {pipeline_mode = #tpu.pipeline_mode<synchronous>, transform_indices = @transform_2, window_bounds = array<i64: 1, 128>}, {pipeline_mode = #tpu.pipeline_mode<synchronous>, transform_indices = @transform_3, window_bounds = array<i64: 128, 128>}, {transform_indices = @transform_4, window_bounds = array<i64: 2000, 128>}]} {
    %get3A = arith.constant 0 : index
    %get3A_0 = arith.constant 0 : index
    %get3A_1 = vector.load %arg2[%get3A, %get3A_0] : memref<1x128xf32, #tpu.memory_space<vmem>>, vector<1x128xf32>
    %get3A_2 = arith.constant 0 : index
    %get3A_3 = arith.constant 0 : index
    %get3A_4 = vector.load %arg1[%get3A_2, %get3A_3] : memref<2000x128xf32, #tpu.memory_space<vmem>>, vector<2000x128xf32>
    %mul3A = arith.constant 0.999994993 : f32
    %mul3A_5 = vector.broadcast %mul3A : f32 to vector<2000x128xf32>
    %mul3A_6 = arith.mulf %get3A_4, %mul3A_5 : vector<2000x128xf32>
    %mul3A_7 = vector.broadcast %get3A_1 : vector<1x128xf32> to vector<2000x128xf32>
    %mul3A_8 = arith.mulf %mul3A_7, %mul3A_6 : vector<2000x128xf32>
    %get3A_9 = arith.constant 0 : index
    %get3A_10 = arith.constant 0 : index
    %get3A_11 = vector.load %arg3[%get3A_9, %get3A_10] : memref<1x128xf32, #tpu.memory_space<vmem>>, vector<1x128xf32>
    %add3A = vector.broadcast %get3A_11 : vector<1x128xf32> to vector<2000x128xf32>
    %add3A_12 = arith.addf %mul3A_8, %add3A : vector<2000x128xf32>
    %get3A_13 = arith.constant 0 : index
    %get3A_14 = arith.constant 0 : index
    %get3A_15 = vector.load %arg4[%get3A_13, %get3A_14] : memref<128x128xf32, #tpu.memory_space<vmem>>, vector<128x128xf32>
    %dot_general3A = arith.constant dense<0.000000e+00> : vector<2000x128xf32>
    %dot_general3A_16 = tpu.matmul %add3A_12, %get3A_15, %dot_general3A {dimension_numbers = #tpu.dot_dimension_numbers<[1], [0], [0], [1], [0, 0, 1, 1], [], []>, transpose_lhs_hint = false} : vector<2000x128xf32>, vector<128x128xf32>, vector<2000x128xf32> -> vector<2000x128xf32>
    %swap3A = arith.constant 0 : index
    %swap3A_17 = arith.constant 0 : index
    %swap3A_18 = vector.load %arg5[%swap3A, %swap3A_17] : memref<2000x128xf32, #tpu.memory_space<vmem>>, vector<2000x128xf32>
    tpu.vector_store %arg5[%swap3A, %swap3A_17], %dot_general3A_16 {strides = array<i32>} : memref<2000x128xf32, #tpu.memory_space<vmem>>, vector<2000x128xf32>,
    return
  }
  func.func @transform_0(%arg0: i32) -> (i32, i32) {
    %c0_i32 = arith.constant 0 : i32
    %c0_i32_0 = arith.constant 0 : i32
    return %arg0, %c0_i32 : i32, i32
  }
  func.func @transform_1(%arg0: i32) -> (i32, i32) {
    %c0_i32 = arith.constant 0 : i32
    %c0_i32_0 = arith.constant 0 : i32
    %c0_i32_1 = arith.constant 0 : i32
    return %c0_i32, %c0_i32_0 : i32, i32
  }
  func.func @transform_2(%arg0: i32) -> (i32, i32) {
    %c0_i32 = arith.constant 0 : i32
    %c0_i32_0 = arith.constant 0 : i32
    %c0_i32_1 = arith.constant 0 : i32
    return %c0_i32, %c0_i32_0 : i32, i32
  }
  func.func @transform_3(%arg0: i32) -> (i32, i32) {
    %c0_i32 = arith.constant 0 : i32
    %c0_i32_0 = arith.constant 0 : i32
    %c0_i32_1 = arith.constant 0 : i32
    return %c0_i32, %c0_i32_0 : i32, i32
  }
  func.func @transform_4(%arg0: i32) -> (i32, i32) {
    %c0_i32 = arith.constant 0 : i32
    %c0_i32_0 = arith.constant 0 : i32
    return %arg0, %c0_i32 : i32, i32
  }
}

module attributes {stable_mosaic.version = 14 : i64} {
  func.func @_vq_body(%arg0: i32, %arg1: memref<2x1000x128xf32, #tpu.memory_space<vmem>>, %arg2: memref<2x1000x128xf32, #tpu.memory_space<vmem>>, %arg3: memref<1000x128xf32, #tpu.memory_space<vmem>>, %arg4: memref<1000x512xf32, #tpu.memory_space<vmem>>, %arg5: memref<512x128xf32, #tpu.memory_space<vmem>>, %arg6: memref<1x128xf32, #tpu.memory_space<vmem>>, %arg7: memref<1x128xf32, #tpu.memory_space<vmem>>, %arg8: memref<1x128xf32, #tpu.memory_space<vmem>>, %arg9: memref<1x128xf32, #tpu.memory_space<vmem>>, %arg10: memref<1x1xf32, #tpu.memory_space<vmem>>, %arg11: memref<1000x128xf32, #tpu.memory_space<vmem>>, %arg12: memref<1x1xf32, #tpu.memory_space<vmem>>, %arg13: memref<1x1xf32, #tpu.memory_space<vmem>>, %arg14: memref<1x1xf32, #tpu.memory_space<smem>>, %arg15: memref<1x512xf32, #tpu.memory_space<vmem>>) attributes {dimension_semantics = [#tpu.dimension_semantics<arbitrary>], iteration_bounds = array<i64: 10>, scalar_prefetch = 0 : i64, scratch_operands = 2 : i64, tpu.core_type = #tpu.core_type<tc>, window_params = [{transform_indices = @transform_0, window_bounds = array<i64: 2, 1000, 128>}, {transform_indices = @transform_1, window_bounds = array<i64: 2, 1000, 128>}, {transform_indices = @transform_2, window_bounds = array<i64: 1000, 128>}, {transform_indices = @transform_3, window_bounds = array<i64: 1000, 512>}, {pipeline_mode = #tpu.pipeline_mode<synchronous>, transform_indices = @transform_4, window_bounds = array<i64: 512, 128>}, {pipeline_mode = #tpu.pipeline_mode<synchronous>, transform_indices = @transform_5, window_bounds = array<i64: 1, 128>}, {pipeline_mode = #tpu.pipeline_mode<synchronous>, transform_indices = @transform_6, window_bounds = array<i64: 1, 128>}, {pipeline_mode = #tpu.pipeline_mode<synchronous>, transform_indices = @transform_7, window_bounds = array<i64: 1, 128>}, {pipeline_mode = #tpu.pipeline_mode<synchronous>, transform_indices = @transform_8, window_bounds = array<i64: 1, 128>}, {pipeline_mode = #tpu.pipeline_mode<synchronous>, transform_indices = @transform_9, window_bounds = array<i64: 1, 1>}, {transform_indices = @transform_10, window_bounds = array<i64: 1000, 128>}, {pipeline_mode = #tpu.pipeline_mode<synchronous>, transform_indices = @transform_11, window_bounds = array<i64: 1, 1>}, {pipeline_mode = #tpu.pipeline_mode<synchronous>, transform_indices = @transform_12, window_bounds = array<i64: 1, 1>}]} {
    %eq3A = arith.constant 0 : i32
    %eq3A_0 = arith.cmpi eq, %arg0, %eq3A : i32
    %convert_element_type3A = arith.extui %eq3A_0 : i1 to i32
    %cond3A = arith.constant 0 : i32
    %cond3A_1 = arith.cmpi ne, %convert_element_type3A, %cond3A : i32
    scf.if %cond3A_1 {
      %swap3A_157 = arith.constant 0.000000e+00 : f32
      %swap3A_158 = arith.constant 0 : index
      %swap3A_159 = arith.constant 0 : index
      %swap3A_160 = memref.load %arg14[%swap3A_158, %swap3A_159] : memref<1x1xf32, #tpu.memory_space<smem>>
      memref.store %swap3A_157, %arg14[%swap3A_158, %swap3A_159] : memref<1x1xf32, #tpu.memory_space<smem>>
      %broadcast_in_dim3A_161 = arith.constant 0.000000e+00 : f32
      %broadcast_in_dim3A_162 = vector.broadcast %broadcast_in_dim3A_161 : f32 to vector<1x512xf32>
      %swap3A_163 = arith.constant 0 : index
      %swap3A_164 = arith.constant 0 : index
      %swap3A_165 = vector.load %arg15[%swap3A_163, %swap3A_164] : memref<1x512xf32, #tpu.memory_space<vmem>>, vector<1x512xf32>
      tpu.vector_store %arg15[%swap3A_163, %swap3A_164], %broadcast_in_dim3A_162 {strides = array<i32>} : memref<1x512xf32, #tpu.memory_space<vmem>>, vector<1x512xf32>,
    } else {
    }
    %get3A = arith.constant 0 : index
    %get3A_2 = arith.constant 0 : index
    %get3A_3 = arith.constant 0 : index
    %get3A_4 = vector.load %arg2[%get3A, %get3A_2, %get3A_3] : memref<2x1000x128xf32, #tpu.memory_space<vmem>>, vector<1x1000x128xf32>
    %get3A_5 = vector.shape_cast %get3A_4 : vector<1x1000x128xf32> to vector<1000x128xf32>
    %get3A_6 = arith.constant 1 : index
    %get3A_7 = arith.constant 0 : index
    %get3A_8 = arith.constant 0 : index
    %get3A_9 = vector.load %arg2[%get3A_6, %get3A_7, %get3A_8] : memref<2x1000x128xf32, #tpu.memory_space<vmem>>, vector<1x1000x128xf32>
    %get3A_10 = vector.shape_cast %get3A_9 : vector<1x1000x128xf32> to vector<1000x128xf32>
    %add3A = arith.addf %get3A_5, %get3A_10 : vector<1000x128xf32>
    %slice3A = vector.extract_strided_slice %add3A {offsets = [0, 0], sizes = [1000, 1], strides = [1, 1]} : vector<1000x128xf32> to vector<1000x1xf32>
    %gt3A = arith.constant 0.000000e+00 : f32
    %gt3A_11 = vector.broadcast %gt3A : f32 to vector<1000x1xf32>
    %gt3A_12 = arith.cmpf ogt, %slice3A, %gt3A_11 : vector<1000x1xf32>
    %div3A = arith.constant 1.000000e+00 : f32
    %div3A_13 = vector.broadcast %div3A : f32 to vector<1000x1xf32>
    %div3A_14 = arith.divf %div3A_13, %slice3A : vector<1000x1xf32>
    %jit3A = arith.constant 0.000000e+00 : f32
    %broadcast_in_dim3A = vector.broadcast %jit3A : f32 to vector<1000x1xf32>
    %select_n3A = arith.select %gt3A_12, %div3A_14, %broadcast_in_dim3A : vector<1000x1xi1>, vector<1000x1xf32>
    %get3A_15 = arith.constant 0 : index
    %get3A_16 = arith.constant 0 : index
    %get3A_17 = arith.constant 0 : index
    %get3A_18 = vector.load %arg1[%get3A_15, %get3A_16, %get3A_17] : memref<2x1000x128xf32, #tpu.memory_space<vmem>>, vector<1x1000x128xf32>
    %get3A_19 = vector.shape_cast %get3A_18 : vector<1x1000x128xf32> to vector<1000x128xf32>
    %get3A_20 = arith.constant 1 : index
    %get3A_21 = arith.constant 0 : index
    %get3A_22 = arith.constant 0 : index
    %get3A_23 = vector.load %arg1[%get3A_20, %get3A_21, %get3A_22] : memref<2x1000x128xf32, #tpu.memory_space<vmem>>, vector<1x1000x128xf32>
    %get3A_24 = vector.shape_cast %get3A_23 : vector<1x1000x128xf32> to vector<1000x128xf32>
    %add3A_25 = arith.addf %get3A_19, %get3A_24 : vector<1000x128xf32>
    %mul3A = vector.broadcast %select_n3A : vector<1000x1xf32> to vector<1000x128xf32>
    %mul3A_26 = arith.mulf %add3A_25, %mul3A : vector<1000x128xf32>
    %get3A_27 = arith.constant 0 : index
    %get3A_28 = arith.constant 0 : index
    %get3A_29 = vector.load %arg6[%get3A_27, %get3A_28] : memref<1x128xf32, #tpu.memory_space<vmem>>, vector<1x128xf32>
    %add3A_30 = vector.broadcast %get3A_29 : vector<1x128xf32> to vector<1000x128xf32>
    %add3A_31 = arith.addf %mul3A_26, %add3A_30 : vector<1000x128xf32>
    %max3A = arith.constant 0.000000e+00 : f32
    %max3A_32 = vector.broadcast %max3A : f32 to vector<1000x128xf32>
    %max3A_33 = arith.maximumf %add3A_31, %max3A_32 : vector<1000x128xf32>
    %get3A_34 = arith.constant 0 : index
    %get3A_35 = arith.constant 0 : index
    %get3A_36 = vector.load %arg7[%get3A_34, %get3A_35] : memref<1x128xf32, #tpu.memory_space<vmem>>, vector<1x128xf32>
    %get3A_37 = arith.constant 0 : index
    %get3A_38 = arith.constant 0 : index
    %get3A_39 = vector.load %arg3[%get3A_37, %get3A_38] : memref<1000x128xf32, #tpu.memory_space<vmem>>, vector<1000x128xf32>
    %mul3A_40 = arith.constant 0.999994993 : f32
    %mul3A_41 = vector.broadcast %mul3A_40 : f32 to vector<1000x128xf32>
    %mul3A_42 = arith.mulf %get3A_39, %mul3A_41 : vector<1000x128xf32>
    %mul3A_43 = vector.broadcast %get3A_36 : vector<1x128xf32> to vector<1000x128xf32>
    %mul3A_44 = arith.mulf %mul3A_43, %mul3A_42 : vector<1000x128xf32>
    %get3A_45 = arith.constant 0 : index
    %get3A_46 = arith.constant 0 : index
    %get3A_47 = vector.load %arg8[%get3A_45, %get3A_46] : memref<1x128xf32, #tpu.memory_space<vmem>>, vector<1x128xf32>
    %add3A_48 = vector.broadcast %get3A_47 : vector<1x128xf32> to vector<1000x128xf32>
    %add3A_49 = arith.addf %mul3A_44, %add3A_48 : vector<1000x128xf32>
    %get3A_50 = arith.constant 0 : index
    %get3A_51 = arith.constant 0 : index
    %get3A_52 = vector.load %arg9[%get3A_50, %get3A_51] : memref<1x128xf32, #tpu.memory_space<vmem>>, vector<1x128xf32>
    %mul3A_53 = vector.broadcast %get3A_52 : vector<1x128xf32> to vector<1000x128xf32>
    %mul3A_54 = arith.mulf %add3A_49, %mul3A_53 : vector<1000x128xf32>
    %reduce_sum3A = arith.constant dense<0.000000e+00> : vector<1000xf32>
    %reduce_sum3A_55 = vector.multi_reduction <add>, %mul3A_54, %reduce_sum3A [1] : vector<1000x128xf32> to vector<1000xf32>
    %broadcast_in_dim3A_56 = vector.shape_cast %reduce_sum3A_55 : vector<1000xf32> to vector<1000x1xf32>
    %get3A_57 = arith.constant 0 : index
    %get3A_58 = arith.constant 0 : index
    %get3A_59 = vector.load %arg10[%get3A_57, %get3A_58] : memref<1x1xf32, #tpu.memory_space<vmem>>, vector<1x1xf32>
    %add3A_60 = vector.broadcast %get3A_59 : vector<1x1xf32> to vector<1000x1xf32>
    %add3A_61 = arith.addf %broadcast_in_dim3A_56, %add3A_60 : vector<1000x1xf32>
    %logistic3A = arith.negf %add3A_61 : vector<1000x1xf32>
    %logistic3A_62 = math.exp %logistic3A : vector<1000x1xf32>
    %logistic3A_63 = arith.constant 1.000000e+00 : f32
    %logistic3A_64 = vector.broadcast %logistic3A_63 : f32 to vector<1000x1xf32>
    %logistic3A_65 = arith.addf %logistic3A_64, %logistic3A_62 : vector<1000x1xf32>
    %logistic3A_66 = arith.divf %logistic3A_64, %logistic3A_65 : vector<1000x1xf32>
    %mul3A_67 = vector.broadcast %logistic3A_66 : vector<1000x1xf32> to vector<1000x128xf32>
    %mul3A_68 = arith.mulf %max3A_33, %mul3A_67 : vector<1000x128xf32>
    %get3A_69 = arith.constant 0 : index
    %get3A_70 = arith.constant 0 : index
    %get3A_71 = vector.load %arg5[%get3A_69, %get3A_70] : memref<512x128xf32, #tpu.memory_space<vmem>>, vector<512x128xf32>
    %mul3A_72 = arith.mulf %mul3A_68, %mul3A_68 : vector<1000x128xf32>
    %reduce_sum3A_73 = arith.constant dense<0.000000e+00> : vector<1000xf32>
    %reduce_sum3A_74 = vector.multi_reduction <add>, %mul3A_72, %reduce_sum3A_73 [1] : vector<1000x128xf32> to vector<1000xf32>
    %broadcast_in_dim3A_75 = vector.shape_cast %reduce_sum3A_74 : vector<1000xf32> to vector<1000x1xf32>
    %mul3A_76 = arith.mulf %get3A_71, %get3A_71 : vector<512x128xf32>
    %reduce_sum3A_77 = arith.constant dense<0.000000e+00> : vector<512xf32>
    %reduce_sum3A_78 = vector.multi_reduction <add>, %mul3A_76, %reduce_sum3A_77 [1] : vector<512x128xf32> to vector<512xf32>
    %dot_general3A = arith.constant dense<0.000000e+00> : vector<1000x512xf32>
    %dot_general3A_79 = tpu.matmul %mul3A_68, %get3A_71, %dot_general3A {dimension_numbers = #tpu.dot_dimension_numbers<[1], [1], [0], [0], [0, 0, 1, 0], [], []>, transpose_lhs_hint = false} : vector<1000x128xf32>, vector<512x128xf32>, vector<1000x512xf32> -> vector<1000x512xf32>
    %broadcast_in_dim3A_80 = vector.shape_cast %reduce_sum3A_78 : vector<512xf32> to vector<1x512xf32>
    %add3A_81 = vector.broadcast %broadcast_in_dim3A_75 : vector<1000x1xf32> to vector<1000x512xf32>
    %add3A_82 = vector.broadcast %broadcast_in_dim3A_80 : vector<1x512xf32> to vector<1000x512xf32>
    %add3A_83 = arith.addf %add3A_81, %add3A_82 : vector<1000x512xf32>
    %mul3A_84 = arith.constant 2.000000e+00 : f32
    %mul3A_85 = vector.broadcast %mul3A_84 : f32 to vector<1000x512xf32>
    %mul3A_86 = arith.mulf %mul3A_85, %dot_general3A_79 : vector<1000x512xf32>
    %sub3A = arith.subf %add3A_83, %mul3A_86 : vector<1000x512xf32>
    %neg3A = arith.constant 0.000000e+00 : f32
    %neg3A_87 = vector.broadcast %neg3A : f32 to vector<1000x512xf32>
    %neg3A_88 = arith.subf %neg3A_87, %sub3A : vector<1000x512xf32>
    %reduce_max3A = arith.constant dense<0xFF800000> : vector<1000xf32>
    %reduce_max3A_89 = vector.multi_reduction <maximumf>, %neg3A_88, %reduce_max3A [1] : vector<1000x512xf32> to vector<1000xf32>
    %broadcast_in_dim3A_90 = vector.shape_cast %reduce_max3A_89 : vector<1000xf32> to vector<1000x1xf32>
    %sub3A_91 = vector.broadcast %broadcast_in_dim3A_90 : vector<1000x1xf32> to vector<1000x512xf32>
    %sub3A_92 = arith.subf %neg3A_88, %sub3A_91 : vector<1000x512xf32>
    %exp3A = math.exp %sub3A_92 : vector<1000x512xf32>
    %reduce_sum3A_93 = arith.constant dense<0.000000e+00> : vector<1000xf32>
    %reduce_sum3A_94 = vector.multi_reduction <add>, %exp3A, %reduce_sum3A_93 [1] : vector<1000x512xf32> to vector<1000xf32>
    %broadcast_in_dim3A_95 = vector.shape_cast %reduce_sum3A_94 : vector<1000xf32> to vector<1000x1xf32>
    %div3A_96 = vector.broadcast %broadcast_in_dim3A_95 : vector<1000x1xf32> to vector<1000x512xf32>
    %div3A_97 = arith.divf %exp3A, %div3A_96 : vector<1000x512xf32>
    %max3A_98 = arith.constant 9.99999993E-9 : f32
    %max3A_99 = vector.broadcast %max3A_98 : f32 to vector<1000x512xf32>
    %max3A_100 = arith.maximumf %div3A_97, %max3A_99 : vector<1000x512xf32>
    %log3A = math.log %max3A_100 : vector<1000x512xf32>
    %mul3A_101 = arith.mulf %div3A_97, %log3A : vector<1000x512xf32>
    %reduce_sum3A_102 = arith.constant dense<0.000000e+00> : vector<1000xf32>
    %reduce_sum3A_103 = vector.multi_reduction <add>, %mul3A_101, %reduce_sum3A_102 [1] : vector<1000x512xf32> to vector<1000xf32>
    %get3A_104 = arith.constant 0 : index
    %get3A_105 = arith.constant 0 : index
    %get3A_106 = memref.load %arg14[%get3A_104, %get3A_105] : memref<1x1xf32, #tpu.memory_space<smem>>
    %reduce_sum3A_107 = vector.shape_cast %reduce_sum3A_103 : vector<1000xf32> to vector<1x1000xf32>
    %reduce_sum3A_108 = arith.constant dense<0.000000e+00> : vector<1xf32>
    %reduce_sum3A_109 = vector.multi_reduction <add>, %reduce_sum3A_107, %reduce_sum3A_108 [1] : vector<1x1000xf32> to vector<1xf32>
    %reduce_sum3A_110 = vector.shape_cast %reduce_sum3A_109 : vector<1xf32> to vector<1x1xf32>
    %reduce_sum3A_111 = vector.extract %reduce_sum3A_110[0, 0] : f32 from vector<1x1xf32>
    %add3A_112 = arith.addf %get3A_106, %reduce_sum3A_111 : f32
    %swap3A = arith.constant 0 : index
    %swap3A_113 = arith.constant 0 : index
    %swap3A_114 = memref.load %arg14[%swap3A, %swap3A_113] : memref<1x1xf32, #tpu.memory_space<smem>>
    memref.store %add3A_112, %arg14[%swap3A, %swap3A_113] : memref<1x1xf32, #tpu.memory_space<smem>>
    %get3A_115 = arith.constant 0 : index
    %get3A_116 = arith.constant 0 : index
    %get3A_117 = vector.load %arg4[%get3A_115, %get3A_116] : memref<1000x512xf32, #tpu.memory_space<vmem>>, vector<1000x512xf32>
    %add3A_118 = arith.addf %neg3A_88, %get3A_117 : vector<1000x512xf32>
    %reduce_max3A_119 = arith.constant dense<0xFF800000> : vector<1000xf32>
    %reduce_max3A_120 = vector.multi_reduction <maximumf>, %add3A_118, %reduce_max3A_119 [1] : vector<1000x512xf32> to vector<1000xf32>
    %broadcast_in_dim3A_121 = vector.shape_cast %reduce_max3A_120 : vector<1000xf32> to vector<1000x1xf32>
    %iota3A = tpu.iota {dimensions = array<i32: 1>} : vector<1000x512xi32>
    %eq3A_122 = vector.broadcast %broadcast_in_dim3A_121 : vector<1000x1xf32> to vector<1000x512xf32>
    %eq3A_123 = arith.cmpf oeq, %add3A_118, %eq3A_122 : vector<1000x512xf32>
    %jit3A_124 = arith.constant 512 : i32
    %broadcast_in_dim3A_125 = vector.broadcast %jit3A_124 : i32 to vector<1000x512xi32>
    %select_n3A_126 = arith.select %eq3A_123, %iota3A, %broadcast_in_dim3A_125 : vector<1000x512xi1>, vector<1000x512xi32>
    %reduce_min3A = arith.constant dense<2147483647> : vector<1000xi32>
    %reduce_min3A_127 = vector.multi_reduction <minsi>, %select_n3A_126, %reduce_min3A [1] : vector<1000x512xi32> to vector<1000xi32>
    %broadcast_in_dim3A_128 = vector.shape_cast %reduce_min3A_127 : vector<1000xi32> to vector<1000x1xi32>
    %eq3A_129 = vector.broadcast %broadcast_in_dim3A_128 : vector<1000x1xi32> to vector<1000x512xi32>
    %eq3A_130 = arith.cmpi eq, %iota3A, %eq3A_129 : vector<1000x512xi32>
    %convert_element_type3A_131 = arith.extui %eq3A_130 : vector<1000x512xi1> to vector<1000x512xi32>
    %convert_element_type3A_132 = arith.sitofp %convert_element_type3A_131 : vector<1000x512xi32> to vector<1000x512xf32>
    %dot_general3A_133 = arith.constant dense<0.000000e+00> : vector<1000x128xf32>
    %dot_general3A_134 = tpu.matmul %convert_element_type3A_132, %get3A_71, %dot_general3A_133 {dimension_numbers = #tpu.dot_dimension_numbers<[1], [0], [0], [1], [0, 0, 1, 1], [], []>, transpose_lhs_hint = false} : vector<1000x512xf32>, vector<512x128xf32>, vector<1000x128xf32> -> vector<1000x128xf32>
    %get3A_135 = arith.constant 0 : index
    %get3A_136 = arith.constant 0 : index
    %get3A_137 = vector.load %arg15[%get3A_135, %get3A_136] : memref<1x512xf32, #tpu.memory_space<vmem>>, vector<1x512xf32>
    %reduce_sum3A_138 = arith.constant dense<0.000000e+00> : vector<512xf32>
    %reduce_sum3A_139 = vector.multi_reduction <add>, %convert_element_type3A_132, %reduce_sum3A_138 [0] : vector<1000x512xf32> to vector<512xf32>
    %broadcast_in_dim3A_140 = vector.shape_cast %reduce_sum3A_139 : vector<512xf32> to vector<1x512xf32>
    %add3A_141 = arith.addf %get3A_137, %broadcast_in_dim3A_140 : vector<1x512xf32>
    %swap3A_142 = arith.constant 0 : index
    %swap3A_143 = arith.constant 0 : index
    %swap3A_144 = vector.load %arg15[%swap3A_142, %swap3A_143] : memref<1x512xf32, #tpu.memory_space<vmem>>, vector<1x512xf32>
    tpu.vector_store %arg15[%swap3A_142, %swap3A_143], %add3A_141 {strides = array<i32>} : memref<1x512xf32, #tpu.memory_space<vmem>>, vector<1x512xf32>,
    %get3A_145 = arith.constant 0 : index
    %get3A_146 = arith.constant 0 : index
    %get3A_147 = vector.load %arg3[%get3A_145, %get3A_146] : memref<1000x128xf32, #tpu.memory_space<vmem>>, vector<1000x128xf32>
    %add3A_148 = arith.addf %get3A_147, %dot_general3A_134 : vector<1000x128xf32>
    %swap3A_149 = arith.constant 0 : index
    %swap3A_150 = arith.constant 0 : index
    %swap3A_151 = vector.load %arg11[%swap3A_149, %swap3A_150] : memref<1000x128xf32, #tpu.memory_space<vmem>>, vector<1000x128xf32>
    tpu.vector_store %arg11[%swap3A_149, %swap3A_150], %add3A_148 {strides = array<i32>} : memref<1000x128xf32, #tpu.memory_space<vmem>>, vector<1000x128xf32>,
    %eq3A_152 = arith.constant 9 : i32
    %eq3A_153 = arith.cmpi eq, %arg0, %eq3A_152 : i32
    %convert_element_type3A_154 = arith.extui %eq3A_153 : i1 to i32
    %cond3A_155 = arith.constant 0 : i32
    %cond3A_156 = arith.cmpi ne, %convert_element_type3A_154, %cond3A_155 : i32
    scf.if %cond3A_156 {
      %get3A_157 = arith.constant 0 : index
      %get3A_158 = arith.constant 0 : index
      %get3A_159 = memref.load %arg14[%get3A_157, %get3A_158] : memref<1x1xf32, #tpu.memory_space<smem>>
      %div3A_160 = arith.constant 1.000000e+04 : f32
      %div3A_161 = arith.divf %get3A_159, %div3A_160 : f32
      %mul3A_162 = arith.constant 2.500000e-01 : f32
      %mul3A_163 = arith.mulf %mul3A_162, %div3A_161 : f32
      %broadcast_in_dim3A_164 = vector.broadcast %mul3A_163 : f32 to vector<1x1xf32>
      %swap3A_165 = arith.constant 0 : index
      %swap3A_166 = arith.constant 0 : index
      %swap3A_167 = vector.load %arg12[%swap3A_165, %swap3A_166] : memref<1x1xf32, #tpu.memory_space<vmem>>, vector<1x1xf32>
      tpu.vector_store %arg12[%swap3A_165, %swap3A_166], %broadcast_in_dim3A_164 {strides = array<i32>} : memref<1x1xf32, #tpu.memory_space<vmem>>, vector<1x1xf32>,
      %get3A_168 = arith.constant 0 : index
      %get3A_169 = arith.constant 0 : index
      %get3A_170 = vector.load %arg15[%get3A_168, %get3A_169] : memref<1x512xf32, #tpu.memory_space<vmem>>, vector<1x512xf32>
      %div3A_171 = arith.constant 1.000000e+04 : f32
      %div3A_172 = vector.broadcast %div3A_171 : f32 to vector<1x512xf32>
      %div3A_173 = arith.divf %get3A_170, %div3A_172 : vector<1x512xf32>
      %add3A_174 = arith.constant 1.000000e-10 : f32
      %add3A_175 = vector.broadcast %add3A_174 : f32 to vector<1x512xf32>
      %add3A_176 = arith.addf %div3A_173, %add3A_175 : vector<1x512xf32>
      %log3A_177 = math.log %add3A_176 : vector<1x512xf32>
      %mul3A_178 = arith.mulf %div3A_173, %log3A_177 : vector<1x512xf32>
      %reduce_sum3A_179 = vector.shape_cast %mul3A_178 : vector<1x512xf32> to vector<1x1x512xf32>
      %reduce_sum3A_180 = arith.constant dense<0.000000e+00> : vector<1xf32>
      %reduce_sum3A_181 = vector.multi_reduction <add>, %reduce_sum3A_179, %reduce_sum3A_180 [1, 2] : vector<1x1x512xf32> to vector<1xf32>
      %reduce_sum3A_182 = vector.shape_cast %reduce_sum3A_181 : vector<1xf32> to vector<1x1x1xf32>
      %reduce_sum3A_183 = vector.extract %reduce_sum3A_182[0, 0, 0] : f32 from vector<1x1x1xf32>
      %neg3A_184 = arith.constant 0.000000e+00 : f32
      %neg3A_185 = arith.subf %neg3A_184, %reduce_sum3A_183 : f32
      %exp3A_186 = math.exp %neg3A_185 : f32
      %broadcast_in_dim3A_187 = vector.broadcast %exp3A_186 : f32 to vector<1x1xf32>
      %swap3A_188 = arith.constant 0 : index
      %swap3A_189 = arith.constant 0 : index
      %swap3A_190 = vector.load %arg13[%swap3A_188, %swap3A_189] : memref<1x1xf32, #tpu.memory_space<vmem>>, vector<1x1xf32>
      tpu.vector_store %arg13[%swap3A_188, %swap3A_189], %broadcast_in_dim3A_187 {strides = array<i32>} : memref<1x1xf32, #tpu.memory_space<vmem>>, vector<1x1xf32>,
    } else {
    }
    return
  }
  func.func @transform_0(%arg0: i32) -> (i32, i32, i32) {
    %c0_i32 = arith.constant 0 : i32
    %c0_i32_0 = arith.constant 0 : i32
    %c0_i32_1 = arith.constant 0 : i32
    return %c0_i32, %arg0, %c0_i32_0 : i32, i32, i32
  }
  func.func @transform_1(%arg0: i32) -> (i32, i32, i32) {
    %c0_i32 = arith.constant 0 : i32
    %c0_i32_0 = arith.constant 0 : i32
    %c0_i32_1 = arith.constant 0 : i32
    return %c0_i32, %arg0, %c0_i32_0 : i32, i32, i32
  }
  func.func @transform_2(%arg0: i32) -> (i32, i32) {
    %c0_i32 = arith.constant 0 : i32
    %c0_i32_0 = arith.constant 0 : i32
    return %arg0, %c0_i32 : i32, i32
  }
  func.func @transform_3(%arg0: i32) -> (i32, i32) {
    %c0_i32 = arith.constant 0 : i32
    %c0_i32_0 = arith.constant 0 : i32
    return %arg0, %c0_i32 : i32, i32
  }
  func.func @transform_4(%arg0: i32) -> (i32, i32) {
    %c0_i32 = arith.constant 0 : i32
    %c0_i32_0 = arith.constant 0 : i32
    %c0_i32_1 = arith.constant 0 : i32
    return %c0_i32, %c0_i32_0 : i32, i32
  }
  func.func @transform_5(%arg0: i32) -> (i32, i32) {
    %c0_i32 = arith.constant 0 : i32
    %c0_i32_0 = arith.constant 0 : i32
    %c0_i32_1 = arith.constant 0 : i32
    return %c0_i32, %c0_i32_0 : i32, i32
  }
  func.func @transform_6(%arg0: i32) -> (i32, i32) {
    %c0_i32 = arith.constant 0 : i32
    %c0_i32_0 = arith.constant 0 : i32
    %c0_i32_1 = arith.constant 0 : i32
    return %c0_i32, %c0_i32_0 : i32, i32
  }
  func.func @transform_7(%arg0: i32) -> (i32, i32) {
    %c0_i32 = arith.constant 0 : i32
    %c0_i32_0 = arith.constant 0 : i32
    %c0_i32_1 = arith.constant 0 : i32
    return %c0_i32, %c0_i32_0 : i32, i32
  }
  func.func @transform_8(%arg0: i32) -> (i32, i32) {
    %c0_i32 = arith.constant 0 : i32
    %c0_i32_0 = arith.constant 0 : i32
    %c0_i32_1 = arith.constant 0 : i32
    return %c0_i32, %c0_i32_0 : i32, i32
  }
  func.func @transform_9(%arg0: i32) -> (i32, i32) {
    %c0_i32 = arith.constant 0 : i32
    %c0_i32_0 = arith.constant 0 : i32
    %c0_i32_1 = arith.constant 0 : i32
    return %c0_i32, %c0_i32_0 : i32, i32
  }
  func.func @transform_10(%arg0: i32) -> (i32, i32) {
    %c0_i32 = arith.constant 0 : i32
    %c0_i32_0 = arith.constant 0 : i32
    return %arg0, %c0_i32 : i32, i32
  }
  func.func @transform_11(%arg0: i32) -> (i32, i32) {
    %c0_i32 = arith.constant 0 : i32
    %c0_i32_0 = arith.constant 0 : i32
    %c0_i32_1 = arith.constant 0 : i32
    return %c0_i32, %c0_i32_0 : i32, i32
  }
  func.func @transform_12(%arg0: i32) -> (i32, i32) {
    %c0_i32 = arith.constant 0 : i32
    %c0_i32_0 = arith.constant 0 : i32
    %c0_i32_1 = arith.constant 0 : i32
    return %c0_i32, %c0_i32_0 : i32, i32
  }
}

module attributes {stable_mosaic.version = 14 : i64} {
  func.func @_vq_body(%arg0: i32, %arg1: memref<2x1000x128xf32, #tpu.memory_space<vmem>>, %arg2: memref<2x1000x128xf32, #tpu.memory_space<vmem>>, %arg3: memref<1000x128xf32, #tpu.memory_space<vmem>>, %arg4: memref<1000x512xf32, #tpu.memory_space<vmem>>, %arg5: memref<512x128xf32, #tpu.memory_space<vmem>>, %arg6: memref<1x128xf32, #tpu.memory_space<vmem>>, %arg7: memref<1x128xf32, #tpu.memory_space<vmem>>, %arg8: memref<1x128xf32, #tpu.memory_space<vmem>>, %arg9: memref<1x128xf32, #tpu.memory_space<vmem>>, %arg10: memref<1x1xf32, #tpu.memory_space<vmem>>, %arg11: memref<1000x128xf32, #tpu.memory_space<vmem>>, %arg12: memref<1x1xf32, #tpu.memory_space<vmem>>, %arg13: memref<1x1xf32, #tpu.memory_space<vmem>>, %arg14: memref<1x1xf32, #tpu.memory_space<smem>>, %arg15: memref<1x512xf32, #tpu.memory_space<vmem>>) attributes {dimension_semantics = [#tpu.dimension_semantics<arbitrary>], iteration_bounds = array<i64: 10>, scalar_prefetch = 0 : i64, scratch_operands = 2 : i64, tpu.core_type = #tpu.core_type<tc>, window_params = [{transform_indices = @transform_0, window_bounds = array<i64: 2, 1000, 128>}, {transform_indices = @transform_1, window_bounds = array<i64: 2, 1000, 128>}, {transform_indices = @transform_2, window_bounds = array<i64: 1000, 128>}, {transform_indices = @transform_3, window_bounds = array<i64: 1000, 512>}, {pipeline_mode = #tpu.pipeline_mode<synchronous>, transform_indices = @transform_4, window_bounds = array<i64: 512, 128>}, {pipeline_mode = #tpu.pipeline_mode<synchronous>, transform_indices = @transform_5, window_bounds = array<i64: 1, 128>}, {pipeline_mode = #tpu.pipeline_mode<synchronous>, transform_indices = @transform_6, window_bounds = array<i64: 1, 128>}, {pipeline_mode = #tpu.pipeline_mode<synchronous>, transform_indices = @transform_7, window_bounds = array<i64: 1, 128>}, {pipeline_mode = #tpu.pipeline_mode<synchronous>, transform_indices = @transform_8, window_bounds = array<i64: 1, 128>}, {pipeline_mode = #tpu.pipeline_mode<synchronous>, transform_indices = @transform_9, window_bounds = array<i64: 1, 1>}, {transform_indices = @transform_10, window_bounds = array<i64: 1000, 128>}, {pipeline_mode = #tpu.pipeline_mode<synchronous>, transform_indices = @transform_11, window_bounds = array<i64: 1, 1>}, {pipeline_mode = #tpu.pipeline_mode<synchronous>, transform_indices = @transform_12, window_bounds = array<i64: 1, 1>}]} {
    %eq3A = arith.constant 0 : i32
    %eq3A_0 = arith.cmpi eq, %arg0, %eq3A : i32
    %convert_element_type3A = arith.extui %eq3A_0 : i1 to i32
    %cond3A = arith.constant 0 : i32
    %cond3A_1 = arith.cmpi ne, %convert_element_type3A, %cond3A : i32
    scf.if %cond3A_1 {
      %swap3A_157 = arith.constant 0.000000e+00 : f32
      %swap3A_158 = arith.constant 0 : index
      %swap3A_159 = arith.constant 0 : index
      %swap3A_160 = memref.load %arg14[%swap3A_158, %swap3A_159] : memref<1x1xf32, #tpu.memory_space<smem>>
      memref.store %swap3A_157, %arg14[%swap3A_158, %swap3A_159] : memref<1x1xf32, #tpu.memory_space<smem>>
      %broadcast_in_dim3A_161 = arith.constant 0.000000e+00 : f32
      %broadcast_in_dim3A_162 = vector.broadcast %broadcast_in_dim3A_161 : f32 to vector<1x512xf32>
      %swap3A_163 = arith.constant 0 : index
      %swap3A_164 = arith.constant 0 : index
      %swap3A_165 = vector.load %arg15[%swap3A_163, %swap3A_164] : memref<1x512xf32, #tpu.memory_space<vmem>>, vector<1x512xf32>
      tpu.vector_store %arg15[%swap3A_163, %swap3A_164], %broadcast_in_dim3A_162 {strides = array<i32>} : memref<1x512xf32, #tpu.memory_space<vmem>>, vector<1x512xf32>,
    } else {
    }
    %get3A = arith.constant 0 : index
    %get3A_2 = arith.constant 0 : index
    %get3A_3 = arith.constant 0 : index
    %get3A_4 = vector.load %arg2[%get3A, %get3A_2, %get3A_3] : memref<2x1000x128xf32, #tpu.memory_space<vmem>>, vector<1x1000x128xf32>
    %get3A_5 = vector.shape_cast %get3A_4 : vector<1x1000x128xf32> to vector<1000x128xf32>
    %get3A_6 = arith.constant 1 : index
    %get3A_7 = arith.constant 0 : index
    %get3A_8 = arith.constant 0 : index
    %get3A_9 = vector.load %arg2[%get3A_6, %get3A_7, %get3A_8] : memref<2x1000x128xf32, #tpu.memory_space<vmem>>, vector<1x1000x128xf32>
    %get3A_10 = vector.shape_cast %get3A_9 : vector<1x1000x128xf32> to vector<1000x128xf32>
    %add3A = arith.addf %get3A_5, %get3A_10 : vector<1000x128xf32>
    %slice3A = vector.extract_strided_slice %add3A {offsets = [0, 0], sizes = [1000, 1], strides = [1, 1]} : vector<1000x128xf32> to vector<1000x1xf32>
    %gt3A = arith.constant 0.000000e+00 : f32
    %gt3A_11 = vector.broadcast %gt3A : f32 to vector<1000x1xf32>
    %gt3A_12 = arith.cmpf ogt, %slice3A, %gt3A_11 : vector<1000x1xf32>
    %div3A = arith.constant 1.000000e+00 : f32
    %div3A_13 = vector.broadcast %div3A : f32 to vector<1000x1xf32>
    %div3A_14 = arith.divf %div3A_13, %slice3A : vector<1000x1xf32>
    %jit3A = arith.constant 0.000000e+00 : f32
    %broadcast_in_dim3A = vector.broadcast %jit3A : f32 to vector<1000x1xf32>
    %select_n3A = arith.select %gt3A_12, %div3A_14, %broadcast_in_dim3A : vector<1000x1xi1>, vector<1000x1xf32>
    %get3A_15 = arith.constant 0 : index
    %get3A_16 = arith.constant 0 : index
    %get3A_17 = arith.constant 0 : index
    %get3A_18 = vector.load %arg1[%get3A_15, %get3A_16, %get3A_17] : memref<2x1000x128xf32, #tpu.memory_space<vmem>>, vector<1x1000x128xf32>
    %get3A_19 = vector.shape_cast %get3A_18 : vector<1x1000x128xf32> to vector<1000x128xf32>
    %get3A_20 = arith.constant 1 : index
    %get3A_21 = arith.constant 0 : index
    %get3A_22 = arith.constant 0 : index
    %get3A_23 = vector.load %arg1[%get3A_20, %get3A_21, %get3A_22] : memref<2x1000x128xf32, #tpu.memory_space<vmem>>, vector<1x1000x128xf32>
    %get3A_24 = vector.shape_cast %get3A_23 : vector<1x1000x128xf32> to vector<1000x128xf32>
    %add3A_25 = arith.addf %get3A_19, %get3A_24 : vector<1000x128xf32>
    %mul3A = vector.broadcast %select_n3A : vector<1000x1xf32> to vector<1000x128xf32>
    %mul3A_26 = arith.mulf %add3A_25, %mul3A : vector<1000x128xf32>
    %get3A_27 = arith.constant 0 : index
    %get3A_28 = arith.constant 0 : index
    %get3A_29 = vector.load %arg6[%get3A_27, %get3A_28] : memref<1x128xf32, #tpu.memory_space<vmem>>, vector<1x128xf32>
    %add3A_30 = vector.broadcast %get3A_29 : vector<1x128xf32> to vector<1000x128xf32>
    %add3A_31 = arith.addf %mul3A_26, %add3A_30 : vector<1000x128xf32>
    %max3A = arith.constant 0.000000e+00 : f32
    %max3A_32 = vector.broadcast %max3A : f32 to vector<1000x128xf32>
    %max3A_33 = arith.maximumf %add3A_31, %max3A_32 : vector<1000x128xf32>
    %get3A_34 = arith.constant 0 : index
    %get3A_35 = arith.constant 0 : index
    %get3A_36 = vector.load %arg7[%get3A_34, %get3A_35] : memref<1x128xf32, #tpu.memory_space<vmem>>, vector<1x128xf32>
    %get3A_37 = arith.constant 0 : index
    %get3A_38 = arith.constant 0 : index
    %get3A_39 = vector.load %arg3[%get3A_37, %get3A_38] : memref<1000x128xf32, #tpu.memory_space<vmem>>, vector<1000x128xf32>
    %mul3A_40 = arith.constant 0.999994993 : f32
    %mul3A_41 = vector.broadcast %mul3A_40 : f32 to vector<1000x128xf32>
    %mul3A_42 = arith.mulf %get3A_39, %mul3A_41 : vector<1000x128xf32>
    %mul3A_43 = vector.broadcast %get3A_36 : vector<1x128xf32> to vector<1000x128xf32>
    %mul3A_44 = arith.mulf %mul3A_43, %mul3A_42 : vector<1000x128xf32>
    %get3A_45 = arith.constant 0 : index
    %get3A_46 = arith.constant 0 : index
    %get3A_47 = vector.load %arg8[%get3A_45, %get3A_46] : memref<1x128xf32, #tpu.memory_space<vmem>>, vector<1x128xf32>
    %add3A_48 = vector.broadcast %get3A_47 : vector<1x128xf32> to vector<1000x128xf32>
    %add3A_49 = arith.addf %mul3A_44, %add3A_48 : vector<1000x128xf32>
    %get3A_50 = arith.constant 0 : index
    %get3A_51 = arith.constant 0 : index
    %get3A_52 = vector.load %arg9[%get3A_50, %get3A_51] : memref<1x128xf32, #tpu.memory_space<vmem>>, vector<1x128xf32>
    %mul3A_53 = vector.broadcast %get3A_52 : vector<1x128xf32> to vector<1000x128xf32>
    %mul3A_54 = arith.mulf %add3A_49, %mul3A_53 : vector<1000x128xf32>
    %reduce_sum3A = arith.constant dense<0.000000e+00> : vector<1000xf32>
    %reduce_sum3A_55 = vector.multi_reduction <add>, %mul3A_54, %reduce_sum3A [1] : vector<1000x128xf32> to vector<1000xf32>
    %broadcast_in_dim3A_56 = vector.shape_cast %reduce_sum3A_55 : vector<1000xf32> to vector<1000x1xf32>
    %get3A_57 = arith.constant 0 : index
    %get3A_58 = arith.constant 0 : index
    %get3A_59 = vector.load %arg10[%get3A_57, %get3A_58] : memref<1x1xf32, #tpu.memory_space<vmem>>, vector<1x1xf32>
    %add3A_60 = vector.broadcast %get3A_59 : vector<1x1xf32> to vector<1000x1xf32>
    %add3A_61 = arith.addf %broadcast_in_dim3A_56, %add3A_60 : vector<1000x1xf32>
    %logistic3A = arith.negf %add3A_61 : vector<1000x1xf32>
    %logistic3A_62 = math.exp %logistic3A : vector<1000x1xf32>
    %logistic3A_63 = arith.constant 1.000000e+00 : f32
    %logistic3A_64 = vector.broadcast %logistic3A_63 : f32 to vector<1000x1xf32>
    %logistic3A_65 = arith.addf %logistic3A_64, %logistic3A_62 : vector<1000x1xf32>
    %logistic3A_66 = arith.divf %logistic3A_64, %logistic3A_65 : vector<1000x1xf32>
    %mul3A_67 = vector.broadcast %logistic3A_66 : vector<1000x1xf32> to vector<1000x128xf32>
    %mul3A_68 = arith.mulf %max3A_33, %mul3A_67 : vector<1000x128xf32>
    %get3A_69 = arith.constant 0 : index
    %get3A_70 = arith.constant 0 : index
    %get3A_71 = vector.load %arg5[%get3A_69, %get3A_70] : memref<512x128xf32, #tpu.memory_space<vmem>>, vector<512x128xf32>
    %mul3A_72 = arith.mulf %mul3A_68, %mul3A_68 : vector<1000x128xf32>
    %reduce_sum3A_73 = arith.constant dense<0.000000e+00> : vector<1000xf32>
    %reduce_sum3A_74 = vector.multi_reduction <add>, %mul3A_72, %reduce_sum3A_73 [1] : vector<1000x128xf32> to vector<1000xf32>
    %broadcast_in_dim3A_75 = vector.shape_cast %reduce_sum3A_74 : vector<1000xf32> to vector<1000x1xf32>
    %mul3A_76 = arith.mulf %get3A_71, %get3A_71 : vector<512x128xf32>
    %reduce_sum3A_77 = arith.constant dense<0.000000e+00> : vector<512xf32>
    %reduce_sum3A_78 = vector.multi_reduction <add>, %mul3A_76, %reduce_sum3A_77 [1] : vector<512x128xf32> to vector<512xf32>
    %dot_general3A = arith.constant dense<0.000000e+00> : vector<1000x512xf32>
    %dot_general3A_79 = tpu.matmul %mul3A_68, %get3A_71, %dot_general3A {dimension_numbers = #tpu.dot_dimension_numbers<[1], [1], [0], [0], [0, 0, 1, 0], [], []>, transpose_lhs_hint = false} : vector<1000x128xf32>, vector<512x128xf32>, vector<1000x512xf32> -> vector<1000x512xf32>
    %broadcast_in_dim3A_80 = vector.shape_cast %reduce_sum3A_78 : vector<512xf32> to vector<1x512xf32>
    %add3A_81 = vector.broadcast %broadcast_in_dim3A_75 : vector<1000x1xf32> to vector<1000x512xf32>
    %add3A_82 = vector.broadcast %broadcast_in_dim3A_80 : vector<1x512xf32> to vector<1000x512xf32>
    %add3A_83 = arith.addf %add3A_81, %add3A_82 : vector<1000x512xf32>
    %mul3A_84 = arith.constant 2.000000e+00 : f32
    %mul3A_85 = vector.broadcast %mul3A_84 : f32 to vector<1000x512xf32>
    %mul3A_86 = arith.mulf %mul3A_85, %dot_general3A_79 : vector<1000x512xf32>
    %sub3A = arith.subf %add3A_83, %mul3A_86 : vector<1000x512xf32>
    %neg3A = arith.constant 0.000000e+00 : f32
    %neg3A_87 = vector.broadcast %neg3A : f32 to vector<1000x512xf32>
    %neg3A_88 = arith.subf %neg3A_87, %sub3A : vector<1000x512xf32>
    %reduce_max3A = arith.constant dense<0xFF800000> : vector<1000xf32>
    %reduce_max3A_89 = vector.multi_reduction <maximumf>, %neg3A_88, %reduce_max3A [1] : vector<1000x512xf32> to vector<1000xf32>
    %broadcast_in_dim3A_90 = vector.shape_cast %reduce_max3A_89 : vector<1000xf32> to vector<1000x1xf32>
    %sub3A_91 = vector.broadcast %broadcast_in_dim3A_90 : vector<1000x1xf32> to vector<1000x512xf32>
    %sub3A_92 = arith.subf %neg3A_88, %sub3A_91 : vector<1000x512xf32>
    %exp3A = math.exp %sub3A_92 : vector<1000x512xf32>
    %reduce_sum3A_93 = arith.constant dense<0.000000e+00> : vector<1000xf32>
    %reduce_sum3A_94 = vector.multi_reduction <add>, %exp3A, %reduce_sum3A_93 [1] : vector<1000x512xf32> to vector<1000xf32>
    %broadcast_in_dim3A_95 = vector.shape_cast %reduce_sum3A_94 : vector<1000xf32> to vector<1000x1xf32>
    %div3A_96 = vector.broadcast %broadcast_in_dim3A_95 : vector<1000x1xf32> to vector<1000x512xf32>
    %div3A_97 = arith.divf %exp3A, %div3A_96 : vector<1000x512xf32>
    %max3A_98 = arith.constant 9.99999993E-9 : f32
    %max3A_99 = vector.broadcast %max3A_98 : f32 to vector<1000x512xf32>
    %max3A_100 = arith.maximumf %div3A_97, %max3A_99 : vector<1000x512xf32>
    %log3A = math.log %max3A_100 : vector<1000x512xf32>
    %mul3A_101 = arith.mulf %div3A_97, %log3A : vector<1000x512xf32>
    %reduce_sum3A_102 = arith.constant dense<0.000000e+00> : vector<1000xf32>
    %reduce_sum3A_103 = vector.multi_reduction <add>, %mul3A_101, %reduce_sum3A_102 [1] : vector<1000x512xf32> to vector<1000xf32>
    %get3A_104 = arith.constant 0 : index
    %get3A_105 = arith.constant 0 : index
    %get3A_106 = memref.load %arg14[%get3A_104, %get3A_105] : memref<1x1xf32, #tpu.memory_space<smem>>
    %reduce_sum3A_107 = vector.shape_cast %reduce_sum3A_103 : vector<1000xf32> to vector<1x1000xf32>
    %reduce_sum3A_108 = arith.constant dense<0.000000e+00> : vector<1xf32>
    %reduce_sum3A_109 = vector.multi_reduction <add>, %reduce_sum3A_107, %reduce_sum3A_108 [1] : vector<1x1000xf32> to vector<1xf32>
    %reduce_sum3A_110 = vector.shape_cast %reduce_sum3A_109 : vector<1xf32> to vector<1x1xf32>
    %reduce_sum3A_111 = vector.extract %reduce_sum3A_110[0, 0] : f32 from vector<1x1xf32>
    %add3A_112 = arith.addf %get3A_106, %reduce_sum3A_111 : f32
    %swap3A = arith.constant 0 : index
    %swap3A_113 = arith.constant 0 : index
    %swap3A_114 = memref.load %arg14[%swap3A, %swap3A_113] : memref<1x1xf32, #tpu.memory_space<smem>>
    memref.store %add3A_112, %arg14[%swap3A, %swap3A_113] : memref<1x1xf32, #tpu.memory_space<smem>>
    %get3A_115 = arith.constant 0 : index
    %get3A_116 = arith.constant 0 : index
    %get3A_117 = vector.load %arg4[%get3A_115, %get3A_116] : memref<1000x512xf32, #tpu.memory_space<vmem>>, vector<1000x512xf32>
    %add3A_118 = arith.addf %neg3A_88, %get3A_117 : vector<1000x512xf32>
    %reduce_max3A_119 = arith.constant dense<0xFF800000> : vector<1000xf32>
    %reduce_max3A_120 = vector.multi_reduction <maximumf>, %add3A_118, %reduce_max3A_119 [1] : vector<1000x512xf32> to vector<1000xf32>
    %broadcast_in_dim3A_121 = vector.shape_cast %reduce_max3A_120 : vector<1000xf32> to vector<1000x1xf32>
    %iota3A = tpu.iota {dimensions = array<i32: 1>} : vector<1000x512xi32>
    %eq3A_122 = vector.broadcast %broadcast_in_dim3A_121 : vector<1000x1xf32> to vector<1000x512xf32>
    %eq3A_123 = arith.cmpf oeq, %add3A_118, %eq3A_122 : vector<1000x512xf32>
    %jit3A_124 = arith.constant 512 : i32
    %broadcast_in_dim3A_125 = vector.broadcast %jit3A_124 : i32 to vector<1000x512xi32>
    %select_n3A_126 = arith.select %eq3A_123, %iota3A, %broadcast_in_dim3A_125 : vector<1000x512xi1>, vector<1000x512xi32>
    %reduce_min3A = arith.constant dense<2147483647> : vector<1000xi32>
    %reduce_min3A_127 = vector.multi_reduction <minsi>, %select_n3A_126, %reduce_min3A [1] : vector<1000x512xi32> to vector<1000xi32>
    %broadcast_in_dim3A_128 = vector.shape_cast %reduce_min3A_127 : vector<1000xi32> to vector<1000x1xi32>
    %eq3A_129 = vector.broadcast %broadcast_in_dim3A_128 : vector<1000x1xi32> to vector<1000x512xi32>
    %eq3A_130 = arith.cmpi eq, %iota3A, %eq3A_129 : vector<1000x512xi32>
    %convert_element_type3A_131 = arith.extui %eq3A_130 : vector<1000x512xi1> to vector<1000x512xi32>
    %convert_element_type3A_132 = arith.sitofp %convert_element_type3A_131 : vector<1000x512xi32> to vector<1000x512xf32>
    %dot_general3A_133 = arith.constant dense<0.000000e+00> : vector<1000x128xf32>
    %dot_general3A_134 = tpu.matmul %convert_element_type3A_132, %get3A_71, %dot_general3A_133 {dimension_numbers = #tpu.dot_dimension_numbers<[1], [0], [0], [1], [0, 0, 1, 1], [], []>, transpose_lhs_hint = false} : vector<1000x512xf32>, vector<512x128xf32>, vector<1000x128xf32> -> vector<1000x128xf32>
    %get3A_135 = arith.constant 0 : index
    %get3A_136 = arith.constant 0 : index
    %get3A_137 = vector.load %arg15[%get3A_135, %get3A_136] : memref<1x512xf32, #tpu.memory_space<vmem>>, vector<1x512xf32>
    %reduce_sum3A_138 = arith.constant dense<0.000000e+00> : vector<512xf32>
    %reduce_sum3A_139 = vector.multi_reduction <add>, %convert_element_type3A_132, %reduce_sum3A_138 [0] : vector<1000x512xf32> to vector<512xf32>
    %broadcast_in_dim3A_140 = vector.shape_cast %reduce_sum3A_139 : vector<512xf32> to vector<1x512xf32>
    %add3A_141 = arith.addf %get3A_137, %broadcast_in_dim3A_140 : vector<1x512xf32>
    %swap3A_142 = arith.constant 0 : index
    %swap3A_143 = arith.constant 0 : index
    %swap3A_144 = vector.load %arg15[%swap3A_142, %swap3A_143] : memref<1x512xf32, #tpu.memory_space<vmem>>, vector<1x512xf32>
    tpu.vector_store %arg15[%swap3A_142, %swap3A_143], %add3A_141 {strides = array<i32>} : memref<1x512xf32, #tpu.memory_space<vmem>>, vector<1x512xf32>,
    %get3A_145 = arith.constant 0 : index
    %get3A_146 = arith.constant 0 : index
    %get3A_147 = vector.load %arg3[%get3A_145, %get3A_146] : memref<1000x128xf32, #tpu.memory_space<vmem>>, vector<1000x128xf32>
    %add3A_148 = arith.addf %get3A_147, %dot_general3A_134 : vector<1000x128xf32>
    %swap3A_149 = arith.constant 0 : index
    %swap3A_150 = arith.constant 0 : index
    %swap3A_151 = vector.load %arg11[%swap3A_149, %swap3A_150] : memref<1000x128xf32, #tpu.memory_space<vmem>>, vector<1000x128xf32>
    tpu.vector_store %arg11[%swap3A_149, %swap3A_150], %add3A_148 {strides = array<i32>} : memref<1000x128xf32, #tpu.memory_space<vmem>>, vector<1000x128xf32>,
    %eq3A_152 = arith.constant 9 : i32
    %eq3A_153 = arith.cmpi eq, %arg0, %eq3A_152 : i32
    %convert_element_type3A_154 = arith.extui %eq3A_153 : i1 to i32
    %cond3A_155 = arith.constant 0 : i32
    %cond3A_156 = arith.cmpi ne, %convert_element_type3A_154, %cond3A_155 : i32
    scf.if %cond3A_156 {
      %get3A_157 = arith.constant 0 : index
      %get3A_158 = arith.constant 0 : index
      %get3A_159 = memref.load %arg14[%get3A_157, %get3A_158] : memref<1x1xf32, #tpu.memory_space<smem>>
      %div3A_160 = arith.constant 1.000000e+04 : f32
      %div3A_161 = arith.divf %get3A_159, %div3A_160 : f32
      %mul3A_162 = arith.constant 2.500000e-01 : f32
      %mul3A_163 = arith.mulf %mul3A_162, %div3A_161 : f32
      %broadcast_in_dim3A_164 = vector.broadcast %mul3A_163 : f32 to vector<1x1xf32>
      %swap3A_165 = arith.constant 0 : index
      %swap3A_166 = arith.constant 0 : index
      %swap3A_167 = vector.load %arg12[%swap3A_165, %swap3A_166] : memref<1x1xf32, #tpu.memory_space<vmem>>, vector<1x1xf32>
      tpu.vector_store %arg12[%swap3A_165, %swap3A_166], %broadcast_in_dim3A_164 {strides = array<i32>} : memref<1x1xf32, #tpu.memory_space<vmem>>, vector<1x1xf32>,
      %get3A_168 = arith.constant 0 : index
      %get3A_169 = arith.constant 0 : index
      %get3A_170 = vector.load %arg15[%get3A_168, %get3A_169] : memref<1x512xf32, #tpu.memory_space<vmem>>, vector<1x512xf32>
      %div3A_171 = arith.constant 1.000000e+04 : f32
      %div3A_172 = vector.broadcast %div3A_171 : f32 to vector<1x512xf32>
      %div3A_173 = arith.divf %get3A_170, %div3A_172 : vector<1x512xf32>
      %add3A_174 = arith.constant 1.000000e-10 : f32
      %add3A_175 = vector.broadcast %add3A_174 : f32 to vector<1x512xf32>
      %add3A_176 = arith.addf %div3A_173, %add3A_175 : vector<1x512xf32>
      %log3A_177 = math.log %add3A_176 : vector<1x512xf32>
      %mul3A_178 = arith.mulf %div3A_173, %log3A_177 : vector<1x512xf32>
      %reduce_sum3A_179 = vector.shape_cast %mul3A_178 : vector<1x512xf32> to vector<1x1x512xf32>
      %reduce_sum3A_180 = arith.constant dense<0.000000e+00> : vector<1xf32>
      %reduce_sum3A_181 = vector.multi_reduction <add>, %reduce_sum3A_179, %reduce_sum3A_180 [1, 2] : vector<1x1x512xf32> to vector<1xf32>
      %reduce_sum3A_182 = vector.shape_cast %reduce_sum3A_181 : vector<1xf32> to vector<1x1x1xf32>
      %reduce_sum3A_183 = vector.extract %reduce_sum3A_182[0, 0, 0] : f32 from vector<1x1x1xf32>
      %neg3A_184 = arith.constant 0.000000e+00 : f32
      %neg3A_185 = arith.subf %neg3A_184, %reduce_sum3A_183 : f32
      %exp3A_186 = math.exp %neg3A_185 : f32
      %broadcast_in_dim3A_187 = vector.broadcast %exp3A_186 : f32 to vector<1x1xf32>
      %swap3A_188 = arith.constant 0 : index
      %swap3A_189 = arith.constant 0 : index
      %swap3A_190 = vector.load %arg13[%swap3A_188, %swap3A_189] : memref<1x1xf32, #tpu.memory_space<vmem>>, vector<1x1xf32>
      tpu.vector_store %arg13[%swap3A_188, %swap3A_189], %broadcast_in_dim3A_187 {strides = array<i32>} : memref<1x1xf32, #tpu.memory_space<vmem>>, vector<1x1xf32>,
    } else {
    }
    return
  }
  func.func @transform_0(%arg0: i32) -> (i32, i32, i32) {
    %c0_i32 = arith.constant 0 : i32
    %c0_i32_0 = arith.constant 0 : i32
    %c0_i32_1 = arith.constant 0 : i32
    return %c0_i32, %arg0, %c0_i32_0 : i32, i32, i32
  }
  func.func @transform_1(%arg0: i32) -> (i32, i32, i32) {
    %c0_i32 = arith.constant 0 : i32
    %c0_i32_0 = arith.constant 0 : i32
    %c0_i32_1 = arith.constant 0 : i32
    return %c0_i32, %arg0, %c0_i32_0 : i32, i32, i32
  }
  func.func @transform_2(%arg0: i32) -> (i32, i32) {
    %c0_i32 = arith.constant 0 : i32
    %c0_i32_0 = arith.constant 0 : i32
    return %arg0, %c0_i32 : i32, i32
  }
  func.func @transform_3(%arg0: i32) -> (i32, i32) {
    %c0_i32 = arith.constant 0 : i32
    %c0_i32_0 = arith.constant 0 : i32
    return %arg0, %c0_i32 : i32, i32
  }
  func.func @transform_4(%arg0: i32) -> (i32, i32) {
    %c0_i32 = arith.constant 0 : i32
    %c0_i32_0 = arith.constant 0 : i32
    %c0_i32_1 = arith.constant 0 : i32
    return %c0_i32, %c0_i32_0 : i32, i32
  }
  func.func @transform_5(%arg0: i32) -> (i32, i32) {
    %c0_i32 = arith.constant 0 : i32
    %c0_i32_0 = arith.constant 0 : i32
    %c0_i32_1 = arith.constant 0 : i32
    return %c0_i32, %c0_i32_0 : i32, i32
  }
  func.func @transform_6(%arg0: i32) -> (i32, i32) {
    %c0_i32 = arith.constant 0 : i32
    %c0_i32_0 = arith.constant 0 : i32
    %c0_i32_1 = arith.constant 0 : i32
    return %c0_i32, %c0_i32_0 : i32, i32
  }
  func.func @transform_7(%arg0: i32) -> (i32, i32) {
    %c0_i32 = arith.constant 0 : i32
    %c0_i32_0 = arith.constant 0 : i32
    %c0_i32_1 = arith.constant 0 : i32
    return %c0_i32, %c0_i32_0 : i32, i32
  }
  func.func @transform_8(%arg0: i32) -> (i32, i32) {
    %c0_i32 = arith.constant 0 : i32
    %c0_i32_0 = arith.constant 0 : i32
    %c0_i32_1 = arith.constant 0 : i32
    return %c0_i32, %c0_i32_0 : i32, i32
  }
  func.func @transform_9(%arg0: i32) -> (i32, i32) {
    %c0_i32 = arith.constant 0 : i32
    %c0_i32_0 = arith.constant 0 : i32
    %c0_i32_1 = arith.constant 0 : i32
    return %c0_i32, %c0_i32_0 : i32, i32
  }
  func.func @transform_10(%arg0: i32) -> (i32, i32) {
    %c0_i32 = arith.constant 0 : i32
    %c0_i32_0 = arith.constant 0 : i32
    return %arg0, %c0_i32 : i32, i32
  }
  func.func @transform_11(%arg0: i32) -> (i32, i32) {
    %c0_i32 = arith.constant 0 : i32
    %c0_i32_0 = arith.constant 0 : i32
    %c0_i32_1 = arith.constant 0 : i32
    return %c0_i32, %c0_i32_0 : i32, i32
  }
  func.func @transform_12(%arg0: i32) -> (i32, i32) {
    %c0_i32 = arith.constant 0 : i32
    %c0_i32_0 = arith.constant 0 : i32
    %c0_i32_1 = arith.constant 0 : i32
    return %c0_i32, %c0_i32_0 : i32, i32
  }
}

</mosaic_0001>

<sc_bundles>
// kernel: kernel.16.cloned.1.call-start
scs
__scs_entry_jumppad:
0x0: {  	(pc) =	sbr.rel $0x88, $3  }
0x1: {  	(tag) =	ssettag $0x0;
	lr =	simm.s32 $0x1  }
0x2: {  	[smem:$0x3F8D] =	sst lr;
	_ =	strace $0xD0000000  }
0x3: {  	_ = 	snop  }
0x4: {  	_ = 	snop  }
0x5: {  	_ = 	snop  }
0x6: {  	_ = 	snop  }
0x7: {  	_ = 	snop  }
__scs_overlays_trampoline_lowered:
0x8: {  	[smem:$0x3F9C] =	sst s0  }
0x9: {  	[smem:$0x3F9D] =	sst s1  }
0xa: {  	[smem:$0x3F9E] =	sst s2  }
0xb: {  	[smem:$0x3F9F] =	sst s3  }
0xc: {  	[smem:$0x3FA0] =	sst s4  }
0xd: {  	[smem:$0x3FA1] =	sst s5  }
0xe: {  	[smem:$0x3FA2] =	sst s6  }
0xf: {  	[smem:$0x3FA3] =	sst s7  }
0x10: {  	[smem:$0x3FA4] =	sst s8  }
0x11: {  	[smem:$0x3FA5] =	sst s9;
	s0 =	simm.s32 @!p0 $0x0  }
0x12: {  	s1 =	sld [smem:$0x3F8B];
	s0 =	simm.s32 @p0 $0x1  }
0x13: {  	[smem:$0x3FA6] =	sst s0;
	s0 =	simm.s32 @!p1 $0x0  }
0x14: {  	s2 =	sld [smem:$0x3F8A];
	s0 =	simm.s32 @p1 $0x1  }
0x15: {  	[smem:$0x3FA7] =	sst s0;
	s0 =	simm.s32 @!p2 $0x0  }
0x16: {  	s3 =	sld [smem:$0x3FDB];
	s0 =	simm.s32 @p2 $0x1  }
0x17: {  	s4 =	simm.s32 $0x1BF5;
	[smem:$0x3FA9] =	sst s0  }
0x18: {  	s0 =	sld [smem:$0x3F8C];
	_ =	swait.ge [sflag:s4], $0x0  }
0x19: {  	s7 =	sld [smem:$0x3F8D]  }
0x1a: {  	s8 =	sadd.s32 $0xFFFFE003, lr  }
0x1b: {  	s9 =	sadd.s32 $0xFFFFFEF7, lr;
	s5 =	simm.s32 $0xFFFFFFFF;
	p2 =	slt.u32 s8, $0xFFFFF086  }
0x1c: {  	p1 =	slt.u32 s9, $0xF7A;
	s5 =	simm.s32 @!p2 $0x0  }
0x1d: {  	s5 =	simm.s32 @p1 $0x1;
	p0 =	seq.s32 s7, s2  }
0x1e: {  	s7 =	smul.u32 @!p0 $0xF7A, s2;
	p2 =	seq.s32 @!p0 s5, $0x0  }
0x1f: {  	s9 =	smul.u32 $0xF7A, s1;
	s8 =	simm.s32 @!p0 $0x1BF5;
	p2 =	por !p2, p0  }
0x20: {  	[sflag:s8] =	ssyncset.s32 @!p0 $0xFFFFF086;
	s6 =	sadd.s32 @!p0 s3, s7;
	s7 =	simm.s32 @!p0 $0x108  }
0x21: {  	s3 =	sadd.s32 s3, s9;
	s6 =	sadd.s32 @!p0 $0x88, s6;
	s7 =	simm.s32 @p2 $0x1082  }
0x22: {  	[simem:s7], [sflag:s8] =	dma.local @!p0 [hbm:s6], $0xF7A  }
0x23: {  	s9 =	sor.u32 $0xD0000000, s2;
	s6 =	simm.s32 $0x108;
	_ =	swait.ge @!p0 [sflag:s8], $0x0  }
0x24: {  	s3 =	sadd.s32 $0x88, s3;
	s6 =	simm.s32 @!p1 $0x1082;
	[sflag:s4] =	ssyncset.s32 $0xFFFFF086  }
0x25: {  	[simem:s6], [sflag:s4] =	dma.local [hbm:s3], $0xF7A  }
0x26: {  	[smem:$0x3F8D] =	sst s1;
	(tag) =	ssettag s2;
	_ =	strace s9  }
0x27: {  	s1 =	sld [smem:$0x3F9D]  }
0x28: {  	s2 =	sld [smem:$0x3F9E]  }
0x29: {  	s4 =	sld [smem:$0x3FA0]  }
0x2a: {  	p0 =	seq.s32 s5, $0x0;
	s5 =	sld [smem:$0x3FA1]  }
0x2b: {  	s6 =	sld [smem:$0x3FA2]  }
0x2c: {  	s7 =	sld [smem:$0x3FA3]  }
0x2d: {  	s3 =	simm.s32 $0x108;
	s8 =	sld [smem:$0x3FA4]  }
0x2e: {  	s3 =	simm.s32 @!p0 $0x1082;
	s9 =	sld [smem:$0x3FA5]  }
0x2f: {  	lr =	sadd.s32 s0, s3;
	s0 =	sld [smem:$0x3F9C]  }
0x30: {  	s3 =	sld [smem:$0x3F9F]  }
0x31: {  	[smem:$0x3FA8] =	sst s10  }
0x32: {  	s10 =	sld [smem:$0x3FA6];
	_ =	sdelay $0x3  }
0x33: {  	p0 =	seq.s32 s10, $0x1;
	s10 =	sld [smem:$0x3FA8];
	_ =	sdelay $0x3  }
0x34: {  	[smem:$0x3FA8] =	sst s10  }
0x35: {  	s10 =	sld [smem:$0x3FA7];
	_ =	sdelay $0x3  }
0x36: {  	p1 =	seq.s32 s10, $0x1;
	s10 =	sld [smem:$0x3FA8];
	_ =	sdelay $0x3  }
0x37: {  	[smem:$0x3FA8] =	sst s10  }
0x38: {  	s10 =	sld [smem:$0x3FA9]  }
0x39: {  	_ = 	snop;
	(pc) =	sbr.ind lr, $3  }
0x3a: {  	_ = 	snop  }
0x3b: {  	_ = 	snop  }
0x3c: {  	p2 =	seq.s32 s10, $0x1;
	s10 =	sld [smem:$0x3FA8]  }
0x3d: {  	_ =	shalt  }
0x3e: {  	_ =	shalt  }
0x3f: {  	_ =	shalt  }
0x40: {  	_ =	shalt  }
0x41: {  	_ =	shalt  }
0x42: {  	_ =	shalt  }
0x43: {  	_ =	shalt  }
0x44: {  	_ =	shalt  }
0x45: {  	_ =	shalt  }
0x46: {  	_ =	shalt  }
0x47: {  	_ =	shalt  }
0x48: {  	_ =	shalt  }
0x49: {  	_ =	shalt  }
0x4a: {  	_ =	shalt  }
0x4b: {  	_ =	shalt  }
0x4c: {  	_ =	shalt  }
0x4d: {  	_ =	shalt  }
0x4e: {  	_ =	shalt  }
0x4f: {  	_ =	shalt  }
0x50: {  	_ =	shalt  }
0x51: {  	_ =	shalt  }
0x52: {  	_ =	shalt  }
0x53: {  	_ =	shalt  }
0x54: {  	_ =	shalt  }
0x55: {  	_ =	shalt  }
0x56: {  	_ =	shalt  }
0x57: {  	_ =	shalt  }
0x58: {  	_ =	shalt  }
0x59: {  	_ =	shalt  }
0x5a: {  	_ =	shalt  }
0x5b: {  	_ =	shalt  }
0x5c: {  	_ =	shalt  }
0x5d: {  	_ =	shalt  }
0x5e: {  	_ =	shalt  }
0x5f: {  	_ =	shalt  }
0x60: {  	_ =	shalt  }
0x61: {  	_ =	shalt  }
0x62: {  	_ =	shalt  }
0x63: {  	_ =	shalt  }
0x64: {  	_ =	shalt  }
0x65: {  	_ =	shalt  }
0x66: {  	_ =	shalt  }
0x67: {  	_ =	shalt  }
0x68: {  	_ =	shalt  }
0x69: {  	_ =	shalt  }
0x6a: {  	_ =	shalt  }
0x6b: {  	_ =	shalt  }
0x6c: {  	_ =	shalt  }
0x6d: {  	_ =	shalt  }
0x6e: {  	_ =	shalt  }
0x6f: {  	_ =	shalt  }
0x70: {  	_ =	shalt  }
0x71: {  	_ =	shalt  }
0x72: {  	_ =	shalt  }
0x73: {  	_ =	shalt  }
0x74: {  	_ =	shalt  }
0x75: {  	_ =	shalt  }
0x76: {  	_ =	shalt  }
0x77: {  	_ =	shalt  }
0x78: {  	_ =	shalt  }
0x79: {  	_ =	shalt  }
0x7a: {  	_ =	shalt  }
0x7b: {  	_ =	shalt  }
0x7c: {  	_ =	shalt  }
0x7d: {  	_ =	shalt  }
0x7e: {  	_ =	shalt  }
0x7f: {  	_ =	shalt  }
0x80: {  	_ =	shalt  }
0x81: {  	_ =	shalt  }
0x82: {  	_ =	shalt  }
0x83: {  	_ =	shalt  }
0x84: {  	_ =	shalt  }
0x85: {  	_ =	shalt  }
0x86: {  	_ =	shalt  }
0x87: {  	_ =	shalt  }
.Lfunc_end0:
.L_simem_size_0:
called_computation_lowered:
.L_overlay_start_0:
0x88: {  	s2 =	sld [smem:$0x3FD9]  }
0x89: {  	s3 =	sld [smem:$0x3FFE];
	_ =	sdelay $0x1  }
0x8a: {  	s1 =	srdreg.scid  }
0x8b: {  	s0 =	sand.u32 $0x1, s1  }
0x8c: {  	s14 =	sshll.u32 s0, $0xA;
	s2 =	sadd.s32 s3, s2  }
0x8d: {  	s2 =	sadd.s32 s2, s14  }
0x8e: {  	[smem:$0x3FB4] =	sst s2  }
0x8f: {  	_ = 	snop  }
0x90: {  	s2 =	sld [smem:$0x3FD0];
	_ =	sdelay $0x2  }
0x91: {  	s15 =	simm.s32 $0xC;
	s4 =	simm.s32 $0x10  }
0x92: {  	[smem:s4], [sflag:s15] =	dma.local [hbm:s2], $0x1  }
0x93: {  	_ =	swait.eq [sflag:s15], $0x1  }
0x94: {  	[sflag:s15] =	ssyncset.done $0x0  }
0x95: {  	[sflag:s15] =	ssyncadd.s32 $0xFFFFFFFF  }
0x96: {  	s16 =	sld [smem:$0x10];
	(tm) =	ssettm $0x1  }
0x97: {  	s17 =	sld [smem:$0x3FFB];
	_ =	sdelay $0x3  }
0x98: {  	_ =	strace s17  }
0x99: {  	s3 =	sld [smem:$0x3FFC];
	_ =	sdelay $0x3  }
0x9a: {  	_ =	strace s3  }
0x9b: {  	s3 =	sld [smem:$0x3FFD];
	_ =	sdelay $0x3  }
0x9c: {  	_ =	strace s3  }
0x9d: {  	_ =	strace $0x8FFFFFFF  }
0x9e: {  	s18 =	sld [smem:$0x3FDB];
	_ =	sdelay $0x1  }
0x9f: {  	s19 =	simm.s32 $_scs_section_size  }
0xa0: {  	s5 =	simm.s32 $_size__tile_overlayer_lowered;
	s6 =	simm.s32 $_tile_overlayer_lowered  }
0xa1: {  	s22 =	simm.s32 $0x1BFF;
	s21 =	sshll.u32 s6, $0x1;
	s3 =	sadd.s32 s19, s18  }
0xa2: {  	s7 =	simm.s32 $0x0;
	s20 =	sshll.u32 s5, $0x1;
	s5 =	sadd.s32 s21, s3  }
0xa3: {  	[timem:s7], [sflag:s22] =	dma.local [hbm:s5], s20  }
0xa4: {  	_ =	swait.ge [sflag:s22], s20  }
0xa5: {  	s4 =	ssub.s32 $0x0, s20;
	[sflag:s22] =	ssyncset.done $0x0  }
0xa6: {  	[sflag:s22] =	ssyncadd.s32 s4;
	_ =	sdelay $0x1  }
0xa7: {  	s23 =	simm.s32 $0x1B8B  }
0xa8: {  	_ =	swait.ge [sflag:s23], $0x1  }
0xa9: {  	[sflag:s23] =	ssyncset.done $0x0  }
0xaa: {  	s25 =	simm.s32 $0x1B8E;
	s24 =	sld [smem:$0x3FFE];
	[sflag:s23] =	ssyncadd.s32 $0xFFFFFFFF  }
0xab: {  	s26 =	simm.s32 $execute0_lowered;
	[smem:$0x3FD2] =	sst s25  }
0xac: {  	s5 =	sshll.u32 s26, $0x1;
	_ =	strace $0x80000046;
	[dreg:$0x1] =	wrdreg $0xFFFFFFFF  }
0xad: {  	s28 =	simm.s32 $_size_execute0_lowered;
	s3 =	sadd.s32 s3, s5;
	[dreg:$0x0] =	wrdreg $0x0  }
0xae: {  	s5 =	sshll.u32 s28, $0x1;
	[dreg:$0x2] =	wrdreg s3  }
0xaf: {  	[dreg:$0x3] =	wrdreg s5  }
0xb0: {  	[dreg:$0x4] =	wrdreg $0xC0  }
0xb1: {  	_ =	task [dreg:s7], $0x5FFFF  }
0xb2: {  	[dreg:$0x1] =	wrdreg $0xFFFFFFFF  }
0xb3: {  	[dreg:$0x0] =	wrdreg $0x60  }
0xb4: {  	[dreg:$0x2] =	wrdreg s16  }
0xb5: {  	[dreg:$0x3] =	wrdreg s24  }
0xb6: {  	[dreg:$0x4] =	wrdreg $0x0  }
0xb7: {  	[dreg:$0x5] =	wrdreg $0xA  }
0xb8: {  	_ =	task.clear_ibuf [dreg:s7], $0x6FFFF;
	_ =	strace $0x90000046  }
0xb9: {  	s29 =	simm.s32 $0xA;
	_ =	strace $0x80000048  }
0xba: {  	_ =	swait.ge [sflag:s29], $0x1  }
0xbb: {  	[sflag:s29] =	ssyncadd.s32 $0xFFFFFFFF  }
0xbc: {  	_ =	strace $0x90000048  }
0xbd: {  	_ =	sfence  }
0xbe: {  	s30 =	sld [smem:$0x0];
	_ =	sdelay $0x2  }
0xbf: {  	s31 =	sshll.u32 s1, $0xD;
	s1 =	sshrl.u32 s1, $0x2  }
0xc0: {  	s3 =	sand.u32 $0x4000, s31;
	s1 =	sadd.s32 s1, s30  }
0xc1: {  	s0 =	sor.u32 s3, s0;
	s1 =	sshll.u32 s1, $0x11  }
0xc2: {  	s0 =	sor.u32 s1, s0  }
0xc3: {  	s0 =	sadd.s32 $0x8F2B, s0  }
0xc4: {  	[sflag:s0] =	ssyncadd.remote.s32 $0x1  }
0xc5: {  	_ =	sfence.sel $0xFFFF  }
0xc6: {  	[dreg:$0x0] =	wrdreg $0xFFFFFFFF;
	(pc) =	sbr.abs _section_cstart, $3  }
0xc7: {  	[dreg:$0x1] =	wrdreg $0xFFFFFFFF  }
0xc8: {  	_ =	task.clear_ibuf [dreg:s7], $0x2FFFF;
	_ =	strace $0x9FFFFFFF  }
0xc9: {  	(tm) =	ssettm $0x7FFFFFFF  }
tec
execute0_lowered:
.L_overlay_start_1:
0x0: {  	(tag) =	ssettag $0x1  }
0x1: {  	s0 =	rddreg [dreg:$0x0]  }
0x2: {  	s1 =	rddreg [dreg:$0x1];
	s2 =	srdreg.scid  }
0x3: {  	s3 =	rddreg [dreg:$0x2];
	s20 =	stileid.u32  }
0x4: {  	s4 =	simm.s32 $0x0;
	s18 =	simm.s32 $0x4;
	s19 =	simm.s32 $0x1C000  }
0x5: {  	s28 =	simm.s32 $0x3;
	s29 =	simm.s32 $0x10;
	s30 =	simm.s32 $0x0  }
0x6: {  	s8 =	sand.u32 $0x1, s2;
	s6 =	smul.u32 $0x14000, s20;
	[smem:$0x7FF] =	sst s4  }
0x7: {  	s15 =	sadd.s32 $0xF800, s1;
	s21 =	smul.u32 $0x50000, s20;
	s16 =	sadd.s32 $0x5A00, s1  }
0x8: {  	s22 =	sshll.u32 s20, $0x1;
	s12 =	smul.u32 $0x4E20, s20;
	s20 =	simm.s32 $0x1C100  }
0x9: {  	s5 =	smul.u32 $0x140000, s8;
	_ =	strace $0x80000047;
	s7 =	ssub.s32 $0x2, s8  }
0xa: {  	s9 =	sor.u32 s8, s22;
	s14 =	smul.u32 $0x2710, s8;
	s22 =	simm.s32 $0x1  }
0xb: {  	s23 =	sshrl.u32 s21, $0x2;
	s24 =	sshrl.u32 s7, $0x1;
	s9 =	smul.u32 $0x2710, s9  }
0xc: {  	s21 =	simm.s32 $0x1C180;
	s5 =	sadd.s32 s6, s5;
	s13 =	ssub.s32 s7, s24  }
0xd: {  	s14 =	sadd.s32 s14, s12;
	s24 =	simm.s32 $0x1C080;
	s5 =	sshrl.u32 s5, $0x3  }
0xe: {  	s10 =	sshrl.u32 s9, $0x3;
	s31 =	sshrl.u32 s14, $0x3;
	s17 =	sadd.s32 $0x80, s14  }
0xf: {  	s13 =	smax.u32 s13, $0x1;
	s1 =	sadd.s32 s5, s1;
	s5 =	sadd.s32 s23, s3  }
0x10: {  	s11 =	sadd.s32 $0x4E0, s10;
	s14 =	sadd.s32 s31, s16;
	s17 =	sshrl.u32 s17, $0x3  }
0x11: {  	s23 =	simm.s32 $0x80;
	s25 =	sadd.s32 $0x4000, s5;
	s26 =	sadd.s32 $0x8000, s5  }
0x12: {  	s8 =	sadd.s32 $0xC000, s5;
	s9 =	sadd.s32 $0x10000, s5;
	s10 =	sadd.s32 s15, s11  }
0x13: {  	s11 =	sadd.s32 s16, s11;
	s12 =	sadd.s32 $0x19600, s1;
	s15 =	sadd.s32 s31, s15  }
0x14: {  	s16 =	sadd.s32 s17, s16;
	s17 =	simm.s32 $0x14000;
	[dreg:$0x4] =	wrdreg s25  }
0x15: {  	v0 =	vimm.f32 $0.0e+00;
	[dreg:$0x5] =	wrdreg s26;
	s25 =	simm.s32 $0x18000;
	s26 =	simm.s32 $0x2  }
.LBB2_1:
0x16: {  	s31 =	simm.s32 $0x0;
	s1 =	simm.s32 $0x200  }
.LBB2_2:
0x17: {  	p0 =	sne.s32 s1, $0xFE00;
	[tilespmem:s31+$0x14070] =	vst v0  }
0x18: {  	[tilespmem:s31+$0x14000] =	vst v0  }
0x19: {  	[tilespmem:s31+$0x14010] =	vst v0  }
.Ltmp0:
0x1a: {  	[tilespmem:s31+$0x14020] =	vst v0;
	(pc) =	sbr.rel @p0 .LBB2_2-.Ltmp0, $4  }
0x1b: {  	[tilespmem:s31+$0x14030] =	vst v0  }
0x1c: {  	[tilespmem:s31+$0x14040] =	vst v0  }
0x1d: {  	[tilespmem:s31+$0x14050] =	vst v0  }
0x1e: {  	[tilespmem:s31+$0x14060] =	vst v0;
	s31 =	sshra.s32 s1, $0x2;
	s1 =	sadd.s32 $0x200, s1  }
0x1f: {  	[tilespmem:s31+$0x14070] =	vst v0  }
0x20: {  	[tilespmem:s31+$0x14000] =	vst v0  }
0x21: {  	[tilespmem:s31+$0x14010] =	vst v0  }
0x22: {  	[tilespmem:s31+$0x14020] =	vst v0  }
0x23: {  	[tilespmem:s31+$0x14030] =	vst v0  }
0x24: {  	[tilespmem:s31+$0x14040] =	vst v0  }
0x25: {  	[tilespmem:s31+$0x14050] =	vst v0  }
0x26: {  	[tilespmem:s31+$0x14060] =	vst v0  }
0x27: {  	[spmem:s5] =	stream.linear.scatter [tilespmem:s17], [sflag:$0x4], $0x4000, $0x38;
	[tilespmem:$0x1C200] =	vst v63  }
0x28: {  	_ =	swait.ge [sflag:s18], $0x4000  }
0x29: {  	[sflag:s18] =	ssyncset.done $0x0  }
0x2a: {  	s1 =	rddreg [dreg:$0x4];
	[sflag:s18] =	ssyncadd.s32 $0xFFFFC000  }
0x2b: {  	[spmem:s1] =	stream.linear.scatter [tilespmem:s17], [sflag:$0x4], $0x4000, $0x38;
	[tilespmem:$0x1C200] =	vst v63  }
0x2c: {  	_ =	swait.ge [sflag:s18], $0x4000  }
0x2d: {  	[sflag:s18] =	ssyncset.done $0x0  }
0x2e: {  	s7 =	rddreg [dreg:$0x5];
	[sflag:s18] =	ssyncadd.s32 $0xFFFFC000  }
0x2f: {  	[spmem:s7] =	stream.linear.scatter [tilespmem:s17], [sflag:$0x4], $0x4000, $0x38;
	[tilespmem:$0x1C200] =	vst v63  }
0x30: {  	_ =	swait.ge [sflag:s18], $0x4000  }
0x31: {  	[sflag:s18] =	ssyncset.done $0x0  }
0x32: {  	[sflag:s18] =	ssyncadd.s32 $0xFFFFC000  }
0x33: {  	[spmem:s8] =	stream.linear.scatter [tilespmem:s17], [sflag:$0x4], $0x4000, $0x38;
	[tilespmem:$0x1C200] =	vst v63  }
0x34: {  	_ =	swait.ge [sflag:s18], $0x4000  }
0x35: {  	[sflag:s18] =	ssyncset.done $0x0  }
0x36: {  	[sflag:s18] =	ssyncadd.s32 $0xFFFFC000  }
0x37: {  	[spmem:s9] =	stream.linear.scatter [tilespmem:s17], [sflag:$0x4], $0x4000, $0x38;
	[tilespmem:$0x1C200] =	vst v63  }
0x38: {  	_ =	swait.ge [sflag:s18], $0x4000  }
0x39: {  	[sflag:s18] =	ssyncset.done $0x0  }
0x3a: {  	[sflag:s18] =	ssyncadd.s32 $0xFFFFC000  }
0x3b: {  	s2 =	sadd.s32 $0x0, s15;
	[bflag:$0x0] =	sbarrier.arrive $0xFFFF  }
0x3c: {  	[tilespmem:s19], [sflag:$0x1] =	stream.linear.gather [hbm4b:s2+s4], $0x100, $0x38;
	[tilespmem:$0x1C200] =	vst v63  }
0x3d: {  	s6 =	sadd.s32 $0x0, s14  }
0x3e: {  	[tilespmem:s20], [sflag:$0x1] =	stream.linear.gather [hbm4b:s6+s4], $0x80, $0x38;
	[tilespmem:$0x1C200] =	vst v63  }
0x3f: {  	s7 =	sadd.s32 $0x0, s16  }
0x40: {  	[tilespmem:s21], [sflag:$0x1] =	stream.linear.gather [hbm4b:s7+s4], $0x80, $0x38;
	[tilespmem:$0x1C200] =	vst v63  }
0x41: {  	_ =	swait.ge [sflag:s22], $0x100  }
0x42: {  	[sflag:s22] =	ssyncset.done $0x0  }
0x43: {  	[sflag:s22] =	ssyncadd.s32 $0xFFFFFF00  }
0x44: {  	_ =	swait.ge [sflag:s22], $0x80  }
0x45: {  	[sflag:s22] =	ssyncset.done $0x0  }
0x46: {  	[sflag:s22] =	ssyncadd.s32 $0xFFFFFF80  }
0x47: {  	_ =	swait.ge [sflag:s22], $0x80  }
0x48: {  	[sflag:s22] =	ssyncset.done $0x0  }
0x49: {  	[sflag:s22] =	ssyncadd.s32 $0xFFFFFF80  }
0x4a: {  	[tilespmem:s17], [sflag:$0x2] =	stream.indirect.gather [hbm4b:s0+s23], $0x80, s19, s23, $0xb8;
	[tilespmem:$0x1C200] =	vst v63  }
0x4b: {  	_ = 	snop  }
0x4c: {  	[tilespmem:s25], [sflag:$0x2] =	stream.indirect.gather [hbm4b:s0+s23], $0x80, s24, s23, $0xb8;
	[tilespmem:$0x1C200] =	vst v63  }
0x4d: {  	_ =	swait.ge [sflag:s26], $0x4000  }
0x4e: {  	[sflag:s26] =	ssyncset.done $0x0  }
0x4f: {  	[sflag:s26] =	ssyncadd.s32 $0xFFFFC000  }
0x50: {  	_ =	swait.ge [sflag:s26], $0x4000  }
0x51: {  	[sflag:s26] =	ssyncset.done $0x0  }
0x52: {  	[sflag:s26] =	ssyncadd.s32 $0xFFFFC000  }
0x53: {  	[spmem:s3] =	stream.indirect.scatter.add.f32 [tilespmem:s17], [sflag:$0x3], $0x80, s20, s23, $0xb8;
	[tilespmem:$0x1C200] =	vst v63  }
0x54: {  	_ =	swait.ge [sflag:s28], $0x4000  }
0x55: {  	[sflag:s28] =	ssyncset.done $0x0  }
0x56: {  	[sflag:s28] =	ssyncadd.s32 $0xFFFFC000  }
0x57: {  	[spmem:s3] =	stream.indirect.scatter.add.f32 [tilespmem:s25], [sflag:$0x3], $0x80, s21, s23, $0xb8;
	[tilespmem:$0x1C200] =	vst v63  }
0x58: {  	_ =	swait.ge [sflag:s28], $0x4000  }
0x59: {  	s31 =	simm.s32 $0x20;
	s1 =	simm.s32 $0x40;
	[sflag:s28] =	ssyncset.done $0x0  }
.LBB2_4:
0x5a: {  	s2 =	sadd.s32 s31, s15  }
0x5b: {  	[sflag:s28] =	ssyncadd.s32 $0xFFFFC000;
	s6 =	smov.u32 s1;
	s7 =	sadd.s32 $0x20, s1  }
0x5c: {  	[tilespmem:s19], [sflag:$0x1] =	stream.linear.gather [hbm4b:s2+s4], $0x100, $0x38;
	[tilespmem:$0x1C200] =	vst v63  }
0x5d: {  	p0 =	sne.s32 s1, $0x4C0;
	s1 =	sadd.s32 s31, s14  }
0x5e: {  	[tilespmem:s20], [sflag:$0x1] =	stream.linear.gather [hbm4b:s1+s4], $0x80, $0x38;
	[tilespmem:$0x1C200] =	vst v63  }
0x5f: {  	s1 =	sadd.s32 s31, s16;
	s31 =	smov.u32 s6  }
0x60: {  	[tilespmem:s21], [sflag:$0x1] =	stream.linear.gather [hbm4b:s1+s4], $0x80, $0x38;
	[tilespmem:$0x1C200] =	vst v63  }
0x61: {  	_ =	swait.ge [sflag:s22], $0x100  }
0x62: {  	[sflag:s22] =	ssyncset.done $0x0  }
0x63: {  	[sflag:s22] =	ssyncadd.s32 $0xFFFFFF00  }
0x64: {  	_ =	swait.ge [sflag:s22], $0x80  }
0x65: {  	[sflag:s22] =	ssyncset.done $0x0  }
0x66: {  	[sflag:s22] =	ssyncadd.s32 $0xFFFFFF80  }
0x67: {  	_ =	swait.ge [sflag:s22], $0x80  }
0x68: {  	[sflag:s22] =	ssyncset.done $0x0  }
0x69: {  	[sflag:s22] =	ssyncadd.s32 $0xFFFFFF80  }
0x6a: {  	[tilespmem:s17], [sflag:$0x2] =	stream.indirect.gather [hbm4b:s0+s23], $0x80, s19, s23, $0xb8;
	[tilespmem:$0x1C200] =	vst v63  }
0x6b: {  	_ = 	snop  }
0x6c: {  	[tilespmem:s25], [sflag:$0x2] =	stream.indirect.gather [hbm4b:s0+s23], $0x80, s24, s23, $0xb8;
	[tilespmem:$0x1C200] =	vst v63  }
0x6d: {  	_ =	swait.ge [sflag:s26], $0x4000  }
0x6e: {  	[sflag:s26] =	ssyncset.done $0x0  }
0x6f: {  	[sflag:s26] =	ssyncadd.s32 $0xFFFFC000  }
0x70: {  	_ =	swait.ge [sflag:s26], $0x4000  }
0x71: {  	[sflag:s26] =	ssyncset.done $0x0  }
0x72: {  	[sflag:s26] =	ssyncadd.s32 $0xFFFFC000  }
0x73: {  	[spmem:s3] =	stream.indirect.scatter.add.f32 [tilespmem:s17], [sflag:$0x3], $0x80, s20, s23, $0xb8;
	[tilespmem:$0x1C200] =	vst v63  }
0x74: {  	_ =	swait.ge [sflag:s28], $0x4000  }
.Ltmp1:
0x75: {  	[sflag:s28] =	ssyncset.done $0x0;
	(pc) =	sbr.rel @p0 .LBB2_4-.Ltmp1, $4  }
0x76: {  	[sflag:s28] =	ssyncadd.s32 $0xFFFFC000  }
0x77: {  	[spmem:s3] =	stream.indirect.scatter.add.f32 [tilespmem:s25], [sflag:$0x3], $0x80, s21, s23, $0xb8;
	[tilespmem:$0x1C200] =	vst v63  }
0x78: {  	_ =	swait.ge [sflag:s28], $0x4000  }
0x79: {  	s1 =	smov.u32 s7;
	[sflag:s28] =	ssyncset.done $0x0  }
0x7a: {  	s1 =	sadd.s32 s31, s15;
	[sflag:s28] =	ssyncadd.s32 $0xFFFFC000  }
0x7b: {  	[tilespmem:s19], [sflag:$0x1] =	stream.linear.gather [hbm4b:s1+s4], $0x100, $0x38;
	[tilespmem:$0x1C200] =	vst v63  }
0x7c: {  	s6 =	sadd.s32 s31, s14  }
0x7d: {  	[tilespmem:s20], [sflag:$0x1] =	stream.linear.gather [hbm4b:s6+s4], $0x80, $0x38;
	[tilespmem:$0x1C200] =	vst v63  }
0x7e: {  	s7 =	sadd.s32 s31, s16  }
0x7f: {  	[tilespmem:s21], [sflag:$0x1] =	stream.linear.gather [hbm4b:s7+s4], $0x80, $0x38;
	[tilespmem:$0x1C200] =	vst v63  }
0x80: {  	_ =	swait.ge [sflag:s22], $0x100  }
0x81: {  	[sflag:s22] =	ssyncset.done $0x0  }
0x82: {  	[sflag:s22] =	ssyncadd.s32 $0xFFFFFF00  }
0x83: {  	_ =	swait.ge [sflag:s22], $0x80  }
0x84: {  	[sflag:s22] =	ssyncset.done $0x0  }
0x85: {  	[sflag:s22] =	ssyncadd.s32 $0xFFFFFF80  }
0x86: {  	_ =	swait.ge [sflag:s22], $0x80  }
0x87: {  	[sflag:s22] =	ssyncset.done $0x0  }
0x88: {  	[sflag:s22] =	ssyncadd.s32 $0xFFFFFF80  }
0x89: {  	[tilespmem:s17], [sflag:$0x2] =	stream.indirect.gather [hbm4b:s0+s23], $0x80, s19, s23, $0xb8;
	[tilespmem:$0x1C200] =	vst v63  }
0x8a: {  	_ = 	snop  }
0x8b: {  	[tilespmem:s25], [sflag:$0x2] =	stream.indirect.gather [hbm4b:s0+s23], $0x80, s24, s23, $0xb8;
	[tilespmem:$0x1C200] =	vst v63  }
0x8c: {  	_ =	swait.ge [sflag:s26], $0x4000  }
0x8d: {  	[sflag:s26] =	ssyncset.done $0x0  }
0x8e: {  	[sflag:s26] =	ssyncadd.s32 $0xFFFFC000  }
0x8f: {  	_ =	swait.ge [sflag:s26], $0x4000  }
0x90: {  	[sflag:s26] =	ssyncset.done $0x0  }
0x91: {  	[sflag:s26] =	ssyncadd.s32 $0xFFFFC000  }
0x92: {  	[spmem:s3] =	stream.indirect.scatter.add.f32 [tilespmem:s17], [sflag:$0x3], $0x80, s20, s23, $0xb8;
	[tilespmem:$0x1C200] =	vst v63  }
0x93: {  	_ =	swait.ge [sflag:s28], $0x4000  }
0x94: {  	[sflag:s28] =	ssyncset.done $0x0  }
0x95: {  	[sflag:s28] =	ssyncadd.s32 $0xFFFFC000  }
0x96: {  	[spmem:s3] =	stream.indirect.scatter.add.f32 [tilespmem:s25], [sflag:$0x3], $0x80, s21, s23, $0xb8;
	[tilespmem:$0x1C200] =	vst v63  }
0x97: {  	_ =	swait.ge [sflag:s28], $0x4000  }
0x98: {  	[sflag:s28] =	ssyncset.done $0x0  }
0x99: {  	[sflag:s28] =	ssyncadd.s32 $0xFFFFC000  }
0x9a: {  	[tilespmem:s19], [sflag:$0x4] =	stream.linear.gather [hbm4b:s10+s4], $0x10, $0x38;
	[tilespmem:$0x1C200] =	vst v63  }
0x9b: {  	_ =	swait.ge [sflag:s18], $0x10  }
0x9c: {  	[sflag:s18] =	ssyncset.done $0x0  }
0x9d: {  	[sflag:s18] =	ssyncadd.s32 $0xFFFFFFF0  }
0x9e: {  	[tilespmem:s20], [sflag:$0x4] =	stream.linear.gather [hbm4b:s11+s4], $0x10, $0x38;
	[tilespmem:$0x1C200] =	vst v63  }
0x9f: {  	_ =	swait.ge [sflag:s18], $0x10  }
0xa0: {  	[sflag:s18] =	ssyncset.done $0x0  }
0xa1: {  	[sflag:s18] =	ssyncadd.s32 $0xFFFFFFF0  }
0xa2: {  	[tilespmem:s17], [sflag:$0x2] =	stream.indirect.gather [hbm4b:s0+s29], $0x80, s19, s29, $0xb8;
	[tilespmem:$0x1C200] =	vst v63  }
0xa3: {  	_ =	swait.ge [sflag:s26], $0x800  }
0xa4: {  	[sflag:s26] =	ssyncset.done $0x0  }
0xa5: {  	[sflag:s26] =	ssyncadd.s32 $0xFFFFF800  }
0xa6: {  	[spmem:s3] =	stream.indirect.scatter.add.f32 [tilespmem:s17], [sflag:$0x3], $0x80, s20, s29, $0xb8;
	[tilespmem:$0x1C200] =	vst v63  }
0xa7: {  	s31 =	stileid.u32;
	_ =	swait.ge [sflag:s28], $0x800  }
0xa8: {  	s2 =	sshrl.u32 s5, $0x3;
	s30 =	sadd.s32 $0x1, s30;
	[sflag:s28] =	ssyncset.done $0x0  }
0xa9: {  	s1 =	sshll.u32 s31, $0x6;
	p0 =	sne.s32 s30, s13;
	[sflag:s28] =	ssyncadd.s32 $0xFFFFF800  }
.Ltmp2:
0xaa: {  	s1 =	sor.u32 $0x1C04, s1;
	[bflag:$0x0] =	sbarrier.arrive $0xFFFF;
	(pc) =	sbr.rel @p0 .LBB2_1-.Ltmp2, $4  }
0xab: {  	[hbm:s12], [sflag:s1] =	dma.local [spmem:s2], $0x2800  }
0xac: {  	_ =	swait.ge [sflag:s18], $0x2800  }
0xad: {  	[sflag:s18] =	ssyncset.done $0x0  }
0xae: {  	[sflag:s18] =	ssyncadd.s32 $0xFFFFD800  }
0xaf: {  	_ =	sfence.sel $0x180000  }
0xb0: {  	[bflag:$0x0] =	sbarrier.arrive $0xFFFF  }
0xb1: {  	_ =	strace $0x90000047  }
0xb2: {  	s0 =	stileid.u32;
	[bflag:$0x2] =	sbarrier.arrive $0xFFFF  }
0xb3: {  	p0 =	sne.s32 s0, $0x0;
	s0 =	rddreg [dreg:$0x3]  }
0xb4: {  	s0 =	sadd.s32 @!p0 $0x100000, s0  }
0xb5: {  	[sflag:s0] =	ssyncadd.tile.s32 @!p0 $0x1;
	_ =	shalt  }
.Lfunc_end2:
_tile_overlayer_lowered:
.L_overlay_start_2:
0xb6: {  	(tag) =	ssettag $0x2  }
0xb7: {  	s0 =	rddreg [dreg:$0x0];
	s2 =	stileid.u32  }
0xb8: {  	s1 =	rddreg [dreg:$0x1];
	p0 =	sne.s32 s2, $0x0  }
0xb9: {  	s3 =	rddreg [dreg:$0x2];
	[bflag:$0x3] =	sbarrier.arrive $0xFFFF;
	s2 =	simm.s32 @!p0 $0x1C04  }
0xba: {  	[timem:s3], [sflag:s2] =	dma.local @!p0 [hbm:s0], s1  }
0xbb: {  	s0 =	simm.s32 @!p0 $0x4  }
0xbc: {  	_ =	swait.ge @!p0 [sflag:s0], s1  }
0xbd: {  	s1 =	ssub.s32 @!p0 $0x0, s1;
	[sflag:s0] =	ssyncset.done @!p0 $0x0  }
0xbe: {  	[sflag:s0] =	ssyncadd.s32 @!p0 s1  }
0xbf: {  	[bflag:$0x3] =	sbarrier.arrive $0xFFFF  }
0xc0: {  	_ =	shalt  }

// kernel: kernel.19.cloned.1.call-start
scs
__scs_entry_jumppad:
0x0: {  	(pc) =	sbr.rel $0x88, $3  }
0x1: {  	(tag) =	ssettag $0x0;
	lr =	simm.s32 $0x1  }
0x2: {  	[smem:$0x3F8D] =	sst lr;
	_ =	strace $0xD0000000  }
0x3: {  	_ = 	snop  }
0x4: {  	_ = 	snop  }
0x5: {  	_ = 	snop  }
0x6: {  	_ = 	snop  }
0x7: {  	_ = 	snop  }
__scs_overlays_trampoline_lowered:
0x8: {  	[smem:$0x3F9C] =	sst s0  }
0x9: {  	[smem:$0x3F9D] =	sst s1  }
0xa: {  	[smem:$0x3F9E] =	sst s2  }
0xb: {  	[smem:$0x3F9F] =	sst s3  }
0xc: {  	[smem:$0x3FA0] =	sst s4  }
0xd: {  	[smem:$0x3FA1] =	sst s5  }
0xe: {  	[smem:$0x3FA2] =	sst s6  }
0xf: {  	[smem:$0x3FA3] =	sst s7  }
0x10: {  	[smem:$0x3FA4] =	sst s8  }
0x11: {  	[smem:$0x3FA5] =	sst s9;
	s0 =	simm.s32 @!p0 $0x0  }
0x12: {  	s1 =	sld [smem:$0x3F8B];
	s0 =	simm.s32 @p0 $0x1  }
0x13: {  	[smem:$0x3FA6] =	sst s0;
	s0 =	simm.s32 @!p1 $0x0  }
0x14: {  	s2 =	sld [smem:$0x3F8A];
	s0 =	simm.s32 @p1 $0x1  }
0x15: {  	[smem:$0x3FA7] =	sst s0;
	s0 =	simm.s32 @!p2 $0x0  }
0x16: {  	s3 =	sld [smem:$0x3FDB];
	s0 =	simm.s32 @p2 $0x1  }
0x17: {  	s4 =	simm.s32 $0x1BF5;
	[smem:$0x3FA9] =	sst s0  }
0x18: {  	s0 =	sld [smem:$0x3F8C];
	_ =	swait.ge [sflag:s4], $0x0  }
0x19: {  	s7 =	sld [smem:$0x3F8D]  }
0x1a: {  	s8 =	sadd.s32 $0xFFFFE003, lr  }
0x1b: {  	s9 =	sadd.s32 $0xFFFFFEF7, lr;
	s5 =	simm.s32 $0xFFFFFFFF;
	p2 =	slt.u32 s8, $0xFFFFF086  }
0x1c: {  	p1 =	slt.u32 s9, $0xF7A;
	s5 =	simm.s32 @!p2 $0x0  }
0x1d: {  	s5 =	simm.s32 @p1 $0x1;
	p0 =	seq.s32 s7, s2  }
0x1e: {  	s7 =	smul.u32 @!p0 $0xF7A, s2;
	p2 =	seq.s32 @!p0 s5, $0x0  }
0x1f: {  	s9 =	smul.u32 $0xF7A, s1;
	s8 =	simm.s32 @!p0 $0x1BF5;
	p2 =	por !p2, p0  }
0x20: {  	[sflag:s8] =	ssyncset.s32 @!p0 $0xFFFFF086;
	s6 =	sadd.s32 @!p0 s3, s7;
	s7 =	simm.s32 @!p0 $0x108  }
0x21: {  	s3 =	sadd.s32 s3, s9;
	s6 =	sadd.s32 @!p0 $0x88, s6;
	s7 =	simm.s32 @p2 $0x1082  }
0x22: {  	[simem:s7], [sflag:s8] =	dma.local @!p0 [hbm:s6], $0xF7A  }
0x23: {  	s9 =	sor.u32 $0xD0000000, s2;
	s6 =	simm.s32 $0x108;
	_ =	swait.ge @!p0 [sflag:s8], $0x0  }
0x24: {  	s3 =	sadd.s32 $0x88, s3;
	s6 =	simm.s32 @!p1 $0x1082;
	[sflag:s4] =	ssyncset.s32 $0xFFFFF086  }
0x25: {  	[simem:s6], [sflag:s4] =	dma.local [hbm:s3], $0xF7A  }
0x26: {  	[smem:$0x3F8D] =	sst s1;
	(tag) =	ssettag s2;
	_ =	strace s9  }
0x27: {  	s1 =	sld [smem:$0x3F9D]  }
0x28: {  	s2 =	sld [smem:$0x3F9E]  }
0x29: {  	s4 =	sld [smem:$0x3FA0]  }
0x2a: {  	p0 =	seq.s32 s5, $0x0;
	s5 =	sld [smem:$0x3FA1]  }
0x2b: {  	s6 =	sld [smem:$0x3FA2]  }
0x2c: {  	s7 =	sld [smem:$0x3FA3]  }
0x2d: {  	s3 =	simm.s32 $0x108;
	s8 =	sld [smem:$0x3FA4]  }
0x2e: {  	s3 =	simm.s32 @!p0 $0x1082;
	s9 =	sld [smem:$0x3FA5]  }
0x2f: {  	lr =	sadd.s32 s0, s3;
	s0 =	sld [smem:$0x3F9C]  }
0x30: {  	s3 =	sld [smem:$0x3F9F]  }
0x31: {  	[smem:$0x3FA8] =	sst s10  }
0x32: {  	s10 =	sld [smem:$0x3FA6];
	_ =	sdelay $0x3  }
0x33: {  	p0 =	seq.s32 s10, $0x1;
	s10 =	sld [smem:$0x3FA8];
	_ =	sdelay $0x3  }
0x34: {  	[smem:$0x3FA8] =	sst s10  }
0x35: {  	s10 =	sld [smem:$0x3FA7];
	_ =	sdelay $0x3  }
0x36: {  	p1 =	seq.s32 s10, $0x1;
	s10 =	sld [smem:$0x3FA8];
	_ =	sdelay $0x3  }
0x37: {  	[smem:$0x3FA8] =	sst s10  }
0x38: {  	s10 =	sld [smem:$0x3FA9]  }
0x39: {  	_ = 	snop;
	(pc) =	sbr.ind lr, $3  }
0x3a: {  	_ = 	snop  }
0x3b: {  	_ = 	snop  }
0x3c: {  	p2 =	seq.s32 s10, $0x1;
	s10 =	sld [smem:$0x3FA8]  }
0x3d: {  	_ =	shalt  }
0x3e: {  	_ =	shalt  }
0x3f: {  	_ =	shalt  }
0x40: {  	_ =	shalt  }
0x41: {  	_ =	shalt  }
0x42: {  	_ =	shalt  }
0x43: {  	_ =	shalt  }
0x44: {  	_ =	shalt  }
0x45: {  	_ =	shalt  }
0x46: {  	_ =	shalt  }
0x47: {  	_ =	shalt  }
0x48: {  	_ =	shalt  }
0x49: {  	_ =	shalt  }
0x4a: {  	_ =	shalt  }
0x4b: {  	_ =	shalt  }
0x4c: {  	_ =	shalt  }
0x4d: {  	_ =	shalt  }
0x4e: {  	_ =	shalt  }
0x4f: {  	_ =	shalt  }
0x50: {  	_ =	shalt  }
0x51: {  	_ =	shalt  }
0x52: {  	_ =	shalt  }
0x53: {  	_ =	shalt  }
0x54: {  	_ =	shalt  }
0x55: {  	_ =	shalt  }
0x56: {  	_ =	shalt  }
0x57: {  	_ =	shalt  }
0x58: {  	_ =	shalt  }
0x59: {  	_ =	shalt  }
0x5a: {  	_ =	shalt  }
0x5b: {  	_ =	shalt  }
0x5c: {  	_ =	shalt  }
0x5d: {  	_ =	shalt  }
0x5e: {  	_ =	shalt  }
0x5f: {  	_ =	shalt  }
0x60: {  	_ =	shalt  }
0x61: {  	_ =	shalt  }
0x62: {  	_ =	shalt  }
0x63: {  	_ =	shalt  }
0x64: {  	_ =	shalt  }
0x65: {  	_ =	shalt  }
0x66: {  	_ =	shalt  }
0x67: {  	_ =	shalt  }
0x68: {  	_ =	shalt  }
0x69: {  	_ =	shalt  }
0x6a: {  	_ =	shalt  }
0x6b: {  	_ =	shalt  }
0x6c: {  	_ =	shalt  }
0x6d: {  	_ =	shalt  }
0x6e: {  	_ =	shalt  }
0x6f: {  	_ =	shalt  }
0x70: {  	_ =	shalt  }
0x71: {  	_ =	shalt  }
0x72: {  	_ =	shalt  }
0x73: {  	_ =	shalt  }
0x74: {  	_ =	shalt  }
0x75: {  	_ =	shalt  }
0x76: {  	_ =	shalt  }
0x77: {  	_ =	shalt  }
0x78: {  	_ =	shalt  }
0x79: {  	_ =	shalt  }
0x7a: {  	_ =	shalt  }
0x7b: {  	_ =	shalt  }
0x7c: {  	_ =	shalt  }
0x7d: {  	_ =	shalt  }
0x7e: {  	_ =	shalt  }
0x7f: {  	_ =	shalt  }
0x80: {  	_ =	shalt  }
0x81: {  	_ =	shalt  }
0x82: {  	_ =	shalt  }
0x83: {  	_ =	shalt  }
0x84: {  	_ =	shalt  }
0x85: {  	_ =	shalt  }
0x86: {  	_ =	shalt  }
0x87: {  	_ =	shalt  }
.Lfunc_end0:
.L_simem_size_0:
called_computation.1_lowered:
.L_overlay_start_0:
0x88: {  	s2 =	sld [smem:$0x3FD9]  }
0x89: {  	s3 =	sld [smem:$0x3FFE];
	_ =	sdelay $0x1  }
0x8a: {  	s1 =	srdreg.scid  }
0x8b: {  	s0 =	sand.u32 $0x1, s1  }
0x8c: {  	s17 =	sshll.u32 s0, $0xA;
	s2 =	sadd.s32 s3, s2  }
0x8d: {  	s2 =	sadd.s32 s2, s17  }
0x8e: {  	[smem:$0x3FB4] =	sst s2  }
0x8f: {  	_ = 	snop  }
0x90: {  	(tm) =	ssettm $0x1  }
0x91: {  	s18 =	sld [smem:$0x3FFB];
	_ =	sdelay $0x3  }
0x92: {  	_ =	strace s18  }
0x93: {  	s2 =	sld [smem:$0x3FFC];
	_ =	sdelay $0x3  }
0x94: {  	_ =	strace s2  }
0x95: {  	s2 =	sld [smem:$0x3FFD];
	_ =	sdelay $0x3  }
0x96: {  	_ =	strace s2  }
0x97: {  	_ =	strace $0x8FFFFFFF  }
0x98: {  	s19 =	sld [smem:$0x3FDB];
	_ =	sdelay $0x1  }
0x99: {  	s20 =	simm.s32 $_scs_section_size  }
0x9a: {  	s4 =	simm.s32 $_size__tile_overlayer_lowered;
	s5 =	simm.s32 $_tile_overlayer_lowered  }
0x9b: {  	s6 =	simm.s32 $0x1BFF;
	s21 =	sshll.u32 s5, $0x1;
	s3 =	sadd.s32 s20, s19  }
0x9c: {  	s22 =	simm.s32 $0x0;
	s4 =	sshll.u32 s4, $0x1;
	s5 =	sadd.s32 s21, s3  }
0x9d: {  	[timem:s22], [sflag:s6] =	dma.local [hbm:s5], s4  }
0x9e: {  	_ =	swait.ge [sflag:s6], s4  }
0x9f: {  	s4 =	ssub.s32 $0x0, s4;
	[sflag:s6] =	ssyncset.done $0x0  }
0xa0: {  	[sflag:s6] =	ssyncadd.s32 s4;
	_ =	sdelay $0x1  }
0xa1: {  	s23 =	simm.s32 $0x1B8B  }
0xa2: {  	_ =	swait.ge [sflag:s23], $0x1  }
0xa3: {  	[sflag:s23] =	ssyncset.done $0x0  }
0xa4: {  	[sflag:s23] =	ssyncadd.s32 $0xFFFFFFFF  }
0xa5: {  	s4 =	sld [smem:$0x0]  }
0xa6: {  	s5 =	sand.u32 $0xFFFFFFFE, s1  }
0xa7: {  	p0 =	sne.s32 s1, s5  }
0xa8: {  	s5 =	sshll.u32 @p0 s5, $0xE  }
0xa9: {  	s5 =	sadd.s32 @p0 $0x11B8D, s5;
	s6 =	sshll.u32 @p0 s4, $0x11  }
0xaa: {  	s5 =	sor.u32 @p0 s6, s5  }
0xab: {  	[sflag:s5] =	ssyncadd.remote.s32 @p0 $0x1;
	_ =	sdelay $0x1  }
0xac: {  	s5 =	simm.s32 @p0 $0x1B8D  }
0xad: {  	_ =	swait.eq @p0 [sflag:s5], $0x1  }
0xae: {  	[sflag:s5] =	ssyncadd.s32 @p0 $0xFFFFFFFF  }
0xaf: {  	s6 =	sshll.u32 @!p0 s1, $0xE  }
0xb0: {  	s6 =	sor.u32 @!p0 $0x4000, s6;
	s5 =	simm.s32 @!p0 $0x1B8D  }
0xb1: {  	s4 =	sshll.u32 @!p0 s4, $0x11;
	s6 =	sadd.s32 @!p0 $0x11B8D, s6;
	_ =	swait.eq @!p0 [sflag:s5], $0x1  }
0xb2: {  	s4 =	sor.u32 @!p0 s4, s6;
	[sflag:s5] =	ssyncadd.s32 @!p0 $0xFFFFFFFF  }
0xb3: {  	s25 =	simm.s32 $0x1B8E;
	s24 =	sld [smem:$0x3FFE];
	[sflag:s4] =	ssyncadd.remote.s32 @!p0 $0x1  }
0xb4: {  	s26 =	simm.s32 $execute0_lowered;
	[smem:$0x3FD2] =	sst s25  }
0xb5: {  	s5 =	sshll.u32 s26, $0x1;
	_ =	strace $0x80000049;
	[dreg:$0x1] =	wrdreg $0xFFFFFFFF  }
0xb6: {  	s28 =	simm.s32 $_size_execute0_lowered;
	s3 =	sadd.s32 s3, s5;
	[dreg:$0x0] =	wrdreg $0x0  }
0xb7: {  	s5 =	sshll.u32 s28, $0x1;
	[dreg:$0x2] =	wrdreg s3  }
0xb8: {  	[dreg:$0x3] =	wrdreg s5  }
0xb9: {  	[dreg:$0x4] =	wrdreg $0xC0  }
0xba: {  	_ =	task [dreg:s22], $0x5FFFF  }
0xbb: {  	[dreg:$0x1] =	wrdreg $0xFFFFFFFF  }
0xbc: {  	[dreg:$0x0] =	wrdreg $0x60  }
0xbd: {  	[dreg:$0x2] =	wrdreg s24  }
0xbe: {  	[dreg:$0x3] =	wrdreg $0x0  }
0xbf: {  	[dreg:$0x4] =	wrdreg $0xB  }
0xc0: {  	_ =	task.clear_ibuf [dreg:s22], $0x5FFFF;
	_ =	strace $0x90000049  }
0xc1: {  	s29 =	simm.s32 $0xB;
	_ =	strace $0x8000004B  }
0xc2: {  	_ =	swait.ge [sflag:s29], $0x1  }
0xc3: {  	[sflag:s29] =	ssyncadd.s32 $0xFFFFFFFF  }
0xc4: {  	_ =	strace $0x9000004B  }
0xc5: {  	_ =	sfence  }
0xc6: {  	s30 =	sld [smem:$0x0];
	_ =	sdelay $0x2  }
0xc7: {  	s31 =	sshll.u32 s1, $0xD;
	s1 =	sshrl.u32 s1, $0x2  }
0xc8: {  	s4 =	sand.u32 $0x4000, s31;
	s1 =	sadd.s32 s1, s30  }
0xc9: {  	s0 =	sor.u32 s4, s0;
	s1 =	sshll.u32 s1, $0x11  }
0xca: {  	s0 =	sor.u32 s1, s0  }
0xcb: {  	s0 =	sadd.s32 $0x8F2B, s0  }
0xcc: {  	[sflag:s0] =	ssyncadd.remote.s32 $0x1  }
0xcd: {  	_ =	sfence.sel $0xFFFF  }
0xce: {  	[dreg:$0x0] =	wrdreg $0xFFFFFFFF;
	(pc) =	sbr.abs _section_cstart, $3  }
0xcf: {  	[dreg:$0x1] =	wrdreg $0xFFFFFFFF  }
0xd0: {  	_ =	task.clear_ibuf [dreg:s22], $0x2FFFF;
	_ =	strace $0x9FFFFFFF  }
0xd1: {  	(tm) =	ssettm $0x7FFFFFFF  }
tec
execute0_lowered:
.L_overlay_start_1:
0x0: {  	(tag) =	ssettag $0x1  }
0x1: {  	s5 =	rddreg [dreg:$0x0]  }
0x2: {  	s0 =	srdreg.scid;
	s2 =	rddreg [dreg:$0x1]  }
0x3: {  	s21 =	stileid.u32;
	s3 =	simm.s32 $0x0;
	s17 =	simm.s32 $0x1C000  }
0x4: {  	s18 =	simm.s32 $0x1C100;
	s19 =	simm.s32 $0x1C180;
	s20 =	simm.s32 $0x1  }
0x5: {  	s28 =	simm.s32 $0x0;
	s7 =	sand.u32 $0x1, s0;
	s8 =	smul.u32 $0x14000, s21  }
0x6: {  	[smem:$0x7FF] =	sst s3;
	s4 =	sadd.s32 $0x69600, s5;
	s9 =	smul.u32 $0x50000, s21  }
0x7: {  	s22 =	sshll.u32 s21, $0x1;
	s14 =	sadd.s32 $0x5A00, s5;
	s12 =	smul.u32 $0x4E20, s21  }
0x8: {  	s21 =	simm.s32 $0x80;
	s6 =	smul.u32 $0x140000, s7;
	_ =	strace $0x8000004A  }
0x9: {  	s23 =	sor.u32 s7, s22;
	s24 =	ssub.s32 $0x2, s7;
	s29 =	smul.u32 $0x2710, s7  }
0xa: {  	s22 =	simm.s32 $0x1C080;
	s25 =	sshrl.u32 s9, $0x2;
	s26 =	smul.u32 $0x2710, s23  }
0xb: {  	s10 =	sshrl.u32 s24, $0x1;
	s23 =	simm.s32 $0x18000;
	s6 =	sadd.s32 s8, s6  }
0xc: {  	s13 =	ssub.s32 s24, s10;
	s16 =	sadd.s32 s29, s12;
	s24 =	simm.s32 $0x2  }
0xd: {  	s6 =	sshrl.u32 s6, $0x3;
	s15 =	sshrl.u32 s26, $0x3;
	s30 =	sadd.s32 $0x80, s16  }
0xe: {  	s12 =	smax.u32 s13, $0x1;
	s31 =	sshrl.u32 s16, $0x3;
	s16 =	simm.s32 $0x4  }
0xf: {  	s26 =	simm.s32 $0x10;
	s11 =	sadd.s32 s6, s5;
	s5 =	sadd.s32 s25, s2  }
0x10: {  	s15 =	sadd.s32 s14, s15;
	s13 =	sadd.s32 s31, s14;
	s25 =	simm.s32 $0x3  }
0x11: {  	s6 =	sadd.s32 $0x4000, s5;
	s7 =	sadd.s32 $0x8000, s5;
	s8 =	sadd.s32 $0xC000, s5  }
0x12: {  	s9 =	sadd.s32 $0x10000, s5;
	s10 =	sadd.s32 $0x4E0, s15;
	s15 =	sshrl.u32 s30, $0x3  }
0x13: {  	v0 =	vimm.f32 $0.0e+00;
	s11 =	sadd.s32 $0x90800, s11;
	s14 =	sadd.s32 s15, s14;
	s15 =	simm.s32 $0x14000  }
.LBB2_1:
0x14: {  	s29 =	simm.s32 $0x0;
	s30 =	simm.s32 $0x200  }
.LBB2_2:
0x15: {  	p0 =	sne.s32 s30, $0xFE00;
	[tilespmem:s29+$0x14070] =	vst v0  }
0x16: {  	[tilespmem:s29+$0x14000] =	vst v0  }
0x17: {  	[tilespmem:s29+$0x14010] =	vst v0  }
.Ltmp0:
0x18: {  	[tilespmem:s29+$0x14020] =	vst v0;
	(pc) =	sbr.rel @p0 .LBB2_2-.Ltmp0, $4  }
0x19: {  	[tilespmem:s29+$0x14030] =	vst v0  }
0x1a: {  	[tilespmem:s29+$0x14040] =	vst v0  }
0x1b: {  	[tilespmem:s29+$0x14050] =	vst v0  }
0x1c: {  	[tilespmem:s29+$0x14060] =	vst v0;
	s29 =	sshra.s32 s30, $0x2;
	s30 =	sadd.s32 $0x200, s30  }
0x1d: {  	[tilespmem:s29+$0x14070] =	vst v0  }
0x1e: {  	[tilespmem:s29+$0x14000] =	vst v0  }
0x1f: {  	[tilespmem:s29+$0x14010] =	vst v0  }
0x20: {  	[tilespmem:s29+$0x14020] =	vst v0  }
0x21: {  	[tilespmem:s29+$0x14030] =	vst v0  }
0x22: {  	[tilespmem:s29+$0x14040] =	vst v0  }
0x23: {  	[tilespmem:s29+$0x14050] =	vst v0  }
0x24: {  	[tilespmem:s29+$0x14060] =	vst v0  }
0x25: {  	[spmem:s5] =	stream.linear.scatter [tilespmem:s15], [sflag:$0x4], $0x4000, $0x38;
	[tilespmem:$0x1C200] =	vst v63  }
0x26: {  	_ =	swait.ge [sflag:s16], $0x4000  }
0x27: {  	[sflag:s16] =	ssyncset.done $0x0  }
0x28: {  	[sflag:s16] =	ssyncadd.s32 $0xFFFFC000  }
0x29: {  	[spmem:s6] =	stream.linear.scatter [tilespmem:s15], [sflag:$0x4], $0x4000, $0x38;
	[tilespmem:$0x1C200] =	vst v63  }
0x2a: {  	_ =	swait.ge [sflag:s16], $0x4000  }
0x2b: {  	[sflag:s16] =	ssyncset.done $0x0  }
0x2c: {  	[sflag:s16] =	ssyncadd.s32 $0xFFFFC000  }
0x2d: {  	[spmem:s7] =	stream.linear.scatter [tilespmem:s15], [sflag:$0x4], $0x4000, $0x38;
	[tilespmem:$0x1C200] =	vst v63  }
0x2e: {  	_ =	swait.ge [sflag:s16], $0x4000  }
0x2f: {  	[sflag:s16] =	ssyncset.done $0x0  }
0x30: {  	[sflag:s16] =	ssyncadd.s32 $0xFFFFC000  }
0x31: {  	[spmem:s8] =	stream.linear.scatter [tilespmem:s15], [sflag:$0x4], $0x4000, $0x38;
	[tilespmem:$0x1C200] =	vst v63  }
0x32: {  	_ =	swait.ge [sflag:s16], $0x4000  }
0x33: {  	[sflag:s16] =	ssyncset.done $0x0  }
0x34: {  	[sflag:s16] =	ssyncadd.s32 $0xFFFFC000  }
0x35: {  	[spmem:s9] =	stream.linear.scatter [tilespmem:s15], [sflag:$0x4], $0x4000, $0x38;
	[tilespmem:$0x1C200] =	vst v63  }
0x36: {  	_ =	swait.ge [sflag:s16], $0x4000  }
0x37: {  	[sflag:s16] =	ssyncset.done $0x0  }
0x38: {  	[sflag:s16] =	ssyncadd.s32 $0xFFFFC000  }
0x39: {  	s29 =	sadd.s32 $0x0, s13;
	[bflag:$0x0] =	sbarrier.arrive $0xFFFF  }
0x3a: {  	[tilespmem:s17], [sflag:$0x1] =	stream.linear.gather [hbm4b:s29+s3], $0x100, $0x38;
	[tilespmem:$0x1C200] =	vst v63  }
0x3b: {  	_ = 	snop  }
0x3c: {  	[tilespmem:s18], [sflag:$0x1] =	stream.linear.gather [hbm4b:s29+s3], $0x80, $0x38;
	[tilespmem:$0x1C200] =	vst v63  }
0x3d: {  	s29 =	sadd.s32 $0x0, s14  }
0x3e: {  	[tilespmem:s19], [sflag:$0x1] =	stream.linear.gather [hbm4b:s29+s3], $0x80, $0x38;
	[tilespmem:$0x1C200] =	vst v63  }
0x3f: {  	_ =	swait.ge [sflag:s20], $0x100  }
0x40: {  	[sflag:s20] =	ssyncset.done $0x0  }
0x41: {  	[sflag:s20] =	ssyncadd.s32 $0xFFFFFF00  }
0x42: {  	_ =	swait.ge [sflag:s20], $0x80  }
0x43: {  	[sflag:s20] =	ssyncset.done $0x0  }
0x44: {  	[sflag:s20] =	ssyncadd.s32 $0xFFFFFF80  }
0x45: {  	_ =	swait.ge [sflag:s20], $0x80  }
0x46: {  	[sflag:s20] =	ssyncset.done $0x0  }
0x47: {  	[sflag:s20] =	ssyncadd.s32 $0xFFFFFF80  }
0x48: {  	[tilespmem:s15], [sflag:$0x2] =	stream.indirect.gather [hbm4b:s4+s21], $0x80, s17, s21, $0xb8;
	[tilespmem:$0x1C200] =	vst v63  }
0x49: {  	_ = 	snop  }
0x4a: {  	[tilespmem:s23], [sflag:$0x2] =	stream.indirect.gather [hbm4b:s4+s21], $0x80, s22, s21, $0xb8;
	[tilespmem:$0x1C200] =	vst v63  }
0x4b: {  	_ =	swait.ge [sflag:s24], $0x4000  }
0x4c: {  	[sflag:s24] =	ssyncset.done $0x0  }
0x4d: {  	[sflag:s24] =	ssyncadd.s32 $0xFFFFC000  }
0x4e: {  	_ =	swait.ge [sflag:s24], $0x4000  }
0x4f: {  	[sflag:s24] =	ssyncset.done $0x0  }
0x50: {  	[sflag:s24] =	ssyncadd.s32 $0xFFFFC000  }
0x51: {  	[spmem:s2] =	stream.indirect.scatter.add.f32 [tilespmem:s15], [sflag:$0x3], $0x80, s18, s21, $0xb8;
	[tilespmem:$0x1C200] =	vst v63  }
0x52: {  	_ =	swait.ge [sflag:s25], $0x4000  }
0x53: {  	[sflag:s25] =	ssyncset.done $0x0  }
0x54: {  	[sflag:s25] =	ssyncadd.s32 $0xFFFFC000  }
0x55: {  	[spmem:s2] =	stream.indirect.scatter.add.f32 [tilespmem:s23], [sflag:$0x3], $0x80, s19, s21, $0xb8;
	[tilespmem:$0x1C200] =	vst v63  }
0x56: {  	_ =	swait.ge [sflag:s25], $0x4000  }
0x57: {  	s30 =	simm.s32 $0x40;
	s29 =	simm.s32 $0x20;
	[sflag:s25] =	ssyncset.done $0x0  }
.LBB2_4:
0x58: {  	s31 =	sadd.s32 s29, s13  }
0x59: {  	[sflag:s25] =	ssyncadd.s32 $0xFFFFC000;
	s0 =	smov.u32 s30;
	s1 =	sadd.s32 $0x20, s30  }
0x5a: {  	[tilespmem:s17], [sflag:$0x1] =	stream.linear.gather [hbm4b:s31+s3], $0x100, $0x38;
	[tilespmem:$0x1C200] =	vst v63  }
0x5b: {  	p0 =	sne.s32 s30, $0x4C0  }
0x5c: {  	[tilespmem:s18], [sflag:$0x1] =	stream.linear.gather [hbm4b:s31+s3], $0x80, $0x38;
	[tilespmem:$0x1C200] =	vst v63  }
0x5d: {  	s30 =	sadd.s32 s29, s14;
	s29 =	smov.u32 s0  }
0x5e: {  	[tilespmem:s19], [sflag:$0x1] =	stream.linear.gather [hbm4b:s30+s3], $0x80, $0x38;
	[tilespmem:$0x1C200] =	vst v63  }
0x5f: {  	_ =	swait.ge [sflag:s20], $0x100  }
0x60: {  	[sflag:s20] =	ssyncset.done $0x0  }
0x61: {  	[sflag:s20] =	ssyncadd.s32 $0xFFFFFF00  }
0x62: {  	_ =	swait.ge [sflag:s20], $0x80  }
0x63: {  	[sflag:s20] =	ssyncset.done $0x0  }
0x64: {  	[sflag:s20] =	ssyncadd.s32 $0xFFFFFF80  }
0x65: {  	_ =	swait.ge [sflag:s20], $0x80  }
0x66: {  	[sflag:s20] =	ssyncset.done $0x0  }
0x67: {  	[sflag:s20] =	ssyncadd.s32 $0xFFFFFF80  }
0x68: {  	[tilespmem:s15], [sflag:$0x2] =	stream.indirect.gather [hbm4b:s4+s21], $0x80, s17, s21, $0xb8;
	[tilespmem:$0x1C200] =	vst v63  }
0x69: {  	_ = 	snop  }
0x6a: {  	[tilespmem:s23], [sflag:$0x2] =	stream.indirect.gather [hbm4b:s4+s21], $0x80, s22, s21, $0xb8;
	[tilespmem:$0x1C200] =	vst v63  }
0x6b: {  	_ =	swait.ge [sflag:s24], $0x4000  }
0x6c: {  	[sflag:s24] =	ssyncset.done $0x0  }
0x6d: {  	[sflag:s24] =	ssyncadd.s32 $0xFFFFC000  }
0x6e: {  	_ =	swait.ge [sflag:s24], $0x4000  }
0x6f: {  	[sflag:s24] =	ssyncset.done $0x0  }
0x70: {  	[sflag:s24] =	ssyncadd.s32 $0xFFFFC000  }
0x71: {  	[spmem:s2] =	stream.indirect.scatter.add.f32 [tilespmem:s15], [sflag:$0x3], $0x80, s18, s21, $0xb8;
	[tilespmem:$0x1C200] =	vst v63  }
0x72: {  	_ =	swait.ge [sflag:s25], $0x4000  }
.Ltmp1:
0x73: {  	[sflag:s25] =	ssyncset.done $0x0;
	(pc) =	sbr.rel @p0 .LBB2_4-.Ltmp1, $4  }
0x74: {  	[sflag:s25] =	ssyncadd.s32 $0xFFFFC000  }
0x75: {  	[spmem:s2] =	stream.indirect.scatter.add.f32 [tilespmem:s23], [sflag:$0x3], $0x80, s19, s21, $0xb8;
	[tilespmem:$0x1C200] =	vst v63  }
0x76: {  	_ =	swait.ge [sflag:s25], $0x4000  }
0x77: {  	s30 =	smov.u32 s1;
	[sflag:s25] =	ssyncset.done $0x0  }
0x78: {  	s0 =	sadd.s32 s29, s13;
	[sflag:s25] =	ssyncadd.s32 $0xFFFFC000  }
0x79: {  	[tilespmem:s17], [sflag:$0x1] =	stream.linear.gather [hbm4b:s0+s3], $0x100, $0x38;
	[tilespmem:$0x1C200] =	vst v63  }
0x7a: {  	_ = 	snop  }
0x7b: {  	[tilespmem:s18], [sflag:$0x1] =	stream.linear.gather [hbm4b:s0+s3], $0x80, $0x38;
	[tilespmem:$0x1C200] =	vst v63  }
0x7c: {  	s30 =	sadd.s32 s29, s14  }
0x7d: {  	[tilespmem:s19], [sflag:$0x1] =	stream.linear.gather [hbm4b:s30+s3], $0x80, $0x38;
	[tilespmem:$0x1C200] =	vst v63  }
0x7e: {  	_ =	swait.ge [sflag:s20], $0x100  }
0x7f: {  	[sflag:s20] =	ssyncset.done $0x0  }
0x80: {  	[sflag:s20] =	ssyncadd.s32 $0xFFFFFF00  }
0x81: {  	_ =	swait.ge [sflag:s20], $0x80  }
0x82: {  	[sflag:s20] =	ssyncset.done $0x0  }
0x83: {  	[sflag:s20] =	ssyncadd.s32 $0xFFFFFF80  }
0x84: {  	_ =	swait.ge [sflag:s20], $0x80  }
0x85: {  	[sflag:s20] =	ssyncset.done $0x0  }
0x86: {  	[sflag:s20] =	ssyncadd.s32 $0xFFFFFF80  }
0x87: {  	[tilespmem:s15], [sflag:$0x2] =	stream.indirect.gather [hbm4b:s4+s21], $0x80, s17, s21, $0xb8;
	[tilespmem:$0x1C200] =	vst v63  }
0x88: {  	_ = 	snop  }
0x89: {  	[tilespmem:s23], [sflag:$0x2] =	stream.indirect.gather [hbm4b:s4+s21], $0x80, s22, s21, $0xb8;
	[tilespmem:$0x1C200] =	vst v63  }
0x8a: {  	_ =	swait.ge [sflag:s24], $0x4000  }
0x8b: {  	[sflag:s24] =	ssyncset.done $0x0  }
0x8c: {  	[sflag:s24] =	ssyncadd.s32 $0xFFFFC000  }
0x8d: {  	_ =	swait.ge [sflag:s24], $0x4000  }
0x8e: {  	[sflag:s24] =	ssyncset.done $0x0  }
0x8f: {  	[sflag:s24] =	ssyncadd.s32 $0xFFFFC000  }
0x90: {  	[spmem:s2] =	stream.indirect.scatter.add.f32 [tilespmem:s15], [sflag:$0x3], $0x80, s18, s21, $0xb8;
	[tilespmem:$0x1C200] =	vst v63  }
0x91: {  	_ =	swait.ge [sflag:s25], $0x4000  }
0x92: {  	[sflag:s25] =	ssyncset.done $0x0  }
0x93: {  	[sflag:s25] =	ssyncadd.s32 $0xFFFFC000  }
0x94: {  	[spmem:s2] =	stream.indirect.scatter.add.f32 [tilespmem:s23], [sflag:$0x3], $0x80, s19, s21, $0xb8;
	[tilespmem:$0x1C200] =	vst v63  }
0x95: {  	_ =	swait.ge [sflag:s25], $0x4000  }
0x96: {  	[sflag:s25] =	ssyncset.done $0x0  }
0x97: {  	[sflag:s25] =	ssyncadd.s32 $0xFFFFC000  }
0x98: {  	[tilespmem:s17], [sflag:$0x4] =	stream.linear.gather [hbm4b:s10+s3], $0x10, $0x38;
	[tilespmem:$0x1C200] =	vst v63  }
0x99: {  	_ =	swait.ge [sflag:s16], $0x10  }
0x9a: {  	[sflag:s16] =	ssyncset.done $0x0  }
0x9b: {  	[sflag:s16] =	ssyncadd.s32 $0xFFFFFFF0  }
0x9c: {  	[tilespmem:s18], [sflag:$0x4] =	stream.linear.gather [hbm4b:s10+s3], $0x10, $0x38;
	[tilespmem:$0x1C200] =	vst v63  }
0x9d: {  	_ =	swait.ge [sflag:s16], $0x10  }
0x9e: {  	[sflag:s16] =	ssyncset.done $0x0  }
0x9f: {  	[sflag:s16] =	ssyncadd.s32 $0xFFFFFFF0  }
0xa0: {  	[tilespmem:s15], [sflag:$0x2] =	stream.indirect.gather [hbm4b:s4+s26], $0x80, s17, s26, $0xb8;
	[tilespmem:$0x1C200] =	vst v63  }
0xa1: {  	_ =	swait.ge [sflag:s24], $0x800  }
0xa2: {  	[sflag:s24] =	ssyncset.done $0x0  }
0xa3: {  	[sflag:s24] =	ssyncadd.s32 $0xFFFFF800  }
0xa4: {  	[spmem:s2] =	stream.indirect.scatter.add.f32 [tilespmem:s15], [sflag:$0x3], $0x80, s18, s26, $0xb8;
	[tilespmem:$0x1C200] =	vst v63  }
0xa5: {  	s31 =	stileid.u32;
	_ =	swait.ge [sflag:s25], $0x800  }
0xa6: {  	s1 =	sshrl.u32 s5, $0x3;
	s28 =	sadd.s32 $0x1, s28;
	[sflag:s25] =	ssyncset.done $0x0  }
0xa7: {  	p0 =	sne.s32 s28, s12;
	s0 =	sshll.u32 s31, $0x6;
	[sflag:s25] =	ssyncadd.s32 $0xFFFFF800  }
.Ltmp2:
0xa8: {  	s0 =	sor.u32 $0x1C04, s0;
	[bflag:$0x0] =	sbarrier.arrive $0xFFFF;
	(pc) =	sbr.rel @p0 .LBB2_1-.Ltmp2, $4  }
0xa9: {  	[hbm:s11], [sflag:s0] =	dma.local [spmem:s1], $0x2800  }
0xaa: {  	_ =	swait.ge [sflag:s16], $0x2800  }
0xab: {  	[sflag:s16] =	ssyncset.done $0x0  }
0xac: {  	[sflag:s16] =	ssyncadd.s32 $0xFFFFD800  }
0xad: {  	_ =	sfence.sel $0x180000  }
0xae: {  	[bflag:$0x0] =	sbarrier.arrive $0xFFFF  }
0xaf: {  	_ =	strace $0x9000004A  }
0xb0: {  	s0 =	stileid.u32;
	[bflag:$0x2] =	sbarrier.arrive $0xFFFF  }
0xb1: {  	p0 =	sne.s32 s0, $0x0;
	s0 =	rddreg [dreg:$0x2]  }
0xb2: {  	s0 =	sadd.s32 @!p0 $0x100000, s0  }
0xb3: {  	[sflag:s0] =	ssyncadd.tile.s32 @!p0 $0x1;
	_ =	shalt  }
.Lfunc_end2:
_tile_overlayer_lowered:
.L_overlay_start_2:
0xb4: {  	(tag) =	ssettag $0x2  }
0xb5: {  	s0 =	rddreg [dreg:$0x0];
	s2 =	stileid.u32  }
0xb6: {  	s1 =	rddreg [dreg:$0x1];
	p0 =	sne.s32 s2, $0x0  }
0xb7: {  	s3 =	rddreg [dreg:$0x2];
	[bflag:$0x3] =	sbarrier.arrive $0xFFFF;
	s2 =	simm.s32 @!p0 $0x1C04  }
0xb8: {  	[timem:s3], [sflag:s2] =	dma.local @!p0 [hbm:s0], s1  }
0xb9: {  	s0 =	simm.s32 @!p0 $0x4  }
0xba: {  	_ =	swait.ge @!p0 [sflag:s0], s1  }
0xbb: {  	s1 =	ssub.s32 @!p0 $0x0, s1;
	[sflag:s0] =	ssyncset.done @!p0 $0x0  }
0xbc: {  	[sflag:s0] =	ssyncadd.s32 @!p0 s1  }
0xbd: {  	[bflag:$0x3] =	sbarrier.arrive $0xFFFF  }
0xbe: {  	_ =	shalt  }

// kernel: kernel.22.cloned.1.call-start
scs
__scs_entry_jumppad:
0x0: {  	(pc) =	sbr.rel $0x88, $3  }
0x1: {  	(tag) =	ssettag $0x0;
	lr =	simm.s32 $0x1  }
0x2: {  	[smem:$0x3F8D] =	sst lr;
	_ =	strace $0xD0000000  }
0x3: {  	_ = 	snop  }
0x4: {  	_ = 	snop  }
0x5: {  	_ = 	snop  }
0x6: {  	_ = 	snop  }
0x7: {  	_ = 	snop  }
__scs_overlays_trampoline_lowered:
0x8: {  	[smem:$0x3F9C] =	sst s0  }
0x9: {  	[smem:$0x3F9D] =	sst s1  }
0xa: {  	[smem:$0x3F9E] =	sst s2  }
0xb: {  	[smem:$0x3F9F] =	sst s3  }
0xc: {  	[smem:$0x3FA0] =	sst s4  }
0xd: {  	[smem:$0x3FA1] =	sst s5  }
0xe: {  	[smem:$0x3FA2] =	sst s6  }
0xf: {  	[smem:$0x3FA3] =	sst s7  }
0x10: {  	[smem:$0x3FA4] =	sst s8  }
0x11: {  	[smem:$0x3FA5] =	sst s9;
	s0 =	simm.s32 @!p0 $0x0  }
0x12: {  	s1 =	sld [smem:$0x3F8B];
	s0 =	simm.s32 @p0 $0x1  }
0x13: {  	[smem:$0x3FA6] =	sst s0;
	s0 =	simm.s32 @!p1 $0x0  }
0x14: {  	s2 =	sld [smem:$0x3F8A];
	s0 =	simm.s32 @p1 $0x1  }
0x15: {  	[smem:$0x3FA7] =	sst s0;
	s0 =	simm.s32 @!p2 $0x0  }
0x16: {  	s3 =	sld [smem:$0x3FDB];
	s0 =	simm.s32 @p2 $0x1  }
0x17: {  	s4 =	simm.s32 $0x1BF5;
	[smem:$0x3FA9] =	sst s0  }
0x18: {  	s0 =	sld [smem:$0x3F8C];
	_ =	swait.ge [sflag:s4], $0x0  }
0x19: {  	s7 =	sld [smem:$0x3F8D]  }
0x1a: {  	s8 =	sadd.s32 $0xFFFFE003, lr  }
0x1b: {  	s9 =	sadd.s32 $0xFFFFFEF7, lr;
	s5 =	simm.s32 $0xFFFFFFFF;
	p2 =	slt.u32 s8, $0xFFFFF086  }
0x1c: {  	p1 =	slt.u32 s9, $0xF7A;
	s5 =	simm.s32 @!p2 $0x0  }
0x1d: {  	s5 =	simm.s32 @p1 $0x1;
	p0 =	seq.s32 s7, s2  }
0x1e: {  	s7 =	smul.u32 @!p0 $0xF7A, s2;
	p2 =	seq.s32 @!p0 s5, $0x0  }
0x1f: {  	s9 =	smul.u32 $0xF7A, s1;
	s8 =	simm.s32 @!p0 $0x1BF5;
	p2 =	por !p2, p0  }
0x20: {  	[sflag:s8] =	ssyncset.s32 @!p0 $0xFFFFF086;
	s6 =	sadd.s32 @!p0 s3, s7;
	s7 =	simm.s32 @!p0 $0x108  }
0x21: {  	s3 =	sadd.s32 s3, s9;
	s6 =	sadd.s32 @!p0 $0x88, s6;
	s7 =	simm.s32 @p2 $0x1082  }
0x22: {  	[simem:s7], [sflag:s8] =	dma.local @!p0 [hbm:s6], $0xF7A  }
0x23: {  	s9 =	sor.u32 $0xD0000000, s2;
	s6 =	simm.s32 $0x108;
	_ =	swait.ge @!p0 [sflag:s8], $0x0  }
0x24: {  	s3 =	sadd.s32 $0x88, s3;
	s6 =	simm.s32 @!p1 $0x1082;
	[sflag:s4] =	ssyncset.s32 $0xFFFFF086  }
0x25: {  	[simem:s6], [sflag:s4] =	dma.local [hbm:s3], $0xF7A  }
0x26: {  	[smem:$0x3F8D] =	sst s1;
	(tag) =	ssettag s2;
	_ =	strace s9  }
0x27: {  	s1 =	sld [smem:$0x3F9D]  }
0x28: {  	s2 =	sld [smem:$0x3F9E]  }
0x29: {  	s4 =	sld [smem:$0x3FA0]  }
0x2a: {  	p0 =	seq.s32 s5, $0x0;
	s5 =	sld [smem:$0x3FA1]  }
0x2b: {  	s6 =	sld [smem:$0x3FA2]  }
0x2c: {  	s7 =	sld [smem:$0x3FA3]  }
0x2d: {  	s3 =	simm.s32 $0x108;
	s8 =	sld [smem:$0x3FA4]  }
0x2e: {  	s3 =	simm.s32 @!p0 $0x1082;
	s9 =	sld [smem:$0x3FA5]  }
0x2f: {  	lr =	sadd.s32 s0, s3;
	s0 =	sld [smem:$0x3F9C]  }
0x30: {  	s3 =	sld [smem:$0x3F9F]  }
0x31: {  	[smem:$0x3FA8] =	sst s10  }
0x32: {  	s10 =	sld [smem:$0x3FA6];
	_ =	sdelay $0x3  }
0x33: {  	p0 =	seq.s32 s10, $0x1;
	s10 =	sld [smem:$0x3FA8];
	_ =	sdelay $0x3  }
0x34: {  	[smem:$0x3FA8] =	sst s10  }
0x35: {  	s10 =	sld [smem:$0x3FA7];
	_ =	sdelay $0x3  }
0x36: {  	p1 =	seq.s32 s10, $0x1;
	s10 =	sld [smem:$0x3FA8];
	_ =	sdelay $0x3  }
0x37: {  	[smem:$0x3FA8] =	sst s10  }
0x38: {  	s10 =	sld [smem:$0x3FA9]  }
0x39: {  	_ = 	snop;
	(pc) =	sbr.ind lr, $3  }
0x3a: {  	_ = 	snop  }
0x3b: {  	_ = 	snop  }
0x3c: {  	p2 =	seq.s32 s10, $0x1;
	s10 =	sld [smem:$0x3FA8]  }
0x3d: {  	_ =	shalt  }
0x3e: {  	_ =	shalt  }
0x3f: {  	_ =	shalt  }
0x40: {  	_ =	shalt  }
0x41: {  	_ =	shalt  }
0x42: {  	_ =	shalt  }
0x43: {  	_ =	shalt  }
0x44: {  	_ =	shalt  }
0x45: {  	_ =	shalt  }
0x46: {  	_ =	shalt  }
0x47: {  	_ =	shalt  }
0x48: {  	_ =	shalt  }
0x49: {  	_ =	shalt  }
0x4a: {  	_ =	shalt  }
0x4b: {  	_ =	shalt  }
0x4c: {  	_ =	shalt  }
0x4d: {  	_ =	shalt  }
0x4e: {  	_ =	shalt  }
0x4f: {  	_ =	shalt  }
0x50: {  	_ =	shalt  }
0x51: {  	_ =	shalt  }
0x52: {  	_ =	shalt  }
0x53: {  	_ =	shalt  }
0x54: {  	_ =	shalt  }
0x55: {  	_ =	shalt  }
0x56: {  	_ =	shalt  }
0x57: {  	_ =	shalt  }
0x58: {  	_ =	shalt  }
0x59: {  	_ =	shalt  }
0x5a: {  	_ =	shalt  }
0x5b: {  	_ =	shalt  }
0x5c: {  	_ =	shalt  }
0x5d: {  	_ =	shalt  }
0x5e: {  	_ =	shalt  }
0x5f: {  	_ =	shalt  }
0x60: {  	_ =	shalt  }
0x61: {  	_ =	shalt  }
0x62: {  	_ =	shalt  }
0x63: {  	_ =	shalt  }
0x64: {  	_ =	shalt  }
0x65: {  	_ =	shalt  }
0x66: {  	_ =	shalt  }
0x67: {  	_ =	shalt  }
0x68: {  	_ =	shalt  }
0x69: {  	_ =	shalt  }
0x6a: {  	_ =	shalt  }
0x6b: {  	_ =	shalt  }
0x6c: {  	_ =	shalt  }
0x6d: {  	_ =	shalt  }
0x6e: {  	_ =	shalt  }
0x6f: {  	_ =	shalt  }
0x70: {  	_ =	shalt  }
0x71: {  	_ =	shalt  }
0x72: {  	_ =	shalt  }
0x73: {  	_ =	shalt  }
0x74: {  	_ =	shalt  }
0x75: {  	_ =	shalt  }
0x76: {  	_ =	shalt  }
0x77: {  	_ =	shalt  }
0x78: {  	_ =	shalt  }
0x79: {  	_ =	shalt  }
0x7a: {  	_ =	shalt  }
0x7b: {  	_ =	shalt  }
0x7c: {  	_ =	shalt  }
0x7d: {  	_ =	shalt  }
0x7e: {  	_ =	shalt  }
0x7f: {  	_ =	shalt  }
0x80: {  	_ =	shalt  }
0x81: {  	_ =	shalt  }
0x82: {  	_ =	shalt  }
0x83: {  	_ =	shalt  }
0x84: {  	_ =	shalt  }
0x85: {  	_ =	shalt  }
0x86: {  	_ =	shalt  }
0x87: {  	_ =	shalt  }
.Lfunc_end0:
.L_simem_size_0:
called_computation.2_lowered:
.L_overlay_start_0:
0x88: {  	s2 =	sld [smem:$0x3FD9]  }
0x89: {  	s3 =	sld [smem:$0x3FFE];
	_ =	sdelay $0x1  }
0x8a: {  	s1 =	srdreg.scid  }
0x8b: {  	s0 =	sand.u32 $0x1, s1  }
0x8c: {  	s17 =	sshll.u32 s0, $0xA;
	s2 =	sadd.s32 s3, s2  }
0x8d: {  	s2 =	sadd.s32 s2, s17  }
0x8e: {  	[smem:$0x3FB4] =	sst s2  }
0x8f: {  	_ = 	snop  }
0x90: {  	(tm) =	ssettm $0x1  }
0x91: {  	s18 =	sld [smem:$0x3FFB];
	_ =	sdelay $0x3  }
0x92: {  	_ =	strace s18  }
0x93: {  	s2 =	sld [smem:$0x3FFC];
	_ =	sdelay $0x3  }
0x94: {  	_ =	strace s2  }
0x95: {  	s2 =	sld [smem:$0x3FFD];
	_ =	sdelay $0x3  }
0x96: {  	_ =	strace s2  }
0x97: {  	_ =	strace $0x8FFFFFFF  }
0x98: {  	s19 =	sld [smem:$0x3FDB];
	_ =	sdelay $0x1  }
0x99: {  	s20 =	simm.s32 $_scs_section_size  }
0x9a: {  	s4 =	simm.s32 $_size__tile_overlayer_lowered;
	s5 =	simm.s32 $_tile_overlayer_lowered  }
0x9b: {  	s6 =	simm.s32 $0x1BFF;
	s21 =	sshll.u32 s5, $0x1;
	s3 =	sadd.s32 s20, s19  }
0x9c: {  	s22 =	simm.s32 $0x0;
	s4 =	sshll.u32 s4, $0x1;
	s5 =	sadd.s32 s21, s3  }
0x9d: {  	[timem:s22], [sflag:s6] =	dma.local [hbm:s5], s4  }
0x9e: {  	_ =	swait.ge [sflag:s6], s4  }
0x9f: {  	s4 =	ssub.s32 $0x0, s4;
	[sflag:s6] =	ssyncset.done $0x0  }
0xa0: {  	[sflag:s6] =	ssyncadd.s32 s4;
	_ =	sdelay $0x1  }
0xa1: {  	s23 =	simm.s32 $0x1B8B  }
0xa2: {  	_ =	swait.ge [sflag:s23], $0x1  }
0xa3: {  	[sflag:s23] =	ssyncset.done $0x0  }
0xa4: {  	[sflag:s23] =	ssyncadd.s32 $0xFFFFFFFF  }
0xa5: {  	s4 =	sld [smem:$0x0]  }
0xa6: {  	s5 =	sand.u32 $0xFFFFFFFE, s1  }
0xa7: {  	p0 =	sne.s32 s1, s5  }
0xa8: {  	s5 =	sshll.u32 @p0 s5, $0xE  }
0xa9: {  	s5 =	sadd.s32 @p0 $0x11B8D, s5;
	s6 =	sshll.u32 @p0 s4, $0x11  }
0xaa: {  	s5 =	sor.u32 @p0 s6, s5  }
0xab: {  	[sflag:s5] =	ssyncadd.remote.s32 @p0 $0x1;
	_ =	sdelay $0x1  }
0xac: {  	s5 =	simm.s32 @p0 $0x1B8D  }
0xad: {  	_ =	swait.eq @p0 [sflag:s5], $0x1  }
0xae: {  	[sflag:s5] =	ssyncadd.s32 @p0 $0xFFFFFFFF  }
0xaf: {  	s6 =	sshll.u32 @!p0 s1, $0xE  }
0xb0: {  	s6 =	sor.u32 @!p0 $0x4000, s6;
	s5 =	simm.s32 @!p0 $0x1B8D  }
0xb1: {  	s4 =	sshll.u32 @!p0 s4, $0x11;
	s6 =	sadd.s32 @!p0 $0x11B8D, s6;
	_ =	swait.eq @!p0 [sflag:s5], $0x1  }
0xb2: {  	s4 =	sor.u32 @!p0 s4, s6;
	[sflag:s5] =	ssyncadd.s32 @!p0 $0xFFFFFFFF  }
0xb3: {  	s25 =	simm.s32 $0x1B8E;
	s24 =	sld [smem:$0x3FFE];
	[sflag:s4] =	ssyncadd.remote.s32 @!p0 $0x1  }
0xb4: {  	s26 =	simm.s32 $execute0_lowered;
	[smem:$0x3FD2] =	sst s25  }
0xb5: {  	s5 =	sshll.u32 s26, $0x1;
	_ =	strace $0x8000004F;
	[dreg:$0x1] =	wrdreg $0xFFFFFFFF  }
0xb6: {  	s28 =	simm.s32 $_size_execute0_lowered;
	s3 =	sadd.s32 s3, s5;
	[dreg:$0x0] =	wrdreg $0x0  }
0xb7: {  	s5 =	sshll.u32 s28, $0x1;
	[dreg:$0x2] =	wrdreg s3  }
0xb8: {  	[dreg:$0x3] =	wrdreg s5  }
0xb9: {  	[dreg:$0x4] =	wrdreg $0xC0  }
0xba: {  	_ =	task [dreg:s22], $0x5FFFF  }
0xbb: {  	[dreg:$0x1] =	wrdreg $0xFFFFFFFF  }
0xbc: {  	[dreg:$0x0] =	wrdreg $0x60  }
0xbd: {  	[dreg:$0x2] =	wrdreg s24  }
0xbe: {  	[dreg:$0x3] =	wrdreg $0x0  }
0xbf: {  	[dreg:$0x4] =	wrdreg $0xA  }
0xc0: {  	_ =	task.clear_ibuf [dreg:s22], $0x5FFFF;
	_ =	strace $0x9000004F  }
0xc1: {  	s29 =	simm.s32 $0xA;
	_ =	strace $0x80000051  }
0xc2: {  	_ =	swait.ge [sflag:s29], $0x1  }
0xc3: {  	[sflag:s29] =	ssyncadd.s32 $0xFFFFFFFF  }
0xc4: {  	_ =	strace $0x90000051  }
0xc5: {  	_ =	sfence  }
0xc6: {  	s30 =	sld [smem:$0x0];
	_ =	sdelay $0x2  }
0xc7: {  	s31 =	sshll.u32 s1, $0xD;
	s1 =	sshrl.u32 s1, $0x2  }
0xc8: {  	s4 =	sand.u32 $0x4000, s31;
	s1 =	sadd.s32 s1, s30  }
0xc9: {  	s0 =	sor.u32 s4, s0;
	s1 =	sshll.u32 s1, $0x11  }
0xca: {  	s0 =	sor.u32 s1, s0  }
0xcb: {  	s0 =	sadd.s32 $0x8F2B, s0  }
0xcc: {  	[sflag:s0] =	ssyncadd.remote.s32 $0x1  }
0xcd: {  	_ =	sfence.sel $0xFFFF  }
0xce: {  	[dreg:$0x0] =	wrdreg $0xFFFFFFFF;
	(pc) =	sbr.abs _section_cstart, $3  }
0xcf: {  	[dreg:$0x1] =	wrdreg $0xFFFFFFFF  }
0xd0: {  	_ =	task.clear_ibuf [dreg:s22], $0x2FFFF;
	_ =	strace $0x9FFFFFFF  }
0xd1: {  	(tm) =	ssettm $0x7FFFFFFF  }
tec
execute0_lowered:
.L_overlay_start_1:
0x0: {  	(tag) =	ssettag $0x1  }
0x1: {  	s0 =	rddreg [dreg:$0x0];
	s1 =	srdreg.scid  }
0x2: {  	s2 =	rddreg [dreg:$0x1];
	s20 =	stileid.u32;
	s3 =	simm.s32 $0x0  }
0x3: {  	s18 =	simm.s32 $0x4;
	s19 =	simm.s32 $0x1C000;
	s28 =	simm.s32 $0x3  }
0x4: {  	s29 =	simm.s32 $0x10;
	s30 =	simm.s32 $0x0;
	s8 =	sand.u32 $0x1, s1  }
0x5: {  	s6 =	smul.u32 $0x14000, s20;
	[smem:$0x7FF] =	sst s3;
	s4 =	sadd.s32 $0x19600, s0  }
0x6: {  	s15 =	sadd.s32 $0x5A00, s0;
	s21 =	smul.u32 $0x50000, s20;
	s16 =	sadd.s32 $0xF800, s0  }
0x7: {  	s22 =	sshll.u32 s20, $0x1;
	s12 =	smul.u32 $0x4E20, s20;
	s20 =	simm.s32 $0x1C100  }
0x8: {  	s5 =	smul.u32 $0x140000, s8;
	_ =	strace $0x80000050;
	s7 =	ssub.s32 $0x2, s8  }
0x9: {  	s9 =	sor.u32 s8, s22;
	s14 =	smul.u32 $0x2710, s8;
	s22 =	simm.s32 $0x1  }
0xa: {  	s23 =	sshrl.u32 s21, $0x2;
	s24 =	sshrl.u32 s7, $0x1;
	s9 =	smul.u32 $0x2710, s9  }
0xb: {  	s21 =	simm.s32 $0x1C180;
	s5 =	sadd.s32 s6, s5;
	s13 =	ssub.s32 s7, s24  }
0xc: {  	s14 =	sadd.s32 s14, s12;
	s24 =	simm.s32 $0x1C080;
	s5 =	sshrl.u32 s5, $0x3  }
0xd: {  	s10 =	sshrl.u32 s9, $0x3;
	s31 =	sshrl.u32 s14, $0x3;
	s17 =	sadd.s32 $0x80, s14  }
0xe: {  	s13 =	smax.u32 s13, $0x1;
	s0 =	sadd.s32 s5, s0;
	s5 =	sadd.s32 s23, s2  }
0xf: {  	s11 =	sadd.s32 $0x4E0, s10;
	s14 =	sadd.s32 s31, s16;
	s17 =	sshrl.u32 s17, $0x3  }
0x10: {  	s23 =	simm.s32 $0x80;
	s25 =	sadd.s32 $0x4000, s5;
	s26 =	sadd.s32 $0x8000, s5  }
0x11: {  	s8 =	sadd.s32 $0xC000, s5;
	s9 =	sadd.s32 $0x10000, s5;
	s10 =	sadd.s32 s15, s11  }
0x12: {  	s11 =	sadd.s32 s16, s11;
	s12 =	sadd.s32 $0x130800, s0;
	s15 =	sadd.s32 s31, s15  }
0x13: {  	s16 =	sadd.s32 s17, s16;
	s17 =	simm.s32 $0x14000;
	[dreg:$0x3] =	wrdreg s25  }
0x14: {  	v0 =	vimm.f32 $0.0e+00;
	[dreg:$0x4] =	wrdreg s26;
	s25 =	simm.s32 $0x18000;
	s26 =	simm.s32 $0x2  }
.LBB2_1:
0x15: {  	s31 =	simm.s32 $0x0;
	s0 =	simm.s32 $0x200  }
.LBB2_2:
0x16: {  	p0 =	sne.s32 s0, $0xFE00;
	[tilespmem:s31+$0x14070] =	vst v0  }
0x17: {  	[tilespmem:s31+$0x14000] =	vst v0  }
0x18: {  	[tilespmem:s31+$0x14010] =	vst v0  }
.Ltmp0:
0x19: {  	[tilespmem:s31+$0x14020] =	vst v0;
	(pc) =	sbr.rel @p0 .LBB2_2-.Ltmp0, $4  }
0x1a: {  	[tilespmem:s31+$0x14030] =	vst v0  }
0x1b: {  	[tilespmem:s31+$0x14040] =	vst v0  }
0x1c: {  	[tilespmem:s31+$0x14050] =	vst v0  }
0x1d: {  	[tilespmem:s31+$0x14060] =	vst v0;
	s31 =	sshra.s32 s0, $0x2;
	s0 =	sadd.s32 $0x200, s0  }
0x1e: {  	[tilespmem:s31+$0x14070] =	vst v0  }
0x1f: {  	[tilespmem:s31+$0x14000] =	vst v0  }
0x20: {  	[tilespmem:s31+$0x14010] =	vst v0  }
0x21: {  	[tilespmem:s31+$0x14020] =	vst v0  }
0x22: {  	[tilespmem:s31+$0x14030] =	vst v0  }
0x23: {  	[tilespmem:s31+$0x14040] =	vst v0  }
0x24: {  	[tilespmem:s31+$0x14050] =	vst v0  }
0x25: {  	[tilespmem:s31+$0x14060] =	vst v0  }
0x26: {  	[spmem:s5] =	stream.linear.scatter [tilespmem:s17], [sflag:$0x4], $0x4000, $0x38;
	[tilespmem:$0x1C200] =	vst v63  }
0x27: {  	_ =	swait.ge [sflag:s18], $0x4000  }
0x28: {  	[sflag:s18] =	ssyncset.done $0x0  }
0x29: {  	s0 =	rddreg [dreg:$0x3];
	[sflag:s18] =	ssyncadd.s32 $0xFFFFC000  }
0x2a: {  	[spmem:s0] =	stream.linear.scatter [tilespmem:s17], [sflag:$0x4], $0x4000, $0x38;
	[tilespmem:$0x1C200] =	vst v63  }
0x2b: {  	_ =	swait.ge [sflag:s18], $0x4000  }
0x2c: {  	[sflag:s18] =	ssyncset.done $0x0  }
0x2d: {  	s7 =	rddreg [dreg:$0x4];
	[sflag:s18] =	ssyncadd.s32 $0xFFFFC000  }
0x2e: {  	[spmem:s7] =	stream.linear.scatter [tilespmem:s17], [sflag:$0x4], $0x4000, $0x38;
	[tilespmem:$0x1C200] =	vst v63  }
0x2f: {  	_ =	swait.ge [sflag:s18], $0x4000  }
0x30: {  	[sflag:s18] =	ssyncset.done $0x0  }
0x31: {  	[sflag:s18] =	ssyncadd.s32 $0xFFFFC000  }
0x32: {  	[spmem:s8] =	stream.linear.scatter [tilespmem:s17], [sflag:$0x4], $0x4000, $0x38;
	[tilespmem:$0x1C200] =	vst v63  }
0x33: {  	_ =	swait.ge [sflag:s18], $0x4000  }
0x34: {  	[sflag:s18] =	ssyncset.done $0x0  }
0x35: {  	[sflag:s18] =	ssyncadd.s32 $0xFFFFC000  }
0x36: {  	[spmem:s9] =	stream.linear.scatter [tilespmem:s17], [sflag:$0x4], $0x4000, $0x38;
	[tilespmem:$0x1C200] =	vst v63  }
0x37: {  	_ =	swait.ge [sflag:s18], $0x4000  }
0x38: {  	[sflag:s18] =	ssyncset.done $0x0  }
0x39: {  	[sflag:s18] =	ssyncadd.s32 $0xFFFFC000  }
0x3a: {  	s1 =	sadd.s32 $0x0, s15;
	[bflag:$0x0] =	sbarrier.arrive $0xFFFF  }
0x3b: {  	[tilespmem:s19], [sflag:$0x1] =	stream.linear.gather [hbm4b:s1+s3], $0x100, $0x38;
	[tilespmem:$0x1C200] =	vst v63  }
0x3c: {  	s6 =	sadd.s32 $0x0, s14  }
0x3d: {  	[tilespmem:s20], [sflag:$0x1] =	stream.linear.gather [hbm4b:s6+s3], $0x80, $0x38;
	[tilespmem:$0x1C200] =	vst v63  }
0x3e: {  	s7 =	sadd.s32 $0x0, s16  }
0x3f: {  	[tilespmem:s21], [sflag:$0x1] =	stream.linear.gather [hbm4b:s7+s3], $0x80, $0x38;
	[tilespmem:$0x1C200] =	vst v63  }
0x40: {  	_ =	swait.ge [sflag:s22], $0x100  }
0x41: {  	[sflag:s22] =	ssyncset.done $0x0  }
0x42: {  	[sflag:s22] =	ssyncadd.s32 $0xFFFFFF00  }
0x43: {  	_ =	swait.ge [sflag:s22], $0x80  }
0x44: {  	[sflag:s22] =	ssyncset.done $0x0  }
0x45: {  	[sflag:s22] =	ssyncadd.s32 $0xFFFFFF80  }
0x46: {  	_ =	swait.ge [sflag:s22], $0x80  }
0x47: {  	[sflag:s22] =	ssyncset.done $0x0  }
0x48: {  	[sflag:s22] =	ssyncadd.s32 $0xFFFFFF80  }
0x49: {  	[tilespmem:s17], [sflag:$0x2] =	stream.indirect.gather [hbm4b:s4+s23], $0x80, s19, s23, $0xb8;
	[tilespmem:$0x1C200] =	vst v63  }
0x4a: {  	_ = 	snop  }
0x4b: {  	[tilespmem:s25], [sflag:$0x2] =	stream.indirect.gather [hbm4b:s4+s23], $0x80, s24, s23, $0xb8;
	[tilespmem:$0x1C200] =	vst v63  }
0x4c: {  	_ =	swait.ge [sflag:s26], $0x4000  }
0x4d: {  	[sflag:s26] =	ssyncset.done $0x0  }
0x4e: {  	[sflag:s26] =	ssyncadd.s32 $0xFFFFC000  }
0x4f: {  	_ =	swait.ge [sflag:s26], $0x4000  }
0x50: {  	[sflag:s26] =	ssyncset.done $0x0  }
0x51: {  	[sflag:s26] =	ssyncadd.s32 $0xFFFFC000  }
0x52: {  	[spmem:s2] =	stream.indirect.scatter.add.f32 [tilespmem:s17], [sflag:$0x3], $0x80, s20, s23, $0xb8;
	[tilespmem:$0x1C200] =	vst v63  }
0x53: {  	_ =	swait.ge [sflag:s28], $0x4000  }
0x54: {  	[sflag:s28] =	ssyncset.done $0x0  }
0x55: {  	[sflag:s28] =	ssyncadd.s32 $0xFFFFC000  }
0x56: {  	[spmem:s2] =	stream.indirect.scatter.add.f32 [tilespmem:s25], [sflag:$0x3], $0x80, s21, s23, $0xb8;
	[tilespmem:$0x1C200] =	vst v63  }
0x57: {  	_ =	swait.ge [sflag:s28], $0x4000  }
0x58: {  	s31 =	simm.s32 $0x20;
	s0 =	simm.s32 $0x40;
	[sflag:s28] =	ssyncset.done $0x0  }
.LBB2_4:
0x59: {  	s1 =	sadd.s32 s31, s15  }
0x5a: {  	[sflag:s28] =	ssyncadd.s32 $0xFFFFC000;
	s6 =	smov.u32 s0;
	s7 =	sadd.s32 $0x20, s0  }
0x5b: {  	[tilespmem:s19], [sflag:$0x1] =	stream.linear.gather [hbm4b:s1+s3], $0x100, $0x38;
	[tilespmem:$0x1C200] =	vst v63  }
0x5c: {  	p0 =	sne.s32 s0, $0x4C0;
	s0 =	sadd.s32 s31, s14  }
0x5d: {  	[tilespmem:s20], [sflag:$0x1] =	stream.linear.gather [hbm4b:s0+s3], $0x80, $0x38;
	[tilespmem:$0x1C200] =	vst v63  }
0x5e: {  	s0 =	sadd.s32 s31, s16;
	s31 =	smov.u32 s6  }
0x5f: {  	[tilespmem:s21], [sflag:$0x1] =	stream.linear.gather [hbm4b:s0+s3], $0x80, $0x38;
	[tilespmem:$0x1C200] =	vst v63  }
0x60: {  	_ =	swait.ge [sflag:s22], $0x100  }
0x61: {  	[sflag:s22] =	ssyncset.done $0x0  }
0x62: {  	[sflag:s22] =	ssyncadd.s32 $0xFFFFFF00  }
0x63: {  	_ =	swait.ge [sflag:s22], $0x80  }
0x64: {  	[sflag:s22] =	ssyncset.done $0x0  }
0x65: {  	[sflag:s22] =	ssyncadd.s32 $0xFFFFFF80  }
0x66: {  	_ =	swait.ge [sflag:s22], $0x80  }
0x67: {  	[sflag:s22] =	ssyncset.done $0x0  }
0x68: {  	[sflag:s22] =	ssyncadd.s32 $0xFFFFFF80  }
0x69: {  	[tilespmem:s17], [sflag:$0x2] =	stream.indirect.gather [hbm4b:s4+s23], $0x80, s19, s23, $0xb8;
	[tilespmem:$0x1C200] =	vst v63  }
0x6a: {  	_ = 	snop  }
0x6b: {  	[tilespmem:s25], [sflag:$0x2] =	stream.indirect.gather [hbm4b:s4+s23], $0x80, s24, s23, $0xb8;
	[tilespmem:$0x1C200] =	vst v63  }
0x6c: {  	_ =	swait.ge [sflag:s26], $0x4000  }
0x6d: {  	[sflag:s26] =	ssyncset.done $0x0  }
0x6e: {  	[sflag:s26] =	ssyncadd.s32 $0xFFFFC000  }
0x6f: {  	_ =	swait.ge [sflag:s26], $0x4000  }
0x70: {  	[sflag:s26] =	ssyncset.done $0x0  }
0x71: {  	[sflag:s26] =	ssyncadd.s32 $0xFFFFC000  }
0x72: {  	[spmem:s2] =	stream.indirect.scatter.add.f32 [tilespmem:s17], [sflag:$0x3], $0x80, s20, s23, $0xb8;
	[tilespmem:$0x1C200] =	vst v63  }
0x73: {  	_ =	swait.ge [sflag:s28], $0x4000  }
.Ltmp1:
0x74: {  	[sflag:s28] =	ssyncset.done $0x0;
	(pc) =	sbr.rel @p0 .LBB2_4-.Ltmp1, $4  }
0x75: {  	[sflag:s28] =	ssyncadd.s32 $0xFFFFC000  }
0x76: {  	[spmem:s2] =	stream.indirect.scatter.add.f32 [tilespmem:s25], [sflag:$0x3], $0x80, s21, s23, $0xb8;
	[tilespmem:$0x1C200] =	vst v63  }
0x77: {  	_ =	swait.ge [sflag:s28], $0x4000  }
0x78: {  	s0 =	smov.u32 s7;
	[sflag:s28] =	ssyncset.done $0x0  }
0x79: {  	s0 =	sadd.s32 s31, s15;
	[sflag:s28] =	ssyncadd.s32 $0xFFFFC000  }
0x7a: {  	[tilespmem:s19], [sflag:$0x1] =	stream.linear.gather [hbm4b:s0+s3], $0x100, $0x38;
	[tilespmem:$0x1C200] =	vst v63  }
0x7b: {  	s6 =	sadd.s32 s31, s14  }
0x7c: {  	[tilespmem:s20], [sflag:$0x1] =	stream.linear.gather [hbm4b:s6+s3], $0x80, $0x38;
	[tilespmem:$0x1C200] =	vst v63  }
0x7d: {  	s7 =	sadd.s32 s31, s16  }
0x7e: {  	[tilespmem:s21], [sflag:$0x1] =	stream.linear.gather [hbm4b:s7+s3], $0x80, $0x38;
	[tilespmem:$0x1C200] =	vst v63  }
0x7f: {  	_ =	swait.ge [sflag:s22], $0x100  }
0x80: {  	[sflag:s22] =	ssyncset.done $0x0  }
0x81: {  	[sflag:s22] =	ssyncadd.s32 $0xFFFFFF00  }
0x82: {  	_ =	swait.ge [sflag:s22], $0x80  }
0x83: {  	[sflag:s22] =	ssyncset.done $0x0  }
0x84: {  	[sflag:s22] =	ssyncadd.s32 $0xFFFFFF80  }
0x85: {  	_ =	swait.ge [sflag:s22], $0x80  }
0x86: {  	[sflag:s22] =	ssyncset.done $0x0  }
0x87: {  	[sflag:s22] =	ssyncadd.s32 $0xFFFFFF80  }
0x88: {  	[tilespmem:s17], [sflag:$0x2] =	stream.indirect.gather [hbm4b:s4+s23], $0x80, s19, s23, $0xb8;
	[tilespmem:$0x1C200] =	vst v63  }
0x89: {  	_ = 	snop  }
0x8a: {  	[tilespmem:s25], [sflag:$0x2] =	stream.indirect.gather [hbm4b:s4+s23], $0x80, s24, s23, $0xb8;
	[tilespmem:$0x1C200] =	vst v63  }
0x8b: {  	_ =	swait.ge [sflag:s26], $0x4000  }
0x8c: {  	[sflag:s26] =	ssyncset.done $0x0  }
0x8d: {  	[sflag:s26] =	ssyncadd.s32 $0xFFFFC000  }
0x8e: {  	_ =	swait.ge [sflag:s26], $0x4000  }
0x8f: {  	[sflag:s26] =	ssyncset.done $0x0  }
0x90: {  	[sflag:s26] =	ssyncadd.s32 $0xFFFFC000  }
0x91: {  	[spmem:s2] =	stream.indirect.scatter.add.f32 [tilespmem:s17], [sflag:$0x3], $0x80, s20, s23, $0xb8;
	[tilespmem:$0x1C200] =	vst v63  }
0x92: {  	_ =	swait.ge [sflag:s28], $0x4000  }
0x93: {  	[sflag:s28] =	ssyncset.done $0x0  }
0x94: {  	[sflag:s28] =	ssyncadd.s32 $0xFFFFC000  }
0x95: {  	[spmem:s2] =	stream.indirect.scatter.add.f32 [tilespmem:s25], [sflag:$0x3], $0x80, s21, s23, $0xb8;
	[tilespmem:$0x1C200] =	vst v63  }
0x96: {  	_ =	swait.ge [sflag:s28], $0x4000  }
0x97: {  	[sflag:s28] =	ssyncset.done $0x0  }
0x98: {  	[sflag:s28] =	ssyncadd.s32 $0xFFFFC000  }
0x99: {  	[tilespmem:s19], [sflag:$0x4] =	stream.linear.gather [hbm4b:s10+s3], $0x10, $0x38;
	[tilespmem:$0x1C200] =	vst v63  }
0x9a: {  	_ =	swait.ge [sflag:s18], $0x10  }
0x9b: {  	[sflag:s18] =	ssyncset.done $0x0  }
0x9c: {  	[sflag:s18] =	ssyncadd.s32 $0xFFFFFFF0  }
0x9d: {  	[tilespmem:s20], [sflag:$0x4] =	stream.linear.gather [hbm4b:s11+s3], $0x10, $0x38;
	[tilespmem:$0x1C200] =	vst v63  }
0x9e: {  	_ =	swait.ge [sflag:s18], $0x10  }
0x9f: {  	[sflag:s18] =	ssyncset.done $0x0  }
0xa0: {  	[sflag:s18] =	ssyncadd.s32 $0xFFFFFFF0  }
0xa1: {  	[tilespmem:s17], [sflag:$0x2] =	stream.indirect.gather [hbm4b:s4+s29], $0x80, s19, s29, $0xb8;
	[tilespmem:$0x1C200] =	vst v63  }
0xa2: {  	_ =	swait.ge [sflag:s26], $0x800  }
0xa3: {  	[sflag:s26] =	ssyncset.done $0x0  }
0xa4: {  	[sflag:s26] =	ssyncadd.s32 $0xFFFFF800  }
0xa5: {  	[spmem:s2] =	stream.indirect.scatter.add.f32 [tilespmem:s17], [sflag:$0x3], $0x80, s20, s29, $0xb8;
	[tilespmem:$0x1C200] =	vst v63  }
0xa6: {  	s31 =	stileid.u32;
	_ =	swait.ge [sflag:s28], $0x800  }
0xa7: {  	s1 =	sshrl.u32 s5, $0x3;
	s30 =	sadd.s32 $0x1, s30;
	[sflag:s28] =	ssyncset.done $0x0  }
0xa8: {  	s0 =	sshll.u32 s31, $0x6;
	p0 =	sne.s32 s30, s13;
	[sflag:s28] =	ssyncadd.s32 $0xFFFFF800  }
.Ltmp2:
0xa9: {  	s0 =	sor.u32 $0x1C04, s0;
	[bflag:$0x0] =	sbarrier.arrive $0xFFFF;
	(pc) =	sbr.rel @p0 .LBB2_1-.Ltmp2, $4  }
0xaa: {  	[hbm:s12], [sflag:s0] =	dma.local [spmem:s1], $0x2800  }
0xab: {  	_ =	swait.ge [sflag:s18], $0x2800  }
0xac: {  	[sflag:s18] =	ssyncset.done $0x0  }
0xad: {  	[sflag:s18] =	ssyncadd.s32 $0xFFFFD800  }
0xae: {  	_ =	sfence.sel $0x180000  }
0xaf: {  	[bflag:$0x0] =	sbarrier.arrive $0xFFFF  }
0xb0: {  	_ =	strace $0x90000050  }
0xb1: {  	s0 =	stileid.u32;
	[bflag:$0x2] =	sbarrier.arrive $0xFFFF  }
0xb2: {  	p0 =	sne.s32 s0, $0x0;
	s0 =	rddreg [dreg:$0x2]  }
0xb3: {  	s0 =	sadd.s32 @!p0 $0x100000, s0  }
0xb4: {  	[sflag:s0] =	ssyncadd.tile.s32 @!p0 $0x1;
	_ =	shalt  }
.Lfunc_end2:
_tile_overlayer_lowered:
.L_overlay_start_2:
0xb5: {  	(tag) =	ssettag $0x2  }
0xb6: {  	s0 =	rddreg [dreg:$0x0];
	s2 =	stileid.u32  }
0xb7: {  	s1 =	rddreg [dreg:$0x1];
	p0 =	sne.s32 s2, $0x0  }
0xb8: {  	s3 =	rddreg [dreg:$0x2];
	[bflag:$0x3] =	sbarrier.arrive $0xFFFF;
	s2 =	simm.s32 @!p0 $0x1C04  }
0xb9: {  	[timem:s3], [sflag:s2] =	dma.local @!p0 [hbm:s0], s1  }
0xba: {  	s0 =	simm.s32 @!p0 $0x4  }
0xbb: {  	_ =	swait.ge @!p0 [sflag:s0], s1  }
0xbc: {  	s1 =	ssub.s32 @!p0 $0x0, s1;
	[sflag:s0] =	ssyncset.done @!p0 $0x0  }
0xbd: {  	[sflag:s0] =	ssyncadd.s32 @!p0 s1  }
0xbe: {  	[bflag:$0x3] =	sbarrier.arrive $0xFFFF  }
0xbf: {  	_ =	shalt  }

// kernel: kernel.25.cloned.1.call-start
scs
__scs_entry_jumppad:
0x0: {  	(pc) =	sbr.rel $0x88, $3  }
0x1: {  	(tag) =	ssettag $0x0;
	lr =	simm.s32 $0x1  }
0x2: {  	[smem:$0x3F8D] =	sst lr;
	_ =	strace $0xD0000000  }
0x3: {  	_ = 	snop  }
0x4: {  	_ = 	snop  }
0x5: {  	_ = 	snop  }
0x6: {  	_ = 	snop  }
0x7: {  	_ = 	snop  }
__scs_overlays_trampoline_lowered:
0x8: {  	[smem:$0x3F9C] =	sst s0  }
0x9: {  	[smem:$0x3F9D] =	sst s1  }
0xa: {  	[smem:$0x3F9E] =	sst s2  }
0xb: {  	[smem:$0x3F9F] =	sst s3  }
0xc: {  	[smem:$0x3FA0] =	sst s4  }
0xd: {  	[smem:$0x3FA1] =	sst s5  }
0xe: {  	[smem:$0x3FA2] =	sst s6  }
0xf: {  	[smem:$0x3FA3] =	sst s7  }
0x10: {  	[smem:$0x3FA4] =	sst s8  }
0x11: {  	[smem:$0x3FA5] =	sst s9;
	s0 =	simm.s32 @!p0 $0x0  }
0x12: {  	s1 =	sld [smem:$0x3F8B];
	s0 =	simm.s32 @p0 $0x1  }
0x13: {  	[smem:$0x3FA6] =	sst s0;
	s0 =	simm.s32 @!p1 $0x0  }
0x14: {  	s2 =	sld [smem:$0x3F8A];
	s0 =	simm.s32 @p1 $0x1  }
0x15: {  	[smem:$0x3FA7] =	sst s0;
	s0 =	simm.s32 @!p2 $0x0  }
0x16: {  	s3 =	sld [smem:$0x3FDB];
	s0 =	simm.s32 @p2 $0x1  }
0x17: {  	s4 =	simm.s32 $0x1BF5;
	[smem:$0x3FA9] =	sst s0  }
0x18: {  	s0 =	sld [smem:$0x3F8C];
	_ =	swait.ge [sflag:s4], $0x0  }
0x19: {  	s7 =	sld [smem:$0x3F8D]  }
0x1a: {  	s8 =	sadd.s32 $0xFFFFE003, lr  }
0x1b: {  	s9 =	sadd.s32 $0xFFFFFEF7, lr;
	s5 =	simm.s32 $0xFFFFFFFF;
	p2 =	slt.u32 s8, $0xFFFFF086  }
0x1c: {  	p1 =	slt.u32 s9, $0xF7A;
	s5 =	simm.s32 @!p2 $0x0  }
0x1d: {  	s5 =	simm.s32 @p1 $0x1;
	p0 =	seq.s32 s7, s2  }
0x1e: {  	s7 =	smul.u32 @!p0 $0xF7A, s2;
	p2 =	seq.s32 @!p0 s5, $0x0  }
0x1f: {  	s9 =	smul.u32 $0xF7A, s1;
	s8 =	simm.s32 @!p0 $0x1BF5;
	p2 =	por !p2, p0  }
0x20: {  	[sflag:s8] =	ssyncset.s32 @!p0 $0xFFFFF086;
	s6 =	sadd.s32 @!p0 s3, s7;
	s7 =	simm.s32 @!p0 $0x108  }
0x21: {  	s3 =	sadd.s32 s3, s9;
	s6 =	sadd.s32 @!p0 $0x88, s6;
	s7 =	simm.s32 @p2 $0x1082  }
0x22: {  	[simem:s7], [sflag:s8] =	dma.local @!p0 [hbm:s6], $0xF7A  }
0x23: {  	s9 =	sor.u32 $0xD0000000, s2;
	s6 =	simm.s32 $0x108;
	_ =	swait.ge @!p0 [sflag:s8], $0x0  }
0x24: {  	s3 =	sadd.s32 $0x88, s3;
	s6 =	simm.s32 @!p1 $0x1082;
	[sflag:s4] =	ssyncset.s32 $0xFFFFF086  }
0x25: {  	[simem:s6], [sflag:s4] =	dma.local [hbm:s3], $0xF7A  }
0x26: {  	[smem:$0x3F8D] =	sst s1;
	(tag) =	ssettag s2;
	_ =	strace s9  }
0x27: {  	s1 =	sld [smem:$0x3F9D]  }
0x28: {  	s2 =	sld [smem:$0x3F9E]  }
0x29: {  	s4 =	sld [smem:$0x3FA0]  }
0x2a: {  	p0 =	seq.s32 s5, $0x0;
	s5 =	sld [smem:$0x3FA1]  }
0x2b: {  	s6 =	sld [smem:$0x3FA2]  }
0x2c: {  	s7 =	sld [smem:$0x3FA3]  }
0x2d: {  	s3 =	simm.s32 $0x108;
	s8 =	sld [smem:$0x3FA4]  }
0x2e: {  	s3 =	simm.s32 @!p0 $0x1082;
	s9 =	sld [smem:$0x3FA5]  }
0x2f: {  	lr =	sadd.s32 s0, s3;
	s0 =	sld [smem:$0x3F9C]  }
0x30: {  	s3 =	sld [smem:$0x3F9F]  }
0x31: {  	[smem:$0x3FA8] =	sst s10  }
0x32: {  	s10 =	sld [smem:$0x3FA6];
	_ =	sdelay $0x3  }
0x33: {  	p0 =	seq.s32 s10, $0x1;
	s10 =	sld [smem:$0x3FA8];
	_ =	sdelay $0x3  }
0x34: {  	[smem:$0x3FA8] =	sst s10  }
0x35: {  	s10 =	sld [smem:$0x3FA7];
	_ =	sdelay $0x3  }
0x36: {  	p1 =	seq.s32 s10, $0x1;
	s10 =	sld [smem:$0x3FA8];
	_ =	sdelay $0x3  }
0x37: {  	[smem:$0x3FA8] =	sst s10  }
0x38: {  	s10 =	sld [smem:$0x3FA9]  }
0x39: {  	_ = 	snop;
	(pc) =	sbr.ind lr, $3  }
0x3a: {  	_ = 	snop  }
0x3b: {  	_ = 	snop  }
0x3c: {  	p2 =	seq.s32 s10, $0x1;
	s10 =	sld [smem:$0x3FA8]  }
0x3d: {  	_ =	shalt  }
0x3e: {  	_ =	shalt  }
0x3f: {  	_ =	shalt  }
0x40: {  	_ =	shalt  }
0x41: {  	_ =	shalt  }
0x42: {  	_ =	shalt  }
0x43: {  	_ =	shalt  }
0x44: {  	_ =	shalt  }
0x45: {  	_ =	shalt  }
0x46: {  	_ =	shalt  }
0x47: {  	_ =	shalt  }
0x48: {  	_ =	shalt  }
0x49: {  	_ =	shalt  }
0x4a: {  	_ =	shalt  }
0x4b: {  	_ =	shalt  }
0x4c: {  	_ =	shalt  }
0x4d: {  	_ =	shalt  }
0x4e: {  	_ =	shalt  }
0x4f: {  	_ =	shalt  }
0x50: {  	_ =	shalt  }
0x51: {  	_ =	shalt  }
0x52: {  	_ =	shalt  }
0x53: {  	_ =	shalt  }
0x54: {  	_ =	shalt  }
0x55: {  	_ =	shalt  }
0x56: {  	_ =	shalt  }
0x57: {  	_ =	shalt  }
0x58: {  	_ =	shalt  }
0x59: {  	_ =	shalt  }
0x5a: {  	_ =	shalt  }
0x5b: {  	_ =	shalt  }
0x5c: {  	_ =	shalt  }
0x5d: {  	_ =	shalt  }
0x5e: {  	_ =	shalt  }
0x5f: {  	_ =	shalt  }
0x60: {  	_ =	shalt  }
0x61: {  	_ =	shalt  }
0x62: {  	_ =	shalt  }
0x63: {  	_ =	shalt  }
0x64: {  	_ =	shalt  }
0x65: {  	_ =	shalt  }
0x66: {  	_ =	shalt  }
0x67: {  	_ =	shalt  }
0x68: {  	_ =	shalt  }
0x69: {  	_ =	shalt  }
0x6a: {  	_ =	shalt  }
0x6b: {  	_ =	shalt  }
0x6c: {  	_ =	shalt  }
0x6d: {  	_ =	shalt  }
0x6e: {  	_ =	shalt  }
0x6f: {  	_ =	shalt  }
0x70: {  	_ =	shalt  }
0x71: {  	_ =	shalt  }
0x72: {  	_ =	shalt  }
0x73: {  	_ =	shalt  }
0x74: {  	_ =	shalt  }
0x75: {  	_ =	shalt  }
0x76: {  	_ =	shalt  }
0x77: {  	_ =	shalt  }
0x78: {  	_ =	shalt  }
0x79: {  	_ =	shalt  }
0x7a: {  	_ =	shalt  }
0x7b: {  	_ =	shalt  }
0x7c: {  	_ =	shalt  }
0x7d: {  	_ =	shalt  }
0x7e: {  	_ =	shalt  }
0x7f: {  	_ =	shalt  }
0x80: {  	_ =	shalt  }
0x81: {  	_ =	shalt  }
0x82: {  	_ =	shalt  }
0x83: {  	_ =	shalt  }
0x84: {  	_ =	shalt  }
0x85: {  	_ =	shalt  }
0x86: {  	_ =	shalt  }
0x87: {  	_ =	shalt  }
.Lfunc_end0:
.L_simem_size_0:
called_computation.3_lowered:
.L_overlay_start_0:
0x88: {  	s2 =	sld [smem:$0x3FD9]  }
0x89: {  	s3 =	sld [smem:$0x3FFE];
	_ =	sdelay $0x1  }
0x8a: {  	s1 =	srdreg.scid  }
0x8b: {  	s0 =	sand.u32 $0x1, s1  }
0x8c: {  	s17 =	sshll.u32 s0, $0xA;
	s2 =	sadd.s32 s3, s2  }
0x8d: {  	s2 =	sadd.s32 s2, s17  }
0x8e: {  	[smem:$0x3FB4] =	sst s2  }
0x8f: {  	_ = 	snop  }
0x90: {  	(tm) =	ssettm $0x1  }
0x91: {  	s18 =	sld [smem:$0x3FFB];
	_ =	sdelay $0x3  }
0x92: {  	_ =	strace s18  }
0x93: {  	s2 =	sld [smem:$0x3FFC];
	_ =	sdelay $0x3  }
0x94: {  	_ =	strace s2  }
0x95: {  	s2 =	sld [smem:$0x3FFD];
	_ =	sdelay $0x3  }
0x96: {  	_ =	strace s2  }
0x97: {  	_ =	strace $0x8FFFFFFF  }
0x98: {  	s19 =	sld [smem:$0x3FDB];
	_ =	sdelay $0x1  }
0x99: {  	s20 =	simm.s32 $_scs_section_size  }
0x9a: {  	s4 =	simm.s32 $_size__tile_overlayer_lowered;
	s5 =	simm.s32 $_tile_overlayer_lowered  }
0x9b: {  	s6 =	simm.s32 $0x1BFF;
	s21 =	sshll.u32 s5, $0x1;
	s3 =	sadd.s32 s20, s19  }
0x9c: {  	s22 =	simm.s32 $0x0;
	s4 =	sshll.u32 s4, $0x1;
	s5 =	sadd.s32 s21, s3  }
0x9d: {  	[timem:s22], [sflag:s6] =	dma.local [hbm:s5], s4  }
0x9e: {  	_ =	swait.ge [sflag:s6], s4  }
0x9f: {  	s4 =	ssub.s32 $0x0, s4;
	[sflag:s6] =	ssyncset.done $0x0  }
0xa0: {  	[sflag:s6] =	ssyncadd.s32 s4;
	_ =	sdelay $0x1  }
0xa1: {  	s23 =	simm.s32 $0x1B8B  }
0xa2: {  	_ =	swait.ge [sflag:s23], $0x1  }
0xa3: {  	[sflag:s23] =	ssyncset.done $0x0  }
0xa4: {  	[sflag:s23] =	ssyncadd.s32 $0xFFFFFFFF  }
0xa5: {  	s4 =	sld [smem:$0x0]  }
0xa6: {  	s5 =	sand.u32 $0xFFFFFFFE, s1  }
0xa7: {  	p0 =	sne.s32 s1, s5  }
0xa8: {  	s5 =	sshll.u32 @p0 s5, $0xE  }
0xa9: {  	s5 =	sadd.s32 @p0 $0x11B8D, s5;
	s6 =	sshll.u32 @p0 s4, $0x11  }
0xaa: {  	s5 =	sor.u32 @p0 s6, s5  }
0xab: {  	[sflag:s5] =	ssyncadd.remote.s32 @p0 $0x1;
	_ =	sdelay $0x1  }
0xac: {  	s5 =	simm.s32 @p0 $0x1B8D  }
0xad: {  	_ =	swait.eq @p0 [sflag:s5], $0x1  }
0xae: {  	[sflag:s5] =	ssyncadd.s32 @p0 $0xFFFFFFFF  }
0xaf: {  	s6 =	sshll.u32 @!p0 s1, $0xE  }
0xb0: {  	s6 =	sor.u32 @!p0 $0x4000, s6;
	s5 =	simm.s32 @!p0 $0x1B8D  }
0xb1: {  	s4 =	sshll.u32 @!p0 s4, $0x11;
	s6 =	sadd.s32 @!p0 $0x11B8D, s6;
	_ =	swait.eq @!p0 [sflag:s5], $0x1  }
0xb2: {  	s4 =	sor.u32 @!p0 s4, s6;
	[sflag:s5] =	ssyncadd.s32 @!p0 $0xFFFFFFFF  }
0xb3: {  	s25 =	simm.s32 $0x1B8E;
	s24 =	sld [smem:$0x3FFE];
	[sflag:s4] =	ssyncadd.remote.s32 @!p0 $0x1  }
0xb4: {  	s26 =	simm.s32 $execute0_lowered;
	[smem:$0x3FD2] =	sst s25  }
0xb5: {  	s5 =	sshll.u32 s26, $0x1;
	_ =	strace $0x8000004C;
	[dreg:$0x1] =	wrdreg $0xFFFFFFFF  }
0xb6: {  	s28 =	simm.s32 $_size_execute0_lowered;
	s3 =	sadd.s32 s3, s5;
	[dreg:$0x0] =	wrdreg $0x0  }
0xb7: {  	s5 =	sshll.u32 s28, $0x1;
	[dreg:$0x2] =	wrdreg s3  }
0xb8: {  	[dreg:$0x3] =	wrdreg s5  }
0xb9: {  	[dreg:$0x4] =	wrdreg $0xC0  }
0xba: {  	_ =	task [dreg:s22], $0x5FFFF  }
0xbb: {  	[dreg:$0x1] =	wrdreg $0xFFFFFFFF  }
0xbc: {  	[dreg:$0x0] =	wrdreg $0x60  }
0xbd: {  	[dreg:$0x2] =	wrdreg s24  }
0xbe: {  	[dreg:$0x3] =	wrdreg $0x0  }
0xbf: {  	[dreg:$0x4] =	wrdreg $0x9  }
0xc0: {  	_ =	task.clear_ibuf [dreg:s22], $0x5FFFF;
	_ =	strace $0x9000004C  }
0xc1: {  	s29 =	simm.s32 $0x9;
	_ =	strace $0x8000004E  }
0xc2: {  	_ =	swait.ge [sflag:s29], $0x1  }
0xc3: {  	[sflag:s29] =	ssyncadd.s32 $0xFFFFFFFF  }
0xc4: {  	_ =	strace $0x9000004E  }
0xc5: {  	_ =	sfence  }
0xc6: {  	s30 =	sld [smem:$0x0];
	_ =	sdelay $0x2  }
0xc7: {  	s31 =	sshll.u32 s1, $0xD;
	s1 =	sshrl.u32 s1, $0x2  }
0xc8: {  	s4 =	sand.u32 $0x4000, s31;
	s1 =	sadd.s32 s1, s30  }
0xc9: {  	s0 =	sor.u32 s4, s0;
	s1 =	sshll.u32 s1, $0x11  }
0xca: {  	s0 =	sor.u32 s1, s0  }
0xcb: {  	s0 =	sadd.s32 $0x8F2B, s0  }
0xcc: {  	[sflag:s0] =	ssyncadd.remote.s32 $0x1  }
0xcd: {  	_ =	sfence.sel $0xFFFF  }
0xce: {  	[dreg:$0x0] =	wrdreg $0xFFFFFFFF;
	(pc) =	sbr.abs _section_cstart, $3  }
0xcf: {  	[dreg:$0x1] =	wrdreg $0xFFFFFFFF  }
0xd0: {  	_ =	task.clear_ibuf [dreg:s22], $0x2FFFF;
	_ =	strace $0x9FFFFFFF  }
0xd1: {  	(tm) =	ssettm $0x7FFFFFFF  }
tec
execute0_lowered:
.L_overlay_start_1:
0x0: {  	(tag) =	ssettag $0x1  }
0x1: {  	s5 =	rddreg [dreg:$0x0]  }
0x2: {  	s0 =	srdreg.scid;
	s2 =	rddreg [dreg:$0x1]  }
0x3: {  	s21 =	stileid.u32;
	s3 =	simm.s32 $0x0;
	s17 =	simm.s32 $0x1C000  }
0x4: {  	s18 =	simm.s32 $0x1C100;
	s19 =	simm.s32 $0x1C180;
	s20 =	simm.s32 $0x1  }
0x5: {  	s28 =	simm.s32 $0x0;
	s7 =	sand.u32 $0x1, s0;
	s8 =	smul.u32 $0x14000, s21  }
0x6: {  	[smem:$0x7FF] =	sst s3;
	s4 =	sadd.s32 $0x69600, s5;
	s9 =	smul.u32 $0x50000, s21  }
0x7: {  	s22 =	sshll.u32 s21, $0x1;
	s14 =	sadd.s32 $0xF800, s5;
	s12 =	smul.u32 $0x4E20, s21  }
0x8: {  	s21 =	simm.s32 $0x80;
	s6 =	smul.u32 $0x140000, s7;
	_ =	strace $0x8000004D  }
0x9: {  	s23 =	sor.u32 s7, s22;
	s24 =	ssub.s32 $0x2, s7;
	s29 =	smul.u32 $0x2710, s7  }
0xa: {  	s22 =	simm.s32 $0x1C080;
	s25 =	sshrl.u32 s9, $0x2;
	s26 =	smul.u32 $0x2710, s23  }
0xb: {  	s10 =	sshrl.u32 s24, $0x1;
	s23 =	simm.s32 $0x18000;
	s6 =	sadd.s32 s8, s6  }
0xc: {  	s13 =	ssub.s32 s24, s10;
	s16 =	sadd.s32 s29, s12;
	s24 =	simm.s32 $0x2  }
0xd: {  	s6 =	sshrl.u32 s6, $0x3;
	s15 =	sshrl.u32 s26, $0x3;
	s30 =	sadd.s32 $0x80, s16  }
0xe: {  	s12 =	smax.u32 s13, $0x1;
	s31 =	sshrl.u32 s16, $0x3;
	s16 =	simm.s32 $0x4  }
0xf: {  	s26 =	simm.s32 $0x10;
	s11 =	sadd.s32 s6, s5;
	s5 =	sadd.s32 s25, s2  }
0x10: {  	s15 =	sadd.s32 s14, s15;
	s13 =	sadd.s32 s31, s14;
	s25 =	simm.s32 $0x3  }
0x11: {  	s6 =	sadd.s32 $0x4000, s5;
	s7 =	sadd.s32 $0x8000, s5;
	s8 =	sadd.s32 $0xC000, s5  }
0x12: {  	s9 =	sadd.s32 $0x10000, s5;
	s10 =	sadd.s32 $0x4E0, s15;
	s15 =	sshrl.u32 s30, $0x3  }
0x13: {  	v0 =	vimm.f32 $0.0e+00;
	s11 =	sadd.s32 $0xE0800, s11;
	s14 =	sadd.s32 s15, s14;
	s15 =	simm.s32 $0x14000  }
.LBB2_1:
0x14: {  	s29 =	simm.s32 $0x0;
	s30 =	simm.s32 $0x200  }
.LBB2_2:
0x15: {  	p0 =	sne.s32 s30, $0xFE00;
	[tilespmem:s29+$0x14070] =	vst v0  }
0x16: {  	[tilespmem:s29+$0x14000] =	vst v0  }
0x17: {  	[tilespmem:s29+$0x14010] =	vst v0  }
.Ltmp0:
0x18: {  	[tilespmem:s29+$0x14020] =	vst v0;
	(pc) =	sbr.rel @p0 .LBB2_2-.Ltmp0, $4  }
0x19: {  	[tilespmem:s29+$0x14030] =	vst v0  }
0x1a: {  	[tilespmem:s29+$0x14040] =	vst v0  }
0x1b: {  	[tilespmem:s29+$0x14050] =	vst v0  }
0x1c: {  	[tilespmem:s29+$0x14060] =	vst v0;
	s29 =	sshra.s32 s30, $0x2;
	s30 =	sadd.s32 $0x200, s30  }
0x1d: {  	[tilespmem:s29+$0x14070] =	vst v0  }
0x1e: {  	[tilespmem:s29+$0x14000] =	vst v0  }
0x1f: {  	[tilespmem:s29+$0x14010] =	vst v0  }
0x20: {  	[tilespmem:s29+$0x14020] =	vst v0  }
0x21: {  	[tilespmem:s29+$0x14030] =	vst v0  }
0x22: {  	[tilespmem:s29+$0x14040] =	vst v0  }
0x23: {  	[tilespmem:s29+$0x14050] =	vst v0  }
0x24: {  	[tilespmem:s29+$0x14060] =	vst v0  }
0x25: {  	[spmem:s5] =	stream.linear.scatter [tilespmem:s15], [sflag:$0x4], $0x4000, $0x38;
	[tilespmem:$0x1C200] =	vst v63  }
0x26: {  	_ =	swait.ge [sflag:s16], $0x4000  }
0x27: {  	[sflag:s16] =	ssyncset.done $0x0  }
0x28: {  	[sflag:s16] =	ssyncadd.s32 $0xFFFFC000  }
0x29: {  	[spmem:s6] =	stream.linear.scatter [tilespmem:s15], [sflag:$0x4], $0x4000, $0x38;
	[tilespmem:$0x1C200] =	vst v63  }
0x2a: {  	_ =	swait.ge [sflag:s16], $0x4000  }
0x2b: {  	[sflag:s16] =	ssyncset.done $0x0  }
0x2c: {  	[sflag:s16] =	ssyncadd.s32 $0xFFFFC000  }
0x2d: {  	[spmem:s7] =	stream.linear.scatter [tilespmem:s15], [sflag:$0x4], $0x4000, $0x38;
	[tilespmem:$0x1C200] =	vst v63  }
0x2e: {  	_ =	swait.ge [sflag:s16], $0x4000  }
0x2f: {  	[sflag:s16] =	ssyncset.done $0x0  }
0x30: {  	[sflag:s16] =	ssyncadd.s32 $0xFFFFC000  }
0x31: {  	[spmem:s8] =	stream.linear.scatter [tilespmem:s15], [sflag:$0x4], $0x4000, $0x38;
	[tilespmem:$0x1C200] =	vst v63  }
0x32: {  	_ =	swait.ge [sflag:s16], $0x4000  }
0x33: {  	[sflag:s16] =	ssyncset.done $0x0  }
0x34: {  	[sflag:s16] =	ssyncadd.s32 $0xFFFFC000  }
0x35: {  	[spmem:s9] =	stream.linear.scatter [tilespmem:s15], [sflag:$0x4], $0x4000, $0x38;
	[tilespmem:$0x1C200] =	vst v63  }
0x36: {  	_ =	swait.ge [sflag:s16], $0x4000  }
0x37: {  	[sflag:s16] =	ssyncset.done $0x0  }
0x38: {  	[sflag:s16] =	ssyncadd.s32 $0xFFFFC000  }
0x39: {  	s29 =	sadd.s32 $0x0, s13;
	[bflag:$0x0] =	sbarrier.arrive $0xFFFF  }
0x3a: {  	[tilespmem:s17], [sflag:$0x1] =	stream.linear.gather [hbm4b:s29+s3], $0x100, $0x38;
	[tilespmem:$0x1C200] =	vst v63  }
0x3b: {  	_ = 	snop  }
0x3c: {  	[tilespmem:s18], [sflag:$0x1] =	stream.linear.gather [hbm4b:s29+s3], $0x80, $0x38;
	[tilespmem:$0x1C200] =	vst v63  }
0x3d: {  	s29 =	sadd.s32 $0x0, s14  }
0x3e: {  	[tilespmem:s19], [sflag:$0x1] =	stream.linear.gather [hbm4b:s29+s3], $0x80, $0x38;
	[tilespmem:$0x1C200] =	vst v63  }
0x3f: {  	_ =	swait.ge [sflag:s20], $0x100  }
0x40: {  	[sflag:s20] =	ssyncset.done $0x0  }
0x41: {  	[sflag:s20] =	ssyncadd.s32 $0xFFFFFF00  }
0x42: {  	_ =	swait.ge [sflag:s20], $0x80  }
0x43: {  	[sflag:s20] =	ssyncset.done $0x0  }
0x44: {  	[sflag:s20] =	ssyncadd.s32 $0xFFFFFF80  }
0x45: {  	_ =	swait.ge [sflag:s20], $0x80  }
0x46: {  	[sflag:s20] =	ssyncset.done $0x0  }
0x47: {  	[sflag:s20] =	ssyncadd.s32 $0xFFFFFF80  }
0x48: {  	[tilespmem:s15], [sflag:$0x2] =	stream.indirect.gather [hbm4b:s4+s21], $0x80, s17, s21, $0xb8;
	[tilespmem:$0x1C200] =	vst v63  }
0x49: {  	_ = 	snop  }
0x4a: {  	[tilespmem:s23], [sflag:$0x2] =	stream.indirect.gather [hbm4b:s4+s21], $0x80, s22, s21, $0xb8;
	[tilespmem:$0x1C200] =	vst v63  }
0x4b: {  	_ =	swait.ge [sflag:s24], $0x4000  }
0x4c: {  	[sflag:s24] =	ssyncset.done $0x0  }
0x4d: {  	[sflag:s24] =	ssyncadd.s32 $0xFFFFC000  }
0x4e: {  	_ =	swait.ge [sflag:s24], $0x4000  }
0x4f: {  	[sflag:s24] =	ssyncset.done $0x0  }
0x50: {  	[sflag:s24] =	ssyncadd.s32 $0xFFFFC000  }
0x51: {  	[spmem:s2] =	stream.indirect.scatter.add.f32 [tilespmem:s15], [sflag:$0x3], $0x80, s18, s21, $0xb8;
	[tilespmem:$0x1C200] =	vst v63  }
0x52: {  	_ =	swait.ge [sflag:s25], $0x4000  }
0x53: {  	[sflag:s25] =	ssyncset.done $0x0  }
0x54: {  	[sflag:s25] =	ssyncadd.s32 $0xFFFFC000  }
0x55: {  	[spmem:s2] =	stream.indirect.scatter.add.f32 [tilespmem:s23], [sflag:$0x3], $0x80, s19, s21, $0xb8;
	[tilespmem:$0x1C200] =	vst v63  }
0x56: {  	_ =	swait.ge [sflag:s25], $0x4000  }
0x57: {  	s30 =	simm.s32 $0x40;
	s29 =	simm.s32 $0x20;
	[sflag:s25] =	ssyncset.done $0x0  }
.LBB2_4:
0x58: {  	s31 =	sadd.s32 s29, s13  }
0x59: {  	[sflag:s25] =	ssyncadd.s32 $0xFFFFC000;
	s0 =	smov.u32 s30;
	s1 =	sadd.s32 $0x20, s30  }
0x5a: {  	[tilespmem:s17], [sflag:$0x1] =	stream.linear.gather [hbm4b:s31+s3], $0x100, $0x38;
	[tilespmem:$0x1C200] =	vst v63  }
0x5b: {  	p0 =	sne.s32 s30, $0x4C0  }
0x5c: {  	[tilespmem:s18], [sflag:$0x1] =	stream.linear.gather [hbm4b:s31+s3], $0x80, $0x38;
	[tilespmem:$0x1C200] =	vst v63  }
0x5d: {  	s30 =	sadd.s32 s29, s14;
	s29 =	smov.u32 s0  }
0x5e: {  	[tilespmem:s19], [sflag:$0x1] =	stream.linear.gather [hbm4b:s30+s3], $0x80, $0x38;
	[tilespmem:$0x1C200] =	vst v63  }
0x5f: {  	_ =	swait.ge [sflag:s20], $0x100  }
0x60: {  	[sflag:s20] =	ssyncset.done $0x0  }
0x61: {  	[sflag:s20] =	ssyncadd.s32 $0xFFFFFF00  }
0x62: {  	_ =	swait.ge [sflag:s20], $0x80  }
0x63: {  	[sflag:s20] =	ssyncset.done $0x0  }
0x64: {  	[sflag:s20] =	ssyncadd.s32 $0xFFFFFF80  }
0x65: {  	_ =	swait.ge [sflag:s20], $0x80  }
0x66: {  	[sflag:s20] =	ssyncset.done $0x0  }
0x67: {  	[sflag:s20] =	ssyncadd.s32 $0xFFFFFF80  }
0x68: {  	[tilespmem:s15], [sflag:$0x2] =	stream.indirect.gather [hbm4b:s4+s21], $0x80, s17, s21, $0xb8;
	[tilespmem:$0x1C200] =	vst v63  }
0x69: {  	_ = 	snop  }
0x6a: {  	[tilespmem:s23], [sflag:$0x2] =	stream.indirect.gather [hbm4b:s4+s21], $0x80, s22, s21, $0xb8;
	[tilespmem:$0x1C200] =	vst v63  }
0x6b: {  	_ =	swait.ge [sflag:s24], $0x4000  }
0x6c: {  	[sflag:s24] =	ssyncset.done $0x0  }
0x6d: {  	[sflag:s24] =	ssyncadd.s32 $0xFFFFC000  }
0x6e: {  	_ =	swait.ge [sflag:s24], $0x4000  }
0x6f: {  	[sflag:s24] =	ssyncset.done $0x0  }
0x70: {  	[sflag:s24] =	ssyncadd.s32 $0xFFFFC000  }
0x71: {  	[spmem:s2] =	stream.indirect.scatter.add.f32 [tilespmem:s15], [sflag:$0x3], $0x80, s18, s21, $0xb8;
	[tilespmem:$0x1C200] =	vst v63  }
0x72: {  	_ =	swait.ge [sflag:s25], $0x4000  }
.Ltmp1:
0x73: {  	[sflag:s25] =	ssyncset.done $0x0;
	(pc) =	sbr.rel @p0 .LBB2_4-.Ltmp1, $4  }
0x74: {  	[sflag:s25] =	ssyncadd.s32 $0xFFFFC000  }
0x75: {  	[spmem:s2] =	stream.indirect.scatter.add.f32 [tilespmem:s23], [sflag:$0x3], $0x80, s19, s21, $0xb8;
	[tilespmem:$0x1C200] =	vst v63  }
0x76: {  	_ =	swait.ge [sflag:s25], $0x4000  }
0x77: {  	s30 =	smov.u32 s1;
	[sflag:s25] =	ssyncset.done $0x0  }
0x78: {  	s0 =	sadd.s32 s29, s13;
	[sflag:s25] =	ssyncadd.s32 $0xFFFFC000  }
0x79: {  	[tilespmem:s17], [sflag:$0x1] =	stream.linear.gather [hbm4b:s0+s3], $0x100, $0x38;
	[tilespmem:$0x1C200] =	vst v63  }
0x7a: {  	_ = 	snop  }
0x7b: {  	[tilespmem:s18], [sflag:$0x1] =	stream.linear.gather [hbm4b:s0+s3], $0x80, $0x38;
	[tilespmem:$0x1C200] =	vst v63  }
0x7c: {  	s30 =	sadd.s32 s29, s14  }
0x7d: {  	[tilespmem:s19], [sflag:$0x1] =	stream.linear.gather [hbm4b:s30+s3], $0x80, $0x38;
	[tilespmem:$0x1C200] =	vst v63  }
0x7e: {  	_ =	swait.ge [sflag:s20], $0x100  }
0x7f: {  	[sflag:s20] =	ssyncset.done $0x0  }
0x80: {  	[sflag:s20] =	ssyncadd.s32 $0xFFFFFF00  }
0x81: {  	_ =	swait.ge [sflag:s20], $0x80  }
0x82: {  	[sflag:s20] =	ssyncset.done $0x0  }
0x83: {  	[sflag:s20] =	ssyncadd.s32 $0xFFFFFF80  }
0x84: {  	_ =	swait.ge [sflag:s20], $0x80  }
0x85: {  	[sflag:s20] =	ssyncset.done $0x0  }
0x86: {  	[sflag:s20] =	ssyncadd.s32 $0xFFFFFF80  }
0x87: {  	[tilespmem:s15], [sflag:$0x2] =	stream.indirect.gather [hbm4b:s4+s21], $0x80, s17, s21, $0xb8;
	[tilespmem:$0x1C200] =	vst v63  }
0x88: {  	_ = 	snop  }
0x89: {  	[tilespmem:s23], [sflag:$0x2] =	stream.indirect.gather [hbm4b:s4+s21], $0x80, s22, s21, $0xb8;
	[tilespmem:$0x1C200] =	vst v63  }
0x8a: {  	_ =	swait.ge [sflag:s24], $0x4000  }
0x8b: {  	[sflag:s24] =	ssyncset.done $0x0  }
0x8c: {  	[sflag:s24] =	ssyncadd.s32 $0xFFFFC000  }
0x8d: {  	_ =	swait.ge [sflag:s24], $0x4000  }
0x8e: {  	[sflag:s24] =	ssyncset.done $0x0  }
0x8f: {  	[sflag:s24] =	ssyncadd.s32 $0xFFFFC000  }
0x90: {  	[spmem:s2] =	stream.indirect.scatter.add.f32 [tilespmem:s15], [sflag:$0x3], $0x80, s18, s21, $0xb8;
	[tilespmem:$0x1C200] =	vst v63  }
0x91: {  	_ =	swait.ge [sflag:s25], $0x4000  }
0x92: {  	[sflag:s25] =	ssyncset.done $0x0  }
0x93: {  	[sflag:s25] =	ssyncadd.s32 $0xFFFFC000  }
0x94: {  	[spmem:s2] =	stream.indirect.scatter.add.f32 [tilespmem:s23], [sflag:$0x3], $0x80, s19, s21, $0xb8;
	[tilespmem:$0x1C200] =	vst v63  }
0x95: {  	_ =	swait.ge [sflag:s25], $0x4000  }
0x96: {  	[sflag:s25] =	ssyncset.done $0x0  }
0x97: {  	[sflag:s25] =	ssyncadd.s32 $0xFFFFC000  }
0x98: {  	[tilespmem:s17], [sflag:$0x4] =	stream.linear.gather [hbm4b:s10+s3], $0x10, $0x38;
	[tilespmem:$0x1C200] =	vst v63  }
0x99: {  	_ =	swait.ge [sflag:s16], $0x10  }
0x9a: {  	[sflag:s16] =	ssyncset.done $0x0  }
0x9b: {  	[sflag:s16] =	ssyncadd.s32 $0xFFFFFFF0  }
0x9c: {  	[tilespmem:s18], [sflag:$0x4] =	stream.linear.gather [hbm4b:s10+s3], $0x10, $0x38;
	[tilespmem:$0x1C200] =	vst v63  }
0x9d: {  	_ =	swait.ge [sflag:s16], $0x10  }
0x9e: {  	[sflag:s16] =	ssyncset.done $0x0  }
0x9f: {  	[sflag:s16] =	ssyncadd.s32 $0xFFFFFFF0  }
0xa0: {  	[tilespmem:s15], [sflag:$0x2] =	stream.indirect.gather [hbm4b:s4+s26], $0x80, s17, s26, $0xb8;
	[tilespmem:$0x1C200] =	vst v63  }
0xa1: {  	_ =	swait.ge [sflag:s24], $0x800  }
0xa2: {  	[sflag:s24] =	ssyncset.done $0x0  }
0xa3: {  	[sflag:s24] =	ssyncadd.s32 $0xFFFFF800  }
0xa4: {  	[spmem:s2] =	stream.indirect.scatter.add.f32 [tilespmem:s15], [sflag:$0x3], $0x80, s18, s26, $0xb8;
	[tilespmem:$0x1C200] =	vst v63  }
0xa5: {  	s31 =	stileid.u32;
	_ =	swait.ge [sflag:s25], $0x800  }
0xa6: {  	s1 =	sshrl.u32 s5, $0x3;
	s28 =	sadd.s32 $0x1, s28;
	[sflag:s25] =	ssyncset.done $0x0  }
0xa7: {  	p0 =	sne.s32 s28, s12;
	s0 =	sshll.u32 s31, $0x6;
	[sflag:s25] =	ssyncadd.s32 $0xFFFFF800  }
.Ltmp2:
0xa8: {  	s0 =	sor.u32 $0x1C04, s0;
	[bflag:$0x0] =	sbarrier.arrive $0xFFFF;
	(pc) =	sbr.rel @p0 .LBB2_1-.Ltmp2, $4  }
0xa9: {  	[hbm:s11], [sflag:s0] =	dma.local [spmem:s1], $0x2800  }
0xaa: {  	_ =	swait.ge [sflag:s16], $0x2800  }
0xab: {  	[sflag:s16] =	ssyncset.done $0x0  }
0xac: {  	[sflag:s16] =	ssyncadd.s32 $0xFFFFD800  }
0xad: {  	_ =	sfence.sel $0x180000  }
0xae: {  	[bflag:$0x0] =	sbarrier.arrive $0xFFFF  }
0xaf: {  	_ =	strace $0x9000004D  }
0xb0: {  	s0 =	stileid.u32;
	[bflag:$0x2] =	sbarrier.arrive $0xFFFF  }
0xb1: {  	p0 =	sne.s32 s0, $0x0;
	s0 =	rddreg [dreg:$0x2]  }
0xb2: {  	s0 =	sadd.s32 @!p0 $0x100000, s0  }
0xb3: {  	[sflag:s0] =	ssyncadd.tile.s32 @!p0 $0x1;
	_ =	shalt  }
.Lfunc_end2:
_tile_overlayer_lowered:
.L_overlay_start_2:
0xb4: {  	(tag) =	ssettag $0x2  }
0xb5: {  	s0 =	rddreg [dreg:$0x0];
	s2 =	stileid.u32  }
0xb6: {  	s1 =	rddreg [dreg:$0x1];
	p0 =	sne.s32 s2, $0x0  }
0xb7: {  	s3 =	rddreg [dreg:$0x2];
	[bflag:$0x3] =	sbarrier.arrive $0xFFFF;
	s2 =	simm.s32 @!p0 $0x1C04  }
0xb8: {  	[timem:s3], [sflag:s2] =	dma.local @!p0 [hbm:s0], s1  }
0xb9: {  	s0 =	simm.s32 @!p0 $0x4  }
0xba: {  	_ =	swait.ge @!p0 [sflag:s0], s1  }
0xbb: {  	s1 =	ssub.s32 @!p0 $0x0, s1;
	[sflag:s0] =	ssyncset.done @!p0 $0x0  }
0xbc: {  	[sflag:s0] =	ssyncadd.s32 @!p0 s1  }
0xbd: {  	[bflag:$0x3] =	sbarrier.arrive $0xFFFF  }
0xbe: {  	_ =	shalt  }

// kernel: kernel.28.cloned.1.call-start
scs
__scs_entry_jumppad:
0x0: {  	(pc) =	sbr.rel $0x88, $3  }
0x1: {  	(tag) =	ssettag $0x0;
	lr =	simm.s32 $0x1  }
0x2: {  	[smem:$0x3F8D] =	sst lr;
	_ =	strace $0xD0000000  }
0x3: {  	_ = 	snop  }
0x4: {  	_ = 	snop  }
0x5: {  	_ = 	snop  }
0x6: {  	_ = 	snop  }
0x7: {  	_ = 	snop  }
__scs_overlays_trampoline_lowered:
0x8: {  	[smem:$0x3F9C] =	sst s0  }
0x9: {  	[smem:$0x3F9D] =	sst s1  }
0xa: {  	[smem:$0x3F9E] =	sst s2  }
0xb: {  	[smem:$0x3F9F] =	sst s3  }
0xc: {  	[smem:$0x3FA0] =	sst s4  }
0xd: {  	[smem:$0x3FA1] =	sst s5  }
0xe: {  	[smem:$0x3FA2] =	sst s6  }
0xf: {  	[smem:$0x3FA3] =	sst s7  }
0x10: {  	[smem:$0x3FA4] =	sst s8  }
0x11: {  	[smem:$0x3FA5] =	sst s9;
	s0 =	simm.s32 @!p0 $0x0  }
0x12: {  	s1 =	sld [smem:$0x3F8B];
	s0 =	simm.s32 @p0 $0x1  }
0x13: {  	[smem:$0x3FA6] =	sst s0;
	s0 =	simm.s32 @!p1 $0x0  }
0x14: {  	s2 =	sld [smem:$0x3F8A];
	s0 =	simm.s32 @p1 $0x1  }
0x15: {  	[smem:$0x3FA7] =	sst s0;
	s0 =	simm.s32 @!p2 $0x0  }
0x16: {  	s3 =	sld [smem:$0x3FDB];
	s0 =	simm.s32 @p2 $0x1  }
0x17: {  	s4 =	simm.s32 $0x1BF5;
	[smem:$0x3FA9] =	sst s0  }
0x18: {  	s0 =	sld [smem:$0x3F8C];
	_ =	swait.ge [sflag:s4], $0x0  }
0x19: {  	s7 =	sld [smem:$0x3F8D]  }
0x1a: {  	s8 =	sadd.s32 $0xFFFFE003, lr  }
0x1b: {  	s9 =	sadd.s32 $0xFFFFFEF7, lr;
	s5 =	simm.s32 $0xFFFFFFFF;
	p2 =	slt.u32 s8, $0xFFFFF086  }
0x1c: {  	p1 =	slt.u32 s9, $0xF7A;
	s5 =	simm.s32 @!p2 $0x0  }
0x1d: {  	s5 =	simm.s32 @p1 $0x1;
	p0 =	seq.s32 s7, s2  }
0x1e: {  	s7 =	smul.u32 @!p0 $0xF7A, s2;
	p2 =	seq.s32 @!p0 s5, $0x0  }
0x1f: {  	s9 =	smul.u32 $0xF7A, s1;
	s8 =	simm.s32 @!p0 $0x1BF5;
	p2 =	por !p2, p0  }
0x20: {  	[sflag:s8] =	ssyncset.s32 @!p0 $0xFFFFF086;
	s6 =	sadd.s32 @!p0 s3, s7;
	s7 =	simm.s32 @!p0 $0x108  }
0x21: {  	s3 =	sadd.s32 s3, s9;
	s6 =	sadd.s32 @!p0 $0x88, s6;
	s7 =	simm.s32 @p2 $0x1082  }
0x22: {  	[simem:s7], [sflag:s8] =	dma.local @!p0 [hbm:s6], $0xF7A  }
0x23: {  	s9 =	sor.u32 $0xD0000000, s2;
	s6 =	simm.s32 $0x108;
	_ =	swait.ge @!p0 [sflag:s8], $0x0  }
0x24: {  	s3 =	sadd.s32 $0x88, s3;
	s6 =	simm.s32 @!p1 $0x1082;
	[sflag:s4] =	ssyncset.s32 $0xFFFFF086  }
0x25: {  	[simem:s6], [sflag:s4] =	dma.local [hbm:s3], $0xF7A  }
0x26: {  	[smem:$0x3F8D] =	sst s1;
	(tag) =	ssettag s2;
	_ =	strace s9  }
0x27: {  	s1 =	sld [smem:$0x3F9D]  }
0x28: {  	s2 =	sld [smem:$0x3F9E]  }
0x29: {  	s4 =	sld [smem:$0x3FA0]  }
0x2a: {  	p0 =	seq.s32 s5, $0x0;
	s5 =	sld [smem:$0x3FA1]  }
0x2b: {  	s6 =	sld [smem:$0x3FA2]  }
0x2c: {  	s7 =	sld [smem:$0x3FA3]  }
0x2d: {  	s3 =	simm.s32 $0x108;
	s8 =	sld [smem:$0x3FA4]  }
0x2e: {  	s3 =	simm.s32 @!p0 $0x1082;
	s9 =	sld [smem:$0x3FA5]  }
0x2f: {  	lr =	sadd.s32 s0, s3;
	s0 =	sld [smem:$0x3F9C]  }
0x30: {  	s3 =	sld [smem:$0x3F9F]  }
0x31: {  	[smem:$0x3FA8] =	sst s10  }
0x32: {  	s10 =	sld [smem:$0x3FA6];
	_ =	sdelay $0x3  }
0x33: {  	p0 =	seq.s32 s10, $0x1;
	s10 =	sld [smem:$0x3FA8];
	_ =	sdelay $0x3  }
0x34: {  	[smem:$0x3FA8] =	sst s10  }
0x35: {  	s10 =	sld [smem:$0x3FA7];
	_ =	sdelay $0x3  }
0x36: {  	p1 =	seq.s32 s10, $0x1;
	s10 =	sld [smem:$0x3FA8];
	_ =	sdelay $0x3  }
0x37: {  	[smem:$0x3FA8] =	sst s10  }
0x38: {  	s10 =	sld [smem:$0x3FA9]  }
0x39: {  	_ = 	snop;
	(pc) =	sbr.ind lr, $3  }
0x3a: {  	_ = 	snop  }
0x3b: {  	_ = 	snop  }
0x3c: {  	p2 =	seq.s32 s10, $0x1;
	s10 =	sld [smem:$0x3FA8]  }
0x3d: {  	_ =	shalt  }
0x3e: {  	_ =	shalt  }
0x3f: {  	_ =	shalt  }
0x40: {  	_ =	shalt  }
0x41: {  	_ =	shalt  }
0x42: {  	_ =	shalt  }
0x43: {  	_ =	shalt  }
0x44: {  	_ =	shalt  }
0x45: {  	_ =	shalt  }
0x46: {  	_ =	shalt  }
0x47: {  	_ =	shalt  }
0x48: {  	_ =	shalt  }
0x49: {  	_ =	shalt  }
0x4a: {  	_ =	shalt  }
0x4b: {  	_ =	shalt  }
0x4c: {  	_ =	shalt  }
0x4d: {  	_ =	shalt  }
0x4e: {  	_ =	shalt  }
0x4f: {  	_ =	shalt  }
0x50: {  	_ =	shalt  }
0x51: {  	_ =	shalt  }
0x52: {  	_ =	shalt  }
0x53: {  	_ =	shalt  }
0x54: {  	_ =	shalt  }
0x55: {  	_ =	shalt  }
0x56: {  	_ =	shalt  }
0x57: {  	_ =	shalt  }
0x58: {  	_ =	shalt  }
0x59: {  	_ =	shalt  }
0x5a: {  	_ =	shalt  }
0x5b: {  	_ =	shalt  }
0x5c: {  	_ =	shalt  }
0x5d: {  	_ =	shalt  }
0x5e: {  	_ =	shalt  }
0x5f: {  	_ =	shalt  }
0x60: {  	_ =	shalt  }
0x61: {  	_ =	shalt  }
0x62: {  	_ =	shalt  }
0x63: {  	_ =	shalt  }
0x64: {  	_ =	shalt  }
0x65: {  	_ =	shalt  }
0x66: {  	_ =	shalt  }
0x67: {  	_ =	shalt  }
0x68: {  	_ =	shalt  }
0x69: {  	_ =	shalt  }
0x6a: {  	_ =	shalt  }
0x6b: {  	_ =	shalt  }
0x6c: {  	_ =	shalt  }
0x6d: {  	_ =	shalt  }
0x6e: {  	_ =	shalt  }
0x6f: {  	_ =	shalt  }
0x70: {  	_ =	shalt  }
0x71: {  	_ =	shalt  }
0x72: {  	_ =	shalt  }
0x73: {  	_ =	shalt  }
0x74: {  	_ =	shalt  }
0x75: {  	_ =	shalt  }
0x76: {  	_ =	shalt  }
0x77: {  	_ =	shalt  }
0x78: {  	_ =	shalt  }
0x79: {  	_ =	shalt  }
0x7a: {  	_ =	shalt  }
0x7b: {  	_ =	shalt  }
0x7c: {  	_ =	shalt  }
0x7d: {  	_ =	shalt  }
0x7e: {  	_ =	shalt  }
0x7f: {  	_ =	shalt  }
0x80: {  	_ =	shalt  }
0x81: {  	_ =	shalt  }
0x82: {  	_ =	shalt  }
0x83: {  	_ =	shalt  }
0x84: {  	_ =	shalt  }
0x85: {  	_ =	shalt  }
0x86: {  	_ =	shalt  }
0x87: {  	_ =	shalt  }
.Lfunc_end0:
.L_simem_size_0:
called_computation.4_lowered:
.L_overlay_start_0:
0x88: {  	s2 =	sld [smem:$0x3FD9]  }
0x89: {  	s3 =	sld [smem:$0x3FFE];
	_ =	sdelay $0x1  }
0x8a: {  	s1 =	srdreg.scid  }
0x8b: {  	s0 =	sand.u32 $0x1, s1  }
0x8c: {  	s14 =	sshll.u32 s0, $0xA;
	s2 =	sadd.s32 s3, s2  }
0x8d: {  	s2 =	sadd.s32 s2, s14  }
0x8e: {  	[smem:$0x3FB4] =	sst s2  }
0x8f: {  	_ = 	snop  }
0x90: {  	s2 =	sld [smem:$0x3FD0];
	_ =	sdelay $0x2  }
0x91: {  	s15 =	simm.s32 $0xC;
	s4 =	simm.s32 $0x10  }
0x92: {  	[smem:s4], [sflag:s15] =	dma.local [hbm:s2], $0x1  }
0x93: {  	_ =	swait.eq [sflag:s15], $0x1  }
0x94: {  	[sflag:s15] =	ssyncset.done $0x0  }
0x95: {  	[sflag:s15] =	ssyncadd.s32 $0xFFFFFFFF  }
0x96: {  	s16 =	sld [smem:$0x10];
	(tm) =	ssettm $0x1  }
0x97: {  	s17 =	sld [smem:$0x3FFB];
	_ =	sdelay $0x3  }
0x98: {  	_ =	strace s17  }
0x99: {  	s3 =	sld [smem:$0x3FFC];
	_ =	sdelay $0x3  }
0x9a: {  	_ =	strace s3  }
0x9b: {  	s3 =	sld [smem:$0x3FFD];
	_ =	sdelay $0x3  }
0x9c: {  	_ =	strace s3  }
0x9d: {  	_ =	strace $0x8FFFFFFF  }
0x9e: {  	s18 =	sld [smem:$0x3FDB];
	_ =	sdelay $0x1  }
0x9f: {  	s19 =	simm.s32 $_scs_section_size  }
0xa0: {  	s5 =	simm.s32 $_size__tile_overlayer_lowered;
	s6 =	simm.s32 $_tile_overlayer_lowered  }
0xa1: {  	s22 =	simm.s32 $0x1BFF;
	s21 =	sshll.u32 s6, $0x1;
	s3 =	sadd.s32 s19, s18  }
0xa2: {  	s7 =	simm.s32 $0x0;
	s20 =	sshll.u32 s5, $0x1;
	s5 =	sadd.s32 s21, s3  }
0xa3: {  	[timem:s7], [sflag:s22] =	dma.local [hbm:s5], s20  }
0xa4: {  	_ =	swait.ge [sflag:s22], s20  }
0xa5: {  	s4 =	ssub.s32 $0x0, s20;
	[sflag:s22] =	ssyncset.done $0x0  }
0xa6: {  	[sflag:s22] =	ssyncadd.s32 s4;
	_ =	sdelay $0x1  }
0xa7: {  	s23 =	simm.s32 $0x1B8B  }
0xa8: {  	_ =	swait.ge [sflag:s23], $0x1  }
0xa9: {  	[sflag:s23] =	ssyncset.done $0x0  }
0xaa: {  	s25 =	simm.s32 $0x1B8E;
	s24 =	sld [smem:$0x3FFE];
	[sflag:s23] =	ssyncadd.s32 $0xFFFFFFFF  }
0xab: {  	s26 =	simm.s32 $execute0_lowered;
	[smem:$0x3FD2] =	sst s25  }
0xac: {  	s5 =	sshll.u32 s26, $0x1;
	_ =	strace $0x80000052;
	[dreg:$0x1] =	wrdreg $0xFFFFFFFF  }
0xad: {  	s28 =	simm.s32 $_size_execute0_lowered;
	s3 =	sadd.s32 s3, s5;
	[dreg:$0x0] =	wrdreg $0x0  }
0xae: {  	s5 =	sshll.u32 s28, $0x1;
	[dreg:$0x2] =	wrdreg s3  }
0xaf: {  	[dreg:$0x3] =	wrdreg s5  }
0xb0: {  	[dreg:$0x4] =	wrdreg $0xC0  }
0xb1: {  	_ =	task [dreg:s7], $0x5FFFF  }
0xb2: {  	[dreg:$0x1] =	wrdreg $0xFFFFFFFF  }
0xb3: {  	[dreg:$0x0] =	wrdreg $0x60  }
0xb4: {  	[dreg:$0x2] =	wrdreg s16  }
0xb5: {  	[dreg:$0x3] =	wrdreg s24  }
0xb6: {  	[dreg:$0x4] =	wrdreg $0x0  }
0xb7: {  	[dreg:$0x5] =	wrdreg $0x9  }
0xb8: {  	_ =	task.clear_ibuf [dreg:s7], $0x6FFFF;
	_ =	strace $0x90000052  }
0xb9: {  	s29 =	simm.s32 $0x9;
	_ =	strace $0x80000054  }
0xba: {  	_ =	swait.ge [sflag:s29], $0x1  }
0xbb: {  	[sflag:s29] =	ssyncadd.s32 $0xFFFFFFFF  }
0xbc: {  	_ =	strace $0x90000054  }
0xbd: {  	_ =	sfence  }
0xbe: {  	s30 =	sld [smem:$0x0];
	_ =	sdelay $0x2  }
0xbf: {  	s31 =	sshll.u32 s1, $0xD;
	s1 =	sshrl.u32 s1, $0x2  }
0xc0: {  	s3 =	sand.u32 $0x4000, s31;
	s1 =	sadd.s32 s1, s30  }
0xc1: {  	s0 =	sor.u32 s3, s0;
	s1 =	sshll.u32 s1, $0x11  }
0xc2: {  	s0 =	sor.u32 s1, s0  }
0xc3: {  	s0 =	sadd.s32 $0x8F2B, s0  }
0xc4: {  	[sflag:s0] =	ssyncadd.remote.s32 $0x1  }
0xc5: {  	_ =	sfence.sel $0xFFFF  }
0xc6: {  	[dreg:$0x0] =	wrdreg $0xFFFFFFFF;
	(pc) =	sbr.abs _section_cstart, $3  }
0xc7: {  	[dreg:$0x1] =	wrdreg $0xFFFFFFFF  }
0xc8: {  	_ =	task.clear_ibuf [dreg:s7], $0x2FFFF;
	_ =	strace $0x9FFFFFFF  }
0xc9: {  	(tm) =	ssettm $0x7FFFFFFF  }
tec
execute0_lowered:
.L_overlay_start_1:
0x0: {  	(tag) =	ssettag $0x1  }
0x1: {  	s0 =	rddreg [dreg:$0x0]  }
0x2: {  	s1 =	rddreg [dreg:$0x1];
	s2 =	srdreg.scid  }
0x3: {  	s3 =	rddreg [dreg:$0x2];
	s20 =	stileid.u32  }
0x4: {  	s4 =	simm.s32 $0x0;
	s18 =	simm.s32 $0x4;
	s19 =	simm.s32 $0x1C000  }
0x5: {  	s28 =	simm.s32 $0x3;
	s29 =	simm.s32 $0x10;
	s30 =	simm.s32 $0x0  }
0x6: {  	s8 =	sand.u32 $0x1, s2;
	s6 =	smul.u32 $0x14000, s20;
	[smem:$0x7FF] =	sst s4  }
0x7: {  	s15 =	sadd.s32 $0xF800, s1;
	s21 =	smul.u32 $0x50000, s20;
	s16 =	sadd.s32 $0x5A00, s1  }
0x8: {  	s22 =	sshll.u32 s20, $0x1;
	s12 =	smul.u32 $0x4E20, s20;
	s20 =	simm.s32 $0x1C100  }
0x9: {  	s5 =	smul.u32 $0x140000, s8;
	_ =	strace $0x80000053;
	s7 =	ssub.s32 $0x2, s8  }
0xa: {  	s9 =	sor.u32 s8, s22;
	s14 =	smul.u32 $0x2710, s8;
	s22 =	simm.s32 $0x1  }
0xb: {  	s23 =	sshrl.u32 s21, $0x2;
	s24 =	sshrl.u32 s7, $0x1;
	s9 =	smul.u32 $0x2710, s9  }
0xc: {  	s21 =	simm.s32 $0x1C180;
	s5 =	sadd.s32 s6, s5;
	s13 =	ssub.s32 s7, s24  }
0xd: {  	s14 =	sadd.s32 s14, s12;
	s24 =	simm.s32 $0x1C080;
	s5 =	sshrl.u32 s5, $0x3  }
0xe: {  	s10 =	sshrl.u32 s9, $0x3;
	s31 =	sshrl.u32 s14, $0x3;
	s17 =	sadd.s32 $0x80, s14  }
0xf: {  	s13 =	smax.u32 s13, $0x1;
	s1 =	sadd.s32 s5, s1;
	s5 =	sadd.s32 s23, s3  }
0x10: {  	s11 =	sadd.s32 $0x4E0, s10;
	s14 =	sadd.s32 s31, s16;
	s17 =	sshrl.u32 s17, $0x3  }
0x11: {  	s23 =	simm.s32 $0x80;
	s25 =	sadd.s32 $0x4000, s5;
	s26 =	sadd.s32 $0x8000, s5  }
0x12: {  	s8 =	sadd.s32 $0xC000, s5;
	s9 =	sadd.s32 $0x10000, s5;
	s10 =	sadd.s32 s15, s11  }
0x13: {  	s11 =	sadd.s32 s16, s11;
	s12 =	sadd.s32 $0x19600, s1;
	s15 =	sadd.s32 s31, s15  }
0x14: {  	s16 =	sadd.s32 s17, s16;
	s17 =	simm.s32 $0x14000;
	[dreg:$0x4] =	wrdreg s25  }
0x15: {  	v0 =	vimm.f32 $0.0e+00;
	[dreg:$0x5] =	wrdreg s26;
	s25 =	simm.s32 $0x18000;
	s26 =	simm.s32 $0x2  }
.LBB2_1:
0x16: {  	s31 =	simm.s32 $0x0;
	s1 =	simm.s32 $0x200  }
.LBB2_2:
0x17: {  	p0 =	sne.s32 s1, $0xFE00;
	[tilespmem:s31+$0x14070] =	vst v0  }
0x18: {  	[tilespmem:s31+$0x14000] =	vst v0  }
0x19: {  	[tilespmem:s31+$0x14010] =	vst v0  }
.Ltmp0:
0x1a: {  	[tilespmem:s31+$0x14020] =	vst v0;
	(pc) =	sbr.rel @p0 .LBB2_2-.Ltmp0, $4  }
0x1b: {  	[tilespmem:s31+$0x14030] =	vst v0  }
0x1c: {  	[tilespmem:s31+$0x14040] =	vst v0  }
0x1d: {  	[tilespmem:s31+$0x14050] =	vst v0  }
0x1e: {  	[tilespmem:s31+$0x14060] =	vst v0;
	s31 =	sshra.s32 s1, $0x2;
	s1 =	sadd.s32 $0x200, s1  }
0x1f: {  	[tilespmem:s31+$0x14070] =	vst v0  }
0x20: {  	[tilespmem:s31+$0x14000] =	vst v0  }
0x21: {  	[tilespmem:s31+$0x14010] =	vst v0  }
0x22: {  	[tilespmem:s31+$0x14020] =	vst v0  }
0x23: {  	[tilespmem:s31+$0x14030] =	vst v0  }
0x24: {  	[tilespmem:s31+$0x14040] =	vst v0  }
0x25: {  	[tilespmem:s31+$0x14050] =	vst v0  }
0x26: {  	[tilespmem:s31+$0x14060] =	vst v0  }
0x27: {  	[spmem:s5] =	stream.linear.scatter [tilespmem:s17], [sflag:$0x4], $0x4000, $0x38;
	[tilespmem:$0x1C200] =	vst v63  }
0x28: {  	_ =	swait.ge [sflag:s18], $0x4000  }
0x29: {  	[sflag:s18] =	ssyncset.done $0x0  }
0x2a: {  	s1 =	rddreg [dreg:$0x4];
	[sflag:s18] =	ssyncadd.s32 $0xFFFFC000  }
0x2b: {  	[spmem:s1] =	stream.linear.scatter [tilespmem:s17], [sflag:$0x4], $0x4000, $0x38;
	[tilespmem:$0x1C200] =	vst v63  }
0x2c: {  	_ =	swait.ge [sflag:s18], $0x4000  }
0x2d: {  	[sflag:s18] =	ssyncset.done $0x0  }
0x2e: {  	s7 =	rddreg [dreg:$0x5];
	[sflag:s18] =	ssyncadd.s32 $0xFFFFC000  }
0x2f: {  	[spmem:s7] =	stream.linear.scatter [tilespmem:s17], [sflag:$0x4], $0x4000, $0x38;
	[tilespmem:$0x1C200] =	vst v63  }
0x30: {  	_ =	swait.ge [sflag:s18], $0x4000  }
0x31: {  	[sflag:s18] =	ssyncset.done $0x0  }
0x32: {  	[sflag:s18] =	ssyncadd.s32 $0xFFFFC000  }
0x33: {  	[spmem:s8] =	stream.linear.scatter [tilespmem:s17], [sflag:$0x4], $0x4000, $0x38;
	[tilespmem:$0x1C200] =	vst v63  }
0x34: {  	_ =	swait.ge [sflag:s18], $0x4000  }
0x35: {  	[sflag:s18] =	ssyncset.done $0x0  }
0x36: {  	[sflag:s18] =	ssyncadd.s32 $0xFFFFC000  }
0x37: {  	[spmem:s9] =	stream.linear.scatter [tilespmem:s17], [sflag:$0x4], $0x4000, $0x38;
	[tilespmem:$0x1C200] =	vst v63  }
0x38: {  	_ =	swait.ge [sflag:s18], $0x4000  }
0x39: {  	[sflag:s18] =	ssyncset.done $0x0  }
0x3a: {  	[sflag:s18] =	ssyncadd.s32 $0xFFFFC000  }
0x3b: {  	s2 =	sadd.s32 $0x0, s15;
	[bflag:$0x0] =	sbarrier.arrive $0xFFFF  }
0x3c: {  	[tilespmem:s19], [sflag:$0x1] =	stream.linear.gather [hbm4b:s2+s4], $0x100, $0x38;
	[tilespmem:$0x1C200] =	vst v63  }
0x3d: {  	s6 =	sadd.s32 $0x0, s14  }
0x3e: {  	[tilespmem:s20], [sflag:$0x1] =	stream.linear.gather [hbm4b:s6+s4], $0x80, $0x38;
	[tilespmem:$0x1C200] =	vst v63  }
0x3f: {  	s7 =	sadd.s32 $0x0, s16  }
0x40: {  	[tilespmem:s21], [sflag:$0x1] =	stream.linear.gather [hbm4b:s7+s4], $0x80, $0x38;
	[tilespmem:$0x1C200] =	vst v63  }
0x41: {  	_ =	swait.ge [sflag:s22], $0x100  }
0x42: {  	[sflag:s22] =	ssyncset.done $0x0  }
0x43: {  	[sflag:s22] =	ssyncadd.s32 $0xFFFFFF00  }
0x44: {  	_ =	swait.ge [sflag:s22], $0x80  }
0x45: {  	[sflag:s22] =	ssyncset.done $0x0  }
0x46: {  	[sflag:s22] =	ssyncadd.s32 $0xFFFFFF80  }
0x47: {  	_ =	swait.ge [sflag:s22], $0x80  }
0x48: {  	[sflag:s22] =	ssyncset.done $0x0  }
0x49: {  	[sflag:s22] =	ssyncadd.s32 $0xFFFFFF80  }
0x4a: {  	[tilespmem:s17], [sflag:$0x2] =	stream.indirect.gather [hbm4b:s0+s23], $0x80, s19, s23, $0xb8;
	[tilespmem:$0x1C200] =	vst v63  }
0x4b: {  	_ = 	snop  }
0x4c: {  	[tilespmem:s25], [sflag:$0x2] =	stream.indirect.gather [hbm4b:s0+s23], $0x80, s24, s23, $0xb8;
	[tilespmem:$0x1C200] =	vst v63  }
0x4d: {  	_ =	swait.ge [sflag:s26], $0x4000  }
0x4e: {  	[sflag:s26] =	ssyncset.done $0x0  }
0x4f: {  	[sflag:s26] =	ssyncadd.s32 $0xFFFFC000  }
0x50: {  	_ =	swait.ge [sflag:s26], $0x4000  }
0x51: {  	[sflag:s26] =	ssyncset.done $0x0  }
0x52: {  	[sflag:s26] =	ssyncadd.s32 $0xFFFFC000  }
0x53: {  	[spmem:s3] =	stream.indirect.scatter.add.f32 [tilespmem:s17], [sflag:$0x3], $0x80, s20, s23, $0xb8;
	[tilespmem:$0x1C200] =	vst v63  }
0x54: {  	_ =	swait.ge [sflag:s28], $0x4000  }
0x55: {  	[sflag:s28] =	ssyncset.done $0x0  }
0x56: {  	[sflag:s28] =	ssyncadd.s32 $0xFFFFC000  }
0x57: {  	[spmem:s3] =	stream.indirect.scatter.add.f32 [tilespmem:s25], [sflag:$0x3], $0x80, s21, s23, $0xb8;
	[tilespmem:$0x1C200] =	vst v63  }
0x58: {  	_ =	swait.ge [sflag:s28], $0x4000  }
0x59: {  	s31 =	simm.s32 $0x20;
	s1 =	simm.s32 $0x40;
	[sflag:s28] =	ssyncset.done $0x0  }
.LBB2_4:
0x5a: {  	s2 =	sadd.s32 s31, s15  }
0x5b: {  	[sflag:s28] =	ssyncadd.s32 $0xFFFFC000;
	s6 =	smov.u32 s1;
	s7 =	sadd.s32 $0x20, s1  }
0x5c: {  	[tilespmem:s19], [sflag:$0x1] =	stream.linear.gather [hbm4b:s2+s4], $0x100, $0x38;
	[tilespmem:$0x1C200] =	vst v63  }
0x5d: {  	p0 =	sne.s32 s1, $0x4C0;
	s1 =	sadd.s32 s31, s14  }
0x5e: {  	[tilespmem:s20], [sflag:$0x1] =	stream.linear.gather [hbm4b:s1+s4], $0x80, $0x38;
	[tilespmem:$0x1C200] =	vst v63  }
0x5f: {  	s1 =	sadd.s32 s31, s16;
	s31 =	smov.u32 s6  }
0x60: {  	[tilespmem:s21], [sflag:$0x1] =	stream.linear.gather [hbm4b:s1+s4], $0x80, $0x38;
	[tilespmem:$0x1C200] =	vst v63  }
0x61: {  	_ =	swait.ge [sflag:s22], $0x100  }
0x62: {  	[sflag:s22] =	ssyncset.done $0x0  }
0x63: {  	[sflag:s22] =	ssyncadd.s32 $0xFFFFFF00  }
0x64: {  	_ =	swait.ge [sflag:s22], $0x80  }
0x65: {  	[sflag:s22] =	ssyncset.done $0x0  }
0x66: {  	[sflag:s22] =	ssyncadd.s32 $0xFFFFFF80  }
0x67: {  	_ =	swait.ge [sflag:s22], $0x80  }
0x68: {  	[sflag:s22] =	ssyncset.done $0x0  }
0x69: {  	[sflag:s22] =	ssyncadd.s32 $0xFFFFFF80  }
0x6a: {  	[tilespmem:s17], [sflag:$0x2] =	stream.indirect.gather [hbm4b:s0+s23], $0x80, s19, s23, $0xb8;
	[tilespmem:$0x1C200] =	vst v63  }
0x6b: {  	_ = 	snop  }
0x6c: {  	[tilespmem:s25], [sflag:$0x2] =	stream.indirect.gather [hbm4b:s0+s23], $0x80, s24, s23, $0xb8;
	[tilespmem:$0x1C200] =	vst v63  }
0x6d: {  	_ =	swait.ge [sflag:s26], $0x4000  }
0x6e: {  	[sflag:s26] =	ssyncset.done $0x0  }
0x6f: {  	[sflag:s26] =	ssyncadd.s32 $0xFFFFC000  }
0x70: {  	_ =	swait.ge [sflag:s26], $0x4000  }
0x71: {  	[sflag:s26] =	ssyncset.done $0x0  }
0x72: {  	[sflag:s26] =	ssyncadd.s32 $0xFFFFC000  }
0x73: {  	[spmem:s3] =	stream.indirect.scatter.add.f32 [tilespmem:s17], [sflag:$0x3], $0x80, s20, s23, $0xb8;
	[tilespmem:$0x1C200] =	vst v63  }
0x74: {  	_ =	swait.ge [sflag:s28], $0x4000  }
.Ltmp1:
0x75: {  	[sflag:s28] =	ssyncset.done $0x0;
	(pc) =	sbr.rel @p0 .LBB2_4-.Ltmp1, $4  }
0x76: {  	[sflag:s28] =	ssyncadd.s32 $0xFFFFC000  }
0x77: {  	[spmem:s3] =	stream.indirect.scatter.add.f32 [tilespmem:s25], [sflag:$0x3], $0x80, s21, s23, $0xb8;
	[tilespmem:$0x1C200] =	vst v63  }
0x78: {  	_ =	swait.ge [sflag:s28], $0x4000  }
0x79: {  	s1 =	smov.u32 s7;
	[sflag:s28] =	ssyncset.done $0x0  }
0x7a: {  	s1 =	sadd.s32 s31, s15;
	[sflag:s28] =	ssyncadd.s32 $0xFFFFC000  }
0x7b: {  	[tilespmem:s19], [sflag:$0x1] =	stream.linear.gather [hbm4b:s1+s4], $0x100, $0x38;
	[tilespmem:$0x1C200] =	vst v63  }
0x7c: {  	s6 =	sadd.s32 s31, s14  }
0x7d: {  	[tilespmem:s20], [sflag:$0x1] =	stream.linear.gather [hbm4b:s6+s4], $0x80, $0x38;
	[tilespmem:$0x1C200] =	vst v63  }
0x7e: {  	s7 =	sadd.s32 s31, s16  }
0x7f: {  	[tilespmem:s21], [sflag:$0x1] =	stream.linear.gather [hbm4b:s7+s4], $0x80, $0x38;
	[tilespmem:$0x1C200] =	vst v63  }
0x80: {  	_ =	swait.ge [sflag:s22], $0x100  }
0x81: {  	[sflag:s22] =	ssyncset.done $0x0  }
0x82: {  	[sflag:s22] =	ssyncadd.s32 $0xFFFFFF00  }
0x83: {  	_ =	swait.ge [sflag:s22], $0x80  }
0x84: {  	[sflag:s22] =	ssyncset.done $0x0  }
0x85: {  	[sflag:s22] =	ssyncadd.s32 $0xFFFFFF80  }
0x86: {  	_ =	swait.ge [sflag:s22], $0x80  }
0x87: {  	[sflag:s22] =	ssyncset.done $0x0  }
0x88: {  	[sflag:s22] =	ssyncadd.s32 $0xFFFFFF80  }
0x89: {  	[tilespmem:s17], [sflag:$0x2] =	stream.indirect.gather [hbm4b:s0+s23], $0x80, s19, s23, $0xb8;
	[tilespmem:$0x1C200] =	vst v63  }
0x8a: {  	_ = 	snop  }
0x8b: {  	[tilespmem:s25], [sflag:$0x2] =	stream.indirect.gather [hbm4b:s0+s23], $0x80, s24, s23, $0xb8;
	[tilespmem:$0x1C200] =	vst v63  }
0x8c: {  	_ =	swait.ge [sflag:s26], $0x4000  }
0x8d: {  	[sflag:s26] =	ssyncset.done $0x0  }
0x8e: {  	[sflag:s26] =	ssyncadd.s32 $0xFFFFC000  }
0x8f: {  	_ =	swait.ge [sflag:s26], $0x4000  }
0x90: {  	[sflag:s26] =	ssyncset.done $0x0  }
0x91: {  	[sflag:s26] =	ssyncadd.s32 $0xFFFFC000  }
0x92: {  	[spmem:s3] =	stream.indirect.scatter.add.f32 [tilespmem:s17], [sflag:$0x3], $0x80, s20, s23, $0xb8;
	[tilespmem:$0x1C200] =	vst v63  }
0x93: {  	_ =	swait.ge [sflag:s28], $0x4000  }
0x94: {  	[sflag:s28] =	ssyncset.done $0x0  }
0x95: {  	[sflag:s28] =	ssyncadd.s32 $0xFFFFC000  }
0x96: {  	[spmem:s3] =	stream.indirect.scatter.add.f32 [tilespmem:s25], [sflag:$0x3], $0x80, s21, s23, $0xb8;
	[tilespmem:$0x1C200] =	vst v63  }
0x97: {  	_ =	swait.ge [sflag:s28], $0x4000  }
0x98: {  	[sflag:s28] =	ssyncset.done $0x0  }
0x99: {  	[sflag:s28] =	ssyncadd.s32 $0xFFFFC000  }
0x9a: {  	[tilespmem:s19], [sflag:$0x4] =	stream.linear.gather [hbm4b:s10+s4], $0x10, $0x38;
	[tilespmem:$0x1C200] =	vst v63  }
0x9b: {  	_ =	swait.ge [sflag:s18], $0x10  }
0x9c: {  	[sflag:s18] =	ssyncset.done $0x0  }
0x9d: {  	[sflag:s18] =	ssyncadd.s32 $0xFFFFFFF0  }
0x9e: {  	[tilespmem:s20], [sflag:$0x4] =	stream.linear.gather [hbm4b:s11+s4], $0x10, $0x38;
	[tilespmem:$0x1C200] =	vst v63  }
0x9f: {  	_ =	swait.ge [sflag:s18], $0x10  }
0xa0: {  	[sflag:s18] =	ssyncset.done $0x0  }
0xa1: {  	[sflag:s18] =	ssyncadd.s32 $0xFFFFFFF0  }
0xa2: {  	[tilespmem:s17], [sflag:$0x2] =	stream.indirect.gather [hbm4b:s0+s29], $0x80, s19, s29, $0xb8;
	[tilespmem:$0x1C200] =	vst v63  }
0xa3: {  	_ =	swait.ge [sflag:s26], $0x800  }
0xa4: {  	[sflag:s26] =	ssyncset.done $0x0  }
0xa5: {  	[sflag:s26] =	ssyncadd.s32 $0xFFFFF800  }
0xa6: {  	[spmem:s3] =	stream.indirect.scatter.add.f32 [tilespmem:s17], [sflag:$0x3], $0x80, s20, s29, $0xb8;
	[tilespmem:$0x1C200] =	vst v63  }
0xa7: {  	s31 =	stileid.u32;
	_ =	swait.ge [sflag:s28], $0x800  }
0xa8: {  	s2 =	sshrl.u32 s5, $0x3;
	s30 =	sadd.s32 $0x1, s30;
	[sflag:s28] =	ssyncset.done $0x0  }
0xa9: {  	s1 =	sshll.u32 s31, $0x6;
	p0 =	sne.s32 s30, s13;
	[sflag:s28] =	ssyncadd.s32 $0xFFFFF800  }
.Ltmp2:
0xaa: {  	s1 =	sor.u32 $0x1C04, s1;
	[bflag:$0x0] =	sbarrier.arrive $0xFFFF;
	(pc) =	sbr.rel @p0 .LBB2_1-.Ltmp2, $4  }
0xab: {  	[hbm:s12], [sflag:s1] =	dma.local [spmem:s2], $0x2800  }
0xac: {  	_ =	swait.ge [sflag:s18], $0x2800  }
0xad: {  	[sflag:s18] =	ssyncset.done $0x0  }
0xae: {  	[sflag:s18] =	ssyncadd.s32 $0xFFFFD800  }
0xaf: {  	_ =	sfence.sel $0x180000  }
0xb0: {  	[bflag:$0x0] =	sbarrier.arrive $0xFFFF  }
0xb1: {  	_ =	strace $0x90000053  }
0xb2: {  	s0 =	stileid.u32;
	[bflag:$0x2] =	sbarrier.arrive $0xFFFF  }
0xb3: {  	p0 =	sne.s32 s0, $0x0;
	s0 =	rddreg [dreg:$0x3]  }
0xb4: {  	s0 =	sadd.s32 @!p0 $0x100000, s0  }
0xb5: {  	[sflag:s0] =	ssyncadd.tile.s32 @!p0 $0x1;
	_ =	shalt  }
.Lfunc_end2:
_tile_overlayer_lowered:
.L_overlay_start_2:
0xb6: {  	(tag) =	ssettag $0x2  }
0xb7: {  	s0 =	rddreg [dreg:$0x0];
	s2 =	stileid.u32  }
0xb8: {  	s1 =	rddreg [dreg:$0x1];
	p0 =	sne.s32 s2, $0x0  }
0xb9: {  	s3 =	rddreg [dreg:$0x2];
	[bflag:$0x3] =	sbarrier.arrive $0xFFFF;
	s2 =	simm.s32 @!p0 $0x1C04  }
0xba: {  	[timem:s3], [sflag:s2] =	dma.local @!p0 [hbm:s0], s1  }
0xbb: {  	s0 =	simm.s32 @!p0 $0x4  }
0xbc: {  	_ =	swait.ge @!p0 [sflag:s0], s1  }
0xbd: {  	s1 =	ssub.s32 @!p0 $0x0, s1;
	[sflag:s0] =	ssyncset.done @!p0 $0x0  }
0xbe: {  	[sflag:s0] =	ssyncadd.s32 @!p0 s1  }
0xbf: {  	[bflag:$0x3] =	sbarrier.arrive $0xFFFF  }
0xc0: {  	_ =	shalt  }

// kernel: kernel.31.cloned.1.call-start
scs
__scs_entry_jumppad:
0x0: {  	(pc) =	sbr.rel $0x88, $3  }
0x1: {  	(tag) =	ssettag $0x0;
	lr =	simm.s32 $0x1  }
0x2: {  	[smem:$0x3F8D] =	sst lr;
	_ =	strace $0xD0000000  }
0x3: {  	_ = 	snop  }
0x4: {  	_ = 	snop  }
0x5: {  	_ = 	snop  }
0x6: {  	_ = 	snop  }
0x7: {  	_ = 	snop  }
__scs_overlays_trampoline_lowered:
0x8: {  	[smem:$0x3F9C] =	sst s0  }
0x9: {  	[smem:$0x3F9D] =	sst s1  }
0xa: {  	[smem:$0x3F9E] =	sst s2  }
0xb: {  	[smem:$0x3F9F] =	sst s3  }
0xc: {  	[smem:$0x3FA0] =	sst s4  }
0xd: {  	[smem:$0x3FA1] =	sst s5  }
0xe: {  	[smem:$0x3FA2] =	sst s6  }
0xf: {  	[smem:$0x3FA3] =	sst s7  }
0x10: {  	[smem:$0x3FA4] =	sst s8  }
0x11: {  	[smem:$0x3FA5] =	sst s9;
	s0 =	simm.s32 @!p0 $0x0  }
0x12: {  	s1 =	sld [smem:$0x3F8B];
	s0 =	simm.s32 @p0 $0x1  }
0x13: {  	[smem:$0x3FA6] =	sst s0;
	s0 =	simm.s32 @!p1 $0x0  }
0x14: {  	s2 =	sld [smem:$0x3F8A];
	s0 =	simm.s32 @p1 $0x1  }
0x15: {  	[smem:$0x3FA7] =	sst s0;
	s0 =	simm.s32 @!p2 $0x0  }
0x16: {  	s3 =	sld [smem:$0x3FDB];
	s0 =	simm.s32 @p2 $0x1  }
0x17: {  	s4 =	simm.s32 $0x1BF5;
	[smem:$0x3FA9] =	sst s0  }
0x18: {  	s0 =	sld [smem:$0x3F8C];
	_ =	swait.ge [sflag:s4], $0x0  }
0x19: {  	s7 =	sld [smem:$0x3F8D]  }
0x1a: {  	s8 =	sadd.s32 $0xFFFFE003, lr  }
0x1b: {  	s9 =	sadd.s32 $0xFFFFFEF7, lr;
	s5 =	simm.s32 $0xFFFFFFFF;
	p2 =	slt.u32 s8, $0xFFFFF086  }
0x1c: {  	p1 =	slt.u32 s9, $0xF7A;
	s5 =	simm.s32 @!p2 $0x0  }
0x1d: {  	s5 =	simm.s32 @p1 $0x1;
	p0 =	seq.s32 s7, s2  }
0x1e: {  	s7 =	smul.u32 @!p0 $0xF7A, s2;
	p2 =	seq.s32 @!p0 s5, $0x0  }
0x1f: {  	s9 =	smul.u32 $0xF7A, s1;
	s8 =	simm.s32 @!p0 $0x1BF5;
	p2 =	por !p2, p0  }
0x20: {  	[sflag:s8] =	ssyncset.s32 @!p0 $0xFFFFF086;
	s6 =	sadd.s32 @!p0 s3, s7;
	s7 =	simm.s32 @!p0 $0x108  }
0x21: {  	s3 =	sadd.s32 s3, s9;
	s6 =	sadd.s32 @!p0 $0x88, s6;
	s7 =	simm.s32 @p2 $0x1082  }
0x22: {  	[simem:s7], [sflag:s8] =	dma.local @!p0 [hbm:s6], $0xF7A  }
0x23: {  	s9 =	sor.u32 $0xD0000000, s2;
	s6 =	simm.s32 $0x108;
	_ =	swait.ge @!p0 [sflag:s8], $0x0  }
0x24: {  	s3 =	sadd.s32 $0x88, s3;
	s6 =	simm.s32 @!p1 $0x1082;
	[sflag:s4] =	ssyncset.s32 $0xFFFFF086  }
0x25: {  	[simem:s6], [sflag:s4] =	dma.local [hbm:s3], $0xF7A  }
0x26: {  	[smem:$0x3F8D] =	sst s1;
	(tag) =	ssettag s2;
	_ =	strace s9  }
0x27: {  	s1 =	sld [smem:$0x3F9D]  }
0x28: {  	s2 =	sld [smem:$0x3F9E]  }
0x29: {  	s4 =	sld [smem:$0x3FA0]  }
0x2a: {  	p0 =	seq.s32 s5, $0x0;
	s5 =	sld [smem:$0x3FA1]  }
0x2b: {  	s6 =	sld [smem:$0x3FA2]  }
0x2c: {  	s7 =	sld [smem:$0x3FA3]  }
0x2d: {  	s3 =	simm.s32 $0x108;
	s8 =	sld [smem:$0x3FA4]  }
0x2e: {  	s3 =	simm.s32 @!p0 $0x1082;
	s9 =	sld [smem:$0x3FA5]  }
0x2f: {  	lr =	sadd.s32 s0, s3;
	s0 =	sld [smem:$0x3F9C]  }
0x30: {  	s3 =	sld [smem:$0x3F9F]  }
0x31: {  	[smem:$0x3FA8] =	sst s10  }
0x32: {  	s10 =	sld [smem:$0x3FA6];
	_ =	sdelay $0x3  }
0x33: {  	p0 =	seq.s32 s10, $0x1;
	s10 =	sld [smem:$0x3FA8];
	_ =	sdelay $0x3  }
0x34: {  	[smem:$0x3FA8] =	sst s10  }
0x35: {  	s10 =	sld [smem:$0x3FA7];
	_ =	sdelay $0x3  }
0x36: {  	p1 =	seq.s32 s10, $0x1;
	s10 =	sld [smem:$0x3FA8];
	_ =	sdelay $0x3  }
0x37: {  	[smem:$0x3FA8] =	sst s10  }
0x38: {  	s10 =	sld [smem:$0x3FA9]  }
0x39: {  	_ = 	snop;
	(pc) =	sbr.ind lr, $3  }
0x3a: {  	_ = 	snop  }
0x3b: {  	_ = 	snop  }
0x3c: {  	p2 =	seq.s32 s10, $0x1;
	s10 =	sld [smem:$0x3FA8]  }
0x3d: {  	_ =	shalt  }
0x3e: {  	_ =	shalt  }
0x3f: {  	_ =	shalt  }
0x40: {  	_ =	shalt  }
0x41: {  	_ =	shalt  }
0x42: {  	_ =	shalt  }
0x43: {  	_ =	shalt  }
0x44: {  	_ =	shalt  }
0x45: {  	_ =	shalt  }
0x46: {  	_ =	shalt  }
0x47: {  	_ =	shalt  }
0x48: {  	_ =	shalt  }
0x49: {  	_ =	shalt  }
0x4a: {  	_ =	shalt  }
0x4b: {  	_ =	shalt  }
0x4c: {  	_ =	shalt  }
0x4d: {  	_ =	shalt  }
0x4e: {  	_ =	shalt  }
0x4f: {  	_ =	shalt  }
0x50: {  	_ =	shalt  }
0x51: {  	_ =	shalt  }
0x52: {  	_ =	shalt  }
0x53: {  	_ =	shalt  }
0x54: {  	_ =	shalt  }
0x55: {  	_ =	shalt  }
0x56: {  	_ =	shalt  }
0x57: {  	_ =	shalt  }
0x58: {  	_ =	shalt  }
0x59: {  	_ =	shalt  }
0x5a: {  	_ =	shalt  }
0x5b: {  	_ =	shalt  }
0x5c: {  	_ =	shalt  }
0x5d: {  	_ =	shalt  }
0x5e: {  	_ =	shalt  }
0x5f: {  	_ =	shalt  }
0x60: {  	_ =	shalt  }
0x61: {  	_ =	shalt  }
0x62: {  	_ =	shalt  }
0x63: {  	_ =	shalt  }
0x64: {  	_ =	shalt  }
0x65: {  	_ =	shalt  }
0x66: {  	_ =	shalt  }
0x67: {  	_ =	shalt  }
0x68: {  	_ =	shalt  }
0x69: {  	_ =	shalt  }
0x6a: {  	_ =	shalt  }
0x6b: {  	_ =	shalt  }
0x6c: {  	_ =	shalt  }
0x6d: {  	_ =	shalt  }
0x6e: {  	_ =	shalt  }
0x6f: {  	_ =	shalt  }
0x70: {  	_ =	shalt  }
0x71: {  	_ =	shalt  }
0x72: {  	_ =	shalt  }
0x73: {  	_ =	shalt  }
0x74: {  	_ =	shalt  }
0x75: {  	_ =	shalt  }
0x76: {  	_ =	shalt  }
0x77: {  	_ =	shalt  }
0x78: {  	_ =	shalt  }
0x79: {  	_ =	shalt  }
0x7a: {  	_ =	shalt  }
0x7b: {  	_ =	shalt  }
0x7c: {  	_ =	shalt  }
0x7d: {  	_ =	shalt  }
0x7e: {  	_ =	shalt  }
0x7f: {  	_ =	shalt  }
0x80: {  	_ =	shalt  }
0x81: {  	_ =	shalt  }
0x82: {  	_ =	shalt  }
0x83: {  	_ =	shalt  }
0x84: {  	_ =	shalt  }
0x85: {  	_ =	shalt  }
0x86: {  	_ =	shalt  }
0x87: {  	_ =	shalt  }
.Lfunc_end0:
.L_simem_size_0:
called_computation.5_lowered:
.L_overlay_start_0:
0x88: {  	s2 =	sld [smem:$0x3FD9]  }
0x89: {  	s3 =	sld [smem:$0x3FFE];
	_ =	sdelay $0x1  }
0x8a: {  	s1 =	srdreg.scid  }
0x8b: {  	s0 =	sand.u32 $0x1, s1  }
0x8c: {  	s16 =	sshll.u32 s0, $0xA;
	s2 =	sadd.s32 s3, s2  }
0x8d: {  	s2 =	sadd.s32 s2, s16  }
0x8e: {  	[smem:$0x3FB4] =	sst s2  }
0x8f: {  	_ = 	snop  }
0x90: {  	(tm) =	ssettm $0x1  }
0x91: {  	s17 =	sld [smem:$0x3FFB];
	_ =	sdelay $0x3  }
0x92: {  	_ =	strace s17  }
0x93: {  	s2 =	sld [smem:$0x3FFC];
	_ =	sdelay $0x3  }
0x94: {  	_ =	strace s2  }
0x95: {  	s2 =	sld [smem:$0x3FFD];
	_ =	sdelay $0x3  }
0x96: {  	_ =	strace s2  }
0x97: {  	_ =	strace $0x8FFFFFFF  }
0x98: {  	s18 =	sld [smem:$0x3FDB];
	_ =	sdelay $0x1  }
0x99: {  	s19 =	simm.s32 $_scs_section_size  }
0x9a: {  	s4 =	simm.s32 $_size__tile_overlayer_lowered;
	s5 =	simm.s32 $_tile_overlayer_lowered  }
0x9b: {  	s22 =	simm.s32 $0x1BFF;
	s21 =	sshll.u32 s5, $0x1;
	s2 =	sadd.s32 s19, s18  }
0x9c: {  	s6 =	simm.s32 $0x0;
	s20 =	sshll.u32 s4, $0x1;
	s4 =	sadd.s32 s21, s2  }
0x9d: {  	[timem:s6], [sflag:s22] =	dma.local [hbm:s4], s20  }
0x9e: {  	_ =	swait.ge [sflag:s22], s20  }
0x9f: {  	s3 =	ssub.s32 $0x0, s20;
	[sflag:s22] =	ssyncset.done $0x0  }
0xa0: {  	[sflag:s22] =	ssyncadd.s32 s3;
	_ =	sdelay $0x1  }
0xa1: {  	s23 =	simm.s32 $0x1B8B  }
0xa2: {  	_ =	swait.ge [sflag:s23], $0x1  }
0xa3: {  	[sflag:s23] =	ssyncset.done $0x0  }
0xa4: {  	s25 =	simm.s32 $0x1B8E;
	s24 =	sld [smem:$0x3FFE];
	[sflag:s23] =	ssyncadd.s32 $0xFFFFFFFF  }
0xa5: {  	s26 =	simm.s32 $execute0_lowered;
	[smem:$0x3FD2] =	sst s25  }
0xa6: {  	s4 =	sshll.u32 s26, $0x1;
	_ =	strace $0x80000055;
	[dreg:$0x1] =	wrdreg $0xFFFFFFFF  }
0xa7: {  	s28 =	simm.s32 $_size_execute0_lowered;
	s2 =	sadd.s32 s2, s4;
	[dreg:$0x0] =	wrdreg $0x0  }
0xa8: {  	s4 =	sshll.u32 s28, $0x1;
	[dreg:$0x2] =	wrdreg s2  }
0xa9: {  	[dreg:$0x3] =	wrdreg s4  }
0xaa: {  	[dreg:$0x4] =	wrdreg $0xC0  }
0xab: {  	_ =	task [dreg:s6], $0x5FFFF  }
0xac: {  	[dreg:$0x1] =	wrdreg $0xFFFFFFFF  }
0xad: {  	[dreg:$0x0] =	wrdreg $0x60  }
0xae: {  	[dreg:$0x2] =	wrdreg s24  }
0xaf: {  	[dreg:$0x3] =	wrdreg $0x0  }
0xb0: {  	[dreg:$0x4] =	wrdreg $0x9  }
0xb1: {  	_ =	task.clear_ibuf [dreg:s6], $0x5FFFF;
	_ =	strace $0x90000055  }
0xb2: {  	s29 =	simm.s32 $0x9;
	_ =	strace $0x80000057  }
0xb3: {  	_ =	swait.ge [sflag:s29], $0x1  }
0xb4: {  	[sflag:s29] =	ssyncadd.s32 $0xFFFFFFFF  }
0xb5: {  	_ =	strace $0x90000057  }
0xb6: {  	_ =	sfence  }
0xb7: {  	s30 =	sld [smem:$0x0];
	_ =	sdelay $0x2  }
0xb8: {  	s31 =	sshll.u32 s1, $0xD;
	s1 =	sshrl.u32 s1, $0x2  }
0xb9: {  	s3 =	sand.u32 $0x4000, s31;
	s1 =	sadd.s32 s1, s30  }
0xba: {  	s0 =	sor.u32 s3, s0;
	s1 =	sshll.u32 s1, $0x11  }
0xbb: {  	s0 =	sor.u32 s1, s0  }
0xbc: {  	s0 =	sadd.s32 $0x8F2B, s0  }
0xbd: {  	[sflag:s0] =	ssyncadd.remote.s32 $0x1  }
0xbe: {  	_ =	sfence.sel $0xFFFF  }
0xbf: {  	[dreg:$0x0] =	wrdreg $0xFFFFFFFF;
	(pc) =	sbr.abs _section_cstart, $3  }
0xc0: {  	[dreg:$0x1] =	wrdreg $0xFFFFFFFF  }
0xc1: {  	_ =	task.clear_ibuf [dreg:s6], $0x2FFFF;
	_ =	strace $0x9FFFFFFF  }
0xc2: {  	(tm) =	ssettm $0x7FFFFFFF  }
0xc3: {  	_ =	shalt  }
tec
execute0_lowered:
.L_overlay_start_1:
0x0: {  	(tag) =	ssettag $0x1  }
0x1: {  	s0 =	rddreg [dreg:$0x0];
	s1 =	srdreg.scid  }
0x2: {  	s2 =	rddreg [dreg:$0x1];
	s20 =	stileid.u32;
	s3 =	simm.s32 $0x0  }
0x3: {  	s18 =	simm.s32 $0x4;
	s19 =	simm.s32 $0x1C000;
	s28 =	simm.s32 $0x3  }
0x4: {  	s29 =	simm.s32 $0x10;
	s30 =	simm.s32 $0x0;
	s8 =	sand.u32 $0x1, s1  }
0x5: {  	s6 =	smul.u32 $0x14000, s20;
	[smem:$0x7FF] =	sst s3;
	s4 =	sadd.s32 $0x19600, s0  }
0x6: {  	s15 =	sadd.s32 $0x5A00, s0;
	s21 =	smul.u32 $0x50000, s20;
	s16 =	sadd.s32 $0xF800, s0  }
0x7: {  	s22 =	sshll.u32 s20, $0x1;
	s12 =	smul.u32 $0x4E20, s20;
	s20 =	simm.s32 $0x1C100  }
0x8: {  	s5 =	smul.u32 $0x140000, s8;
	_ =	strace $0x80000056;
	s7 =	ssub.s32 $0x2, s8  }
0x9: {  	s9 =	sor.u32 s8, s22;
	s14 =	smul.u32 $0x2710, s8;
	s22 =	simm.s32 $0x1  }
0xa: {  	s23 =	sshrl.u32 s21, $0x2;
	s24 =	sshrl.u32 s7, $0x1;
	s9 =	smul.u32 $0x2710, s9  }
0xb: {  	s21 =	simm.s32 $0x1C180;
	s5 =	sadd.s32 s6, s5;
	s13 =	ssub.s32 s7, s24  }
0xc: {  	s14 =	sadd.s32 s14, s12;
	s24 =	simm.s32 $0x1C080;
	s5 =	sshrl.u32 s5, $0x3  }
0xd: {  	s10 =	sshrl.u32 s9, $0x3;
	s31 =	sshrl.u32 s14, $0x3;
	s17 =	sadd.s32 $0x80, s14  }
0xe: {  	s13 =	smax.u32 s13, $0x1;
	s0 =	sadd.s32 s5, s0;
	s5 =	sadd.s32 s23, s2  }
0xf: {  	s11 =	sadd.s32 $0x4E0, s10;
	s14 =	sadd.s32 s31, s16;
	s17 =	sshrl.u32 s17, $0x3  }
0x10: {  	s23 =	simm.s32 $0x80;
	s25 =	sadd.s32 $0x4000, s5;
	s26 =	sadd.s32 $0x8000, s5  }
0x11: {  	s8 =	sadd.s32 $0xC000, s5;
	s9 =	sadd.s32 $0x10000, s5;
	s10 =	sadd.s32 s15, s11  }
0x12: {  	s11 =	sadd.s32 s16, s11;
	s12 =	sadd.s32 $0x41600, s0;
	s15 =	sadd.s32 s31, s15  }
0x13: {  	s16 =	sadd.s32 s17, s16;
	s17 =	simm.s32 $0x14000;
	[dreg:$0x3] =	wrdreg s25  }
0x14: {  	v0 =	vimm.f32 $0.0e+00;
	[dreg:$0x4] =	wrdreg s26;
	s25 =	simm.s32 $0x18000;
	s26 =	simm.s32 $0x2  }
.LBB2_1:
0x15: {  	s31 =	simm.s32 $0x0;
	s0 =	simm.s32 $0x200  }
.LBB2_2:
0x16: {  	p0 =	sne.s32 s0, $0xFE00;
	[tilespmem:s31+$0x14070] =	vst v0  }
0x17: {  	[tilespmem:s31+$0x14000] =	vst v0  }
0x18: {  	[tilespmem:s31+$0x14010] =	vst v0  }
.Ltmp0:
0x19: {  	[tilespmem:s31+$0x14020] =	vst v0;
	(pc) =	sbr.rel @p0 .LBB2_2-.Ltmp0, $4  }
0x1a: {  	[tilespmem:s31+$0x14030] =	vst v0  }
0x1b: {  	[tilespmem:s31+$0x14040] =	vst v0  }
0x1c: {  	[tilespmem:s31+$0x14050] =	vst v0  }
0x1d: {  	[tilespmem:s31+$0x14060] =	vst v0;
	s31 =	sshra.s32 s0, $0x2;
	s0 =	sadd.s32 $0x200, s0  }
0x1e: {  	[tilespmem:s31+$0x14070] =	vst v0  }
0x1f: {  	[tilespmem:s31+$0x14000] =	vst v0  }
0x20: {  	[tilespmem:s31+$0x14010] =	vst v0  }
0x21: {  	[tilespmem:s31+$0x14020] =	vst v0  }
0x22: {  	[tilespmem:s31+$0x14030] =	vst v0  }
0x23: {  	[tilespmem:s31+$0x14040] =	vst v0  }
0x24: {  	[tilespmem:s31+$0x14050] =	vst v0  }
0x25: {  	[tilespmem:s31+$0x14060] =	vst v0  }
0x26: {  	[spmem:s5] =	stream.linear.scatter [tilespmem:s17], [sflag:$0x4], $0x4000, $0x38;
	[tilespmem:$0x1C200] =	vst v63  }
0x27: {  	_ =	swait.ge [sflag:s18], $0x4000  }
0x28: {  	[sflag:s18] =	ssyncset.done $0x0  }
0x29: {  	s0 =	rddreg [dreg:$0x3];
	[sflag:s18] =	ssyncadd.s32 $0xFFFFC000  }
0x2a: {  	[spmem:s0] =	stream.linear.scatter [tilespmem:s17], [sflag:$0x4], $0x4000, $0x38;
	[tilespmem:$0x1C200] =	vst v63  }
0x2b: {  	_ =	swait.ge [sflag:s18], $0x4000  }
0x2c: {  	[sflag:s18] =	ssyncset.done $0x0  }
0x2d: {  	s7 =	rddreg [dreg:$0x4];
	[sflag:s18] =	ssyncadd.s32 $0xFFFFC000  }
0x2e: {  	[spmem:s7] =	stream.linear.scatter [tilespmem:s17], [sflag:$0x4], $0x4000, $0x38;
	[tilespmem:$0x1C200] =	vst v63  }
0x2f: {  	_ =	swait.ge [sflag:s18], $0x4000  }
0x30: {  	[sflag:s18] =	ssyncset.done $0x0  }
0x31: {  	[sflag:s18] =	ssyncadd.s32 $0xFFFFC000  }
0x32: {  	[spmem:s8] =	stream.linear.scatter [tilespmem:s17], [sflag:$0x4], $0x4000, $0x38;
	[tilespmem:$0x1C200] =	vst v63  }
0x33: {  	_ =	swait.ge [sflag:s18], $0x4000  }
0x34: {  	[sflag:s18] =	ssyncset.done $0x0  }
0x35: {  	[sflag:s18] =	ssyncadd.s32 $0xFFFFC000  }
0x36: {  	[spmem:s9] =	stream.linear.scatter [tilespmem:s17], [sflag:$0x4], $0x4000, $0x38;
	[tilespmem:$0x1C200] =	vst v63  }
0x37: {  	_ =	swait.ge [sflag:s18], $0x4000  }
0x38: {  	[sflag:s18] =	ssyncset.done $0x0  }
0x39: {  	[sflag:s18] =	ssyncadd.s32 $0xFFFFC000  }
0x3a: {  	s1 =	sadd.s32 $0x0, s15;
	[bflag:$0x0] =	sbarrier.arrive $0xFFFF  }
0x3b: {  	[tilespmem:s19], [sflag:$0x1] =	stream.linear.gather [hbm4b:s1+s3], $0x100, $0x38;
	[tilespmem:$0x1C200] =	vst v63  }
0x3c: {  	s6 =	sadd.s32 $0x0, s14  }
0x3d: {  	[tilespmem:s20], [sflag:$0x1] =	stream.linear.gather [hbm4b:s6+s3], $0x80, $0x38;
	[tilespmem:$0x1C200] =	vst v63  }
0x3e: {  	s7 =	sadd.s32 $0x0, s16  }
0x3f: {  	[tilespmem:s21], [sflag:$0x1] =	stream.linear.gather [hbm4b:s7+s3], $0x80, $0x38;
	[tilespmem:$0x1C200] =	vst v63  }
0x40: {  	_ =	swait.ge [sflag:s22], $0x100  }
0x41: {  	[sflag:s22] =	ssyncset.done $0x0  }
0x42: {  	[sflag:s22] =	ssyncadd.s32 $0xFFFFFF00  }
0x43: {  	_ =	swait.ge [sflag:s22], $0x80  }
0x44: {  	[sflag:s22] =	ssyncset.done $0x0  }
0x45: {  	[sflag:s22] =	ssyncadd.s32 $0xFFFFFF80  }
0x46: {  	_ =	swait.ge [sflag:s22], $0x80  }
0x47: {  	[sflag:s22] =	ssyncset.done $0x0  }
0x48: {  	[sflag:s22] =	ssyncadd.s32 $0xFFFFFF80  }
0x49: {  	[tilespmem:s17], [sflag:$0x2] =	stream.indirect.gather [hbm4b:s4+s23], $0x80, s19, s23, $0xb8;
	[tilespmem:$0x1C200] =	vst v63  }
0x4a: {  	_ = 	snop  }
0x4b: {  	[tilespmem:s25], [sflag:$0x2] =	stream.indirect.gather [hbm4b:s4+s23], $0x80, s24, s23, $0xb8;
	[tilespmem:$0x1C200] =	vst v63  }
0x4c: {  	_ =	swait.ge [sflag:s26], $0x4000  }
0x4d: {  	[sflag:s26] =	ssyncset.done $0x0  }
0x4e: {  	[sflag:s26] =	ssyncadd.s32 $0xFFFFC000  }
0x4f: {  	_ =	swait.ge [sflag:s26], $0x4000  }
0x50: {  	[sflag:s26] =	ssyncset.done $0x0  }
0x51: {  	[sflag:s26] =	ssyncadd.s32 $0xFFFFC000  }
0x52: {  	[spmem:s2] =	stream.indirect.scatter.add.f32 [tilespmem:s17], [sflag:$0x3], $0x80, s20, s23, $0xb8;
	[tilespmem:$0x1C200] =	vst v63  }
0x53: {  	_ =	swait.ge [sflag:s28], $0x4000  }
0x54: {  	[sflag:s28] =	ssyncset.done $0x0  }
0x55: {  	[sflag:s28] =	ssyncadd.s32 $0xFFFFC000  }
0x56: {  	[spmem:s2] =	stream.indirect.scatter.add.f32 [tilespmem:s25], [sflag:$0x3], $0x80, s21, s23, $0xb8;
	[tilespmem:$0x1C200] =	vst v63  }
0x57: {  	_ =	swait.ge [sflag:s28], $0x4000  }
0x58: {  	s31 =	simm.s32 $0x20;
	s0 =	simm.s32 $0x40;
	[sflag:s28] =	ssyncset.done $0x0  }
.LBB2_4:
0x59: {  	s1 =	sadd.s32 s31, s15  }
0x5a: {  	[sflag:s28] =	ssyncadd.s32 $0xFFFFC000;
	s6 =	smov.u32 s0;
	s7 =	sadd.s32 $0x20, s0  }
0x5b: {  	[tilespmem:s19], [sflag:$0x1] =	stream.linear.gather [hbm4b:s1+s3], $0x100, $0x38;
	[tilespmem:$0x1C200] =	vst v63  }
0x5c: {  	p0 =	sne.s32 s0, $0x4C0;
	s0 =	sadd.s32 s31, s14  }
0x5d: {  	[tilespmem:s20], [sflag:$0x1] =	stream.linear.gather [hbm4b:s0+s3], $0x80, $0x38;
	[tilespmem:$0x1C200] =	vst v63  }
0x5e: {  	s0 =	sadd.s32 s31, s16;
	s31 =	smov.u32 s6  }
0x5f: {  	[tilespmem:s21], [sflag:$0x1] =	stream.linear.gather [hbm4b:s0+s3], $0x80, $0x38;
	[tilespmem:$0x1C200] =	vst v63  }
0x60: {  	_ =	swait.ge [sflag:s22], $0x100  }
0x61: {  	[sflag:s22] =	ssyncset.done $0x0  }
0x62: {  	[sflag:s22] =	ssyncadd.s32 $0xFFFFFF00  }
0x63: {  	_ =	swait.ge [sflag:s22], $0x80  }
0x64: {  	[sflag:s22] =	ssyncset.done $0x0  }
0x65: {  	[sflag:s22] =	ssyncadd.s32 $0xFFFFFF80  }
0x66: {  	_ =	swait.ge [sflag:s22], $0x80  }
0x67: {  	[sflag:s22] =	ssyncset.done $0x0  }
0x68: {  	[sflag:s22] =	ssyncadd.s32 $0xFFFFFF80  }
0x69: {  	[tilespmem:s17], [sflag:$0x2] =	stream.indirect.gather [hbm4b:s4+s23], $0x80, s19, s23, $0xb8;
	[tilespmem:$0x1C200] =	vst v63  }
0x6a: {  	_ = 	snop  }
0x6b: {  	[tilespmem:s25], [sflag:$0x2] =	stream.indirect.gather [hbm4b:s4+s23], $0x80, s24, s23, $0xb8;
	[tilespmem:$0x1C200] =	vst v63  }
0x6c: {  	_ =	swait.ge [sflag:s26], $0x4000  }
0x6d: {  	[sflag:s26] =	ssyncset.done $0x0  }
0x6e: {  	[sflag:s26] =	ssyncadd.s32 $0xFFFFC000  }
0x6f: {  	_ =	swait.ge [sflag:s26], $0x4000  }
0x70: {  	[sflag:s26] =	ssyncset.done $0x0  }
0x71: {  	[sflag:s26] =	ssyncadd.s32 $0xFFFFC000  }
0x72: {  	[spmem:s2] =	stream.indirect.scatter.add.f32 [tilespmem:s17], [sflag:$0x3], $0x80, s20, s23, $0xb8;
	[tilespmem:$0x1C200] =	vst v63  }
0x73: {  	_ =	swait.ge [sflag:s28], $0x4000  }
.Ltmp1:
0x74: {  	[sflag:s28] =	ssyncset.done $0x0;
	(pc) =	sbr.rel @p0 .LBB2_4-.Ltmp1, $4  }
0x75: {  	[sflag:s28] =	ssyncadd.s32 $0xFFFFC000  }
0x76: {  	[spmem:s2] =	stream.indirect.scatter.add.f32 [tilespmem:s25], [sflag:$0x3], $0x80, s21, s23, $0xb8;
	[tilespmem:$0x1C200] =	vst v63  }
0x77: {  	_ =	swait.ge [sflag:s28], $0x4000  }
0x78: {  	s0 =	smov.u32 s7;
	[sflag:s28] =	ssyncset.done $0x0  }
0x79: {  	s0 =	sadd.s32 s31, s15;
	[sflag:s28] =	ssyncadd.s32 $0xFFFFC000  }
0x7a: {  	[tilespmem:s19], [sflag:$0x1] =	stream.linear.gather [hbm4b:s0+s3], $0x100, $0x38;
	[tilespmem:$0x1C200] =	vst v63  }
0x7b: {  	s6 =	sadd.s32 s31, s14  }
0x7c: {  	[tilespmem:s20], [sflag:$0x1] =	stream.linear.gather [hbm4b:s6+s3], $0x80, $0x38;
	[tilespmem:$0x1C200] =	vst v63  }
0x7d: {  	s7 =	sadd.s32 s31, s16  }
0x7e: {  	[tilespmem:s21], [sflag:$0x1] =	stream.linear.gather [hbm4b:s7+s3], $0x80, $0x38;
	[tilespmem:$0x1C200] =	vst v63  }
0x7f: {  	_ =	swait.ge [sflag:s22], $0x100  }
0x80: {  	[sflag:s22] =	ssyncset.done $0x0  }
0x81: {  	[sflag:s22] =	ssyncadd.s32 $0xFFFFFF00  }
0x82: {  	_ =	swait.ge [sflag:s22], $0x80  }
0x83: {  	[sflag:s22] =	ssyncset.done $0x0  }
0x84: {  	[sflag:s22] =	ssyncadd.s32 $0xFFFFFF80  }
0x85: {  	_ =	swait.ge [sflag:s22], $0x80  }
0x86: {  	[sflag:s22] =	ssyncset.done $0x0  }
0x87: {  	[sflag:s22] =	ssyncadd.s32 $0xFFFFFF80  }
0x88: {  	[tilespmem:s17], [sflag:$0x2] =	stream.indirect.gather [hbm4b:s4+s23], $0x80, s19, s23, $0xb8;
	[tilespmem:$0x1C200] =	vst v63  }
0x89: {  	_ = 	snop  }
0x8a: {  	[tilespmem:s25], [sflag:$0x2] =	stream.indirect.gather [hbm4b:s4+s23], $0x80, s24, s23, $0xb8;
	[tilespmem:$0x1C200] =	vst v63  }
0x8b: {  	_ =	swait.ge [sflag:s26], $0x4000  }
0x8c: {  	[sflag:s26] =	ssyncset.done $0x0  }
0x8d: {  	[sflag:s26] =	ssyncadd.s32 $0xFFFFC000  }
0x8e: {  	_ =	swait.ge [sflag:s26], $0x4000  }
0x8f: {  	[sflag:s26] =	ssyncset.done $0x0  }
0x90: {  	[sflag:s26] =	ssyncadd.s32 $0xFFFFC000  }
0x91: {  	[spmem:s2] =	stream.indirect.scatter.add.f32 [tilespmem:s17], [sflag:$0x3], $0x80, s20, s23, $0xb8;
	[tilespmem:$0x1C200] =	vst v63  }
0x92: {  	_ =	swait.ge [sflag:s28], $0x4000  }
0x93: {  	[sflag:s28] =	ssyncset.done $0x0  }
0x94: {  	[sflag:s28] =	ssyncadd.s32 $0xFFFFC000  }
0x95: {  	[spmem:s2] =	stream.indirect.scatter.add.f32 [tilespmem:s25], [sflag:$0x3], $0x80, s21, s23, $0xb8;
	[tilespmem:$0x1C200] =	vst v63  }
0x96: {  	_ =	swait.ge [sflag:s28], $0x4000  }
0x97: {  	[sflag:s28] =	ssyncset.done $0x0  }
0x98: {  	[sflag:s28] =	ssyncadd.s32 $0xFFFFC000  }
0x99: {  	[tilespmem:s19], [sflag:$0x4] =	stream.linear.gather [hbm4b:s10+s3], $0x10, $0x38;
	[tilespmem:$0x1C200] =	vst v63  }
0x9a: {  	_ =	swait.ge [sflag:s18], $0x10  }
0x9b: {  	[sflag:s18] =	ssyncset.done $0x0  }
0x9c: {  	[sflag:s18] =	ssyncadd.s32 $0xFFFFFFF0  }
0x9d: {  	[tilespmem:s20], [sflag:$0x4] =	stream.linear.gather [hbm4b:s11+s3], $0x10, $0x38;
	[tilespmem:$0x1C200] =	vst v63  }
0x9e: {  	_ =	swait.ge [sflag:s18], $0x10  }
0x9f: {  	[sflag:s18] =	ssyncset.done $0x0  }
0xa0: {  	[sflag:s18] =	ssyncadd.s32 $0xFFFFFFF0  }
0xa1: {  	[tilespmem:s17], [sflag:$0x2] =	stream.indirect.gather [hbm4b:s4+s29], $0x80, s19, s29, $0xb8;
	[tilespmem:$0x1C200] =	vst v63  }
0xa2: {  	_ =	swait.ge [sflag:s26], $0x800  }
0xa3: {  	[sflag:s26] =	ssyncset.done $0x0  }
0xa4: {  	[sflag:s26] =	ssyncadd.s32 $0xFFFFF800  }
0xa5: {  	[spmem:s2] =	stream.indirect.scatter.add.f32 [tilespmem:s17], [sflag:$0x3], $0x80, s20, s29, $0xb8;
	[tilespmem:$0x1C200] =	vst v63  }
0xa6: {  	s31 =	stileid.u32;
	_ =	swait.ge [sflag:s28], $0x800  }
0xa7: {  	s1 =	sshrl.u32 s5, $0x3;
	s30 =	sadd.s32 $0x1, s30;
	[sflag:s28] =	ssyncset.done $0x0  }
0xa8: {  	s0 =	sshll.u32 s31, $0x6;
	p0 =	sne.s32 s30, s13;
	[sflag:s28] =	ssyncadd.s32 $0xFFFFF800  }
.Ltmp2:
0xa9: {  	s0 =	sor.u32 $0x1C04, s0;
	[bflag:$0x0] =	sbarrier.arrive $0xFFFF;
	(pc) =	sbr.rel @p0 .LBB2_1-.Ltmp2, $4  }
0xaa: {  	[hbm:s12], [sflag:s0] =	dma.local [spmem:s1], $0x2800  }
0xab: {  	_ =	swait.ge [sflag:s18], $0x2800  }
0xac: {  	[sflag:s18] =	ssyncset.done $0x0  }
0xad: {  	[sflag:s18] =	ssyncadd.s32 $0xFFFFD800  }
0xae: {  	_ =	sfence.sel $0x180000  }
0xaf: {  	[bflag:$0x0] =	sbarrier.arrive $0xFFFF  }
0xb0: {  	_ =	strace $0x90000056  }
0xb1: {  	s0 =	stileid.u32;
	[bflag:$0x2] =	sbarrier.arrive $0xFFFF  }
0xb2: {  	p0 =	sne.s32 s0, $0x0;
	s0 =	rddreg [dreg:$0x2]  }
0xb3: {  	s0 =	sadd.s32 @!p0 $0x100000, s0  }
0xb4: {  	[sflag:s0] =	ssyncadd.tile.s32 @!p0 $0x1;
	_ =	shalt  }
.Lfunc_end2:
_tile_overlayer_lowered:
.L_overlay_start_2:
0xb5: {  	(tag) =	ssettag $0x2  }
0xb6: {  	s0 =	rddreg [dreg:$0x0];
	s2 =	stileid.u32  }
0xb7: {  	s1 =	rddreg [dreg:$0x1];
	p0 =	sne.s32 s2, $0x0  }
0xb8: {  	s3 =	rddreg [dreg:$0x2];
	[bflag:$0x3] =	sbarrier.arrive $0xFFFF;
	s2 =	simm.s32 @!p0 $0x1C04  }
0xb9: {  	[timem:s3], [sflag:s2] =	dma.local @!p0 [hbm:s0], s1  }
0xba: {  	s0 =	simm.s32 @!p0 $0x4  }
0xbb: {  	_ =	swait.ge @!p0 [sflag:s0], s1  }
0xbc: {  	s1 =	ssub.s32 @!p0 $0x0, s1;
	[sflag:s0] =	ssyncset.done @!p0 $0x0  }
0xbd: {  	[sflag:s0] =	ssyncadd.s32 @!p0 s1  }
0xbe: {  	[bflag:$0x3] =	sbarrier.arrive $0xFFFF  }
0xbf: {  	_ =	shalt  }

</sc_bundles>
